<compile_context>
chip_gen: v7x
topology: tpu7x:2x2x1
jax: 0.10.2.dev20260603
libtpu: 0.0.44.dev20260713+nightly
codegen_flags: <defaults>
</compile_context>

<pallas_src>
import functools

import jax
import jax.numpy as jnp
from jax import lax
from jax.experimental import pallas as pl
from jax.experimental.pallas import tpu as pltpu
from jax.experimental.pallas import tpu_sc as plsc

NC = 2
NS = 16
CHUNK = 32
NBUF = 8
IBLK = 16
G_SEG = 64


def _sc_mesh():
    return plsc.VectorSubcoreMesh(
        core_axis_name="c", subcore_axis_name="s", num_cores=NC, num_subcores=NS
    )


def _make_deg_kernel(e_pad: int, n_r: int):
    ew = e_pad // (NC * NS)
    nchunks = ew // CHUNK
    rpt = n_r // NS

    assert nchunks % IBLK == 0
    nblk = nchunks // IBLK

    @functools.partial(
        pl.kernel,
        out_type=jax.ShapeDtypeStruct((NC * n_r, 128), jnp.float32),
        mesh=_sc_mesh(),
        scratch_types=[
            pltpu.VMEM_SHARED((n_r, 128), jnp.float32),
            pltpu.VMEM((IBLK, CHUNK), jnp.int32),
            pltpu.VMEM((CHUNK, 128), jnp.float32),
            pltpu.SemaphoreType.DMA,
        ],
    )
    def deg_kernel(dst_hbm, zeros_hbm, onescol_hbm, out_hbm, acc, idx_v, ones_v,
                   ssem):
        c = lax.axis_index("c")
        s = lax.axis_index("s")
        w = s * NC + c
        pltpu.sync_copy(zeros_hbm.at[pl.ds(s * rpt, rpt)], acc.at[pl.ds(s * rpt, rpt)])
        pltpu.sync_copy(onescol_hbm, ones_v)
        plsc.subcore_barrier()
        row0 = w * (ew // CHUNK)

        def body(i, carry):
            pltpu.sync_copy(dst_hbm.at[pl.ds(row0 + i * IBLK, IBLK)], idx_v)
            for j in range(IBLK):
                pltpu.async_copy(ones_v, acc.at[idx_v.at[j]], ssem, add=True)
            for j in range(IBLK):
                pltpu.make_async_copy(ones_v, acc.at[idx_v.at[0]], ssem).wait()
            return carry

        lax.fori_loop(0, nblk, body, 0)
        plsc.subcore_barrier()
        pltpu.sync_copy(
            acc.at[pl.ds(s * rpt, rpt)], out_hbm.at[pl.ds(c * n_r + s * rpt, rpt)]
        )

    return deg_kernel


def _make_conv_kernel(n_r: int, e_pad: int, f: int, edge_split: bool):
    if edge_split:
        et = e_pad // (NC * NS)
    else:
        et = e_pad // NS
    nchunks = et // CHUNK
    assert nchunks % IBLK == 0 and IBLK % NBUF == 0
    nblk = nchunks // IBLK
    rpt = n_r // NS

    @functools.partial(
        pl.kernel,
        out_type=jax.ShapeDtypeStruct((NC * n_r, f), jnp.float32),
        mesh=_sc_mesh(),
        scratch_types=(
            [pltpu.VMEM_SHARED((n_r, f), jnp.float32)]
            + [pltpu.VMEM((IBLK, CHUNK), jnp.int32) for _ in range(2)]
            + [pltpu.VMEM((CHUNK, f), jnp.float32) for _ in range(NBUF)]
            + [pltpu.SemaphoreType.DMA for _ in range(2 * NBUF)]
        ),
    )
    def conv_kernel(table_hbm, src_hbm, dst_hbm, out_hbm, acc, isv, idv,
                    *bufrefs):
        c = lax.axis_index("c")
        s = lax.axis_index("s")
        rows = bufrefs[0:NBUF]
        gsem = bufrefs[NBUF:2 * NBUF]
        ssem = bufrefs[2 * NBUF:3 * NBUF]
        if edge_split:
            tile_row = (s * NC + c) * nchunks
            src_row = c * (e_pad // CHUNK) + tile_row
            init_base = c * n_r + s * rpt
        else:
            tile_row = s * nchunks
            src_row = c * (e_pad // CHUNK) + tile_row
            init_base = c * n_r + s * rpt

        pltpu.sync_copy(
            table_hbm.at[pl.ds(init_base, rpt)], acc.at[pl.ds(s * rpt, rpt)]
        )
        plsc.subcore_barrier()

        def body(i, carry):
            @pl.when(i > 0)
            def _():
                for b in range(NBUF):
                    pltpu.make_async_copy(rows[b], acc.at[idv.at[0]],
                                          ssem[b]).wait()

            pltpu.sync_copy(src_hbm.at[pl.ds(src_row + i * IBLK, IBLK)], isv)
            pltpu.sync_copy(dst_hbm.at[pl.ds(tile_row + i * IBLK, IBLK)], idv)
            for b in range(NBUF):
                pltpu.async_copy(table_hbm.at[isv.at[b]], rows[b], gsem[b])
            for j in range(IBLK):
                b = j % NBUF
                pltpu.make_async_copy(table_hbm.at[isv.at[j]], rows[b],
                                      gsem[b]).wait()
                pltpu.async_copy(rows[b], acc.at[idv.at[j]], ssem[b], add=True)
                jn = j + NBUF
                if jn < IBLK:
                    pltpu.make_async_copy(rows[b], acc.at[idv.at[j]],
                                          ssem[b]).wait()
                    pltpu.async_copy(table_hbm.at[isv.at[jn]], rows[b], gsem[b])
            return carry

        lax.fori_loop(0, nblk, body, 0)
        for b in range(NBUF):
            pltpu.make_async_copy(rows[b], acc.at[idv.at[0]], ssem[b]).wait()
        plsc.subcore_barrier()
        pltpu.sync_copy(
            acc.at[pl.ds(s * rpt, rpt)], out_hbm.at[pl.ds(c * n_r + s * rpt, rpt)]
        )

    return conv_kernel


def _tc_prep(x, w1, degpart, n_r, feat, h1):
    fh = h1 // 2

    def kern(x_ref, w_ref, dp_ref, hs_ref, dinv_ref):
        dp = dp_ref[...]
        deg = 1.0 + dp[0:n_r, 0:1] + dp[n_r:2 * n_r, 0:1]
        dinv = lax.rsqrt(deg)
        dinv_ref[...] = dinv
        h = jnp.dot(x_ref[...], w_ref[...], preferred_element_type=jnp.float32)
        hs_ref[...] = h * dinv

    return pl.pallas_call(
        kern,
        grid=(2,),
        in_specs=[
            pl.BlockSpec((n_r, feat), lambda j: (0, 0)),
            pl.BlockSpec((feat, fh), lambda j: (0, j)),
            pl.BlockSpec((2 * n_r, 128), lambda j: (0, 0)),
        ],
        out_specs=[
            pl.BlockSpec((n_r, fh), lambda j: (j, 0)),
            pl.BlockSpec((n_r, 1), lambda j: (0, 0)),
        ],
        out_shape=[
            jax.ShapeDtypeStruct((2 * n_r, fh), jnp.float32),
            jax.ShapeDtypeStruct((n_r, 1), jnp.float32),
        ],
    )(x, w1, degpart)


def _tc_mid(acc1, dinv, b1, w2, n, n_r, h1, h2):

    def kern(acc_ref, dinv_ref, b_ref, w_ref, hs_ref):
        dinv = dinv_ref[...]
        h = jnp.concatenate([acc_ref[0:n_r, :], acc_ref[n_r:2 * n_r, :]], axis=1)
        h = jnp.maximum(h * dinv + b_ref[...], 0.0)
        mask = lax.broadcasted_iota(jnp.int32, (n_r, 1), 0) < n
        hm = jnp.where(mask, h, 0.0)
        mu = jnp.sum(hm, axis=0, keepdims=True) * (1.0 / n)
        hc = h - mu
        hv = jnp.where(mask, hc * hc, 0.0)
        var = jnp.sum(hv, axis=0, keepdims=True) * (1.0 / n)
        hbn = hc * lax.rsqrt(var + 1e-5)
        hs_ref[...] = (
            jnp.dot(hbn, w_ref[...], preferred_element_type=jnp.float32) * dinv
        )

    return pl.pallas_call(
        kern,
        out_shape=jax.ShapeDtypeStruct((n_r, h2), jnp.float32),
    )(acc1, dinv, b1, w2)


def _tc_post(acc2, hs2, dinv, b2, wd1, wd2, batch2d, wp1, bp1, wp2, bp2,
             n_r, feat, h2):

    def kern(acc_ref, hs2_ref, dinv_ref, b_ref, wd1_ref, wd2_ref, bt_ref,
             wp1_ref, bp1_ref, wp2_ref, bp2_ref,
             z_ref, xr_ref, zg_ref, zgm_ref):
        dinv = dinv_ref[...]
        z0 = acc_ref[0:n_r, :] + acc_ref[n_r:2 * n_r, :] - hs2_ref[...]
        z0 = z0 * dinv + b_ref[...]
        nrm = jnp.sqrt(jnp.sum(z0 * z0, axis=1, keepdims=True))
        z = z0 / jnp.maximum(nrm, 1e-12)
        z_ref[...] = z
        d = jnp.maximum(
            jnp.dot(z, wd1_ref[...], preferred_element_type=jnp.float32), 0.0
        )
        xr_ref[...] = jax.nn.sigmoid(
            jnp.dot(d, wd2_ref[...], preferred_element_type=jnp.float32)
        )
        bt = bt_ref[...]

        def seg(g, carry):
            vals = jnp.where(bt == g, z, -jnp.inf)
            zg_ref[pl.ds(g, 1), :] = jnp.max(vals, axis=0, keepdims=True)
            return carry

        lax.fori_loop(0, G_SEG, seg, 0)
        zg = zg_ref[...]
        zg = jnp.where(jnp.isfinite(zg), zg, 0.0)
        zg_ref[...] = zg
        p = jnp.maximum(
            jnp.dot(zg, wp1_ref[...], preferred_element_type=jnp.float32)
            + bp1_ref[...],
            0.0,
        )
        zgm_ref[...] = (
            jnp.dot(p, wp2_ref[...], preferred_element_type=jnp.float32)
            + bp2_ref[...]
        )

    return pl.pallas_call(
        kern,
        out_shape=[
            jax.ShapeDtypeStruct((n_r, h2), jnp.float32),
            jax.ShapeDtypeStruct((n_r, feat), jnp.float32),
            jax.ShapeDtypeStruct((G_SEG, h2), jnp.float32),
            jax.ShapeDtypeStruct((G_SEG, h2), jnp.float32),
        ],
    )(acc2, hs2, dinv, b2, wd1, wd2, batch2d, wp1, bp1, wp2, bp2)


def kernel(x, edge_index, batch, W_enc1, b_enc1, W_enc2, b_enc2,
           W_dec1, W_dec2, W_p1, b_p1, W_p2, b_p2):
    n, feat = x.shape
    e = edge_index.shape[1]
    h1 = W_enc1.shape[1]
    h2 = W_enc2.shape[1]

    epw = NC * NS * CHUNK * NBUF
    e_pad = ((e + epw - 1) // epw) * epw
    n_r = ((n + 127) // 128) * 128

    src = edge_index[0]
    dst = edge_index[1]
    pad = e_pad - e
    srcp = jnp.concatenate([src, jnp.zeros((pad,), src.dtype)])
    pad_dst = n + jnp.arange(pad, dtype=dst.dtype) % (n_r - n)
    dstp = jnp.concatenate([dst, pad_dst])
    src2 = jnp.concatenate([srcp, srcp + n_r]).reshape(-1, CHUNK)
    src1 = srcp.reshape(-1, CHUNK)
    dst2 = dstp.reshape(-1, CHUNK)
    x_p = jnp.pad(x, ((0, n_r - n), (0, 0)))
    batch_p = jnp.concatenate(
        [batch, jnp.full((n_r - n,), G_SEG, batch.dtype)]
    ).reshape(-1, 1)
    zeros16 = jnp.zeros((n_r, 128), jnp.float32)
    onescol = jnp.zeros((CHUNK, 128), jnp.float32).at[:, 0].set(1.0)

    degpart = _make_deg_kernel(e_pad, n_r)(dst2, zeros16, onescol)
    hs1, dinv = _tc_prep(x_p, W_enc1, degpart, n_r, feat, h1)
    acc1 = _make_conv_kernel(n_r, e_pad, h1 // 2, edge_split=False)(
        hs1, src2, dst2)
    hs2 = _tc_mid(acc1, dinv, b_enc1.reshape(1, -1), W_enc2, n, n_r, h1, h2)
    acc2 = _make_conv_kernel(n_r, e_pad, h2, edge_split=True)(
        jnp.concatenate([hs2, hs2]), src2, dst2)
    z, x_recon, z_g, z_g_mlp = _tc_post(
        acc2, hs2, dinv, b_enc2.reshape(1, -1), W_dec1, W_dec2,
        batch_p, W_p1, b_p1.reshape(1, -1), W_p2, b_p2.reshape(1, -1),
        n_r, feat, h2,
    )
    return (z[:n], x_recon[:n], z_g, z_g_mlp)

# --- scband reference (transcript-rebuilt; emitter-appended) ---
"""Pipeline reference for scband-graph-autoencoder-32899449488048 (READ-ONLY COPY).

The authoritative reference and input builder live on the scoring server;
editing this copy changes nothing except your own understanding.
"""

import jax, jax.numpy as jnp
import numpy as np

N = 10000
E = 320000
FEAT = 128
H1 = 256
H2 = 128
G = 64


def setup_inputs(seed: int = 0) -> dict:
    key = jax.random.key(seed)
    ks = jax.random.split(key, 16)
    x = jax.random.normal(ks[0], (N, FEAT), dtype=jnp.float32)
    edge_index = jax.random.randint(ks[1], (2, E), 0, N, dtype=jnp.int32)
    batch = jnp.sort(jax.random.randint(ks[2], (N,), 0, G, dtype=jnp.int32))
    def lin(k, fan_in, fan_out):
        return jax.random.normal(k, (fan_in, fan_out), dtype=jnp.float32) * (1.0 / np.sqrt(fan_in))
    return {
        "x": x,
        "edge_index": edge_index,
        "batch": batch,
        "W_enc1": lin(ks[3], FEAT, H1),
        "b_enc1": jnp.zeros((H1,), jnp.float32),
        "W_enc2": lin(ks[4], H1, H2),
        "b_enc2": jnp.zeros((H2,), jnp.float32),
        "W_dec1": lin(ks[5], H2, H1),
        "W_dec2": lin(ks[6], H1, FEAT),
        "W_p1": lin(ks[7], H2, H2),
        "b_p1": jnp.zeros((H2,), jnp.float32),
        "W_p2": lin(ks[8], H2, H2),
        "b_p2": jnp.zeros((H2,), jnp.float32),
    }


def _gcn_conv(x, edge_index, W, b):
    # GCNConv with add_self_loops=True and symmetric normalization
    n = x.shape[0]
    h = x @ W
    loop = jnp.arange(n, dtype=edge_index.dtype)
    src = jnp.concatenate([edge_index[0], loop])
    dst = jnp.concatenate([edge_index[1], loop])
    deg = jax.ops.segment_sum(jnp.ones(src.shape[0], jnp.float32), dst, num_segments=n)
    dinv = jnp.where(deg > 0, 1.0 / jnp.sqrt(deg), 0.0)
    coef = (dinv[src] * dinv[dst])[:, None]
    msg = jnp.take(h, src, axis=0) * coef
    out = jax.ops.segment_sum(msg, dst, num_segments=n)
    return out + b


def _batchnorm(h, eps=1e-5):
    mean = jnp.mean(h, axis=0)
    var = jnp.var(h, axis=0)
    return (h - mean) / jnp.sqrt(var + eps)


def reference(x, edge_index, batch, W_enc1, b_enc1, W_enc2, b_enc2, W_dec1, W_dec2, W_p1, b_p1, W_p2, b_p2):
    # encode
    h = jax.nn.relu(_gcn_conv(x, edge_index, W_enc1, b_enc1))
    h = _batchnorm(h)
    z = _gcn_conv(h, edge_index, W_enc2, b_enc2)
    z = z / jnp.clip(jnp.linalg.norm(z, axis=1, keepdims=True), 1e-12)
    # decode
    d = jax.nn.relu(z @ W_dec1)
    x_recon = jax.nn.sigmoid(d @ W_dec2)
    # global max pool + projection head
    z_g = jax.ops.segment_max(z, batch, num_segments=G)
    z_g = jnp.where(jnp.isfinite(z_g), z_g, 0.0)
    z_g_mlp = jax.nn.relu(z_g @ W_p1 + b_p1) @ W_p2 + b_p2
    return (z, x_recon, z_g, z_g_mlp)

if __name__ == "__main__":
    import jax
    _d = setup_inputs()
    print(jax.jit(kernel)(*tuple(_d.values())))

</pallas_src>

<mosaic_0001>
#map = affine_map<(d0, d1) -> (0, 0)>
module attributes {stable_mosaic.version = 14 : i64} {
  func.func @deg_kernel(%arg0: i32, %arg1: i32, %arg2: memref<10240x32xi32, #tpu.memory_space<hbm>>, %arg3: memref<10112x128xf32, #tpu.memory_space<hbm>>, %arg4: memref<32x128xf32, #tpu.memory_space<hbm>>, %arg5: memref<20224x128xf32, #tpu.memory_space<hbm>>, %arg6: memref<10112x128xf32, #tpu.memory_space<vmem_shared>>, %arg7: memref<16x32xi32, #tpu.memory_space<vmem>>, %arg8: memref<32x128xf32, #tpu.memory_space<vmem>>, %arg9: memref<!tpu.dma_semaphore, #tpu.memory_space<semaphore_mem>>) attributes {dimension_semantics = [#tpu.dimension_semantics<core_parallel>, #tpu.dimension_semantics<subcore_parallel>], iteration_bounds = array<i64: 2, 16>, scalar_prefetch = 0 : i64, scratch_operands = 4 : i64, tpu.core_type = #tpu.core_type<sc_vector_subcore>, window_params = [{transform_indices = #map}, {transform_indices = #map}, {transform_indices = #map}, {transform_indices = #map}]} {
    %mul3A = arith.constant 2 : i32
    %mul3A_0 = arith.muli %arg1, %mul3A : i32
    %add3A = arith.addi %mul3A_0, %arg0 : i32
    %mul3A_1 = arith.constant 632 : i32
    %mul3A_2 = arith.muli %arg1, %mul3A_1 : i32
    %mul3A_3 = arith.constant 632 : i32
    %mul3A_4 = arith.muli %arg1, %mul3A_3 : i32
    "tpu.region"() ({
      %run_scoped3A = tpu.sem_alloc : memref<!tpu.dma_semaphore, #tpu.memory_space<semaphore_mem>>
      %dma_start3A = arith.constant 0 : i32
      %dma_start3A_20 = tpu.memref_slice %arg6[%mul3A_4, %dma_start3A] : memref<10112x128xf32, #tpu.memory_space<vmem_shared>> -> memref<632x128xf32, #tpu.memory_space<vmem_shared>>
      %dma_start3A_21 = arith.constant 0 : i32
      %dma_start3A_22 = tpu.memref_slice %arg3[%mul3A_2, %dma_start3A_21] : memref<10112x128xf32, #tpu.memory_space<hbm>> -> memref<632x128xf32, #tpu.memory_space<hbm>>
      tpu.enqueue_dma source(%dma_start3A_22 : memref<632x128xf32, #tpu.memory_space<hbm>>) target(%dma_start3A_20 : memref<632x128xf32, #tpu.memory_space<vmem_shared>>) target_semaphore(%run_scoped3A : memref<!tpu.dma_semaphore, #tpu.memory_space<semaphore_mem>>)
      %dma_wait3A = arith.constant 0 : i32
      %dma_wait3A_23 = tpu.memref_slice %arg6[%mul3A_4, %dma_wait3A] : memref<10112x128xf32, #tpu.memory_space<vmem_shared>> -> memref<632x128xf32, #tpu.memory_space<vmem_shared>>
      %dma_wait3A_24 = arith.constant 0 : i32
      %dma_wait3A_25 = tpu.memref_slice %arg3[%mul3A_2, %dma_wait3A_24] : memref<10112x128xf32, #tpu.memory_space<hbm>> -> memref<632x128xf32, #tpu.memory_space<hbm>>
      tpu.wait_dma2 semaphore(%run_scoped3A : memref<!tpu.dma_semaphore, #tpu.memory_space<semaphore_mem>>) src(%dma_wait3A_25 : memref<632x128xf32, #tpu.memory_space<hbm>>) dst(%dma_wait3A_23 : memref<632x128xf32, #tpu.memory_space<vmem_shared>>)
      tpu.yield
    }) : () -> ()
    "tpu.region"() ({
      %run_scoped3A = tpu.sem_alloc : memref<!tpu.dma_semaphore, #tpu.memory_space<semaphore_mem>>
      tpu.enqueue_dma source(%arg4 : memref<32x128xf32, #tpu.memory_space<hbm>>) target(%arg8 : memref<32x128xf32, #tpu.memory_space<vmem>>) target_semaphore(%run_scoped3A : memref<!tpu.dma_semaphore, #tpu.memory_space<semaphore_mem>>)
      tpu.wait_dma2 semaphore(%run_scoped3A : memref<!tpu.dma_semaphore, #tpu.memory_space<semaphore_mem>>) src(%arg4 : memref<32x128xf32, #tpu.memory_space<hbm>>) dst(%arg8 : memref<32x128xf32, #tpu.memory_space<vmem>>)
      tpu.yield
    }) : () -> ()
    %barrier3A = arith.constant 0 : index
    tpu.barrier barrier_id(%barrier3A)
    %mul3A_5 = arith.constant 320 : i32
    %mul3A_6 = arith.muli %add3A, %mul3A_5 : i32
    %scan3A = arith.constant 0 : i32
    %scan3A_7 = arith.constant 0 : i32
    %scan3A_8 = arith.constant 20 : i32
    %scan3A_9 = arith.addi %scan3A_7, %scan3A_8 : i32
    %scan3A_10 = arith.constant 1 : i32
    scf.for %scan3A_20 = %scan3A_7 to %scan3A_9 step %scan3A_10  : i32 {
      %mul3A_21 = arith.constant 16 : i32
      %mul3A_22 = arith.muli %scan3A_20, %mul3A_21 : i32
      %add3A_23 = arith.addi %mul3A_6, %mul3A_22 : i32
      "tpu.region"() ({
        %run_scoped3A = tpu.sem_alloc : memref<!tpu.dma_semaphore, #tpu.memory_space<semaphore_mem>>
        %dma_start3A_246 = arith.constant 0 : i32
        %dma_start3A_247 = tpu.memref_slice %arg2[%add3A_23, %dma_start3A_246] : memref<10240x32xi32, #tpu.memory_space<hbm>> -> memref<16x32xi32, #tpu.memory_space<hbm>>
        %dma_start3A_248 = arith.constant 0 : i32
        %dma_start3A_249 = tpu.memref_slice %arg2[%add3A_23, %dma_start3A_248] : memref<10240x32xi32, #tpu.memory_space<hbm>> -> memref<16x32xi32, #tpu.memory_space<hbm>>
        tpu.enqueue_dma source(%dma_start3A_249 : memref<16x32xi32, #tpu.memory_space<hbm>>) target(%arg7 : memref<16x32xi32, #tpu.memory_space<vmem>>) target_semaphore(%run_scoped3A : memref<!tpu.dma_semaphore, #tpu.memory_space<semaphore_mem>>)
        %dma_wait3A_250 = arith.constant 0 : i32
        %dma_wait3A_251 = tpu.memref_slice %arg2[%add3A_23, %dma_wait3A_250] : memref<10240x32xi32, #tpu.memory_space<hbm>> -> memref<16x32xi32, #tpu.memory_space<hbm>>
        %dma_wait3A_252 = arith.constant 0 : i32
        %dma_wait3A_253 = tpu.memref_slice %arg2[%add3A_23, %dma_wait3A_252] : memref<10240x32xi32, #tpu.memory_space<hbm>> -> memref<16x32xi32, #tpu.memory_space<hbm>>
        tpu.wait_dma2 semaphore(%run_scoped3A : memref<!tpu.dma_semaphore, #tpu.memory_space<semaphore_mem>>) src(%dma_wait3A_253 : memref<16x32xi32, #tpu.memory_space<hbm>>) dst(%arg7 : memref<16x32xi32, #tpu.memory_space<vmem>>)
        tpu.yield
      }) : () -> ()
      %dma_start3A = arith.constant 0 : i32
      %dma_start3A_24 = arith.constant 0 : i32
      %dma_start3A_25 = tpu.memref_slice %arg7[%dma_start3A, %dma_start3A_24] : memref<16x32xi32, #tpu.memory_space<vmem>> -> memref<1x32xi32, #tpu.memory_space<vmem>>
      %dma_start3A_26 = tpu.memref_squeeze %dma_start3A_25 : memref<1x32xi32, #tpu.memory_space<vmem>> -> memref<32xi32, #tpu.memory_space<vmem>>
      %dma_start3A_27 = arith.constant 0 : i32
      %dma_start3A_28 = arith.constant 0 : i32
      %dma_start3A_29 = tpu.memref_slice %arg6[%dma_start3A_27, %dma_start3A_28] : memref<10112x128xf32, #tpu.memory_space<vmem_shared>> -> memref<10112x128xf32, #tpu.memory_space<vmem_shared>>
      tpu.enqueue_indirect_dma source(%arg8 : memref<32x128xf32, #tpu.memory_space<vmem>>) target(%dma_start3A_29 : memref<10112x128xf32, #tpu.memory_space<vmem_shared>>) offsets(%dma_start3A_26 : memref<32xi32, #tpu.memory_space<vmem>>) semaphore(%arg9 : memref<!tpu.dma_semaphore, #tpu.memory_space<semaphore_mem>>) {add = true}
      %dma_start3A_30 = arith.constant 1 : i32
      %dma_start3A_31 = arith.constant 0 : i32
      %dma_start3A_32 = tpu.memref_slice %arg7[%dma_start3A_30, %dma_start3A_31] : memref<16x32xi32, #tpu.memory_space<vmem>> -> memref<1x32xi32, #tpu.memory_space<vmem>>
      %dma_start3A_33 = tpu.memref_squeeze %dma_start3A_32 : memref<1x32xi32, #tpu.memory_space<vmem>> -> memref<32xi32, #tpu.memory_space<vmem>>
      %dma_start3A_34 = arith.constant 0 : i32
      %dma_start3A_35 = arith.constant 0 : i32
      %dma_start3A_36 = tpu.memref_slice %arg6[%dma_start3A_34, %dma_start3A_35] : memref<10112x128xf32, #tpu.memory_space<vmem_shared>> -> memref<10112x128xf32, #tpu.memory_space<vmem_shared>>
      tpu.enqueue_indirect_dma source(%arg8 : memref<32x128xf32, #tpu.memory_space<vmem>>) target(%dma_start3A_36 : memref<10112x128xf32, #tpu.memory_space<vmem_shared>>) offsets(%dma_start3A_33 : memref<32xi32, #tpu.memory_space<vmem>>) semaphore(%arg9 : memref<!tpu.dma_semaphore, #tpu.memory_space<semaphore_mem>>) {add = true}
      %dma_start3A_37 = arith.constant 2 : i32
      %dma_start3A_38 = arith.constant 0 : i32
      %dma_start3A_39 = tpu.memref_slice %arg7[%dma_start3A_37, %dma_start3A_38] : memref<16x32xi32, #tpu.memory_space<vmem>> -> memref<1x32xi32, #tpu.memory_space<vmem>>
      %dma_start3A_40 = tpu.memref_squeeze %dma_start3A_39 : memref<1x32xi32, #tpu.memory_space<vmem>> -> memref<32xi32, #tpu.memory_space<vmem>>
      %dma_start3A_41 = arith.constant 0 : i32
      %dma_start3A_42 = arith.constant 0 : i32
      %dma_start3A_43 = tpu.memref_slice %arg6[%dma_start3A_41, %dma_start3A_42] : memref<10112x128xf32, #tpu.memory_space<vmem_shared>> -> memref<10112x128xf32, #tpu.memory_space<vmem_shared>>
      tpu.enqueue_indirect_dma source(%arg8 : memref<32x128xf32, #tpu.memory_space<vmem>>) target(%dma_start3A_43 : memref<10112x128xf32, #tpu.memory_space<vmem_shared>>) offsets(%dma_start3A_40 : memref<32xi32, #tpu.memory_space<vmem>>) semaphore(%arg9 : memref<!tpu.dma_semaphore, #tpu.memory_space<semaphore_mem>>) {add = true}
      %dma_start3A_44 = arith.constant 3 : i32
      %dma_start3A_45 = arith.constant 0 : i32
      %dma_start3A_46 = tpu.memref_slice %arg7[%dma_start3A_44, %dma_start3A_45] : memref<16x32xi32, #tpu.memory_space<vmem>> -> memref<1x32xi32, #tpu.memory_space<vmem>>
      %dma_start3A_47 = tpu.memref_squeeze %dma_start3A_46 : memref<1x32xi32, #tpu.memory_space<vmem>> -> memref<32xi32, #tpu.memory_space<vmem>>
      %dma_start3A_48 = arith.constant 0 : i32
      %dma_start3A_49 = arith.constant 0 : i32
      %dma_start3A_50 = tpu.memref_slice %arg6[%dma_start3A_48, %dma_start3A_49] : memref<10112x128xf32, #tpu.memory_space<vmem_shared>> -> memref<10112x128xf32, #tpu.memory_space<vmem_shared>>
      tpu.enqueue_indirect_dma source(%arg8 : memref<32x128xf32, #tpu.memory_space<vmem>>) target(%dma_start3A_50 : memref<10112x128xf32, #tpu.memory_space<vmem_shared>>) offsets(%dma_start3A_47 : memref<32xi32, #tpu.memory_space<vmem>>) semaphore(%arg9 : memref<!tpu.dma_semaphore, #tpu.memory_space<semaphore_mem>>) {add = true}
      %dma_start3A_51 = arith.constant 4 : i32
      %dma_start3A_52 = arith.constant 0 : i32
      %dma_start3A_53 = tpu.memref_slice %arg7[%dma_start3A_51, %dma_start3A_52] : memref<16x32xi32, #tpu.memory_space<vmem>> -> memref<1x32xi32, #tpu.memory_space<vmem>>
      %dma_start3A_54 = tpu.memref_squeeze %dma_start3A_53 : memref<1x32xi32, #tpu.memory_space<vmem>> -> memref<32xi32, #tpu.memory_space<vmem>>
      %dma_start3A_55 = arith.constant 0 : i32
      %dma_start3A_56 = arith.constant 0 : i32
      %dma_start3A_57 = tpu.memref_slice %arg6[%dma_start3A_55, %dma_start3A_56] : memref<10112x128xf32, #tpu.memory_space<vmem_shared>> -> memref<10112x128xf32, #tpu.memory_space<vmem_shared>>
      tpu.enqueue_indirect_dma source(%arg8 : memref<32x128xf32, #tpu.memory_space<vmem>>) target(%dma_start3A_57 : memref<10112x128xf32, #tpu.memory_space<vmem_shared>>) offsets(%dma_start3A_54 : memref<32xi32, #tpu.memory_space<vmem>>) semaphore(%arg9 : memref<!tpu.dma_semaphore, #tpu.memory_space<semaphore_mem>>) {add = true}
      %dma_start3A_58 = arith.constant 5 : i32
      %dma_start3A_59 = arith.constant 0 : i32
      %dma_start3A_60 = tpu.memref_slice %arg7[%dma_start3A_58, %dma_start3A_59] : memref<16x32xi32, #tpu.memory_space<vmem>> -> memref<1x32xi32, #tpu.memory_space<vmem>>
      %dma_start3A_61 = tpu.memref_squeeze %dma_start3A_60 : memref<1x32xi32, #tpu.memory_space<vmem>> -> memref<32xi32, #tpu.memory_space<vmem>>
      %dma_start3A_62 = arith.constant 0 : i32
      %dma_start3A_63 = arith.constant 0 : i32
      %dma_start3A_64 = tpu.memref_slice %arg6[%dma_start3A_62, %dma_start3A_63] : memref<10112x128xf32, #tpu.memory_space<vmem_shared>> -> memref<10112x128xf32, #tpu.memory_space<vmem_shared>>
      tpu.enqueue_indirect_dma source(%arg8 : memref<32x128xf32, #tpu.memory_space<vmem>>) target(%dma_start3A_64 : memref<10112x128xf32, #tpu.memory_space<vmem_shared>>) offsets(%dma_start3A_61 : memref<32xi32, #tpu.memory_space<vmem>>) semaphore(%arg9 : memref<!tpu.dma_semaphore, #tpu.memory_space<semaphore_mem>>) {add = true}
      %dma_start3A_65 = arith.constant 6 : i32
      %dma_start3A_66 = arith.constant 0 : i32
      %dma_start3A_67 = tpu.memref_slice %arg7[%dma_start3A_65, %dma_start3A_66] : memref<16x32xi32, #tpu.memory_space<vmem>> -> memref<1x32xi32, #tpu.memory_space<vmem>>
      %dma_start3A_68 = tpu.memref_squeeze %dma_start3A_67 : memref<1x32xi32, #tpu.memory_space<vmem>> -> memref<32xi32, #tpu.memory_space<vmem>>
      %dma_start3A_69 = arith.constant 0 : i32
      %dma_start3A_70 = arith.constant 0 : i32
      %dma_start3A_71 = tpu.memref_slice %arg6[%dma_start3A_69, %dma_start3A_70] : memref<10112x128xf32, #tpu.memory_space<vmem_shared>> -> memref<10112x128xf32, #tpu.memory_space<vmem_shared>>
      tpu.enqueue_indirect_dma source(%arg8 : memref<32x128xf32, #tpu.memory_space<vmem>>) target(%dma_start3A_71 : memref<10112x128xf32, #tpu.memory_space<vmem_shared>>) offsets(%dma_start3A_68 : memref<32xi32, #tpu.memory_space<vmem>>) semaphore(%arg9 : memref<!tpu.dma_semaphore, #tpu.memory_space<semaphore_mem>>) {add = true}
      %dma_start3A_72 = arith.constant 7 : i32
      %dma_start3A_73 = arith.constant 0 : i32
      %dma_start3A_74 = tpu.memref_slice %arg7[%dma_start3A_72, %dma_start3A_73] : memref<16x32xi32, #tpu.memory_space<vmem>> -> memref<1x32xi32, #tpu.memory_space<vmem>>
      %dma_start3A_75 = tpu.memref_squeeze %dma_start3A_74 : memref<1x32xi32, #tpu.memory_space<vmem>> -> memref<32xi32, #tpu.memory_space<vmem>>
      %dma_start3A_76 = arith.constant 0 : i32
      %dma_start3A_77 = arith.constant 0 : i32
      %dma_start3A_78 = tpu.memref_slice %arg6[%dma_start3A_76, %dma_start3A_77] : memref<10112x128xf32, #tpu.memory_space<vmem_shared>> -> memref<10112x128xf32, #tpu.memory_space<vmem_shared>>
      tpu.enqueue_indirect_dma source(%arg8 : memref<32x128xf32, #tpu.memory_space<vmem>>) target(%dma_start3A_78 : memref<10112x128xf32, #tpu.memory_space<vmem_shared>>) offsets(%dma_start3A_75 : memref<32xi32, #tpu.memory_space<vmem>>) semaphore(%arg9 : memref<!tpu.dma_semaphore, #tpu.memory_space<semaphore_mem>>) {add = true}
      %dma_start3A_79 = arith.constant 8 : i32
      %dma_start3A_80 = arith.constant 0 : i32
      %dma_start3A_81 = tpu.memref_slice %arg7[%dma_start3A_79, %dma_start3A_80] : memref<16x32xi32, #tpu.memory_space<vmem>> -> memref<1x32xi32, #tpu.memory_space<vmem>>
      %dma_start3A_82 = tpu.memref_squeeze %dma_start3A_81 : memref<1x32xi32, #tpu.memory_space<vmem>> -> memref<32xi32, #tpu.memory_space<vmem>>
      %dma_start3A_83 = arith.constant 0 : i32
      %dma_start3A_84 = arith.constant 0 : i32
      %dma_start3A_85 = tpu.memref_slice %arg6[%dma_start3A_83, %dma_start3A_84] : memref<10112x128xf32, #tpu.memory_space<vmem_shared>> -> memref<10112x128xf32, #tpu.memory_space<vmem_shared>>
      tpu.enqueue_indirect_dma source(%arg8 : memref<32x128xf32, #tpu.memory_space<vmem>>) target(%dma_start3A_85 : memref<10112x128xf32, #tpu.memory_space<vmem_shared>>) offsets(%dma_start3A_82 : memref<32xi32, #tpu.memory_space<vmem>>) semaphore(%arg9 : memref<!tpu.dma_semaphore, #tpu.memory_space<semaphore_mem>>) {add = true}
      %dma_start3A_86 = arith.constant 9 : i32
      %dma_start3A_87 = arith.constant 0 : i32
      %dma_start3A_88 = tpu.memref_slice %arg7[%dma_start3A_86, %dma_start3A_87] : memref<16x32xi32, #tpu.memory_space<vmem>> -> memref<1x32xi32, #tpu.memory_space<vmem>>
      %dma_start3A_89 = tpu.memref_squeeze %dma_start3A_88 : memref<1x32xi32, #tpu.memory_space<vmem>> -> memref<32xi32, #tpu.memory_space<vmem>>
      %dma_start3A_90 = arith.constant 0 : i32
      %dma_start3A_91 = arith.constant 0 : i32
      %dma_start3A_92 = tpu.memref_slice %arg6[%dma_start3A_90, %dma_start3A_91] : memref<10112x128xf32, #tpu.memory_space<vmem_shared>> -> memref<10112x128xf32, #tpu.memory_space<vmem_shared>>
      tpu.enqueue_indirect_dma source(%arg8 : memref<32x128xf32, #tpu.memory_space<vmem>>) target(%dma_start3A_92 : memref<10112x128xf32, #tpu.memory_space<vmem_shared>>) offsets(%dma_start3A_89 : memref<32xi32, #tpu.memory_space<vmem>>) semaphore(%arg9 : memref<!tpu.dma_semaphore, #tpu.memory_space<semaphore_mem>>) {add = true}
      %dma_start3A_93 = arith.constant 10 : i32
      %dma_start3A_94 = arith.constant 0 : i32
      %dma_start3A_95 = tpu.memref_slice %arg7[%dma_start3A_93, %dma_start3A_94] : memref<16x32xi32, #tpu.memory_space<vmem>> -> memref<1x32xi32, #tpu.memory_space<vmem>>
      %dma_start3A_96 = tpu.memref_squeeze %dma_start3A_95 : memref<1x32xi32, #tpu.memory_space<vmem>> -> memref<32xi32, #tpu.memory_space<vmem>>
      %dma_start3A_97 = arith.constant 0 : i32
      %dma_start3A_98 = arith.constant 0 : i32
      %dma_start3A_99 = tpu.memref_slice %arg6[%dma_start3A_97, %dma_start3A_98] : memref<10112x128xf32, #tpu.memory_space<vmem_shared>> -> memref<10112x128xf32, #tpu.memory_space<vmem_shared>>
      tpu.enqueue_indirect_dma source(%arg8 : memref<32x128xf32, #tpu.memory_space<vmem>>) target(%dma_start3A_99 : memref<10112x128xf32, #tpu.memory_space<vmem_shared>>) offsets(%dma_start3A_96 : memref<32xi32, #tpu.memory_space<vmem>>) semaphore(%arg9 : memref<!tpu.dma_semaphore, #tpu.memory_space<semaphore_mem>>) {add = true}
      %dma_start3A_100 = arith.constant 11 : i32
      %dma_start3A_101 = arith.constant 0 : i32
      %dma_start3A_102 = tpu.memref_slice %arg7[%dma_start3A_100, %dma_start3A_101] : memref<16x32xi32, #tpu.memory_space<vmem>> -> memref<1x32xi32, #tpu.memory_space<vmem>>
      %dma_start3A_103 = tpu.memref_squeeze %dma_start3A_102 : memref<1x32xi32, #tpu.memory_space<vmem>> -> memref<32xi32, #tpu.memory_space<vmem>>
      %dma_start3A_104 = arith.constant 0 : i32
      %dma_start3A_105 = arith.constant 0 : i32
      %dma_start3A_106 = tpu.memref_slice %arg6[%dma_start3A_104, %dma_start3A_105] : memref<10112x128xf32, #tpu.memory_space<vmem_shared>> -> memref<10112x128xf32, #tpu.memory_space<vmem_shared>>
      tpu.enqueue_indirect_dma source(%arg8 : memref<32x128xf32, #tpu.memory_space<vmem>>) target(%dma_start3A_106 : memref<10112x128xf32, #tpu.memory_space<vmem_shared>>) offsets(%dma_start3A_103 : memref<32xi32, #tpu.memory_space<vmem>>) semaphore(%arg9 : memref<!tpu.dma_semaphore, #tpu.memory_space<semaphore_mem>>) {add = true}
      %dma_start3A_107 = arith.constant 12 : i32
      %dma_start3A_108 = arith.constant 0 : i32
      %dma_start3A_109 = tpu.memref_slice %arg7[%dma_start3A_107, %dma_start3A_108] : memref<16x32xi32, #tpu.memory_space<vmem>> -> memref<1x32xi32, #tpu.memory_space<vmem>>
      %dma_start3A_110 = tpu.memref_squeeze %dma_start3A_109 : memref<1x32xi32, #tpu.memory_space<vmem>> -> memref<32xi32, #tpu.memory_space<vmem>>
      %dma_start3A_111 = arith.constant 0 : i32
      %dma_start3A_112 = arith.constant 0 : i32
      %dma_start3A_113 = tpu.memref_slice %arg6[%dma_start3A_111, %dma_start3A_112] : memref<10112x128xf32, #tpu.memory_space<vmem_shared>> -> memref<10112x128xf32, #tpu.memory_space<vmem_shared>>
      tpu.enqueue_indirect_dma source(%arg8 : memref<32x128xf32, #tpu.memory_space<vmem>>) target(%dma_start3A_113 : memref<10112x128xf32, #tpu.memory_space<vmem_shared>>) offsets(%dma_start3A_110 : memref<32xi32, #tpu.memory_space<vmem>>) semaphore(%arg9 : memref<!tpu.dma_semaphore, #tpu.memory_space<semaphore_mem>>) {add = true}
      %dma_start3A_114 = arith.constant 13 : i32
      %dma_start3A_115 = arith.constant 0 : i32
      %dma_start3A_116 = tpu.memref_slice %arg7[%dma_start3A_114, %dma_start3A_115] : memref<16x32xi32, #tpu.memory_space<vmem>> -> memref<1x32xi32, #tpu.memory_space<vmem>>
      %dma_start3A_117 = tpu.memref_squeeze %dma_start3A_116 : memref<1x32xi32, #tpu.memory_space<vmem>> -> memref<32xi32, #tpu.memory_space<vmem>>
      %dma_start3A_118 = arith.constant 0 : i32
      %dma_start3A_119 = arith.constant 0 : i32
      %dma_start3A_120 = tpu.memref_slice %arg6[%dma_start3A_118, %dma_start3A_119] : memref<10112x128xf32, #tpu.memory_space<vmem_shared>> -> memref<10112x128xf32, #tpu.memory_space<vmem_shared>>
      tpu.enqueue_indirect_dma source(%arg8 : memref<32x128xf32, #tpu.memory_space<vmem>>) target(%dma_start3A_120 : memref<10112x128xf32, #tpu.memory_space<vmem_shared>>) offsets(%dma_start3A_117 : memref<32xi32, #tpu.memory_space<vmem>>) semaphore(%arg9 : memref<!tpu.dma_semaphore, #tpu.memory_space<semaphore_mem>>) {add = true}
      %dma_start3A_121 = arith.constant 14 : i32
      %dma_start3A_122 = arith.constant 0 : i32
      %dma_start3A_123 = tpu.memref_slice %arg7[%dma_start3A_121, %dma_start3A_122] : memref<16x32xi32, #tpu.memory_space<vmem>> -> memref<1x32xi32, #tpu.memory_space<vmem>>
      %dma_start3A_124 = tpu.memref_squeeze %dma_start3A_123 : memref<1x32xi32, #tpu.memory_space<vmem>> -> memref<32xi32, #tpu.memory_space<vmem>>
      %dma_start3A_125 = arith.constant 0 : i32
      %dma_start3A_126 = arith.constant 0 : i32
      %dma_start3A_127 = tpu.memref_slice %arg6[%dma_start3A_125, %dma_start3A_126] : memref<10112x128xf32, #tpu.memory_space<vmem_shared>> -> memref<10112x128xf32, #tpu.memory_space<vmem_shared>>
      tpu.enqueue_indirect_dma source(%arg8 : memref<32x128xf32, #tpu.memory_space<vmem>>) target(%dma_start3A_127 : memref<10112x128xf32, #tpu.memory_space<vmem_shared>>) offsets(%dma_start3A_124 : memref<32xi32, #tpu.memory_space<vmem>>) semaphore(%arg9 : memref<!tpu.dma_semaphore, #tpu.memory_space<semaphore_mem>>) {add = true}
      %dma_start3A_128 = arith.constant 15 : i32
      %dma_start3A_129 = arith.constant 0 : i32
      %dma_start3A_130 = tpu.memref_slice %arg7[%dma_start3A_128, %dma_start3A_129] : memref<16x32xi32, #tpu.memory_space<vmem>> -> memref<1x32xi32, #tpu.memory_space<vmem>>
      %dma_start3A_131 = tpu.memref_squeeze %dma_start3A_130 : memref<1x32xi32, #tpu.memory_space<vmem>> -> memref<32xi32, #tpu.memory_space<vmem>>
      %dma_start3A_132 = arith.constant 0 : i32
      %dma_start3A_133 = arith.constant 0 : i32
      %dma_start3A_134 = tpu.memref_slice %arg6[%dma_start3A_132, %dma_start3A_133] : memref<10112x128xf32, #tpu.memory_space<vmem_shared>> -> memref<10112x128xf32, #tpu.memory_space<vmem_shared>>
      tpu.enqueue_indirect_dma source(%arg8 : memref<32x128xf32, #tpu.memory_space<vmem>>) target(%dma_start3A_134 : memref<10112x128xf32, #tpu.memory_space<vmem_shared>>) offsets(%dma_start3A_131 : memref<32xi32, #tpu.memory_space<vmem>>) semaphore(%arg9 : memref<!tpu.dma_semaphore, #tpu.memory_space<semaphore_mem>>) {add = true}
      %dma_wait3A = arith.constant 0 : i32
      %dma_wait3A_135 = arith.constant 0 : i32
      %dma_wait3A_136 = tpu.memref_slice %arg7[%dma_wait3A, %dma_wait3A_135] : memref<16x32xi32, #tpu.memory_space<vmem>> -> memref<1x32xi32, #tpu.memory_space<vmem>>
      %dma_wait3A_137 = tpu.memref_squeeze %dma_wait3A_136 : memref<1x32xi32, #tpu.memory_space<vmem>> -> memref<32xi32, #tpu.memory_space<vmem>>
      %dma_wait3A_138 = arith.constant 0 : i32
      %dma_wait3A_139 = arith.constant 0 : i32
      %dma_wait3A_140 = tpu.memref_slice %arg6[%dma_wait3A_138, %dma_wait3A_139] : memref<10112x128xf32, #tpu.memory_space<vmem_shared>> -> memref<10112x128xf32, #tpu.memory_space<vmem_shared>>
      tpu.wait_indirect_dma semaphore(%arg9 : memref<!tpu.dma_semaphore, #tpu.memory_space<semaphore_mem>>) src(%arg8 : memref<32x128xf32, #tpu.memory_space<vmem>>) dst(%dma_wait3A_140 : memref<10112x128xf32, #tpu.memory_space<vmem_shared>>)
      %dma_wait3A_141 = arith.constant 0 : i32
      %dma_wait3A_142 = arith.constant 0 : i32
      %dma_wait3A_143 = tpu.memref_slice %arg7[%dma_wait3A_141, %dma_wait3A_142] : memref<16x32xi32, #tpu.memory_space<vmem>> -> memref<1x32xi32, #tpu.memory_space<vmem>>
      %dma_wait3A_144 = tpu.memref_squeeze %dma_wait3A_143 : memref<1x32xi32, #tpu.memory_space<vmem>> -> memref<32xi32, #tpu.memory_space<vmem>>
      %dma_wait3A_145 = arith.constant 0 : i32
      %dma_wait3A_146 = arith.constant 0 : i32
      %dma_wait3A_147 = tpu.memref_slice %arg6[%dma_wait3A_145, %dma_wait3A_146] : memref<10112x128xf32, #tpu.memory_space<vmem_shared>> -> memref<10112x128xf32, #tpu.memory_space<vmem_shared>>
      tpu.wait_indirect_dma semaphore(%arg9 : memref<!tpu.dma_semaphore, #tpu.memory_space<semaphore_mem>>) src(%arg8 : memref<32x128xf32, #tpu.memory_space<vmem>>) dst(%dma_wait3A_147 : memref<10112x128xf32, #tpu.memory_space<vmem_shared>>)
      %dma_wait3A_148 = arith.constant 0 : i32
      %dma_wait3A_149 = arith.constant 0 : i32
      %dma_wait3A_150 = tpu.memref_slice %arg7[%dma_wait3A_148, %dma_wait3A_149] : memref<16x32xi32, #tpu.memory_space<vmem>> -> memref<1x32xi32, #tpu.memory_space<vmem>>
      %dma_wait3A_151 = tpu.memref_squeeze %dma_wait3A_150 : memref<1x32xi32, #tpu.memory_space<vmem>> -> memref<32xi32, #tpu.memory_space<vmem>>
      %dma_wait3A_152 = arith.constant 0 : i32
      %dma_wait3A_153 = arith.constant 0 : i32
      %dma_wait3A_154 = tpu.memref_slice %arg6[%dma_wait3A_152, %dma_wait3A_153] : memref<10112x128xf32, #tpu.memory_space<vmem_shared>> -> memref<10112x128xf32, #tpu.memory_space<vmem_shared>>
      tpu.wait_indirect_dma semaphore(%arg9 : memref<!tpu.dma_semaphore, #tpu.memory_space<semaphore_mem>>) src(%arg8 : memref<32x128xf32, #tpu.memory_space<vmem>>) dst(%dma_wait3A_154 : memref<10112x128xf32, #tpu.memory_space<vmem_shared>>)
      %dma_wait3A_155 = arith.constant 0 : i32
      %dma_wait3A_156 = arith.constant 0 : i32
      %dma_wait3A_157 = tpu.memref_slice %arg7[%dma_wait3A_155, %dma_wait3A_156] : memref<16x32xi32, #tpu.memory_space<vmem>> -> memref<1x32xi32, #tpu.memory_space<vmem>>
      %dma_wait3A_158 = tpu.memref_squeeze %dma_wait3A_157 : memref<1x32xi32, #tpu.memory_space<vmem>> -> memref<32xi32, #tpu.memory_space<vmem>>
      %dma_wait3A_159 = arith.constant 0 : i32
      %dma_wait3A_160 = arith.constant 0 : i32
      %dma_wait3A_161 = tpu.memref_slice %arg6[%dma_wait3A_159, %dma_wait3A_160] : memref<10112x128xf32, #tpu.memory_space<vmem_shared>> -> memref<10112x128xf32, #tpu.memory_space<vmem_shared>>
      tpu.wait_indirect_dma semaphore(%arg9 : memref<!tpu.dma_semaphore, #tpu.memory_space<semaphore_mem>>) src(%arg8 : memref<32x128xf32, #tpu.memory_space<vmem>>) dst(%dma_wait3A_161 : memref<10112x128xf32, #tpu.memory_space<vmem_shared>>)
      %dma_wait3A_162 = arith.constant 0 : i32
      %dma_wait3A_163 = arith.constant 0 : i32
      %dma_wait3A_164 = tpu.memref_slice %arg7[%dma_wait3A_162, %dma_wait3A_163] : memref<16x32xi32, #tpu.memory_space<vmem>> -> memref<1x32xi32, #tpu.memory_space<vmem>>
      %dma_wait3A_165 = tpu.memref_squeeze %dma_wait3A_164 : memref<1x32xi32, #tpu.memory_space<vmem>> -> memref<32xi32, #tpu.memory_space<vmem>>
      %dma_wait3A_166 = arith.constant 0 : i32
      %dma_wait3A_167 = arith.constant 0 : i32
      %dma_wait3A_168 = tpu.memref_slice %arg6[%dma_wait3A_166, %dma_wait3A_167] : memref<10112x128xf32, #tpu.memory_space<vmem_shared>> -> memref<10112x128xf32, #tpu.memory_space<vmem_shared>>
      tpu.wait_indirect_dma semaphore(%arg9 : memref<!tpu.dma_semaphore, #tpu.memory_space<semaphore_mem>>) src(%arg8 : memref<32x128xf32, #tpu.memory_space<vmem>>) dst(%dma_wait3A_168 : memref<10112x128xf32, #tpu.memory_space<vmem_shared>>)
      %dma_wait3A_169 = arith.constant 0 : i32
      %dma_wait3A_170 = arith.constant 0 : i32
      %dma_wait3A_171 = tpu.memref_slice %arg7[%dma_wait3A_169, %dma_wait3A_170] : memref<16x32xi32, #tpu.memory_space<vmem>> -> memref<1x32xi32, #tpu.memory_space<vmem>>
      %dma_wait3A_172 = tpu.memref_squeeze %dma_wait3A_171 : memref<1x32xi32, #tpu.memory_space<vmem>> -> memref<32xi32, #tpu.memory_space<vmem>>
      %dma_wait3A_173 = arith.constant 0 : i32
      %dma_wait3A_174 = arith.constant 0 : i32
      %dma_wait3A_175 = tpu.memref_slice %arg6[%dma_wait3A_173, %dma_wait3A_174] : memref<10112x128xf32, #tpu.memory_space<vmem_shared>> -> memref<10112x128xf32, #tpu.memory_space<vmem_shared>>
      tpu.wait_indirect_dma semaphore(%arg9 : memref<!tpu.dma_semaphore, #tpu.memory_space<semaphore_mem>>) src(%arg8 : memref<32x128xf32, #tpu.memory_space<vmem>>) dst(%dma_wait3A_175 : memref<10112x128xf32, #tpu.memory_space<vmem_shared>>)
      %dma_wait3A_176 = arith.constant 0 : i32
      %dma_wait3A_177 = arith.constant 0 : i32
      %dma_wait3A_178 = tpu.memref_slice %arg7[%dma_wait3A_176, %dma_wait3A_177] : memref<16x32xi32, #tpu.memory_space<vmem>> -> memref<1x32xi32, #tpu.memory_space<vmem>>
      %dma_wait3A_179 = tpu.memref_squeeze %dma_wait3A_178 : memref<1x32xi32, #tpu.memory_space<vmem>> -> memref<32xi32, #tpu.memory_space<vmem>>
      %dma_wait3A_180 = arith.constant 0 : i32
      %dma_wait3A_181 = arith.constant 0 : i32
      %dma_wait3A_182 = tpu.memref_slice %arg6[%dma_wait3A_180, %dma_wait3A_181] : memref<10112x128xf32, #tpu.memory_space<vmem_shared>> -> memref<10112x128xf32, #tpu.memory_space<vmem_shared>>
      tpu.wait_indirect_dma semaphore(%arg9 : memref<!tpu.dma_semaphore, #tpu.memory_space<semaphore_mem>>) src(%arg8 : memref<32x128xf32, #tpu.memory_space<vmem>>) dst(%dma_wait3A_182 : memref<10112x128xf32, #tpu.memory_space<vmem_shared>>)
      %dma_wait3A_183 = arith.constant 0 : i32
      %dma_wait3A_184 = arith.constant 0 : i32
      %dma_wait3A_185 = tpu.memref_slice %arg7[%dma_wait3A_183, %dma_wait3A_184] : memref<16x32xi32, #tpu.memory_space<vmem>> -> memref<1x32xi32, #tpu.memory_space<vmem>>
      %dma_wait3A_186 = tpu.memref_squeeze %dma_wait3A_185 : memref<1x32xi32, #tpu.memory_space<vmem>> -> memref<32xi32, #tpu.memory_space<vmem>>
      %dma_wait3A_187 = arith.constant 0 : i32
      %dma_wait3A_188 = arith.constant 0 : i32
      %dma_wait3A_189 = tpu.memref_slice %arg6[%dma_wait3A_187, %dma_wait3A_188] : memref<10112x128xf32, #tpu.memory_space<vmem_shared>> -> memref<10112x128xf32, #tpu.memory_space<vmem_shared>>
      tpu.wait_indirect_dma semaphore(%arg9 : memref<!tpu.dma_semaphore, #tpu.memory_space<semaphore_mem>>) src(%arg8 : memref<32x128xf32, #tpu.memory_space<vmem>>) dst(%dma_wait3A_189 : memref<10112x128xf32, #tpu.memory_space<vmem_shared>>)
      %dma_wait3A_190 = arith.constant 0 : i32
      %dma_wait3A_191 = arith.constant 0 : i32
      %dma_wait3A_192 = tpu.memref_slice %arg7[%dma_wait3A_190, %dma_wait3A_191] : memref<16x32xi32, #tpu.memory_space<vmem>> -> memref<1x32xi32, #tpu.memory_space<vmem>>
      %dma_wait3A_193 = tpu.memref_squeeze %dma_wait3A_192 : memref<1x32xi32, #tpu.memory_space<vmem>> -> memref<32xi32, #tpu.memory_space<vmem>>
      %dma_wait3A_194 = arith.constant 0 : i32
      %dma_wait3A_195 = arith.constant 0 : i32
      %dma_wait3A_196 = tpu.memref_slice %arg6[%dma_wait3A_194, %dma_wait3A_195] : memref<10112x128xf32, #tpu.memory_space<vmem_shared>> -> memref<10112x128xf32, #tpu.memory_space<vmem_shared>>
      tpu.wait_indirect_dma semaphore(%arg9 : memref<!tpu.dma_semaphore, #tpu.memory_space<semaphore_mem>>) src(%arg8 : memref<32x128xf32, #tpu.memory_space<vmem>>) dst(%dma_wait3A_196 : memref<10112x128xf32, #tpu.memory_space<vmem_shared>>)
      %dma_wait3A_197 = arith.constant 0 : i32
      %dma_wait3A_198 = arith.constant 0 : i32
      %dma_wait3A_199 = tpu.memref_slice %arg7[%dma_wait3A_197, %dma_wait3A_198] : memref<16x32xi32, #tpu.memory_space<vmem>> -> memref<1x32xi32, #tpu.memory_space<vmem>>
      %dma_wait3A_200 = tpu.memref_squeeze %dma_wait3A_199 : memref<1x32xi32, #tpu.memory_space<vmem>> -> memref<32xi32, #tpu.memory_space<vmem>>
      %dma_wait3A_201 = arith.constant 0 : i32
      %dma_wait3A_202 = arith.constant 0 : i32
      %dma_wait3A_203 = tpu.memref_slice %arg6[%dma_wait3A_201, %dma_wait3A_202] : memref<10112x128xf32, #tpu.memory_space<vmem_shared>> -> memref<10112x128xf32, #tpu.memory_space<vmem_shared>>
      tpu.wait_indirect_dma semaphore(%arg9 : memref<!tpu.dma_semaphore, #tpu.memory_space<semaphore_mem>>) src(%arg8 : memref<32x128xf32, #tpu.memory_space<vmem>>) dst(%dma_wait3A_203 : memref<10112x128xf32, #tpu.memory_space<vmem_shared>>)
      %dma_wait3A_204 = arith.constant 0 : i32
      %dma_wait3A_205 = arith.constant 0 : i32
      %dma_wait3A_206 = tpu.memref_slice %arg7[%dma_wait3A_204, %dma_wait3A_205] : memref<16x32xi32, #tpu.memory_space<vmem>> -> memref<1x32xi32, #tpu.memory_space<vmem>>
      %dma_wait3A_207 = tpu.memref_squeeze %dma_wait3A_206 : memref<1x32xi32, #tpu.memory_space<vmem>> -> memref<32xi32, #tpu.memory_space<vmem>>
      %dma_wait3A_208 = arith.constant 0 : i32
      %dma_wait3A_209 = arith.constant 0 : i32
      %dma_wait3A_210 = tpu.memref_slice %arg6[%dma_wait3A_208, %dma_wait3A_209] : memref<10112x128xf32, #tpu.memory_space<vmem_shared>> -> memref<10112x128xf32, #tpu.memory_space<vmem_shared>>
      tpu.wait_indirect_dma semaphore(%arg9 : memref<!tpu.dma_semaphore, #tpu.memory_space<semaphore_mem>>) src(%arg8 : memref<32x128xf32, #tpu.memory_space<vmem>>) dst(%dma_wait3A_210 : memref<10112x128xf32, #tpu.memory_space<vmem_shared>>)
      %dma_wait3A_211 = arith.constant 0 : i32
      %dma_wait3A_212 = arith.constant 0 : i32
      %dma_wait3A_213 = tpu.memref_slice %arg7[%dma_wait3A_211, %dma_wait3A_212] : memref<16x32xi32, #tpu.memory_space<vmem>> -> memref<1x32xi32, #tpu.memory_space<vmem>>
      %dma_wait3A_214 = tpu.memref_squeeze %dma_wait3A_213 : memref<1x32xi32, #tpu.memory_space<vmem>> -> memref<32xi32, #tpu.memory_space<vmem>>
      %dma_wait3A_215 = arith.constant 0 : i32
      %dma_wait3A_216 = arith.constant 0 : i32
      %dma_wait3A_217 = tpu.memref_slice %arg6[%dma_wait3A_215, %dma_wait3A_216] : memref<10112x128xf32, #tpu.memory_space<vmem_shared>> -> memref<10112x128xf32, #tpu.memory_space<vmem_shared>>
      tpu.wait_indirect_dma semaphore(%arg9 : memref<!tpu.dma_semaphore, #tpu.memory_space<semaphore_mem>>) src(%arg8 : memref<32x128xf32, #tpu.memory_space<vmem>>) dst(%dma_wait3A_217 : memref<10112x128xf32, #tpu.memory_space<vmem_shared>>)
      %dma_wait3A_218 = arith.constant 0 : i32
      %dma_wait3A_219 = arith.constant 0 : i32
      %dma_wait3A_220 = tpu.memref_slice %arg7[%dma_wait3A_218, %dma_wait3A_219] : memref<16x32xi32, #tpu.memory_space<vmem>> -> memref<1x32xi32, #tpu.memory_space<vmem>>
      %dma_wait3A_221 = tpu.memref_squeeze %dma_wait3A_220 : memref<1x32xi32, #tpu.memory_space<vmem>> -> memref<32xi32, #tpu.memory_space<vmem>>
      %dma_wait3A_222 = arith.constant 0 : i32
      %dma_wait3A_223 = arith.constant 0 : i32
      %dma_wait3A_224 = tpu.memref_slice %arg6[%dma_wait3A_222, %dma_wait3A_223] : memref<10112x128xf32, #tpu.memory_space<vmem_shared>> -> memref<10112x128xf32, #tpu.memory_space<vmem_shared>>
      tpu.wait_indirect_dma semaphore(%arg9 : memref<!tpu.dma_semaphore, #tpu.memory_space<semaphore_mem>>) src(%arg8 : memref<32x128xf32, #tpu.memory_space<vmem>>) dst(%dma_wait3A_224 : memref<10112x128xf32, #tpu.memory_space<vmem_shared>>)
      %dma_wait3A_225 = arith.constant 0 : i32
      %dma_wait3A_226 = arith.constant 0 : i32
      %dma_wait3A_227 = tpu.memref_slice %arg7[%dma_wait3A_225, %dma_wait3A_226] : memref<16x32xi32, #tpu.memory_space<vmem>> -> memref<1x32xi32, #tpu.memory_space<vmem>>
      %dma_wait3A_228 = tpu.memref_squeeze %dma_wait3A_227 : memref<1x32xi32, #tpu.memory_space<vmem>> -> memref<32xi32, #tpu.memory_space<vmem>>
      %dma_wait3A_229 = arith.constant 0 : i32
      %dma_wait3A_230 = arith.constant 0 : i32
      %dma_wait3A_231 = tpu.memref_slice %arg6[%dma_wait3A_229, %dma_wait3A_230] : memref<10112x128xf32, #tpu.memory_space<vmem_shared>> -> memref<10112x128xf32, #tpu.memory_space<vmem_shared>>
      tpu.wait_indirect_dma semaphore(%arg9 : memref<!tpu.dma_semaphore, #tpu.memory_space<semaphore_mem>>) src(%arg8 : memref<32x128xf32, #tpu.memory_space<vmem>>) dst(%dma_wait3A_231 : memref<10112x128xf32, #tpu.memory_space<vmem_shared>>)
      %dma_wait3A_232 = arith.constant 0 : i32
      %dma_wait3A_233 = arith.constant 0 : i32
      %dma_wait3A_234 = tpu.memref_slice %arg7[%dma_wait3A_232, %dma_wait3A_233] : memref<16x32xi32, #tpu.memory_space<vmem>> -> memref<1x32xi32, #tpu.memory_space<vmem>>
      %dma_wait3A_235 = tpu.memref_squeeze %dma_wait3A_234 : memref<1x32xi32, #tpu.memory_space<vmem>> -> memref<32xi32, #tpu.memory_space<vmem>>
      %dma_wait3A_236 = arith.constant 0 : i32
      %dma_wait3A_237 = arith.constant 0 : i32
      %dma_wait3A_238 = tpu.memref_slice %arg6[%dma_wait3A_236, %dma_wait3A_237] : memref<10112x128xf32, #tpu.memory_space<vmem_shared>> -> memref<10112x128xf32, #tpu.memory_space<vmem_shared>>
      tpu.wait_indirect_dma semaphore(%arg9 : memref<!tpu.dma_semaphore, #tpu.memory_space<semaphore_mem>>) src(%arg8 : memref<32x128xf32, #tpu.memory_space<vmem>>) dst(%dma_wait3A_238 : memref<10112x128xf32, #tpu.memory_space<vmem_shared>>)
      %dma_wait3A_239 = arith.constant 0 : i32
      %dma_wait3A_240 = arith.constant 0 : i32
      %dma_wait3A_241 = tpu.memref_slice %arg7[%dma_wait3A_239, %dma_wait3A_240] : memref<16x32xi32, #tpu.memory_space<vmem>> -> memref<1x32xi32, #tpu.memory_space<vmem>>
      %dma_wait3A_242 = tpu.memref_squeeze %dma_wait3A_241 : memref<1x32xi32, #tpu.memory_space<vmem>> -> memref<32xi32, #tpu.memory_space<vmem>>
      %dma_wait3A_243 = arith.constant 0 : i32
      %dma_wait3A_244 = arith.constant 0 : i32
      %dma_wait3A_245 = tpu.memref_slice %arg6[%dma_wait3A_243, %dma_wait3A_244] : memref<10112x128xf32, #tpu.memory_space<vmem_shared>> -> memref<10112x128xf32, #tpu.memory_space<vmem_shared>>
      tpu.wait_indirect_dma semaphore(%arg9 : memref<!tpu.dma_semaphore, #tpu.memory_space<semaphore_mem>>) src(%arg8 : memref<32x128xf32, #tpu.memory_space<vmem>>) dst(%dma_wait3A_245 : memref<10112x128xf32, #tpu.memory_space<vmem_shared>>)
    }
    %scan3A_11 = arith.constant 20 : i32
    %barrier3A_12 = arith.constant 0 : index
    tpu.barrier barrier_id(%barrier3A_12)
    %mul3A_13 = arith.constant 632 : i32
    %mul3A_14 = arith.muli %arg1, %mul3A_13 : i32
    %mul3A_15 = arith.constant 10112 : i32
    %mul3A_16 = arith.muli %arg0, %mul3A_15 : i32
    %mul3A_17 = arith.constant 632 : i32
    %mul3A_18 = arith.muli %arg1, %mul3A_17 : i32
    %add3A_19 = arith.addi %mul3A_16, %mul3A_18 : i32
    "tpu.region"() ({
      %run_scoped3A = tpu.sem_alloc : memref<!tpu.dma_semaphore, #tpu.memory_space<semaphore_mem>>
      %dma_start3A = arith.constant 0 : i32
      %dma_start3A_20 = tpu.memref_slice %arg5[%add3A_19, %dma_start3A] : memref<20224x128xf32, #tpu.memory_space<hbm>> -> memref<632x128xf32, #tpu.memory_space<hbm>>
      %dma_start3A_21 = arith.constant 0 : i32
      %dma_start3A_22 = tpu.memref_slice %arg6[%mul3A_14, %dma_start3A_21] : memref<10112x128xf32, #tpu.memory_space<vmem_shared>> -> memref<632x128xf32, #tpu.memory_space<vmem_shared>>
      tpu.enqueue_dma source(%dma_start3A_22 : memref<632x128xf32, #tpu.memory_space<vmem_shared>>) target(%dma_start3A_20 : memref<632x128xf32, #tpu.memory_space<hbm>>) target_semaphore(%run_scoped3A : memref<!tpu.dma_semaphore, #tpu.memory_space<semaphore_mem>>)
      %dma_wait3A = arith.constant 0 : i32
      %dma_wait3A_23 = tpu.memref_slice %arg5[%add3A_19, %dma_wait3A] : memref<20224x128xf32, #tpu.memory_space<hbm>> -> memref<632x128xf32, #tpu.memory_space<hbm>>
      %dma_wait3A_24 = arith.constant 0 : i32
      %dma_wait3A_25 = tpu.memref_slice %arg6[%mul3A_14, %dma_wait3A_24] : memref<10112x128xf32, #tpu.memory_space<vmem_shared>> -> memref<632x128xf32, #tpu.memory_space<vmem_shared>>
      tpu.wait_dma2 semaphore(%run_scoped3A : memref<!tpu.dma_semaphore, #tpu.memory_space<semaphore_mem>>) src(%dma_wait3A_25 : memref<632x128xf32, #tpu.memory_space<vmem_shared>>) dst(%dma_wait3A_23 : memref<632x128xf32, #tpu.memory_space<hbm>>)
      tpu.yield
    }) : () -> ()
    return
  }
}

#map = affine_map<(d0, d1) -> (0, 0)>
module attributes {stable_mosaic.version = 14 : i64} {
  func.func @conv_kernel(%arg0: i32, %arg1: i32, %arg2: memref<20224x128xf32, #tpu.memory_space<hbm>>, %arg3: memref<20480x32xi32, #tpu.memory_space<hbm>>, %arg4: memref<10240x32xi32, #tpu.memory_space<hbm>>, %arg5: memref<20224x128xf32, #tpu.memory_space<hbm>>, %arg6: memref<10112x128xf32, #tpu.memory_space<vmem_shared>>, %arg7: memref<16x32xi32, #tpu.memory_space<vmem>>, %arg8: memref<16x32xi32, #tpu.memory_space<vmem>>, %arg9: memref<32x128xf32, #tpu.memory_space<vmem>>, %arg10: memref<32x128xf32, #tpu.memory_space<vmem>>, %arg11: memref<32x128xf32, #tpu.memory_space<vmem>>, %arg12: memref<32x128xf32, #tpu.memory_space<vmem>>, %arg13: memref<32x128xf32, #tpu.memory_space<vmem>>, %arg14: memref<32x128xf32, #tpu.memory_space<vmem>>, %arg15: memref<32x128xf32, #tpu.memory_space<vmem>>, %arg16: memref<32x128xf32, #tpu.memory_space<vmem>>, %arg17: memref<!tpu.dma_semaphore, #tpu.memory_space<semaphore_mem>>, %arg18: memref<!tpu.dma_semaphore, #tpu.memory_space<semaphore_mem>>, %arg19: memref<!tpu.dma_semaphore, #tpu.memory_space<semaphore_mem>>, %arg20: memref<!tpu.dma_semaphore, #tpu.memory_space<semaphore_mem>>, %arg21: memref<!tpu.dma_semaphore, #tpu.memory_space<semaphore_mem>>, %arg22: memref<!tpu.dma_semaphore, #tpu.memory_space<semaphore_mem>>, %arg23: memref<!tpu.dma_semaphore, #tpu.memory_space<semaphore_mem>>, %arg24: memref<!tpu.dma_semaphore, #tpu.memory_space<semaphore_mem>>, %arg25: memref<!tpu.dma_semaphore, #tpu.memory_space<semaphore_mem>>, %arg26: memref<!tpu.dma_semaphore, #tpu.memory_space<semaphore_mem>>, %arg27: memref<!tpu.dma_semaphore, #tpu.memory_space<semaphore_mem>>, %arg28: memref<!tpu.dma_semaphore, #tpu.memory_space<semaphore_mem>>, %arg29: memref<!tpu.dma_semaphore, #tpu.memory_space<semaphore_mem>>, %arg30: memref<!tpu.dma_semaphore, #tpu.memory_space<semaphore_mem>>, %arg31: memref<!tpu.dma_semaphore, #tpu.memory_space<semaphore_mem>>, %arg32: memref<!tpu.dma_semaphore, #tpu.memory_space<semaphore_mem>>) attributes {dimension_semantics = [#tpu.dimension_semantics<core_parallel>, #tpu.dimension_semantics<subcore_parallel>], iteration_bounds = array<i64: 2, 16>, scalar_prefetch = 0 : i64, scratch_operands = 27 : i64, tpu.core_type = #tpu.core_type<sc_vector_subcore>, window_params = [{transform_indices = #map}, {transform_indices = #map}, {transform_indices = #map}, {transform_indices = #map}]} {
    %mul3A = arith.constant 2 : i32
    %mul3A_0 = arith.muli %arg1, %mul3A : i32
    %add3A = arith.addi %mul3A_0, %arg0 : i32
    %mul3A_1 = arith.constant 320 : i32
    %mul3A_2 = arith.muli %add3A, %mul3A_1 : i32
    %mul3A_3 = arith.constant 10240 : i32
    %mul3A_4 = arith.muli %arg0, %mul3A_3 : i32
    %add3A_5 = arith.addi %mul3A_4, %mul3A_2 : i32
    %mul3A_6 = arith.constant 10112 : i32
    %mul3A_7 = arith.muli %arg0, %mul3A_6 : i32
    %mul3A_8 = arith.constant 632 : i32
    %mul3A_9 = arith.muli %arg1, %mul3A_8 : i32
    %add3A_10 = arith.addi %mul3A_7, %mul3A_9 : i32
    %mul3A_11 = arith.constant 632 : i32
    %mul3A_12 = arith.muli %arg1, %mul3A_11 : i32
    "tpu.region"() ({
      %run_scoped3A = tpu.sem_alloc : memref<!tpu.dma_semaphore, #tpu.memory_space<semaphore_mem>>
      %dma_start3A = arith.constant 0 : i32
      %dma_start3A_81 = tpu.memref_slice %arg6[%mul3A_12, %dma_start3A] : memref<10112x128xf32, #tpu.memory_space<vmem_shared>> -> memref<632x128xf32, #tpu.memory_space<vmem_shared>>
      %dma_start3A_82 = arith.constant 0 : i32
      %dma_start3A_83 = tpu.memref_slice %arg2[%add3A_10, %dma_start3A_82] : memref<20224x128xf32, #tpu.memory_space<hbm>> -> memref<632x128xf32, #tpu.memory_space<hbm>>
      tpu.enqueue_dma source(%dma_start3A_83 : memref<632x128xf32, #tpu.memory_space<hbm>>) target(%dma_start3A_81 : memref<632x128xf32, #tpu.memory_space<vmem_shared>>) target_semaphore(%run_scoped3A : memref<!tpu.dma_semaphore, #tpu.memory_space<semaphore_mem>>)
      %dma_wait3A_84 = arith.constant 0 : i32
      %dma_wait3A_85 = tpu.memref_slice %arg6[%mul3A_12, %dma_wait3A_84] : memref<10112x128xf32, #tpu.memory_space<vmem_shared>> -> memref<632x128xf32, #tpu.memory_space<vmem_shared>>
      %dma_wait3A_86 = arith.constant 0 : i32
      %dma_wait3A_87 = tpu.memref_slice %arg2[%add3A_10, %dma_wait3A_86] : memref<20224x128xf32, #tpu.memory_space<hbm>> -> memref<632x128xf32, #tpu.memory_space<hbm>>
      tpu.wait_dma2 semaphore(%run_scoped3A : memref<!tpu.dma_semaphore, #tpu.memory_space<semaphore_mem>>) src(%dma_wait3A_87 : memref<632x128xf32, #tpu.memory_space<hbm>>) dst(%dma_wait3A_85 : memref<632x128xf32, #tpu.memory_space<vmem_shared>>)
      tpu.yield
    }) : () -> ()
    %barrier3A = arith.constant 0 : index
    tpu.barrier barrier_id(%barrier3A)
    %scan3A = arith.constant 0 : i32
    %scan3A_13 = arith.constant 0 : i32
    %scan3A_14 = arith.constant 20 : i32
    %scan3A_15 = arith.addi %scan3A_13, %scan3A_14 : i32
    %scan3A_16 = arith.constant 1 : i32
    scf.for %scan3A_81 = %scan3A_13 to %scan3A_15 step %scan3A_16  : i32 {
      %gt3A = arith.constant 0 : i32
      %gt3A_82 = arith.cmpi sgt, %scan3A_81, %gt3A : i32
      %convert_element_type3A = arith.extui %gt3A_82 : i1 to i32
      %cond3A = arith.constant 0 : i32
      %cond3A_83 = arith.cmpi ne, %convert_element_type3A, %cond3A : i32
      scf.if %cond3A_83 {
        %dma_wait3A_481 = arith.constant 0 : i32
        %dma_wait3A_482 = arith.constant 0 : i32
        %dma_wait3A_483 = tpu.memref_slice %arg8[%dma_wait3A_481, %dma_wait3A_482] : memref<16x32xi32, #tpu.memory_space<vmem>> -> memref<1x32xi32, #tpu.memory_space<vmem>>
        %dma_wait3A_484 = tpu.memref_squeeze %dma_wait3A_483 : memref<1x32xi32, #tpu.memory_space<vmem>> -> memref<32xi32, #tpu.memory_space<vmem>>
        %dma_wait3A_485 = arith.constant 0 : i32
        %dma_wait3A_486 = arith.constant 0 : i32
        %dma_wait3A_487 = tpu.memref_slice %arg6[%dma_wait3A_485, %dma_wait3A_486] : memref<10112x128xf32, #tpu.memory_space<vmem_shared>> -> memref<10112x128xf32, #tpu.memory_space<vmem_shared>>
        tpu.wait_indirect_dma semaphore(%arg25 : memref<!tpu.dma_semaphore, #tpu.memory_space<semaphore_mem>>) src(%arg9 : memref<32x128xf32, #tpu.memory_space<vmem>>) dst(%dma_wait3A_487 : memref<10112x128xf32, #tpu.memory_space<vmem_shared>>)
        %dma_wait3A_488 = arith.constant 0 : i32
        %dma_wait3A_489 = arith.constant 0 : i32
        %dma_wait3A_490 = tpu.memref_slice %arg8[%dma_wait3A_488, %dma_wait3A_489] : memref<16x32xi32, #tpu.memory_space<vmem>> -> memref<1x32xi32, #tpu.memory_space<vmem>>
        %dma_wait3A_491 = tpu.memref_squeeze %dma_wait3A_490 : memref<1x32xi32, #tpu.memory_space<vmem>> -> memref<32xi32, #tpu.memory_space<vmem>>
        %dma_wait3A_492 = arith.constant 0 : i32
        %dma_wait3A_493 = arith.constant 0 : i32
        %dma_wait3A_494 = tpu.memref_slice %arg6[%dma_wait3A_492, %dma_wait3A_493] : memref<10112x128xf32, #tpu.memory_space<vmem_shared>> -> memref<10112x128xf32, #tpu.memory_space<vmem_shared>>
        tpu.wait_indirect_dma semaphore(%arg26 : memref<!tpu.dma_semaphore, #tpu.memory_space<semaphore_mem>>) src(%arg10 : memref<32x128xf32, #tpu.memory_space<vmem>>) dst(%dma_wait3A_494 : memref<10112x128xf32, #tpu.memory_space<vmem_shared>>)
        %dma_wait3A_495 = arith.constant 0 : i32
        %dma_wait3A_496 = arith.constant 0 : i32
        %dma_wait3A_497 = tpu.memref_slice %arg8[%dma_wait3A_495, %dma_wait3A_496] : memref<16x32xi32, #tpu.memory_space<vmem>> -> memref<1x32xi32, #tpu.memory_space<vmem>>
        %dma_wait3A_498 = tpu.memref_squeeze %dma_wait3A_497 : memref<1x32xi32, #tpu.memory_space<vmem>> -> memref<32xi32, #tpu.memory_space<vmem>>
        %dma_wait3A_499 = arith.constant 0 : i32
        %dma_wait3A_500 = arith.constant 0 : i32
        %dma_wait3A_501 = tpu.memref_slice %arg6[%dma_wait3A_499, %dma_wait3A_500] : memref<10112x128xf32, #tpu.memory_space<vmem_shared>> -> memref<10112x128xf32, #tpu.memory_space<vmem_shared>>
        tpu.wait_indirect_dma semaphore(%arg27 : memref<!tpu.dma_semaphore, #tpu.memory_space<semaphore_mem>>) src(%arg11 : memref<32x128xf32, #tpu.memory_space<vmem>>) dst(%dma_wait3A_501 : memref<10112x128xf32, #tpu.memory_space<vmem_shared>>)
        %dma_wait3A_502 = arith.constant 0 : i32
        %dma_wait3A_503 = arith.constant 0 : i32
        %dma_wait3A_504 = tpu.memref_slice %arg8[%dma_wait3A_502, %dma_wait3A_503] : memref<16x32xi32, #tpu.memory_space<vmem>> -> memref<1x32xi32, #tpu.memory_space<vmem>>
        %dma_wait3A_505 = tpu.memref_squeeze %dma_wait3A_504 : memref<1x32xi32, #tpu.memory_space<vmem>> -> memref<32xi32, #tpu.memory_space<vmem>>
        %dma_wait3A_506 = arith.constant 0 : i32
        %dma_wait3A_507 = arith.constant 0 : i32
        %dma_wait3A_508 = tpu.memref_slice %arg6[%dma_wait3A_506, %dma_wait3A_507] : memref<10112x128xf32, #tpu.memory_space<vmem_shared>> -> memref<10112x128xf32, #tpu.memory_space<vmem_shared>>
        tpu.wait_indirect_dma semaphore(%arg28 : memref<!tpu.dma_semaphore, #tpu.memory_space<semaphore_mem>>) src(%arg12 : memref<32x128xf32, #tpu.memory_space<vmem>>) dst(%dma_wait3A_508 : memref<10112x128xf32, #tpu.memory_space<vmem_shared>>)
        %dma_wait3A_509 = arith.constant 0 : i32
        %dma_wait3A_510 = arith.constant 0 : i32
        %dma_wait3A_511 = tpu.memref_slice %arg8[%dma_wait3A_509, %dma_wait3A_510] : memref<16x32xi32, #tpu.memory_space<vmem>> -> memref<1x32xi32, #tpu.memory_space<vmem>>
        %dma_wait3A_512 = tpu.memref_squeeze %dma_wait3A_511 : memref<1x32xi32, #tpu.memory_space<vmem>> -> memref<32xi32, #tpu.memory_space<vmem>>
        %dma_wait3A_513 = arith.constant 0 : i32
        %dma_wait3A_514 = arith.constant 0 : i32
        %dma_wait3A_515 = tpu.memref_slice %arg6[%dma_wait3A_513, %dma_wait3A_514] : memref<10112x128xf32, #tpu.memory_space<vmem_shared>> -> memref<10112x128xf32, #tpu.memory_space<vmem_shared>>
        tpu.wait_indirect_dma semaphore(%arg29 : memref<!tpu.dma_semaphore, #tpu.memory_space<semaphore_mem>>) src(%arg13 : memref<32x128xf32, #tpu.memory_space<vmem>>) dst(%dma_wait3A_515 : memref<10112x128xf32, #tpu.memory_space<vmem_shared>>)
        %dma_wait3A_516 = arith.constant 0 : i32
        %dma_wait3A_517 = arith.constant 0 : i32
        %dma_wait3A_518 = tpu.memref_slice %arg8[%dma_wait3A_516, %dma_wait3A_517] : memref<16x32xi32, #tpu.memory_space<vmem>> -> memref<1x32xi32, #tpu.memory_space<vmem>>
        %dma_wait3A_519 = tpu.memref_squeeze %dma_wait3A_518 : memref<1x32xi32, #tpu.memory_space<vmem>> -> memref<32xi32, #tpu.memory_space<vmem>>
        %dma_wait3A_520 = arith.constant 0 : i32
        %dma_wait3A_521 = arith.constant 0 : i32
        %dma_wait3A_522 = tpu.memref_slice %arg6[%dma_wait3A_520, %dma_wait3A_521] : memref<10112x128xf32, #tpu.memory_space<vmem_shared>> -> memref<10112x128xf32, #tpu.memory_space<vmem_shared>>
        tpu.wait_indirect_dma semaphore(%arg30 : memref<!tpu.dma_semaphore, #tpu.memory_space<semaphore_mem>>) src(%arg14 : memref<32x128xf32, #tpu.memory_space<vmem>>) dst(%dma_wait3A_522 : memref<10112x128xf32, #tpu.memory_space<vmem_shared>>)
        %dma_wait3A_523 = arith.constant 0 : i32
        %dma_wait3A_524 = arith.constant 0 : i32
        %dma_wait3A_525 = tpu.memref_slice %arg8[%dma_wait3A_523, %dma_wait3A_524] : memref<16x32xi32, #tpu.memory_space<vmem>> -> memref<1x32xi32, #tpu.memory_space<vmem>>
        %dma_wait3A_526 = tpu.memref_squeeze %dma_wait3A_525 : memref<1x32xi32, #tpu.memory_space<vmem>> -> memref<32xi32, #tpu.memory_space<vmem>>
        %dma_wait3A_527 = arith.constant 0 : i32
        %dma_wait3A_528 = arith.constant 0 : i32
        %dma_wait3A_529 = tpu.memref_slice %arg6[%dma_wait3A_527, %dma_wait3A_528] : memref<10112x128xf32, #tpu.memory_space<vmem_shared>> -> memref<10112x128xf32, #tpu.memory_space<vmem_shared>>
        tpu.wait_indirect_dma semaphore(%arg31 : memref<!tpu.dma_semaphore, #tpu.memory_space<semaphore_mem>>) src(%arg15 : memref<32x128xf32, #tpu.memory_space<vmem>>) dst(%dma_wait3A_529 : memref<10112x128xf32, #tpu.memory_space<vmem_shared>>)
        %dma_wait3A_530 = arith.constant 0 : i32
        %dma_wait3A_531 = arith.constant 0 : i32
        %dma_wait3A_532 = tpu.memref_slice %arg8[%dma_wait3A_530, %dma_wait3A_531] : memref<16x32xi32, #tpu.memory_space<vmem>> -> memref<1x32xi32, #tpu.memory_space<vmem>>
        %dma_wait3A_533 = tpu.memref_squeeze %dma_wait3A_532 : memref<1x32xi32, #tpu.memory_space<vmem>> -> memref<32xi32, #tpu.memory_space<vmem>>
        %dma_wait3A_534 = arith.constant 0 : i32
        %dma_wait3A_535 = arith.constant 0 : i32
        %dma_wait3A_536 = tpu.memref_slice %arg6[%dma_wait3A_534, %dma_wait3A_535] : memref<10112x128xf32, #tpu.memory_space<vmem_shared>> -> memref<10112x128xf32, #tpu.memory_space<vmem_shared>>
        tpu.wait_indirect_dma semaphore(%arg32 : memref<!tpu.dma_semaphore, #tpu.memory_space<semaphore_mem>>) src(%arg16 : memref<32x128xf32, #tpu.memory_space<vmem>>) dst(%dma_wait3A_536 : memref<10112x128xf32, #tpu.memory_space<vmem_shared>>)
      } else {
      }
      %mul3A_84 = arith.constant 16 : i32
      %mul3A_85 = arith.muli %scan3A_81, %mul3A_84 : i32
      %add3A_86 = arith.addi %add3A_5, %mul3A_85 : i32
      "tpu.region"() ({
        %run_scoped3A = tpu.sem_alloc : memref<!tpu.dma_semaphore, #tpu.memory_space<semaphore_mem>>
        %dma_start3A_481 = arith.constant 0 : i32
        %dma_start3A_482 = tpu.memref_slice %arg3[%add3A_86, %dma_start3A_481] : memref<20480x32xi32, #tpu.memory_space<hbm>> -> memref<16x32xi32, #tpu.memory_space<hbm>>
        %dma_start3A_483 = arith.constant 0 : i32
        %dma_start3A_484 = tpu.memref_slice %arg3[%add3A_86, %dma_start3A_483] : memref<20480x32xi32, #tpu.memory_space<hbm>> -> memref<16x32xi32, #tpu.memory_space<hbm>>
        tpu.enqueue_dma source(%dma_start3A_484 : memref<16x32xi32, #tpu.memory_space<hbm>>) target(%arg7 : memref<16x32xi32, #tpu.memory_space<vmem>>) target_semaphore(%run_scoped3A : memref<!tpu.dma_semaphore, #tpu.memory_space<semaphore_mem>>)
        %dma_wait3A_485 = arith.constant 0 : i32
        %dma_wait3A_486 = tpu.memref_slice %arg3[%add3A_86, %dma_wait3A_485] : memref<20480x32xi32, #tpu.memory_space<hbm>> -> memref<16x32xi32, #tpu.memory_space<hbm>>
        %dma_wait3A_487 = arith.constant 0 : i32
        %dma_wait3A_488 = tpu.memref_slice %arg3[%add3A_86, %dma_wait3A_487] : memref<20480x32xi32, #tpu.memory_space<hbm>> -> memref<16x32xi32, #tpu.memory_space<hbm>>
        tpu.wait_dma2 semaphore(%run_scoped3A : memref<!tpu.dma_semaphore, #tpu.memory_space<semaphore_mem>>) src(%dma_wait3A_488 : memref<16x32xi32, #tpu.memory_space<hbm>>) dst(%arg7 : memref<16x32xi32, #tpu.memory_space<vmem>>)
        tpu.yield
      }) : () -> ()
      %mul3A_87 = arith.constant 16 : i32
      %mul3A_88 = arith.muli %scan3A_81, %mul3A_87 : i32
      %add3A_89 = arith.addi %mul3A_2, %mul3A_88 : i32
      "tpu.region"() ({
        %run_scoped3A = tpu.sem_alloc : memref<!tpu.dma_semaphore, #tpu.memory_space<semaphore_mem>>
        %dma_start3A_481 = arith.constant 0 : i32
        %dma_start3A_482 = tpu.memref_slice %arg4[%add3A_89, %dma_start3A_481] : memref<10240x32xi32, #tpu.memory_space<hbm>> -> memref<16x32xi32, #tpu.memory_space<hbm>>
        %dma_start3A_483 = arith.constant 0 : i32
        %dma_start3A_484 = tpu.memref_slice %arg4[%add3A_89, %dma_start3A_483] : memref<10240x32xi32, #tpu.memory_space<hbm>> -> memref<16x32xi32, #tpu.memory_space<hbm>>
        tpu.enqueue_dma source(%dma_start3A_484 : memref<16x32xi32, #tpu.memory_space<hbm>>) target(%arg8 : memref<16x32xi32, #tpu.memory_space<vmem>>) target_semaphore(%run_scoped3A : memref<!tpu.dma_semaphore, #tpu.memory_space<semaphore_mem>>)
        %dma_wait3A_485 = arith.constant 0 : i32
        %dma_wait3A_486 = tpu.memref_slice %arg4[%add3A_89, %dma_wait3A_485] : memref<10240x32xi32, #tpu.memory_space<hbm>> -> memref<16x32xi32, #tpu.memory_space<hbm>>
        %dma_wait3A_487 = arith.constant 0 : i32
        %dma_wait3A_488 = tpu.memref_slice %arg4[%add3A_89, %dma_wait3A_487] : memref<10240x32xi32, #tpu.memory_space<hbm>> -> memref<16x32xi32, #tpu.memory_space<hbm>>
        tpu.wait_dma2 semaphore(%run_scoped3A : memref<!tpu.dma_semaphore, #tpu.memory_space<semaphore_mem>>) src(%dma_wait3A_488 : memref<16x32xi32, #tpu.memory_space<hbm>>) dst(%arg8 : memref<16x32xi32, #tpu.memory_space<vmem>>)
        tpu.yield
      }) : () -> ()
      %dma_start3A = arith.constant 0 : i32
      %dma_start3A_90 = arith.constant 0 : i32
      %dma_start3A_91 = tpu.memref_slice %arg7[%dma_start3A, %dma_start3A_90] : memref<16x32xi32, #tpu.memory_space<vmem>> -> memref<1x32xi32, #tpu.memory_space<vmem>>
      %dma_start3A_92 = tpu.memref_squeeze %dma_start3A_91 : memref<1x32xi32, #tpu.memory_space<vmem>> -> memref<32xi32, #tpu.memory_space<vmem>>
      %dma_start3A_93 = arith.constant 0 : i32
      %dma_start3A_94 = arith.constant 0 : i32
      %dma_start3A_95 = tpu.memref_slice %arg2[%dma_start3A_93, %dma_start3A_94] : memref<20224x128xf32, #tpu.memory_space<hbm>> -> memref<20224x128xf32, #tpu.memory_space<hbm>>
      tpu.enqueue_indirect_dma source(%dma_start3A_95 : memref<20224x128xf32, #tpu.memory_space<hbm>>) target(%arg9 : memref<32x128xf32, #tpu.memory_space<vmem>>) offsets(%dma_start3A_92 : memref<32xi32, #tpu.memory_space<vmem>>) semaphore(%arg17 : memref<!tpu.dma_semaphore, #tpu.memory_space<semaphore_mem>>)
      %dma_start3A_96 = arith.constant 1 : i32
      %dma_start3A_97 = arith.constant 0 : i32
      %dma_start3A_98 = tpu.memref_slice %arg7[%dma_start3A_96, %dma_start3A_97] : memref<16x32xi32, #tpu.memory_space<vmem>> -> memref<1x32xi32, #tpu.memory_space<vmem>>
      %dma_start3A_99 = tpu.memref_squeeze %dma_start3A_98 : memref<1x32xi32, #tpu.memory_space<vmem>> -> memref<32xi32, #tpu.memory_space<vmem>>
      %dma_start3A_100 = arith.constant 0 : i32
      %dma_start3A_101 = arith.constant 0 : i32
      %dma_start3A_102 = tpu.memref_slice %arg2[%dma_start3A_100, %dma_start3A_101] : memref<20224x128xf32, #tpu.memory_space<hbm>> -> memref<20224x128xf32, #tpu.memory_space<hbm>>
      tpu.enqueue_indirect_dma source(%dma_start3A_102 : memref<20224x128xf32, #tpu.memory_space<hbm>>) target(%arg10 : memref<32x128xf32, #tpu.memory_space<vmem>>) offsets(%dma_start3A_99 : memref<32xi32, #tpu.memory_space<vmem>>) semaphore(%arg18 : memref<!tpu.dma_semaphore, #tpu.memory_space<semaphore_mem>>)
      %dma_start3A_103 = arith.constant 2 : i32
      %dma_start3A_104 = arith.constant 0 : i32
      %dma_start3A_105 = tpu.memref_slice %arg7[%dma_start3A_103, %dma_start3A_104] : memref<16x32xi32, #tpu.memory_space<vmem>> -> memref<1x32xi32, #tpu.memory_space<vmem>>
      %dma_start3A_106 = tpu.memref_squeeze %dma_start3A_105 : memref<1x32xi32, #tpu.memory_space<vmem>> -> memref<32xi32, #tpu.memory_space<vmem>>
      %dma_start3A_107 = arith.constant 0 : i32
      %dma_start3A_108 = arith.constant 0 : i32
      %dma_start3A_109 = tpu.memref_slice %arg2[%dma_start3A_107, %dma_start3A_108] : memref<20224x128xf32, #tpu.memory_space<hbm>> -> memref<20224x128xf32, #tpu.memory_space<hbm>>
      tpu.enqueue_indirect_dma source(%dma_start3A_109 : memref<20224x128xf32, #tpu.memory_space<hbm>>) target(%arg11 : memref<32x128xf32, #tpu.memory_space<vmem>>) offsets(%dma_start3A_106 : memref<32xi32, #tpu.memory_space<vmem>>) semaphore(%arg19 : memref<!tpu.dma_semaphore, #tpu.memory_space<semaphore_mem>>)
      %dma_start3A_110 = arith.constant 3 : i32
      %dma_start3A_111 = arith.constant 0 : i32
      %dma_start3A_112 = tpu.memref_slice %arg7[%dma_start3A_110, %dma_start3A_111] : memref<16x32xi32, #tpu.memory_space<vmem>> -> memref<1x32xi32, #tpu.memory_space<vmem>>
      %dma_start3A_113 = tpu.memref_squeeze %dma_start3A_112 : memref<1x32xi32, #tpu.memory_space<vmem>> -> memref<32xi32, #tpu.memory_space<vmem>>
      %dma_start3A_114 = arith.constant 0 : i32
      %dma_start3A_115 = arith.constant 0 : i32
      %dma_start3A_116 = tpu.memref_slice %arg2[%dma_start3A_114, %dma_start3A_115] : memref<20224x128xf32, #tpu.memory_space<hbm>> -> memref<20224x128xf32, #tpu.memory_space<hbm>>
      tpu.enqueue_indirect_dma source(%dma_start3A_116 : memref<20224x128xf32, #tpu.memory_space<hbm>>) target(%arg12 : memref<32x128xf32, #tpu.memory_space<vmem>>) offsets(%dma_start3A_113 : memref<32xi32, #tpu.memory_space<vmem>>) semaphore(%arg20 : memref<!tpu.dma_semaphore, #tpu.memory_space<semaphore_mem>>)
      %dma_start3A_117 = arith.constant 4 : i32
      %dma_start3A_118 = arith.constant 0 : i32
      %dma_start3A_119 = tpu.memref_slice %arg7[%dma_start3A_117, %dma_start3A_118] : memref<16x32xi32, #tpu.memory_space<vmem>> -> memref<1x32xi32, #tpu.memory_space<vmem>>
      %dma_start3A_120 = tpu.memref_squeeze %dma_start3A_119 : memref<1x32xi32, #tpu.memory_space<vmem>> -> memref<32xi32, #tpu.memory_space<vmem>>
      %dma_start3A_121 = arith.constant 0 : i32
      %dma_start3A_122 = arith.constant 0 : i32
      %dma_start3A_123 = tpu.memref_slice %arg2[%dma_start3A_121, %dma_start3A_122] : memref<20224x128xf32, #tpu.memory_space<hbm>> -> memref<20224x128xf32, #tpu.memory_space<hbm>>
      tpu.enqueue_indirect_dma source(%dma_start3A_123 : memref<20224x128xf32, #tpu.memory_space<hbm>>) target(%arg13 : memref<32x128xf32, #tpu.memory_space<vmem>>) offsets(%dma_start3A_120 : memref<32xi32, #tpu.memory_space<vmem>>) semaphore(%arg21 : memref<!tpu.dma_semaphore, #tpu.memory_space<semaphore_mem>>)
      %dma_start3A_124 = arith.constant 5 : i32
      %dma_start3A_125 = arith.constant 0 : i32
      %dma_start3A_126 = tpu.memref_slice %arg7[%dma_start3A_124, %dma_start3A_125] : memref<16x32xi32, #tpu.memory_space<vmem>> -> memref<1x32xi32, #tpu.memory_space<vmem>>
      %dma_start3A_127 = tpu.memref_squeeze %dma_start3A_126 : memref<1x32xi32, #tpu.memory_space<vmem>> -> memref<32xi32, #tpu.memory_space<vmem>>
      %dma_start3A_128 = arith.constant 0 : i32
      %dma_start3A_129 = arith.constant 0 : i32
      %dma_start3A_130 = tpu.memref_slice %arg2[%dma_start3A_128, %dma_start3A_129] : memref<20224x128xf32, #tpu.memory_space<hbm>> -> memref<20224x128xf32, #tpu.memory_space<hbm>>
      tpu.enqueue_indirect_dma source(%dma_start3A_130 : memref<20224x128xf32, #tpu.memory_space<hbm>>) target(%arg14 : memref<32x128xf32, #tpu.memory_space<vmem>>) offsets(%dma_start3A_127 : memref<32xi32, #tpu.memory_space<vmem>>) semaphore(%arg22 : memref<!tpu.dma_semaphore, #tpu.memory_space<semaphore_mem>>)
      %dma_start3A_131 = arith.constant 6 : i32
      %dma_start3A_132 = arith.constant 0 : i32
      %dma_start3A_133 = tpu.memref_slice %arg7[%dma_start3A_131, %dma_start3A_132] : memref<16x32xi32, #tpu.memory_space<vmem>> -> memref<1x32xi32, #tpu.memory_space<vmem>>
      %dma_start3A_134 = tpu.memref_squeeze %dma_start3A_133 : memref<1x32xi32, #tpu.memory_space<vmem>> -> memref<32xi32, #tpu.memory_space<vmem>>
      %dma_start3A_135 = arith.constant 0 : i32
      %dma_start3A_136 = arith.constant 0 : i32
      %dma_start3A_137 = tpu.memref_slice %arg2[%dma_start3A_135, %dma_start3A_136] : memref<20224x128xf32, #tpu.memory_space<hbm>> -> memref<20224x128xf32, #tpu.memory_space<hbm>>
      tpu.enqueue_indirect_dma source(%dma_start3A_137 : memref<20224x128xf32, #tpu.memory_space<hbm>>) target(%arg15 : memref<32x128xf32, #tpu.memory_space<vmem>>) offsets(%dma_start3A_134 : memref<32xi32, #tpu.memory_space<vmem>>) semaphore(%arg23 : memref<!tpu.dma_semaphore, #tpu.memory_space<semaphore_mem>>)
      %dma_start3A_138 = arith.constant 7 : i32
      %dma_start3A_139 = arith.constant 0 : i32
      %dma_start3A_140 = tpu.memref_slice %arg7[%dma_start3A_138, %dma_start3A_139] : memref<16x32xi32, #tpu.memory_space<vmem>> -> memref<1x32xi32, #tpu.memory_space<vmem>>
      %dma_start3A_141 = tpu.memref_squeeze %dma_start3A_140 : memref<1x32xi32, #tpu.memory_space<vmem>> -> memref<32xi32, #tpu.memory_space<vmem>>
      %dma_start3A_142 = arith.constant 0 : i32
      %dma_start3A_143 = arith.constant 0 : i32
      %dma_start3A_144 = tpu.memref_slice %arg2[%dma_start3A_142, %dma_start3A_143] : memref<20224x128xf32, #tpu.memory_space<hbm>> -> memref<20224x128xf32, #tpu.memory_space<hbm>>
      tpu.enqueue_indirect_dma source(%dma_start3A_144 : memref<20224x128xf32, #tpu.memory_space<hbm>>) target(%arg16 : memref<32x128xf32, #tpu.memory_space<vmem>>) offsets(%dma_start3A_141 : memref<32xi32, #tpu.memory_space<vmem>>) semaphore(%arg24 : memref<!tpu.dma_semaphore, #tpu.memory_space<semaphore_mem>>)
      %dma_wait3A_145 = arith.constant 0 : i32
      %dma_wait3A_146 = arith.constant 0 : i32
      %dma_wait3A_147 = tpu.memref_slice %arg7[%dma_wait3A_145, %dma_wait3A_146] : memref<16x32xi32, #tpu.memory_space<vmem>> -> memref<1x32xi32, #tpu.memory_space<vmem>>
      %dma_wait3A_148 = tpu.memref_squeeze %dma_wait3A_147 : memref<1x32xi32, #tpu.memory_space<vmem>> -> memref<32xi32, #tpu.memory_space<vmem>>
      %dma_wait3A_149 = arith.constant 0 : i32
      %dma_wait3A_150 = arith.constant 0 : i32
      %dma_wait3A_151 = tpu.memref_slice %arg2[%dma_wait3A_149, %dma_wait3A_150] : memref<20224x128xf32, #tpu.memory_space<hbm>> -> memref<20224x128xf32, #tpu.memory_space<hbm>>
      tpu.wait_indirect_dma semaphore(%arg17 : memref<!tpu.dma_semaphore, #tpu.memory_space<semaphore_mem>>) src(%dma_wait3A_151 : memref<20224x128xf32, #tpu.memory_space<hbm>>) dst(%arg9 : memref<32x128xf32, #tpu.memory_space<vmem>>)
      %dma_start3A_152 = arith.constant 0 : i32
      %dma_start3A_153 = arith.constant 0 : i32
      %dma_start3A_154 = tpu.memref_slice %arg8[%dma_start3A_152, %dma_start3A_153] : memref<16x32xi32, #tpu.memory_space<vmem>> -> memref<1x32xi32, #tpu.memory_space<vmem>>
      %dma_start3A_155 = tpu.memref_squeeze %dma_start3A_154 : memref<1x32xi32, #tpu.memory_space<vmem>> -> memref<32xi32, #tpu.memory_space<vmem>>
      %dma_start3A_156 = arith.constant 0 : i32
      %dma_start3A_157 = arith.constant 0 : i32
      %dma_start3A_158 = tpu.memref_slice %arg6[%dma_start3A_156, %dma_start3A_157] : memref<10112x128xf32, #tpu.memory_space<vmem_shared>> -> memref<10112x128xf32, #tpu.memory_space<vmem_shared>>
      tpu.enqueue_indirect_dma source(%arg9 : memref<32x128xf32, #tpu.memory_space<vmem>>) target(%dma_start3A_158 : memref<10112x128xf32, #tpu.memory_space<vmem_shared>>) offsets(%dma_start3A_155 : memref<32xi32, #tpu.memory_space<vmem>>) semaphore(%arg25 : memref<!tpu.dma_semaphore, #tpu.memory_space<semaphore_mem>>) {add = true}
      %dma_wait3A_159 = arith.constant 0 : i32
      %dma_wait3A_160 = arith.constant 0 : i32
      %dma_wait3A_161 = tpu.memref_slice %arg8[%dma_wait3A_159, %dma_wait3A_160] : memref<16x32xi32, #tpu.memory_space<vmem>> -> memref<1x32xi32, #tpu.memory_space<vmem>>
      %dma_wait3A_162 = tpu.memref_squeeze %dma_wait3A_161 : memref<1x32xi32, #tpu.memory_space<vmem>> -> memref<32xi32, #tpu.memory_space<vmem>>
      %dma_wait3A_163 = arith.constant 0 : i32
      %dma_wait3A_164 = arith.constant 0 : i32
      %dma_wait3A_165 = tpu.memref_slice %arg6[%dma_wait3A_163, %dma_wait3A_164] : memref<10112x128xf32, #tpu.memory_space<vmem_shared>> -> memref<10112x128xf32, #tpu.memory_space<vmem_shared>>
      tpu.wait_indirect_dma semaphore(%arg25 : memref<!tpu.dma_semaphore, #tpu.memory_space<semaphore_mem>>) src(%arg9 : memref<32x128xf32, #tpu.memory_space<vmem>>) dst(%dma_wait3A_165 : memref<10112x128xf32, #tpu.memory_space<vmem_shared>>)
      %dma_start3A_166 = arith.constant 8 : i32
      %dma_start3A_167 = arith.constant 0 : i32
      %dma_start3A_168 = tpu.memref_slice %arg7[%dma_start3A_166, %dma_start3A_167] : memref<16x32xi32, #tpu.memory_space<vmem>> -> memref<1x32xi32, #tpu.memory_space<vmem>>
      %dma_start3A_169 = tpu.memref_squeeze %dma_start3A_168 : memref<1x32xi32, #tpu.memory_space<vmem>> -> memref<32xi32, #tpu.memory_space<vmem>>
      %dma_start3A_170 = arith.constant 0 : i32
      %dma_start3A_171 = arith.constant 0 : i32
      %dma_start3A_172 = tpu.memref_slice %arg2[%dma_start3A_170, %dma_start3A_171] : memref<20224x128xf32, #tpu.memory_space<hbm>> -> memref<20224x128xf32, #tpu.memory_space<hbm>>
      tpu.enqueue_indirect_dma source(%dma_start3A_172 : memref<20224x128xf32, #tpu.memory_space<hbm>>) target(%arg9 : memref<32x128xf32, #tpu.memory_space<vmem>>) offsets(%dma_start3A_169 : memref<32xi32, #tpu.memory_space<vmem>>) semaphore(%arg17 : memref<!tpu.dma_semaphore, #tpu.memory_space<semaphore_mem>>)
      %dma_wait3A_173 = arith.constant 1 : i32
      %dma_wait3A_174 = arith.constant 0 : i32
      %dma_wait3A_175 = tpu.memref_slice %arg7[%dma_wait3A_173, %dma_wait3A_174] : memref<16x32xi32, #tpu.memory_space<vmem>> -> memref<1x32xi32, #tpu.memory_space<vmem>>
      %dma_wait3A_176 = tpu.memref_squeeze %dma_wait3A_175 : memref<1x32xi32, #tpu.memory_space<vmem>> -> memref<32xi32, #tpu.memory_space<vmem>>
      %dma_wait3A_177 = arith.constant 0 : i32
      %dma_wait3A_178 = arith.constant 0 : i32
      %dma_wait3A_179 = tpu.memref_slice %arg2[%dma_wait3A_177, %dma_wait3A_178] : memref<20224x128xf32, #tpu.memory_space<hbm>> -> memref<20224x128xf32, #tpu.memory_space<hbm>>
      tpu.wait_indirect_dma semaphore(%arg18 : memref<!tpu.dma_semaphore, #tpu.memory_space<semaphore_mem>>) src(%dma_wait3A_179 : memref<20224x128xf32, #tpu.memory_space<hbm>>) dst(%arg10 : memref<32x128xf32, #tpu.memory_space<vmem>>)
      %dma_start3A_180 = arith.constant 1 : i32
      %dma_start3A_181 = arith.constant 0 : i32
      %dma_start3A_182 = tpu.memref_slice %arg8[%dma_start3A_180, %dma_start3A_181] : memref<16x32xi32, #tpu.memory_space<vmem>> -> memref<1x32xi32, #tpu.memory_space<vmem>>
      %dma_start3A_183 = tpu.memref_squeeze %dma_start3A_182 : memref<1x32xi32, #tpu.memory_space<vmem>> -> memref<32xi32, #tpu.memory_space<vmem>>
      %dma_start3A_184 = arith.constant 0 : i32
      %dma_start3A_185 = arith.constant 0 : i32
      %dma_start3A_186 = tpu.memref_slice %arg6[%dma_start3A_184, %dma_start3A_185] : memref<10112x128xf32, #tpu.memory_space<vmem_shared>> -> memref<10112x128xf32, #tpu.memory_space<vmem_shared>>
      tpu.enqueue_indirect_dma source(%arg10 : memref<32x128xf32, #tpu.memory_space<vmem>>) target(%dma_start3A_186 : memref<10112x128xf32, #tpu.memory_space<vmem_shared>>) offsets(%dma_start3A_183 : memref<32xi32, #tpu.memory_space<vmem>>) semaphore(%arg26 : memref<!tpu.dma_semaphore, #tpu.memory_space<semaphore_mem>>) {add = true}
      %dma_wait3A_187 = arith.constant 1 : i32
      %dma_wait3A_188 = arith.constant 0 : i32
      %dma_wait3A_189 = tpu.memref_slice %arg8[%dma_wait3A_187, %dma_wait3A_188] : memref<16x32xi32, #tpu.memory_space<vmem>> -> memref<1x32xi32, #tpu.memory_space<vmem>>
      %dma_wait3A_190 = tpu.memref_squeeze %dma_wait3A_189 : memref<1x32xi32, #tpu.memory_space<vmem>> -> memref<32xi32, #tpu.memory_space<vmem>>
      %dma_wait3A_191 = arith.constant 0 : i32
      %dma_wait3A_192 = arith.constant 0 : i32
      %dma_wait3A_193 = tpu.memref_slice %arg6[%dma_wait3A_191, %dma_wait3A_192] : memref<10112x128xf32, #tpu.memory_space<vmem_shared>> -> memref<10112x128xf32, #tpu.memory_space<vmem_shared>>
      tpu.wait_indirect_dma semaphore(%arg26 : memref<!tpu.dma_semaphore, #tpu.memory_space<semaphore_mem>>) src(%arg10 : memref<32x128xf32, #tpu.memory_space<vmem>>) dst(%dma_wait3A_193 : memref<10112x128xf32, #tpu.memory_space<vmem_shared>>)
      %dma_start3A_194 = arith.constant 9 : i32
      %dma_start3A_195 = arith.constant 0 : i32
      %dma_start3A_196 = tpu.memref_slice %arg7[%dma_start3A_194, %dma_start3A_195] : memref<16x32xi32, #tpu.memory_space<vmem>> -> memref<1x32xi32, #tpu.memory_space<vmem>>
      %dma_start3A_197 = tpu.memref_squeeze %dma_start3A_196 : memref<1x32xi32, #tpu.memory_space<vmem>> -> memref<32xi32, #tpu.memory_space<vmem>>
      %dma_start3A_198 = arith.constant 0 : i32
      %dma_start3A_199 = arith.constant 0 : i32
      %dma_start3A_200 = tpu.memref_slice %arg2[%dma_start3A_198, %dma_start3A_199] : memref<20224x128xf32, #tpu.memory_space<hbm>> -> memref<20224x128xf32, #tpu.memory_space<hbm>>
      tpu.enqueue_indirect_dma source(%dma_start3A_200 : memref<20224x128xf32, #tpu.memory_space<hbm>>) target(%arg10 : memref<32x128xf32, #tpu.memory_space<vmem>>) offsets(%dma_start3A_197 : memref<32xi32, #tpu.memory_space<vmem>>) semaphore(%arg18 : memref<!tpu.dma_semaphore, #tpu.memory_space<semaphore_mem>>)
      %dma_wait3A_201 = arith.constant 2 : i32
      %dma_wait3A_202 = arith.constant 0 : i32
      %dma_wait3A_203 = tpu.memref_slice %arg7[%dma_wait3A_201, %dma_wait3A_202] : memref<16x32xi32, #tpu.memory_space<vmem>> -> memref<1x32xi32, #tpu.memory_space<vmem>>
      %dma_wait3A_204 = tpu.memref_squeeze %dma_wait3A_203 : memref<1x32xi32, #tpu.memory_space<vmem>> -> memref<32xi32, #tpu.memory_space<vmem>>
      %dma_wait3A_205 = arith.constant 0 : i32
      %dma_wait3A_206 = arith.constant 0 : i32
      %dma_wait3A_207 = tpu.memref_slice %arg2[%dma_wait3A_205, %dma_wait3A_206] : memref<20224x128xf32, #tpu.memory_space<hbm>> -> memref<20224x128xf32, #tpu.memory_space<hbm>>
      tpu.wait_indirect_dma semaphore(%arg19 : memref<!tpu.dma_semaphore, #tpu.memory_space<semaphore_mem>>) src(%dma_wait3A_207 : memref<20224x128xf32, #tpu.memory_space<hbm>>) dst(%arg11 : memref<32x128xf32, #tpu.memory_space<vmem>>)
      %dma_start3A_208 = arith.constant 2 : i32
      %dma_start3A_209 = arith.constant 0 : i32
      %dma_start3A_210 = tpu.memref_slice %arg8[%dma_start3A_208, %dma_start3A_209] : memref<16x32xi32, #tpu.memory_space<vmem>> -> memref<1x32xi32, #tpu.memory_space<vmem>>
      %dma_start3A_211 = tpu.memref_squeeze %dma_start3A_210 : memref<1x32xi32, #tpu.memory_space<vmem>> -> memref<32xi32, #tpu.memory_space<vmem>>
      %dma_start3A_212 = arith.constant 0 : i32
      %dma_start3A_213 = arith.constant 0 : i32
      %dma_start3A_214 = tpu.memref_slice %arg6[%dma_start3A_212, %dma_start3A_213] : memref<10112x128xf32, #tpu.memory_space<vmem_shared>> -> memref<10112x128xf32, #tpu.memory_space<vmem_shared>>
      tpu.enqueue_indirect_dma source(%arg11 : memref<32x128xf32, #tpu.memory_space<vmem>>) target(%dma_start3A_214 : memref<10112x128xf32, #tpu.memory_space<vmem_shared>>) offsets(%dma_start3A_211 : memref<32xi32, #tpu.memory_space<vmem>>) semaphore(%arg27 : memref<!tpu.dma_semaphore, #tpu.memory_space<semaphore_mem>>) {add = true}
      %dma_wait3A_215 = arith.constant 2 : i32
      %dma_wait3A_216 = arith.constant 0 : i32
      %dma_wait3A_217 = tpu.memref_slice %arg8[%dma_wait3A_215, %dma_wait3A_216] : memref<16x32xi32, #tpu.memory_space<vmem>> -> memref<1x32xi32, #tpu.memory_space<vmem>>
      %dma_wait3A_218 = tpu.memref_squeeze %dma_wait3A_217 : memref<1x32xi32, #tpu.memory_space<vmem>> -> memref<32xi32, #tpu.memory_space<vmem>>
      %dma_wait3A_219 = arith.constant 0 : i32
      %dma_wait3A_220 = arith.constant 0 : i32
      %dma_wait3A_221 = tpu.memref_slice %arg6[%dma_wait3A_219, %dma_wait3A_220] : memref<10112x128xf32, #tpu.memory_space<vmem_shared>> -> memref<10112x128xf32, #tpu.memory_space<vmem_shared>>
      tpu.wait_indirect_dma semaphore(%arg27 : memref<!tpu.dma_semaphore, #tpu.memory_space<semaphore_mem>>) src(%arg11 : memref<32x128xf32, #tpu.memory_space<vmem>>) dst(%dma_wait3A_221 : memref<10112x128xf32, #tpu.memory_space<vmem_shared>>)
      %dma_start3A_222 = arith.constant 10 : i32
      %dma_start3A_223 = arith.constant 0 : i32
      %dma_start3A_224 = tpu.memref_slice %arg7[%dma_start3A_222, %dma_start3A_223] : memref<16x32xi32, #tpu.memory_space<vmem>> -> memref<1x32xi32, #tpu.memory_space<vmem>>
      %dma_start3A_225 = tpu.memref_squeeze %dma_start3A_224 : memref<1x32xi32, #tpu.memory_space<vmem>> -> memref<32xi32, #tpu.memory_space<vmem>>
      %dma_start3A_226 = arith.constant 0 : i32
      %dma_start3A_227 = arith.constant 0 : i32
      %dma_start3A_228 = tpu.memref_slice %arg2[%dma_start3A_226, %dma_start3A_227] : memref<20224x128xf32, #tpu.memory_space<hbm>> -> memref<20224x128xf32, #tpu.memory_space<hbm>>
      tpu.enqueue_indirect_dma source(%dma_start3A_228 : memref<20224x128xf32, #tpu.memory_space<hbm>>) target(%arg11 : memref<32x128xf32, #tpu.memory_space<vmem>>) offsets(%dma_start3A_225 : memref<32xi32, #tpu.memory_space<vmem>>) semaphore(%arg19 : memref<!tpu.dma_semaphore, #tpu.memory_space<semaphore_mem>>)
      %dma_wait3A_229 = arith.constant 3 : i32
      %dma_wait3A_230 = arith.constant 0 : i32
      %dma_wait3A_231 = tpu.memref_slice %arg7[%dma_wait3A_229, %dma_wait3A_230] : memref<16x32xi32, #tpu.memory_space<vmem>> -> memref<1x32xi32, #tpu.memory_space<vmem>>
      %dma_wait3A_232 = tpu.memref_squeeze %dma_wait3A_231 : memref<1x32xi32, #tpu.memory_space<vmem>> -> memref<32xi32, #tpu.memory_space<vmem>>
      %dma_wait3A_233 = arith.constant 0 : i32
      %dma_wait3A_234 = arith.constant 0 : i32
      %dma_wait3A_235 = tpu.memref_slice %arg2[%dma_wait3A_233, %dma_wait3A_234] : memref<20224x128xf32, #tpu.memory_space<hbm>> -> memref<20224x128xf32, #tpu.memory_space<hbm>>
      tpu.wait_indirect_dma semaphore(%arg20 : memref<!tpu.dma_semaphore, #tpu.memory_space<semaphore_mem>>) src(%dma_wait3A_235 : memref<20224x128xf32, #tpu.memory_space<hbm>>) dst(%arg12 : memref<32x128xf32, #tpu.memory_space<vmem>>)
      %dma_start3A_236 = arith.constant 3 : i32
      %dma_start3A_237 = arith.constant 0 : i32
      %dma_start3A_238 = tpu.memref_slice %arg8[%dma_start3A_236, %dma_start3A_237] : memref<16x32xi32, #tpu.memory_space<vmem>> -> memref<1x32xi32, #tpu.memory_space<vmem>>
      %dma_start3A_239 = tpu.memref_squeeze %dma_start3A_238 : memref<1x32xi32, #tpu.memory_space<vmem>> -> memref<32xi32, #tpu.memory_space<vmem>>
      %dma_start3A_240 = arith.constant 0 : i32
      %dma_start3A_241 = arith.constant 0 : i32
      %dma_start3A_242 = tpu.memref_slice %arg6[%dma_start3A_240, %dma_start3A_241] : memref<10112x128xf32, #tpu.memory_space<vmem_shared>> -> memref<10112x128xf32, #tpu.memory_space<vmem_shared>>
      tpu.enqueue_indirect_dma source(%arg12 : memref<32x128xf32, #tpu.memory_space<vmem>>) target(%dma_start3A_242 : memref<10112x128xf32, #tpu.memory_space<vmem_shared>>) offsets(%dma_start3A_239 : memref<32xi32, #tpu.memory_space<vmem>>) semaphore(%arg28 : memref<!tpu.dma_semaphore, #tpu.memory_space<semaphore_mem>>) {add = true}
      %dma_wait3A_243 = arith.constant 3 : i32
      %dma_wait3A_244 = arith.constant 0 : i32
      %dma_wait3A_245 = tpu.memref_slice %arg8[%dma_wait3A_243, %dma_wait3A_244] : memref<16x32xi32, #tpu.memory_space<vmem>> -> memref<1x32xi32, #tpu.memory_space<vmem>>
      %dma_wait3A_246 = tpu.memref_squeeze %dma_wait3A_245 : memref<1x32xi32, #tpu.memory_space<vmem>> -> memref<32xi32, #tpu.memory_space<vmem>>
      %dma_wait3A_247 = arith.constant 0 : i32
      %dma_wait3A_248 = arith.constant 0 : i32
      %dma_wait3A_249 = tpu.memref_slice %arg6[%dma_wait3A_247, %dma_wait3A_248] : memref<10112x128xf32, #tpu.memory_space<vmem_shared>> -> memref<10112x128xf32, #tpu.memory_space<vmem_shared>>
      tpu.wait_indirect_dma semaphore(%arg28 : memref<!tpu.dma_semaphore, #tpu.memory_space<semaphore_mem>>) src(%arg12 : memref<32x128xf32, #tpu.memory_space<vmem>>) dst(%dma_wait3A_249 : memref<10112x128xf32, #tpu.memory_space<vmem_shared>>)
      %dma_start3A_250 = arith.constant 11 : i32
      %dma_start3A_251 = arith.constant 0 : i32
      %dma_start3A_252 = tpu.memref_slice %arg7[%dma_start3A_250, %dma_start3A_251] : memref<16x32xi32, #tpu.memory_space<vmem>> -> memref<1x32xi32, #tpu.memory_space<vmem>>
      %dma_start3A_253 = tpu.memref_squeeze %dma_start3A_252 : memref<1x32xi32, #tpu.memory_space<vmem>> -> memref<32xi32, #tpu.memory_space<vmem>>
      %dma_start3A_254 = arith.constant 0 : i32
      %dma_start3A_255 = arith.constant 0 : i32
      %dma_start3A_256 = tpu.memref_slice %arg2[%dma_start3A_254, %dma_start3A_255] : memref<20224x128xf32, #tpu.memory_space<hbm>> -> memref<20224x128xf32, #tpu.memory_space<hbm>>
      tpu.enqueue_indirect_dma source(%dma_start3A_256 : memref<20224x128xf32, #tpu.memory_space<hbm>>) target(%arg12 : memref<32x128xf32, #tpu.memory_space<vmem>>) offsets(%dma_start3A_253 : memref<32xi32, #tpu.memory_space<vmem>>) semaphore(%arg20 : memref<!tpu.dma_semaphore, #tpu.memory_space<semaphore_mem>>)
      %dma_wait3A_257 = arith.constant 4 : i32
      %dma_wait3A_258 = arith.constant 0 : i32
      %dma_wait3A_259 = tpu.memref_slice %arg7[%dma_wait3A_257, %dma_wait3A_258] : memref<16x32xi32, #tpu.memory_space<vmem>> -> memref<1x32xi32, #tpu.memory_space<vmem>>
      %dma_wait3A_260 = tpu.memref_squeeze %dma_wait3A_259 : memref<1x32xi32, #tpu.memory_space<vmem>> -> memref<32xi32, #tpu.memory_space<vmem>>
      %dma_wait3A_261 = arith.constant 0 : i32
      %dma_wait3A_262 = arith.constant 0 : i32
      %dma_wait3A_263 = tpu.memref_slice %arg2[%dma_wait3A_261, %dma_wait3A_262] : memref<20224x128xf32, #tpu.memory_space<hbm>> -> memref<20224x128xf32, #tpu.memory_space<hbm>>
      tpu.wait_indirect_dma semaphore(%arg21 : memref<!tpu.dma_semaphore, #tpu.memory_space<semaphore_mem>>) src(%dma_wait3A_263 : memref<20224x128xf32, #tpu.memory_space<hbm>>) dst(%arg13 : memref<32x128xf32, #tpu.memory_space<vmem>>)
      %dma_start3A_264 = arith.constant 4 : i32
      %dma_start3A_265 = arith.constant 0 : i32
      %dma_start3A_266 = tpu.memref_slice %arg8[%dma_start3A_264, %dma_start3A_265] : memref<16x32xi32, #tpu.memory_space<vmem>> -> memref<1x32xi32, #tpu.memory_space<vmem>>
      %dma_start3A_267 = tpu.memref_squeeze %dma_start3A_266 : memref<1x32xi32, #tpu.memory_space<vmem>> -> memref<32xi32, #tpu.memory_space<vmem>>
      %dma_start3A_268 = arith.constant 0 : i32
      %dma_start3A_269 = arith.constant 0 : i32
      %dma_start3A_270 = tpu.memref_slice %arg6[%dma_start3A_268, %dma_start3A_269] : memref<10112x128xf32, #tpu.memory_space<vmem_shared>> -> memref<10112x128xf32, #tpu.memory_space<vmem_shared>>
      tpu.enqueue_indirect_dma source(%arg13 : memref<32x128xf32, #tpu.memory_space<vmem>>) target(%dma_start3A_270 : memref<10112x128xf32, #tpu.memory_space<vmem_shared>>) offsets(%dma_start3A_267 : memref<32xi32, #tpu.memory_space<vmem>>) semaphore(%arg29 : memref<!tpu.dma_semaphore, #tpu.memory_space<semaphore_mem>>) {add = true}
      %dma_wait3A_271 = arith.constant 4 : i32
      %dma_wait3A_272 = arith.constant 0 : i32
      %dma_wait3A_273 = tpu.memref_slice %arg8[%dma_wait3A_271, %dma_wait3A_272] : memref<16x32xi32, #tpu.memory_space<vmem>> -> memref<1x32xi32, #tpu.memory_space<vmem>>
      %dma_wait3A_274 = tpu.memref_squeeze %dma_wait3A_273 : memref<1x32xi32, #tpu.memory_space<vmem>> -> memref<32xi32, #tpu.memory_space<vmem>>
      %dma_wait3A_275 = arith.constant 0 : i32
      %dma_wait3A_276 = arith.constant 0 : i32
      %dma_wait3A_277 = tpu.memref_slice %arg6[%dma_wait3A_275, %dma_wait3A_276] : memref<10112x128xf32, #tpu.memory_space<vmem_shared>> -> memref<10112x128xf32, #tpu.memory_space<vmem_shared>>
      tpu.wait_indirect_dma semaphore(%arg29 : memref<!tpu.dma_semaphore, #tpu.memory_space<semaphore_mem>>) src(%arg13 : memref<32x128xf32, #tpu.memory_space<vmem>>) dst(%dma_wait3A_277 : memref<10112x128xf32, #tpu.memory_space<vmem_shared>>)
      %dma_start3A_278 = arith.constant 12 : i32
      %dma_start3A_279 = arith.constant 0 : i32
      %dma_start3A_280 = tpu.memref_slice %arg7[%dma_start3A_278, %dma_start3A_279] : memref<16x32xi32, #tpu.memory_space<vmem>> -> memref<1x32xi32, #tpu.memory_space<vmem>>
      %dma_start3A_281 = tpu.memref_squeeze %dma_start3A_280 : memref<1x32xi32, #tpu.memory_space<vmem>> -> memref<32xi32, #tpu.memory_space<vmem>>
      %dma_start3A_282 = arith.constant 0 : i32
      %dma_start3A_283 = arith.constant 0 : i32
      %dma_start3A_284 = tpu.memref_slice %arg2[%dma_start3A_282, %dma_start3A_283] : memref<20224x128xf32, #tpu.memory_space<hbm>> -> memref<20224x128xf32, #tpu.memory_space<hbm>>
      tpu.enqueue_indirect_dma source(%dma_start3A_284 : memref<20224x128xf32, #tpu.memory_space<hbm>>) target(%arg13 : memref<32x128xf32, #tpu.memory_space<vmem>>) offsets(%dma_start3A_281 : memref<32xi32, #tpu.memory_space<vmem>>) semaphore(%arg21 : memref<!tpu.dma_semaphore, #tpu.memory_space<semaphore_mem>>)
      %dma_wait3A_285 = arith.constant 5 : i32
      %dma_wait3A_286 = arith.constant 0 : i32
      %dma_wait3A_287 = tpu.memref_slice %arg7[%dma_wait3A_285, %dma_wait3A_286] : memref<16x32xi32, #tpu.memory_space<vmem>> -> memref<1x32xi32, #tpu.memory_space<vmem>>
      %dma_wait3A_288 = tpu.memref_squeeze %dma_wait3A_287 : memref<1x32xi32, #tpu.memory_space<vmem>> -> memref<32xi32, #tpu.memory_space<vmem>>
      %dma_wait3A_289 = arith.constant 0 : i32
      %dma_wait3A_290 = arith.constant 0 : i32
      %dma_wait3A_291 = tpu.memref_slice %arg2[%dma_wait3A_289, %dma_wait3A_290] : memref<20224x128xf32, #tpu.memory_space<hbm>> -> memref<20224x128xf32, #tpu.memory_space<hbm>>
      tpu.wait_indirect_dma semaphore(%arg22 : memref<!tpu.dma_semaphore, #tpu.memory_space<semaphore_mem>>) src(%dma_wait3A_291 : memref<20224x128xf32, #tpu.memory_space<hbm>>) dst(%arg14 : memref<32x128xf32, #tpu.memory_space<vmem>>)
      %dma_start3A_292 = arith.constant 5 : i32
      %dma_start3A_293 = arith.constant 0 : i32
      %dma_start3A_294 = tpu.memref_slice %arg8[%dma_start3A_292, %dma_start3A_293] : memref<16x32xi32, #tpu.memory_space<vmem>> -> memref<1x32xi32, #tpu.memory_space<vmem>>
      %dma_start3A_295 = tpu.memref_squeeze %dma_start3A_294 : memref<1x32xi32, #tpu.memory_space<vmem>> -> memref<32xi32, #tpu.memory_space<vmem>>
      %dma_start3A_296 = arith.constant 0 : i32
      %dma_start3A_297 = arith.constant 0 : i32
      %dma_start3A_298 = tpu.memref_slice %arg6[%dma_start3A_296, %dma_start3A_297] : memref<10112x128xf32, #tpu.memory_space<vmem_shared>> -> memref<10112x128xf32, #tpu.memory_space<vmem_shared>>
      tpu.enqueue_indirect_dma source(%arg14 : memref<32x128xf32, #tpu.memory_space<vmem>>) target(%dma_start3A_298 : memref<10112x128xf32, #tpu.memory_space<vmem_shared>>) offsets(%dma_start3A_295 : memref<32xi32, #tpu.memory_space<vmem>>) semaphore(%arg30 : memref<!tpu.dma_semaphore, #tpu.memory_space<semaphore_mem>>) {add = true}
      %dma_wait3A_299 = arith.constant 5 : i32
      %dma_wait3A_300 = arith.constant 0 : i32
      %dma_wait3A_301 = tpu.memref_slice %arg8[%dma_wait3A_299, %dma_wait3A_300] : memref<16x32xi32, #tpu.memory_space<vmem>> -> memref<1x32xi32, #tpu.memory_space<vmem>>
      %dma_wait3A_302 = tpu.memref_squeeze %dma_wait3A_301 : memref<1x32xi32, #tpu.memory_space<vmem>> -> memref<32xi32, #tpu.memory_space<vmem>>
      %dma_wait3A_303 = arith.constant 0 : i32
      %dma_wait3A_304 = arith.constant 0 : i32
      %dma_wait3A_305 = tpu.memref_slice %arg6[%dma_wait3A_303, %dma_wait3A_304] : memref<10112x128xf32, #tpu.memory_space<vmem_shared>> -> memref<10112x128xf32, #tpu.memory_space<vmem_shared>>
      tpu.wait_indirect_dma semaphore(%arg30 : memref<!tpu.dma_semaphore, #tpu.memory_space<semaphore_mem>>) src(%arg14 : memref<32x128xf32, #tpu.memory_space<vmem>>) dst(%dma_wait3A_305 : memref<10112x128xf32, #tpu.memory_space<vmem_shared>>)
      %dma_start3A_306 = arith.constant 13 : i32
      %dma_start3A_307 = arith.constant 0 : i32
      %dma_start3A_308 = tpu.memref_slice %arg7[%dma_start3A_306, %dma_start3A_307] : memref<16x32xi32, #tpu.memory_space<vmem>> -> memref<1x32xi32, #tpu.memory_space<vmem>>
      %dma_start3A_309 = tpu.memref_squeeze %dma_start3A_308 : memref<1x32xi32, #tpu.memory_space<vmem>> -> memref<32xi32, #tpu.memory_space<vmem>>
      %dma_start3A_310 = arith.constant 0 : i32
      %dma_start3A_311 = arith.constant 0 : i32
      %dma_start3A_312 = tpu.memref_slice %arg2[%dma_start3A_310, %dma_start3A_311] : memref<20224x128xf32, #tpu.memory_space<hbm>> -> memref<20224x128xf32, #tpu.memory_space<hbm>>
      tpu.enqueue_indirect_dma source(%dma_start3A_312 : memref<20224x128xf32, #tpu.memory_space<hbm>>) target(%arg14 : memref<32x128xf32, #tpu.memory_space<vmem>>) offsets(%dma_start3A_309 : memref<32xi32, #tpu.memory_space<vmem>>) semaphore(%arg22 : memref<!tpu.dma_semaphore, #tpu.memory_space<semaphore_mem>>)
      %dma_wait3A_313 = arith.constant 6 : i32
      %dma_wait3A_314 = arith.constant 0 : i32
      %dma_wait3A_315 = tpu.memref_slice %arg7[%dma_wait3A_313, %dma_wait3A_314] : memref<16x32xi32, #tpu.memory_space<vmem>> -> memref<1x32xi32, #tpu.memory_space<vmem>>
      %dma_wait3A_316 = tpu.memref_squeeze %dma_wait3A_315 : memref<1x32xi32, #tpu.memory_space<vmem>> -> memref<32xi32, #tpu.memory_space<vmem>>
      %dma_wait3A_317 = arith.constant 0 : i32
      %dma_wait3A_318 = arith.constant 0 : i32
      %dma_wait3A_319 = tpu.memref_slice %arg2[%dma_wait3A_317, %dma_wait3A_318] : memref<20224x128xf32, #tpu.memory_space<hbm>> -> memref<20224x128xf32, #tpu.memory_space<hbm>>
      tpu.wait_indirect_dma semaphore(%arg23 : memref<!tpu.dma_semaphore, #tpu.memory_space<semaphore_mem>>) src(%dma_wait3A_319 : memref<20224x128xf32, #tpu.memory_space<hbm>>) dst(%arg15 : memref<32x128xf32, #tpu.memory_space<vmem>>)
      %dma_start3A_320 = arith.constant 6 : i32
      %dma_start3A_321 = arith.constant 0 : i32
      %dma_start3A_322 = tpu.memref_slice %arg8[%dma_start3A_320, %dma_start3A_321] : memref<16x32xi32, #tpu.memory_space<vmem>> -> memref<1x32xi32, #tpu.memory_space<vmem>>
      %dma_start3A_323 = tpu.memref_squeeze %dma_start3A_322 : memref<1x32xi32, #tpu.memory_space<vmem>> -> memref<32xi32, #tpu.memory_space<vmem>>
      %dma_start3A_324 = arith.constant 0 : i32
      %dma_start3A_325 = arith.constant 0 : i32
      %dma_start3A_326 = tpu.memref_slice %arg6[%dma_start3A_324, %dma_start3A_325] : memref<10112x128xf32, #tpu.memory_space<vmem_shared>> -> memref<10112x128xf32, #tpu.memory_space<vmem_shared>>
      tpu.enqueue_indirect_dma source(%arg15 : memref<32x128xf32, #tpu.memory_space<vmem>>) target(%dma_start3A_326 : memref<10112x128xf32, #tpu.memory_space<vmem_shared>>) offsets(%dma_start3A_323 : memref<32xi32, #tpu.memory_space<vmem>>) semaphore(%arg31 : memref<!tpu.dma_semaphore, #tpu.memory_space<semaphore_mem>>) {add = true}
      %dma_wait3A_327 = arith.constant 6 : i32
      %dma_wait3A_328 = arith.constant 0 : i32
      %dma_wait3A_329 = tpu.memref_slice %arg8[%dma_wait3A_327, %dma_wait3A_328] : memref<16x32xi32, #tpu.memory_space<vmem>> -> memref<1x32xi32, #tpu.memory_space<vmem>>
      %dma_wait3A_330 = tpu.memref_squeeze %dma_wait3A_329 : memref<1x32xi32, #tpu.memory_space<vmem>> -> memref<32xi32, #tpu.memory_space<vmem>>
      %dma_wait3A_331 = arith.constant 0 : i32
      %dma_wait3A_332 = arith.constant 0 : i32
      %dma_wait3A_333 = tpu.memref_slice %arg6[%dma_wait3A_331, %dma_wait3A_332] : memref<10112x128xf32, #tpu.memory_space<vmem_shared>> -> memref<10112x128xf32, #tpu.memory_space<vmem_shared>>
      tpu.wait_indirect_dma semaphore(%arg31 : memref<!tpu.dma_semaphore, #tpu.memory_space<semaphore_mem>>) src(%arg15 : memref<32x128xf32, #tpu.memory_space<vmem>>) dst(%dma_wait3A_333 : memref<10112x128xf32, #tpu.memory_space<vmem_shared>>)
      %dma_start3A_334 = arith.constant 14 : i32
      %dma_start3A_335 = arith.constant 0 : i32
      %dma_start3A_336 = tpu.memref_slice %arg7[%dma_start3A_334, %dma_start3A_335] : memref<16x32xi32, #tpu.memory_space<vmem>> -> memref<1x32xi32, #tpu.memory_space<vmem>>
      %dma_start3A_337 = tpu.memref_squeeze %dma_start3A_336 : memref<1x32xi32, #tpu.memory_space<vmem>> -> memref<32xi32, #tpu.memory_space<vmem>>
      %dma_start3A_338 = arith.constant 0 : i32
      %dma_start3A_339 = arith.constant 0 : i32
      %dma_start3A_340 = tpu.memref_slice %arg2[%dma_start3A_338, %dma_start3A_339] : memref<20224x128xf32, #tpu.memory_space<hbm>> -> memref<20224x128xf32, #tpu.memory_space<hbm>>
      tpu.enqueue_indirect_dma source(%dma_start3A_340 : memref<20224x128xf32, #tpu.memory_space<hbm>>) target(%arg15 : memref<32x128xf32, #tpu.memory_space<vmem>>) offsets(%dma_start3A_337 : memref<32xi32, #tpu.memory_space<vmem>>) semaphore(%arg23 : memref<!tpu.dma_semaphore, #tpu.memory_space<semaphore_mem>>)
      %dma_wait3A_341 = arith.constant 7 : i32
      %dma_wait3A_342 = arith.constant 0 : i32
      %dma_wait3A_343 = tpu.memref_slice %arg7[%dma_wait3A_341, %dma_wait3A_342] : memref<16x32xi32, #tpu.memory_space<vmem>> -> memref<1x32xi32, #tpu.memory_space<vmem>>
      %dma_wait3A_344 = tpu.memref_squeeze %dma_wait3A_343 : memref<1x32xi32, #tpu.memory_space<vmem>> -> memref<32xi32, #tpu.memory_space<vmem>>
      %dma_wait3A_345 = arith.constant 0 : i32
      %dma_wait3A_346 = arith.constant 0 : i32
      %dma_wait3A_347 = tpu.memref_slice %arg2[%dma_wait3A_345, %dma_wait3A_346] : memref<20224x128xf32, #tpu.memory_space<hbm>> -> memref<20224x128xf32, #tpu.memory_space<hbm>>
      tpu.wait_indirect_dma semaphore(%arg24 : memref<!tpu.dma_semaphore, #tpu.memory_space<semaphore_mem>>) src(%dma_wait3A_347 : memref<20224x128xf32, #tpu.memory_space<hbm>>) dst(%arg16 : memref<32x128xf32, #tpu.memory_space<vmem>>)
      %dma_start3A_348 = arith.constant 7 : i32
      %dma_start3A_349 = arith.constant 0 : i32
      %dma_start3A_350 = tpu.memref_slice %arg8[%dma_start3A_348, %dma_start3A_349] : memref<16x32xi32, #tpu.memory_space<vmem>> -> memref<1x32xi32, #tpu.memory_space<vmem>>
      %dma_start3A_351 = tpu.memref_squeeze %dma_start3A_350 : memref<1x32xi32, #tpu.memory_space<vmem>> -> memref<32xi32, #tpu.memory_space<vmem>>
      %dma_start3A_352 = arith.constant 0 : i32
      %dma_start3A_353 = arith.constant 0 : i32
      %dma_start3A_354 = tpu.memref_slice %arg6[%dma_start3A_352, %dma_start3A_353] : memref<10112x128xf32, #tpu.memory_space<vmem_shared>> -> memref<10112x128xf32, #tpu.memory_space<vmem_shared>>
      tpu.enqueue_indirect_dma source(%arg16 : memref<32x128xf32, #tpu.memory_space<vmem>>) target(%dma_start3A_354 : memref<10112x128xf32, #tpu.memory_space<vmem_shared>>) offsets(%dma_start3A_351 : memref<32xi32, #tpu.memory_space<vmem>>) semaphore(%arg32 : memref<!tpu.dma_semaphore, #tpu.memory_space<semaphore_mem>>) {add = true}
      %dma_wait3A_355 = arith.constant 7 : i32
      %dma_wait3A_356 = arith.constant 0 : i32
      %dma_wait3A_357 = tpu.memref_slice %arg8[%dma_wait3A_355, %dma_wait3A_356] : memref<16x32xi32, #tpu.memory_space<vmem>> -> memref<1x32xi32, #tpu.memory_space<vmem>>
      %dma_wait3A_358 = tpu.memref_squeeze %dma_wait3A_357 : memref<1x32xi32, #tpu.memory_space<vmem>> -> memref<32xi32, #tpu.memory_space<vmem>>
      %dma_wait3A_359 = arith.constant 0 : i32
      %dma_wait3A_360 = arith.constant 0 : i32
      %dma_wait3A_361 = tpu.memref_slice %arg6[%dma_wait3A_359, %dma_wait3A_360] : memref<10112x128xf32, #tpu.memory_space<vmem_shared>> -> memref<10112x128xf32, #tpu.memory_space<vmem_shared>>
      tpu.wait_indirect_dma semaphore(%arg32 : memref<!tpu.dma_semaphore, #tpu.memory_space<semaphore_mem>>) src(%arg16 : memref<32x128xf32, #tpu.memory_space<vmem>>) dst(%dma_wait3A_361 : memref<10112x128xf32, #tpu.memory_space<vmem_shared>>)
      %dma_start3A_362 = arith.constant 15 : i32
      %dma_start3A_363 = arith.constant 0 : i32
      %dma_start3A_364 = tpu.memref_slice %arg7[%dma_start3A_362, %dma_start3A_363] : memref<16x32xi32, #tpu.memory_space<vmem>> -> memref<1x32xi32, #tpu.memory_space<vmem>>
      %dma_start3A_365 = tpu.memref_squeeze %dma_start3A_364 : memref<1x32xi32, #tpu.memory_space<vmem>> -> memref<32xi32, #tpu.memory_space<vmem>>
      %dma_start3A_366 = arith.constant 0 : i32
      %dma_start3A_367 = arith.constant 0 : i32
      %dma_start3A_368 = tpu.memref_slice %arg2[%dma_start3A_366, %dma_start3A_367] : memref<20224x128xf32, #tpu.memory_space<hbm>> -> memref<20224x128xf32, #tpu.memory_space<hbm>>
      tpu.enqueue_indirect_dma source(%dma_start3A_368 : memref<20224x128xf32, #tpu.memory_space<hbm>>) target(%arg16 : memref<32x128xf32, #tpu.memory_space<vmem>>) offsets(%dma_start3A_365 : memref<32xi32, #tpu.memory_space<vmem>>) semaphore(%arg24 : memref<!tpu.dma_semaphore, #tpu.memory_space<semaphore_mem>>)
      %dma_wait3A_369 = arith.constant 8 : i32
      %dma_wait3A_370 = arith.constant 0 : i32
      %dma_wait3A_371 = tpu.memref_slice %arg7[%dma_wait3A_369, %dma_wait3A_370] : memref<16x32xi32, #tpu.memory_space<vmem>> -> memref<1x32xi32, #tpu.memory_space<vmem>>
      %dma_wait3A_372 = tpu.memref_squeeze %dma_wait3A_371 : memref<1x32xi32, #tpu.memory_space<vmem>> -> memref<32xi32, #tpu.memory_space<vmem>>
      %dma_wait3A_373 = arith.constant 0 : i32
      %dma_wait3A_374 = arith.constant 0 : i32
      %dma_wait3A_375 = tpu.memref_slice %arg2[%dma_wait3A_373, %dma_wait3A_374] : memref<20224x128xf32, #tpu.memory_space<hbm>> -> memref<20224x128xf32, #tpu.memory_space<hbm>>
      tpu.wait_indirect_dma semaphore(%arg17 : memref<!tpu.dma_semaphore, #tpu.memory_space<semaphore_mem>>) src(%dma_wait3A_375 : memref<20224x128xf32, #tpu.memory_space<hbm>>) dst(%arg9 : memref<32x128xf32, #tpu.memory_space<vmem>>)
      %dma_start3A_376 = arith.constant 8 : i32
      %dma_start3A_377 = arith.constant 0 : i32
      %dma_start3A_378 = tpu.memref_slice %arg8[%dma_start3A_376, %dma_start3A_377] : memref<16x32xi32, #tpu.memory_space<vmem>> -> memref<1x32xi32, #tpu.memory_space<vmem>>
      %dma_start3A_379 = tpu.memref_squeeze %dma_start3A_378 : memref<1x32xi32, #tpu.memory_space<vmem>> -> memref<32xi32, #tpu.memory_space<vmem>>
      %dma_start3A_380 = arith.constant 0 : i32
      %dma_start3A_381 = arith.constant 0 : i32
      %dma_start3A_382 = tpu.memref_slice %arg6[%dma_start3A_380, %dma_start3A_381] : memref<10112x128xf32, #tpu.memory_space<vmem_shared>> -> memref<10112x128xf32, #tpu.memory_space<vmem_shared>>
      tpu.enqueue_indirect_dma source(%arg9 : memref<32x128xf32, #tpu.memory_space<vmem>>) target(%dma_start3A_382 : memref<10112x128xf32, #tpu.memory_space<vmem_shared>>) offsets(%dma_start3A_379 : memref<32xi32, #tpu.memory_space<vmem>>) semaphore(%arg25 : memref<!tpu.dma_semaphore, #tpu.memory_space<semaphore_mem>>) {add = true}
      %dma_wait3A_383 = arith.constant 9 : i32
      %dma_wait3A_384 = arith.constant 0 : i32
      %dma_wait3A_385 = tpu.memref_slice %arg7[%dma_wait3A_383, %dma_wait3A_384] : memref<16x32xi32, #tpu.memory_space<vmem>> -> memref<1x32xi32, #tpu.memory_space<vmem>>
      %dma_wait3A_386 = tpu.memref_squeeze %dma_wait3A_385 : memref<1x32xi32, #tpu.memory_space<vmem>> -> memref<32xi32, #tpu.memory_space<vmem>>
      %dma_wait3A_387 = arith.constant 0 : i32
      %dma_wait3A_388 = arith.constant 0 : i32
      %dma_wait3A_389 = tpu.memref_slice %arg2[%dma_wait3A_387, %dma_wait3A_388] : memref<20224x128xf32, #tpu.memory_space<hbm>> -> memref<20224x128xf32, #tpu.memory_space<hbm>>
      tpu.wait_indirect_dma semaphore(%arg18 : memref<!tpu.dma_semaphore, #tpu.memory_space<semaphore_mem>>) src(%dma_wait3A_389 : memref<20224x128xf32, #tpu.memory_space<hbm>>) dst(%arg10 : memref<32x128xf32, #tpu.memory_space<vmem>>)
      %dma_start3A_390 = arith.constant 9 : i32
      %dma_start3A_391 = arith.constant 0 : i32
      %dma_start3A_392 = tpu.memref_slice %arg8[%dma_start3A_390, %dma_start3A_391] : memref<16x32xi32, #tpu.memory_space<vmem>> -> memref<1x32xi32, #tpu.memory_space<vmem>>
      %dma_start3A_393 = tpu.memref_squeeze %dma_start3A_392 : memref<1x32xi32, #tpu.memory_space<vmem>> -> memref<32xi32, #tpu.memory_space<vmem>>
      %dma_start3A_394 = arith.constant 0 : i32
      %dma_start3A_395 = arith.constant 0 : i32
      %dma_start3A_396 = tpu.memref_slice %arg6[%dma_start3A_394, %dma_start3A_395] : memref<10112x128xf32, #tpu.memory_space<vmem_shared>> -> memref<10112x128xf32, #tpu.memory_space<vmem_shared>>
      tpu.enqueue_indirect_dma source(%arg10 : memref<32x128xf32, #tpu.memory_space<vmem>>) target(%dma_start3A_396 : memref<10112x128xf32, #tpu.memory_space<vmem_shared>>) offsets(%dma_start3A_393 : memref<32xi32, #tpu.memory_space<vmem>>) semaphore(%arg26 : memref<!tpu.dma_semaphore, #tpu.memory_space<semaphore_mem>>) {add = true}
      %dma_wait3A_397 = arith.constant 10 : i32
      %dma_wait3A_398 = arith.constant 0 : i32
      %dma_wait3A_399 = tpu.memref_slice %arg7[%dma_wait3A_397, %dma_wait3A_398] : memref<16x32xi32, #tpu.memory_space<vmem>> -> memref<1x32xi32, #tpu.memory_space<vmem>>
      %dma_wait3A_400 = tpu.memref_squeeze %dma_wait3A_399 : memref<1x32xi32, #tpu.memory_space<vmem>> -> memref<32xi32, #tpu.memory_space<vmem>>
      %dma_wait3A_401 = arith.constant 0 : i32
      %dma_wait3A_402 = arith.constant 0 : i32
      %dma_wait3A_403 = tpu.memref_slice %arg2[%dma_wait3A_401, %dma_wait3A_402] : memref<20224x128xf32, #tpu.memory_space<hbm>> -> memref<20224x128xf32, #tpu.memory_space<hbm>>
      tpu.wait_indirect_dma semaphore(%arg19 : memref<!tpu.dma_semaphore, #tpu.memory_space<semaphore_mem>>) src(%dma_wait3A_403 : memref<20224x128xf32, #tpu.memory_space<hbm>>) dst(%arg11 : memref<32x128xf32, #tpu.memory_space<vmem>>)
      %dma_start3A_404 = arith.constant 10 : i32
      %dma_start3A_405 = arith.constant 0 : i32
      %dma_start3A_406 = tpu.memref_slice %arg8[%dma_start3A_404, %dma_start3A_405] : memref<16x32xi32, #tpu.memory_space<vmem>> -> memref<1x32xi32, #tpu.memory_space<vmem>>
      %dma_start3A_407 = tpu.memref_squeeze %dma_start3A_406 : memref<1x32xi32, #tpu.memory_space<vmem>> -> memref<32xi32, #tpu.memory_space<vmem>>
      %dma_start3A_408 = arith.constant 0 : i32
      %dma_start3A_409 = arith.constant 0 : i32
      %dma_start3A_410 = tpu.memref_slice %arg6[%dma_start3A_408, %dma_start3A_409] : memref<10112x128xf32, #tpu.memory_space<vmem_shared>> -> memref<10112x128xf32, #tpu.memory_space<vmem_shared>>
      tpu.enqueue_indirect_dma source(%arg11 : memref<32x128xf32, #tpu.memory_space<vmem>>) target(%dma_start3A_410 : memref<10112x128xf32, #tpu.memory_space<vmem_shared>>) offsets(%dma_start3A_407 : memref<32xi32, #tpu.memory_space<vmem>>) semaphore(%arg27 : memref<!tpu.dma_semaphore, #tpu.memory_space<semaphore_mem>>) {add = true}
      %dma_wait3A_411 = arith.constant 11 : i32
      %dma_wait3A_412 = arith.constant 0 : i32
      %dma_wait3A_413 = tpu.memref_slice %arg7[%dma_wait3A_411, %dma_wait3A_412] : memref<16x32xi32, #tpu.memory_space<vmem>> -> memref<1x32xi32, #tpu.memory_space<vmem>>
      %dma_wait3A_414 = tpu.memref_squeeze %dma_wait3A_413 : memref<1x32xi32, #tpu.memory_space<vmem>> -> memref<32xi32, #tpu.memory_space<vmem>>
      %dma_wait3A_415 = arith.constant 0 : i32
      %dma_wait3A_416 = arith.constant 0 : i32
      %dma_wait3A_417 = tpu.memref_slice %arg2[%dma_wait3A_415, %dma_wait3A_416] : memref<20224x128xf32, #tpu.memory_space<hbm>> -> memref<20224x128xf32, #tpu.memory_space<hbm>>
      tpu.wait_indirect_dma semaphore(%arg20 : memref<!tpu.dma_semaphore, #tpu.memory_space<semaphore_mem>>) src(%dma_wait3A_417 : memref<20224x128xf32, #tpu.memory_space<hbm>>) dst(%arg12 : memref<32x128xf32, #tpu.memory_space<vmem>>)
      %dma_start3A_418 = arith.constant 11 : i32
      %dma_start3A_419 = arith.constant 0 : i32
      %dma_start3A_420 = tpu.memref_slice %arg8[%dma_start3A_418, %dma_start3A_419] : memref<16x32xi32, #tpu.memory_space<vmem>> -> memref<1x32xi32, #tpu.memory_space<vmem>>
      %dma_start3A_421 = tpu.memref_squeeze %dma_start3A_420 : memref<1x32xi32, #tpu.memory_space<vmem>> -> memref<32xi32, #tpu.memory_space<vmem>>
      %dma_start3A_422 = arith.constant 0 : i32
      %dma_start3A_423 = arith.constant 0 : i32
      %dma_start3A_424 = tpu.memref_slice %arg6[%dma_start3A_422, %dma_start3A_423] : memref<10112x128xf32, #tpu.memory_space<vmem_shared>> -> memref<10112x128xf32, #tpu.memory_space<vmem_shared>>
      tpu.enqueue_indirect_dma source(%arg12 : memref<32x128xf32, #tpu.memory_space<vmem>>) target(%dma_start3A_424 : memref<10112x128xf32, #tpu.memory_space<vmem_shared>>) offsets(%dma_start3A_421 : memref<32xi32, #tpu.memory_space<vmem>>) semaphore(%arg28 : memref<!tpu.dma_semaphore, #tpu.memory_space<semaphore_mem>>) {add = true}
      %dma_wait3A_425 = arith.constant 12 : i32
      %dma_wait3A_426 = arith.constant 0 : i32
      %dma_wait3A_427 = tpu.memref_slice %arg7[%dma_wait3A_425, %dma_wait3A_426] : memref<16x32xi32, #tpu.memory_space<vmem>> -> memref<1x32xi32, #tpu.memory_space<vmem>>
      %dma_wait3A_428 = tpu.memref_squeeze %dma_wait3A_427 : memref<1x32xi32, #tpu.memory_space<vmem>> -> memref<32xi32, #tpu.memory_space<vmem>>
      %dma_wait3A_429 = arith.constant 0 : i32
      %dma_wait3A_430 = arith.constant 0 : i32
      %dma_wait3A_431 = tpu.memref_slice %arg2[%dma_wait3A_429, %dma_wait3A_430] : memref<20224x128xf32, #tpu.memory_space<hbm>> -> memref<20224x128xf32, #tpu.memory_space<hbm>>
      tpu.wait_indirect_dma semaphore(%arg21 : memref<!tpu.dma_semaphore, #tpu.memory_space<semaphore_mem>>) src(%dma_wait3A_431 : memref<20224x128xf32, #tpu.memory_space<hbm>>) dst(%arg13 : memref<32x128xf32, #tpu.memory_space<vmem>>)
      %dma_start3A_432 = arith.constant 12 : i32
      %dma_start3A_433 = arith.constant 0 : i32
      %dma_start3A_434 = tpu.memref_slice %arg8[%dma_start3A_432, %dma_start3A_433] : memref<16x32xi32, #tpu.memory_space<vmem>> -> memref<1x32xi32, #tpu.memory_space<vmem>>
      %dma_start3A_435 = tpu.memref_squeeze %dma_start3A_434 : memref<1x32xi32, #tpu.memory_space<vmem>> -> memref<32xi32, #tpu.memory_space<vmem>>
      %dma_start3A_436 = arith.constant 0 : i32
      %dma_start3A_437 = arith.constant 0 : i32
      %dma_start3A_438 = tpu.memref_slice %arg6[%dma_start3A_436, %dma_start3A_437] : memref<10112x128xf32, #tpu.memory_space<vmem_shared>> -> memref<10112x128xf32, #tpu.memory_space<vmem_shared>>
      tpu.enqueue_indirect_dma source(%arg13 : memref<32x128xf32, #tpu.memory_space<vmem>>) target(%dma_start3A_438 : memref<10112x128xf32, #tpu.memory_space<vmem_shared>>) offsets(%dma_start3A_435 : memref<32xi32, #tpu.memory_space<vmem>>) semaphore(%arg29 : memref<!tpu.dma_semaphore, #tpu.memory_space<semaphore_mem>>) {add = true}
      %dma_wait3A_439 = arith.constant 13 : i32
      %dma_wait3A_440 = arith.constant 0 : i32
      %dma_wait3A_441 = tpu.memref_slice %arg7[%dma_wait3A_439, %dma_wait3A_440] : memref<16x32xi32, #tpu.memory_space<vmem>> -> memref<1x32xi32, #tpu.memory_space<vmem>>
      %dma_wait3A_442 = tpu.memref_squeeze %dma_wait3A_441 : memref<1x32xi32, #tpu.memory_space<vmem>> -> memref<32xi32, #tpu.memory_space<vmem>>
      %dma_wait3A_443 = arith.constant 0 : i32
      %dma_wait3A_444 = arith.constant 0 : i32
      %dma_wait3A_445 = tpu.memref_slice %arg2[%dma_wait3A_443, %dma_wait3A_444] : memref<20224x128xf32, #tpu.memory_space<hbm>> -> memref<20224x128xf32, #tpu.memory_space<hbm>>
      tpu.wait_indirect_dma semaphore(%arg22 : memref<!tpu.dma_semaphore, #tpu.memory_space<semaphore_mem>>) src(%dma_wait3A_445 : memref<20224x128xf32, #tpu.memory_space<hbm>>) dst(%arg14 : memref<32x128xf32, #tpu.memory_space<vmem>>)
      %dma_start3A_446 = arith.constant 13 : i32
      %dma_start3A_447 = arith.constant 0 : i32
      %dma_start3A_448 = tpu.memref_slice %arg8[%dma_start3A_446, %dma_start3A_447] : memref<16x32xi32, #tpu.memory_space<vmem>> -> memref<1x32xi32, #tpu.memory_space<vmem>>
      %dma_start3A_449 = tpu.memref_squeeze %dma_start3A_448 : memref<1x32xi32, #tpu.memory_space<vmem>> -> memref<32xi32, #tpu.memory_space<vmem>>
      %dma_start3A_450 = arith.constant 0 : i32
      %dma_start3A_451 = arith.constant 0 : i32
      %dma_start3A_452 = tpu.memref_slice %arg6[%dma_start3A_450, %dma_start3A_451] : memref<10112x128xf32, #tpu.memory_space<vmem_shared>> -> memref<10112x128xf32, #tpu.memory_space<vmem_shared>>
      tpu.enqueue_indirect_dma source(%arg14 : memref<32x128xf32, #tpu.memory_space<vmem>>) target(%dma_start3A_452 : memref<10112x128xf32, #tpu.memory_space<vmem_shared>>) offsets(%dma_start3A_449 : memref<32xi32, #tpu.memory_space<vmem>>) semaphore(%arg30 : memref<!tpu.dma_semaphore, #tpu.memory_space<semaphore_mem>>) {add = true}
      %dma_wait3A_453 = arith.constant 14 : i32
      %dma_wait3A_454 = arith.constant 0 : i32
      %dma_wait3A_455 = tpu.memref_slice %arg7[%dma_wait3A_453, %dma_wait3A_454] : memref<16x32xi32, #tpu.memory_space<vmem>> -> memref<1x32xi32, #tpu.memory_space<vmem>>
      %dma_wait3A_456 = tpu.memref_squeeze %dma_wait3A_455 : memref<1x32xi32, #tpu.memory_space<vmem>> -> memref<32xi32, #tpu.memory_space<vmem>>
      %dma_wait3A_457 = arith.constant 0 : i32
      %dma_wait3A_458 = arith.constant 0 : i32
      %dma_wait3A_459 = tpu.memref_slice %arg2[%dma_wait3A_457, %dma_wait3A_458] : memref<20224x128xf32, #tpu.memory_space<hbm>> -> memref<20224x128xf32, #tpu.memory_space<hbm>>
      tpu.wait_indirect_dma semaphore(%arg23 : memref<!tpu.dma_semaphore, #tpu.memory_space<semaphore_mem>>) src(%dma_wait3A_459 : memref<20224x128xf32, #tpu.memory_space<hbm>>) dst(%arg15 : memref<32x128xf32, #tpu.memory_space<vmem>>)
      %dma_start3A_460 = arith.constant 14 : i32
      %dma_start3A_461 = arith.constant 0 : i32
      %dma_start3A_462 = tpu.memref_slice %arg8[%dma_start3A_460, %dma_start3A_461] : memref<16x32xi32, #tpu.memory_space<vmem>> -> memref<1x32xi32, #tpu.memory_space<vmem>>
      %dma_start3A_463 = tpu.memref_squeeze %dma_start3A_462 : memref<1x32xi32, #tpu.memory_space<vmem>> -> memref<32xi32, #tpu.memory_space<vmem>>
      %dma_start3A_464 = arith.constant 0 : i32
      %dma_start3A_465 = arith.constant 0 : i32
      %dma_start3A_466 = tpu.memref_slice %arg6[%dma_start3A_464, %dma_start3A_465] : memref<10112x128xf32, #tpu.memory_space<vmem_shared>> -> memref<10112x128xf32, #tpu.memory_space<vmem_shared>>
      tpu.enqueue_indirect_dma source(%arg15 : memref<32x128xf32, #tpu.memory_space<vmem>>) target(%dma_start3A_466 : memref<10112x128xf32, #tpu.memory_space<vmem_shared>>) offsets(%dma_start3A_463 : memref<32xi32, #tpu.memory_space<vmem>>) semaphore(%arg31 : memref<!tpu.dma_semaphore, #tpu.memory_space<semaphore_mem>>) {add = true}
      %dma_wait3A_467 = arith.constant 15 : i32
      %dma_wait3A_468 = arith.constant 0 : i32
      %dma_wait3A_469 = tpu.memref_slice %arg7[%dma_wait3A_467, %dma_wait3A_468] : memref<16x32xi32, #tpu.memory_space<vmem>> -> memref<1x32xi32, #tpu.memory_space<vmem>>
      %dma_wait3A_470 = tpu.memref_squeeze %dma_wait3A_469 : memref<1x32xi32, #tpu.memory_space<vmem>> -> memref<32xi32, #tpu.memory_space<vmem>>
      %dma_wait3A_471 = arith.constant 0 : i32
      %dma_wait3A_472 = arith.constant 0 : i32
      %dma_wait3A_473 = tpu.memref_slice %arg2[%dma_wait3A_471, %dma_wait3A_472] : memref<20224x128xf32, #tpu.memory_space<hbm>> -> memref<20224x128xf32, #tpu.memory_space<hbm>>
      tpu.wait_indirect_dma semaphore(%arg24 : memref<!tpu.dma_semaphore, #tpu.memory_space<semaphore_mem>>) src(%dma_wait3A_473 : memref<20224x128xf32, #tpu.memory_space<hbm>>) dst(%arg16 : memref<32x128xf32, #tpu.memory_space<vmem>>)
      %dma_start3A_474 = arith.constant 15 : i32
      %dma_start3A_475 = arith.constant 0 : i32
      %dma_start3A_476 = tpu.memref_slice %arg8[%dma_start3A_474, %dma_start3A_475] : memref<16x32xi32, #tpu.memory_space<vmem>> -> memref<1x32xi32, #tpu.memory_space<vmem>>
      %dma_start3A_477 = tpu.memref_squeeze %dma_start3A_476 : memref<1x32xi32, #tpu.memory_space<vmem>> -> memref<32xi32, #tpu.memory_space<vmem>>
      %dma_start3A_478 = arith.constant 0 : i32
      %dma_start3A_479 = arith.constant 0 : i32
      %dma_start3A_480 = tpu.memref_slice %arg6[%dma_start3A_478, %dma_start3A_479] : memref<10112x128xf32, #tpu.memory_space<vmem_shared>> -> memref<10112x128xf32, #tpu.memory_space<vmem_shared>>
      tpu.enqueue_indirect_dma source(%arg16 : memref<32x128xf32, #tpu.memory_space<vmem>>) target(%dma_start3A_480 : memref<10112x128xf32, #tpu.memory_space<vmem_shared>>) offsets(%dma_start3A_477 : memref<32xi32, #tpu.memory_space<vmem>>) semaphore(%arg32 : memref<!tpu.dma_semaphore, #tpu.memory_space<semaphore_mem>>) {add = true}
    }
    %scan3A_17 = arith.constant 20 : i32
    %dma_wait3A = arith.constant 0 : i32
    %dma_wait3A_18 = arith.constant 0 : i32
    %dma_wait3A_19 = tpu.memref_slice %arg8[%dma_wait3A, %dma_wait3A_18] : memref<16x32xi32, #tpu.memory_space<vmem>> -> memref<1x32xi32, #tpu.memory_space<vmem>>
    %dma_wait3A_20 = tpu.memref_squeeze %dma_wait3A_19 : memref<1x32xi32, #tpu.memory_space<vmem>> -> memref<32xi32, #tpu.memory_space<vmem>>
    %dma_wait3A_21 = arith.constant 0 : i32
    %dma_wait3A_22 = arith.constant 0 : i32
    %dma_wait3A_23 = tpu.memref_slice %arg6[%dma_wait3A_21, %dma_wait3A_22] : memref<10112x128xf32, #tpu.memory_space<vmem_shared>> -> memref<10112x128xf32, #tpu.memory_space<vmem_shared>>
    tpu.wait_indirect_dma semaphore(%arg25 : memref<!tpu.dma_semaphore, #tpu.memory_space<semaphore_mem>>) src(%arg9 : memref<32x128xf32, #tpu.memory_space<vmem>>) dst(%dma_wait3A_23 : memref<10112x128xf32, #tpu.memory_space<vmem_shared>>)
    %dma_wait3A_24 = arith.constant 0 : i32
    %dma_wait3A_25 = arith.constant 0 : i32
    %dma_wait3A_26 = tpu.memref_slice %arg8[%dma_wait3A_24, %dma_wait3A_25] : memref<16x32xi32, #tpu.memory_space<vmem>> -> memref<1x32xi32, #tpu.memory_space<vmem>>
    %dma_wait3A_27 = tpu.memref_squeeze %dma_wait3A_26 : memref<1x32xi32, #tpu.memory_space<vmem>> -> memref<32xi32, #tpu.memory_space<vmem>>
    %dma_wait3A_28 = arith.constant 0 : i32
    %dma_wait3A_29 = arith.constant 0 : i32
    %dma_wait3A_30 = tpu.memref_slice %arg6[%dma_wait3A_28, %dma_wait3A_29] : memref<10112x128xf32, #tpu.memory_space<vmem_shared>> -> memref<10112x128xf32, #tpu.memory_space<vmem_shared>>
    tpu.wait_indirect_dma semaphore(%arg26 : memref<!tpu.dma_semaphore, #tpu.memory_space<semaphore_mem>>) src(%arg10 : memref<32x128xf32, #tpu.memory_space<vmem>>) dst(%dma_wait3A_30 : memref<10112x128xf32, #tpu.memory_space<vmem_shared>>)
    %dma_wait3A_31 = arith.constant 0 : i32
    %dma_wait3A_32 = arith.constant 0 : i32
    %dma_wait3A_33 = tpu.memref_slice %arg8[%dma_wait3A_31, %dma_wait3A_32] : memref<16x32xi32, #tpu.memory_space<vmem>> -> memref<1x32xi32, #tpu.memory_space<vmem>>
    %dma_wait3A_34 = tpu.memref_squeeze %dma_wait3A_33 : memref<1x32xi32, #tpu.memory_space<vmem>> -> memref<32xi32, #tpu.memory_space<vmem>>
    %dma_wait3A_35 = arith.constant 0 : i32
    %dma_wait3A_36 = arith.constant 0 : i32
    %dma_wait3A_37 = tpu.memref_slice %arg6[%dma_wait3A_35, %dma_wait3A_36] : memref<10112x128xf32, #tpu.memory_space<vmem_shared>> -> memref<10112x128xf32, #tpu.memory_space<vmem_shared>>
    tpu.wait_indirect_dma semaphore(%arg27 : memref<!tpu.dma_semaphore, #tpu.memory_space<semaphore_mem>>) src(%arg11 : memref<32x128xf32, #tpu.memory_space<vmem>>) dst(%dma_wait3A_37 : memref<10112x128xf32, #tpu.memory_space<vmem_shared>>)
    %dma_wait3A_38 = arith.constant 0 : i32
    %dma_wait3A_39 = arith.constant 0 : i32
    %dma_wait3A_40 = tpu.memref_slice %arg8[%dma_wait3A_38, %dma_wait3A_39] : memref<16x32xi32, #tpu.memory_space<vmem>> -> memref<1x32xi32, #tpu.memory_space<vmem>>
    %dma_wait3A_41 = tpu.memref_squeeze %dma_wait3A_40 : memref<1x32xi32, #tpu.memory_space<vmem>> -> memref<32xi32, #tpu.memory_space<vmem>>
    %dma_wait3A_42 = arith.constant 0 : i32
    %dma_wait3A_43 = arith.constant 0 : i32
    %dma_wait3A_44 = tpu.memref_slice %arg6[%dma_wait3A_42, %dma_wait3A_43] : memref<10112x128xf32, #tpu.memory_space<vmem_shared>> -> memref<10112x128xf32, #tpu.memory_space<vmem_shared>>
    tpu.wait_indirect_dma semaphore(%arg28 : memref<!tpu.dma_semaphore, #tpu.memory_space<semaphore_mem>>) src(%arg12 : memref<32x128xf32, #tpu.memory_space<vmem>>) dst(%dma_wait3A_44 : memref<10112x128xf32, #tpu.memory_space<vmem_shared>>)
    %dma_wait3A_45 = arith.constant 0 : i32
    %dma_wait3A_46 = arith.constant 0 : i32
    %dma_wait3A_47 = tpu.memref_slice %arg8[%dma_wait3A_45, %dma_wait3A_46] : memref<16x32xi32, #tpu.memory_space<vmem>> -> memref<1x32xi32, #tpu.memory_space<vmem>>
    %dma_wait3A_48 = tpu.memref_squeeze %dma_wait3A_47 : memref<1x32xi32, #tpu.memory_space<vmem>> -> memref<32xi32, #tpu.memory_space<vmem>>
    %dma_wait3A_49 = arith.constant 0 : i32
    %dma_wait3A_50 = arith.constant 0 : i32
    %dma_wait3A_51 = tpu.memref_slice %arg6[%dma_wait3A_49, %dma_wait3A_50] : memref<10112x128xf32, #tpu.memory_space<vmem_shared>> -> memref<10112x128xf32, #tpu.memory_space<vmem_shared>>
    tpu.wait_indirect_dma semaphore(%arg29 : memref<!tpu.dma_semaphore, #tpu.memory_space<semaphore_mem>>) src(%arg13 : memref<32x128xf32, #tpu.memory_space<vmem>>) dst(%dma_wait3A_51 : memref<10112x128xf32, #tpu.memory_space<vmem_shared>>)
    %dma_wait3A_52 = arith.constant 0 : i32
    %dma_wait3A_53 = arith.constant 0 : i32
    %dma_wait3A_54 = tpu.memref_slice %arg8[%dma_wait3A_52, %dma_wait3A_53] : memref<16x32xi32, #tpu.memory_space<vmem>> -> memref<1x32xi32, #tpu.memory_space<vmem>>
    %dma_wait3A_55 = tpu.memref_squeeze %dma_wait3A_54 : memref<1x32xi32, #tpu.memory_space<vmem>> -> memref<32xi32, #tpu.memory_space<vmem>>
    %dma_wait3A_56 = arith.constant 0 : i32
    %dma_wait3A_57 = arith.constant 0 : i32
    %dma_wait3A_58 = tpu.memref_slice %arg6[%dma_wait3A_56, %dma_wait3A_57] : memref<10112x128xf32, #tpu.memory_space<vmem_shared>> -> memref<10112x128xf32, #tpu.memory_space<vmem_shared>>
    tpu.wait_indirect_dma semaphore(%arg30 : memref<!tpu.dma_semaphore, #tpu.memory_space<semaphore_mem>>) src(%arg14 : memref<32x128xf32, #tpu.memory_space<vmem>>) dst(%dma_wait3A_58 : memref<10112x128xf32, #tpu.memory_space<vmem_shared>>)
    %dma_wait3A_59 = arith.constant 0 : i32
    %dma_wait3A_60 = arith.constant 0 : i32
    %dma_wait3A_61 = tpu.memref_slice %arg8[%dma_wait3A_59, %dma_wait3A_60] : memref<16x32xi32, #tpu.memory_space<vmem>> -> memref<1x32xi32, #tpu.memory_space<vmem>>
    %dma_wait3A_62 = tpu.memref_squeeze %dma_wait3A_61 : memref<1x32xi32, #tpu.memory_space<vmem>> -> memref<32xi32, #tpu.memory_space<vmem>>
    %dma_wait3A_63 = arith.constant 0 : i32
    %dma_wait3A_64 = arith.constant 0 : i32
    %dma_wait3A_65 = tpu.memref_slice %arg6[%dma_wait3A_63, %dma_wait3A_64] : memref<10112x128xf32, #tpu.memory_space<vmem_shared>> -> memref<10112x128xf32, #tpu.memory_space<vmem_shared>>
    tpu.wait_indirect_dma semaphore(%arg31 : memref<!tpu.dma_semaphore, #tpu.memory_space<semaphore_mem>>) src(%arg15 : memref<32x128xf32, #tpu.memory_space<vmem>>) dst(%dma_wait3A_65 : memref<10112x128xf32, #tpu.memory_space<vmem_shared>>)
    %dma_wait3A_66 = arith.constant 0 : i32
    %dma_wait3A_67 = arith.constant 0 : i32
    %dma_wait3A_68 = tpu.memref_slice %arg8[%dma_wait3A_66, %dma_wait3A_67] : memref<16x32xi32, #tpu.memory_space<vmem>> -> memref<1x32xi32, #tpu.memory_space<vmem>>
    %dma_wait3A_69 = tpu.memref_squeeze %dma_wait3A_68 : memref<1x32xi32, #tpu.memory_space<vmem>> -> memref<32xi32, #tpu.memory_space<vmem>>
    %dma_wait3A_70 = arith.constant 0 : i32
    %dma_wait3A_71 = arith.constant 0 : i32
    %dma_wait3A_72 = tpu.memref_slice %arg6[%dma_wait3A_70, %dma_wait3A_71] : memref<10112x128xf32, #tpu.memory_space<vmem_shared>> -> memref<10112x128xf32, #tpu.memory_space<vmem_shared>>
    tpu.wait_indirect_dma semaphore(%arg32 : memref<!tpu.dma_semaphore, #tpu.memory_space<semaphore_mem>>) src(%arg16 : memref<32x128xf32, #tpu.memory_space<vmem>>) dst(%dma_wait3A_72 : memref<10112x128xf32, #tpu.memory_space<vmem_shared>>)
    %barrier3A_73 = arith.constant 0 : index
    tpu.barrier barrier_id(%barrier3A_73)
    %mul3A_74 = arith.constant 632 : i32
    %mul3A_75 = arith.muli %arg1, %mul3A_74 : i32
    %mul3A_76 = arith.constant 10112 : i32
    %mul3A_77 = arith.muli %arg0, %mul3A_76 : i32
    %mul3A_78 = arith.constant 632 : i32
    %mul3A_79 = arith.muli %arg1, %mul3A_78 : i32
    %add3A_80 = arith.addi %mul3A_77, %mul3A_79 : i32
    "tpu.region"() ({
      %run_scoped3A = tpu.sem_alloc : memref<!tpu.dma_semaphore, #tpu.memory_space<semaphore_mem>>
      %dma_start3A = arith.constant 0 : i32
      %dma_start3A_81 = tpu.memref_slice %arg5[%add3A_80, %dma_start3A] : memref<20224x128xf32, #tpu.memory_space<hbm>> -> memref<632x128xf32, #tpu.memory_space<hbm>>
      %dma_start3A_82 = arith.constant 0 : i32
      %dma_start3A_83 = tpu.memref_slice %arg6[%mul3A_75, %dma_start3A_82] : memref<10112x128xf32, #tpu.memory_space<vmem_shared>> -> memref<632x128xf32, #tpu.memory_space<vmem_shared>>
      tpu.enqueue_dma source(%dma_start3A_83 : memref<632x128xf32, #tpu.memory_space<vmem_shared>>) target(%dma_start3A_81 : memref<632x128xf32, #tpu.memory_space<hbm>>) target_semaphore(%run_scoped3A : memref<!tpu.dma_semaphore, #tpu.memory_space<semaphore_mem>>)
      %dma_wait3A_84 = arith.constant 0 : i32
      %dma_wait3A_85 = tpu.memref_slice %arg5[%add3A_80, %dma_wait3A_84] : memref<20224x128xf32, #tpu.memory_space<hbm>> -> memref<632x128xf32, #tpu.memory_space<hbm>>
      %dma_wait3A_86 = arith.constant 0 : i32
      %dma_wait3A_87 = tpu.memref_slice %arg6[%mul3A_75, %dma_wait3A_86] : memref<10112x128xf32, #tpu.memory_space<vmem_shared>> -> memref<632x128xf32, #tpu.memory_space<vmem_shared>>
      tpu.wait_dma2 semaphore(%run_scoped3A : memref<!tpu.dma_semaphore, #tpu.memory_space<semaphore_mem>>) src(%dma_wait3A_87 : memref<632x128xf32, #tpu.memory_space<vmem_shared>>) dst(%dma_wait3A_85 : memref<632x128xf32, #tpu.memory_space<hbm>>)
      tpu.yield
    }) : () -> ()
    return
  }
}

#map = affine_map<(d0, d1) -> (0, 0)>
module attributes {stable_mosaic.version = 14 : i64} {
  func.func @conv_kernel(%arg0: i32, %arg1: i32, %arg2: memref<20224x128xf32, #tpu.memory_space<hbm>>, %arg3: memref<20480x32xi32, #tpu.memory_space<hbm>>, %arg4: memref<10240x32xi32, #tpu.memory_space<hbm>>, %arg5: memref<20224x128xf32, #tpu.memory_space<hbm>>, %arg6: memref<10112x128xf32, #tpu.memory_space<vmem_shared>>, %arg7: memref<16x32xi32, #tpu.memory_space<vmem>>, %arg8: memref<16x32xi32, #tpu.memory_space<vmem>>, %arg9: memref<32x128xf32, #tpu.memory_space<vmem>>, %arg10: memref<32x128xf32, #tpu.memory_space<vmem>>, %arg11: memref<32x128xf32, #tpu.memory_space<vmem>>, %arg12: memref<32x128xf32, #tpu.memory_space<vmem>>, %arg13: memref<32x128xf32, #tpu.memory_space<vmem>>, %arg14: memref<32x128xf32, #tpu.memory_space<vmem>>, %arg15: memref<32x128xf32, #tpu.memory_space<vmem>>, %arg16: memref<32x128xf32, #tpu.memory_space<vmem>>, %arg17: memref<!tpu.dma_semaphore, #tpu.memory_space<semaphore_mem>>, %arg18: memref<!tpu.dma_semaphore, #tpu.memory_space<semaphore_mem>>, %arg19: memref<!tpu.dma_semaphore, #tpu.memory_space<semaphore_mem>>, %arg20: memref<!tpu.dma_semaphore, #tpu.memory_space<semaphore_mem>>, %arg21: memref<!tpu.dma_semaphore, #tpu.memory_space<semaphore_mem>>, %arg22: memref<!tpu.dma_semaphore, #tpu.memory_space<semaphore_mem>>, %arg23: memref<!tpu.dma_semaphore, #tpu.memory_space<semaphore_mem>>, %arg24: memref<!tpu.dma_semaphore, #tpu.memory_space<semaphore_mem>>, %arg25: memref<!tpu.dma_semaphore, #tpu.memory_space<semaphore_mem>>, %arg26: memref<!tpu.dma_semaphore, #tpu.memory_space<semaphore_mem>>, %arg27: memref<!tpu.dma_semaphore, #tpu.memory_space<semaphore_mem>>, %arg28: memref<!tpu.dma_semaphore, #tpu.memory_space<semaphore_mem>>, %arg29: memref<!tpu.dma_semaphore, #tpu.memory_space<semaphore_mem>>, %arg30: memref<!tpu.dma_semaphore, #tpu.memory_space<semaphore_mem>>, %arg31: memref<!tpu.dma_semaphore, #tpu.memory_space<semaphore_mem>>, %arg32: memref<!tpu.dma_semaphore, #tpu.memory_space<semaphore_mem>>) attributes {dimension_semantics = [#tpu.dimension_semantics<core_parallel>, #tpu.dimension_semantics<subcore_parallel>], iteration_bounds = array<i64: 2, 16>, scalar_prefetch = 0 : i64, scratch_operands = 27 : i64, tpu.core_type = #tpu.core_type<sc_vector_subcore>, window_params = [{transform_indices = #map}, {transform_indices = #map}, {transform_indices = #map}, {transform_indices = #map}]} {
    %mul3A = arith.constant 640 : i32
    %mul3A_0 = arith.muli %arg1, %mul3A : i32
    %mul3A_1 = arith.constant 10240 : i32
    %mul3A_2 = arith.muli %arg0, %mul3A_1 : i32
    %add3A = arith.addi %mul3A_2, %mul3A_0 : i32
    %mul3A_3 = arith.constant 10112 : i32
    %mul3A_4 = arith.muli %arg0, %mul3A_3 : i32
    %mul3A_5 = arith.constant 632 : i32
    %mul3A_6 = arith.muli %arg1, %mul3A_5 : i32
    %add3A_7 = arith.addi %mul3A_4, %mul3A_6 : i32
    %mul3A_8 = arith.constant 632 : i32
    %mul3A_9 = arith.muli %arg1, %mul3A_8 : i32
    "tpu.region"() ({
      %run_scoped3A = tpu.sem_alloc : memref<!tpu.dma_semaphore, #tpu.memory_space<semaphore_mem>>
      %dma_start3A = arith.constant 0 : i32
      %dma_start3A_78 = tpu.memref_slice %arg6[%mul3A_9, %dma_start3A] : memref<10112x128xf32, #tpu.memory_space<vmem_shared>> -> memref<632x128xf32, #tpu.memory_space<vmem_shared>>
      %dma_start3A_79 = arith.constant 0 : i32
      %dma_start3A_80 = tpu.memref_slice %arg2[%add3A_7, %dma_start3A_79] : memref<20224x128xf32, #tpu.memory_space<hbm>> -> memref<632x128xf32, #tpu.memory_space<hbm>>
      tpu.enqueue_dma source(%dma_start3A_80 : memref<632x128xf32, #tpu.memory_space<hbm>>) target(%dma_start3A_78 : memref<632x128xf32, #tpu.memory_space<vmem_shared>>) target_semaphore(%run_scoped3A : memref<!tpu.dma_semaphore, #tpu.memory_space<semaphore_mem>>)
      %dma_wait3A_81 = arith.constant 0 : i32
      %dma_wait3A_82 = tpu.memref_slice %arg6[%mul3A_9, %dma_wait3A_81] : memref<10112x128xf32, #tpu.memory_space<vmem_shared>> -> memref<632x128xf32, #tpu.memory_space<vmem_shared>>
      %dma_wait3A_83 = arith.constant 0 : i32
      %dma_wait3A_84 = tpu.memref_slice %arg2[%add3A_7, %dma_wait3A_83] : memref<20224x128xf32, #tpu.memory_space<hbm>> -> memref<632x128xf32, #tpu.memory_space<hbm>>
      tpu.wait_dma2 semaphore(%run_scoped3A : memref<!tpu.dma_semaphore, #tpu.memory_space<semaphore_mem>>) src(%dma_wait3A_84 : memref<632x128xf32, #tpu.memory_space<hbm>>) dst(%dma_wait3A_82 : memref<632x128xf32, #tpu.memory_space<vmem_shared>>)
      tpu.yield
    }) : () -> ()
    %barrier3A = arith.constant 0 : index
    tpu.barrier barrier_id(%barrier3A)
    %scan3A = arith.constant 0 : i32
    %scan3A_10 = arith.constant 0 : i32
    %scan3A_11 = arith.constant 40 : i32
    %scan3A_12 = arith.addi %scan3A_10, %scan3A_11 : i32
    %scan3A_13 = arith.constant 1 : i32
    scf.for %scan3A_78 = %scan3A_10 to %scan3A_12 step %scan3A_13  : i32 {
      %gt3A = arith.constant 0 : i32
      %gt3A_79 = arith.cmpi sgt, %scan3A_78, %gt3A : i32
      %convert_element_type3A = arith.extui %gt3A_79 : i1 to i32
      %cond3A = arith.constant 0 : i32
      %cond3A_80 = arith.cmpi ne, %convert_element_type3A, %cond3A : i32
      scf.if %cond3A_80 {
        %dma_wait3A_478 = arith.constant 0 : i32
        %dma_wait3A_479 = arith.constant 0 : i32
        %dma_wait3A_480 = tpu.memref_slice %arg8[%dma_wait3A_478, %dma_wait3A_479] : memref<16x32xi32, #tpu.memory_space<vmem>> -> memref<1x32xi32, #tpu.memory_space<vmem>>
        %dma_wait3A_481 = tpu.memref_squeeze %dma_wait3A_480 : memref<1x32xi32, #tpu.memory_space<vmem>> -> memref<32xi32, #tpu.memory_space<vmem>>
        %dma_wait3A_482 = arith.constant 0 : i32
        %dma_wait3A_483 = arith.constant 0 : i32
        %dma_wait3A_484 = tpu.memref_slice %arg6[%dma_wait3A_482, %dma_wait3A_483] : memref<10112x128xf32, #tpu.memory_space<vmem_shared>> -> memref<10112x128xf32, #tpu.memory_space<vmem_shared>>
        tpu.wait_indirect_dma semaphore(%arg25 : memref<!tpu.dma_semaphore, #tpu.memory_space<semaphore_mem>>) src(%arg9 : memref<32x128xf32, #tpu.memory_space<vmem>>) dst(%dma_wait3A_484 : memref<10112x128xf32, #tpu.memory_space<vmem_shared>>)
        %dma_wait3A_485 = arith.constant 0 : i32
        %dma_wait3A_486 = arith.constant 0 : i32
        %dma_wait3A_487 = tpu.memref_slice %arg8[%dma_wait3A_485, %dma_wait3A_486] : memref<16x32xi32, #tpu.memory_space<vmem>> -> memref<1x32xi32, #tpu.memory_space<vmem>>
        %dma_wait3A_488 = tpu.memref_squeeze %dma_wait3A_487 : memref<1x32xi32, #tpu.memory_space<vmem>> -> memref<32xi32, #tpu.memory_space<vmem>>
        %dma_wait3A_489 = arith.constant 0 : i32
        %dma_wait3A_490 = arith.constant 0 : i32
        %dma_wait3A_491 = tpu.memref_slice %arg6[%dma_wait3A_489, %dma_wait3A_490] : memref<10112x128xf32, #tpu.memory_space<vmem_shared>> -> memref<10112x128xf32, #tpu.memory_space<vmem_shared>>
        tpu.wait_indirect_dma semaphore(%arg26 : memref<!tpu.dma_semaphore, #tpu.memory_space<semaphore_mem>>) src(%arg10 : memref<32x128xf32, #tpu.memory_space<vmem>>) dst(%dma_wait3A_491 : memref<10112x128xf32, #tpu.memory_space<vmem_shared>>)
        %dma_wait3A_492 = arith.constant 0 : i32
        %dma_wait3A_493 = arith.constant 0 : i32
        %dma_wait3A_494 = tpu.memref_slice %arg8[%dma_wait3A_492, %dma_wait3A_493] : memref<16x32xi32, #tpu.memory_space<vmem>> -> memref<1x32xi32, #tpu.memory_space<vmem>>
        %dma_wait3A_495 = tpu.memref_squeeze %dma_wait3A_494 : memref<1x32xi32, #tpu.memory_space<vmem>> -> memref<32xi32, #tpu.memory_space<vmem>>
        %dma_wait3A_496 = arith.constant 0 : i32
        %dma_wait3A_497 = arith.constant 0 : i32
        %dma_wait3A_498 = tpu.memref_slice %arg6[%dma_wait3A_496, %dma_wait3A_497] : memref<10112x128xf32, #tpu.memory_space<vmem_shared>> -> memref<10112x128xf32, #tpu.memory_space<vmem_shared>>
        tpu.wait_indirect_dma semaphore(%arg27 : memref<!tpu.dma_semaphore, #tpu.memory_space<semaphore_mem>>) src(%arg11 : memref<32x128xf32, #tpu.memory_space<vmem>>) dst(%dma_wait3A_498 : memref<10112x128xf32, #tpu.memory_space<vmem_shared>>)
        %dma_wait3A_499 = arith.constant 0 : i32
        %dma_wait3A_500 = arith.constant 0 : i32
        %dma_wait3A_501 = tpu.memref_slice %arg8[%dma_wait3A_499, %dma_wait3A_500] : memref<16x32xi32, #tpu.memory_space<vmem>> -> memref<1x32xi32, #tpu.memory_space<vmem>>
        %dma_wait3A_502 = tpu.memref_squeeze %dma_wait3A_501 : memref<1x32xi32, #tpu.memory_space<vmem>> -> memref<32xi32, #tpu.memory_space<vmem>>
        %dma_wait3A_503 = arith.constant 0 : i32
        %dma_wait3A_504 = arith.constant 0 : i32
        %dma_wait3A_505 = tpu.memref_slice %arg6[%dma_wait3A_503, %dma_wait3A_504] : memref<10112x128xf32, #tpu.memory_space<vmem_shared>> -> memref<10112x128xf32, #tpu.memory_space<vmem_shared>>
        tpu.wait_indirect_dma semaphore(%arg28 : memref<!tpu.dma_semaphore, #tpu.memory_space<semaphore_mem>>) src(%arg12 : memref<32x128xf32, #tpu.memory_space<vmem>>) dst(%dma_wait3A_505 : memref<10112x128xf32, #tpu.memory_space<vmem_shared>>)
        %dma_wait3A_506 = arith.constant 0 : i32
        %dma_wait3A_507 = arith.constant 0 : i32
        %dma_wait3A_508 = tpu.memref_slice %arg8[%dma_wait3A_506, %dma_wait3A_507] : memref<16x32xi32, #tpu.memory_space<vmem>> -> memref<1x32xi32, #tpu.memory_space<vmem>>
        %dma_wait3A_509 = tpu.memref_squeeze %dma_wait3A_508 : memref<1x32xi32, #tpu.memory_space<vmem>> -> memref<32xi32, #tpu.memory_space<vmem>>
        %dma_wait3A_510 = arith.constant 0 : i32
        %dma_wait3A_511 = arith.constant 0 : i32
        %dma_wait3A_512 = tpu.memref_slice %arg6[%dma_wait3A_510, %dma_wait3A_511] : memref<10112x128xf32, #tpu.memory_space<vmem_shared>> -> memref<10112x128xf32, #tpu.memory_space<vmem_shared>>
        tpu.wait_indirect_dma semaphore(%arg29 : memref<!tpu.dma_semaphore, #tpu.memory_space<semaphore_mem>>) src(%arg13 : memref<32x128xf32, #tpu.memory_space<vmem>>) dst(%dma_wait3A_512 : memref<10112x128xf32, #tpu.memory_space<vmem_shared>>)
        %dma_wait3A_513 = arith.constant 0 : i32
        %dma_wait3A_514 = arith.constant 0 : i32
        %dma_wait3A_515 = tpu.memref_slice %arg8[%dma_wait3A_513, %dma_wait3A_514] : memref<16x32xi32, #tpu.memory_space<vmem>> -> memref<1x32xi32, #tpu.memory_space<vmem>>
        %dma_wait3A_516 = tpu.memref_squeeze %dma_wait3A_515 : memref<1x32xi32, #tpu.memory_space<vmem>> -> memref<32xi32, #tpu.memory_space<vmem>>
        %dma_wait3A_517 = arith.constant 0 : i32
        %dma_wait3A_518 = arith.constant 0 : i32
        %dma_wait3A_519 = tpu.memref_slice %arg6[%dma_wait3A_517, %dma_wait3A_518] : memref<10112x128xf32, #tpu.memory_space<vmem_shared>> -> memref<10112x128xf32, #tpu.memory_space<vmem_shared>>
        tpu.wait_indirect_dma semaphore(%arg30 : memref<!tpu.dma_semaphore, #tpu.memory_space<semaphore_mem>>) src(%arg14 : memref<32x128xf32, #tpu.memory_space<vmem>>) dst(%dma_wait3A_519 : memref<10112x128xf32, #tpu.memory_space<vmem_shared>>)
        %dma_wait3A_520 = arith.constant 0 : i32
        %dma_wait3A_521 = arith.constant 0 : i32
        %dma_wait3A_522 = tpu.memref_slice %arg8[%dma_wait3A_520, %dma_wait3A_521] : memref<16x32xi32, #tpu.memory_space<vmem>> -> memref<1x32xi32, #tpu.memory_space<vmem>>
        %dma_wait3A_523 = tpu.memref_squeeze %dma_wait3A_522 : memref<1x32xi32, #tpu.memory_space<vmem>> -> memref<32xi32, #tpu.memory_space<vmem>>
        %dma_wait3A_524 = arith.constant 0 : i32
        %dma_wait3A_525 = arith.constant 0 : i32
        %dma_wait3A_526 = tpu.memref_slice %arg6[%dma_wait3A_524, %dma_wait3A_525] : memref<10112x128xf32, #tpu.memory_space<vmem_shared>> -> memref<10112x128xf32, #tpu.memory_space<vmem_shared>>
        tpu.wait_indirect_dma semaphore(%arg31 : memref<!tpu.dma_semaphore, #tpu.memory_space<semaphore_mem>>) src(%arg15 : memref<32x128xf32, #tpu.memory_space<vmem>>) dst(%dma_wait3A_526 : memref<10112x128xf32, #tpu.memory_space<vmem_shared>>)
        %dma_wait3A_527 = arith.constant 0 : i32
        %dma_wait3A_528 = arith.constant 0 : i32
        %dma_wait3A_529 = tpu.memref_slice %arg8[%dma_wait3A_527, %dma_wait3A_528] : memref<16x32xi32, #tpu.memory_space<vmem>> -> memref<1x32xi32, #tpu.memory_space<vmem>>
        %dma_wait3A_530 = tpu.memref_squeeze %dma_wait3A_529 : memref<1x32xi32, #tpu.memory_space<vmem>> -> memref<32xi32, #tpu.memory_space<vmem>>
        %dma_wait3A_531 = arith.constant 0 : i32
        %dma_wait3A_532 = arith.constant 0 : i32
        %dma_wait3A_533 = tpu.memref_slice %arg6[%dma_wait3A_531, %dma_wait3A_532] : memref<10112x128xf32, #tpu.memory_space<vmem_shared>> -> memref<10112x128xf32, #tpu.memory_space<vmem_shared>>
        tpu.wait_indirect_dma semaphore(%arg32 : memref<!tpu.dma_semaphore, #tpu.memory_space<semaphore_mem>>) src(%arg16 : memref<32x128xf32, #tpu.memory_space<vmem>>) dst(%dma_wait3A_533 : memref<10112x128xf32, #tpu.memory_space<vmem_shared>>)
      } else {
      }
      %mul3A_81 = arith.constant 16 : i32
      %mul3A_82 = arith.muli %scan3A_78, %mul3A_81 : i32
      %add3A_83 = arith.addi %add3A, %mul3A_82 : i32
      "tpu.region"() ({
        %run_scoped3A = tpu.sem_alloc : memref<!tpu.dma_semaphore, #tpu.memory_space<semaphore_mem>>
        %dma_start3A_478 = arith.constant 0 : i32
        %dma_start3A_479 = tpu.memref_slice %arg3[%add3A_83, %dma_start3A_478] : memref<20480x32xi32, #tpu.memory_space<hbm>> -> memref<16x32xi32, #tpu.memory_space<hbm>>
        %dma_start3A_480 = arith.constant 0 : i32
        %dma_start3A_481 = tpu.memref_slice %arg3[%add3A_83, %dma_start3A_480] : memref<20480x32xi32, #tpu.memory_space<hbm>> -> memref<16x32xi32, #tpu.memory_space<hbm>>
        tpu.enqueue_dma source(%dma_start3A_481 : memref<16x32xi32, #tpu.memory_space<hbm>>) target(%arg7 : memref<16x32xi32, #tpu.memory_space<vmem>>) target_semaphore(%run_scoped3A : memref<!tpu.dma_semaphore, #tpu.memory_space<semaphore_mem>>)
        %dma_wait3A_482 = arith.constant 0 : i32
        %dma_wait3A_483 = tpu.memref_slice %arg3[%add3A_83, %dma_wait3A_482] : memref<20480x32xi32, #tpu.memory_space<hbm>> -> memref<16x32xi32, #tpu.memory_space<hbm>>
        %dma_wait3A_484 = arith.constant 0 : i32
        %dma_wait3A_485 = tpu.memref_slice %arg3[%add3A_83, %dma_wait3A_484] : memref<20480x32xi32, #tpu.memory_space<hbm>> -> memref<16x32xi32, #tpu.memory_space<hbm>>
        tpu.wait_dma2 semaphore(%run_scoped3A : memref<!tpu.dma_semaphore, #tpu.memory_space<semaphore_mem>>) src(%dma_wait3A_485 : memref<16x32xi32, #tpu.memory_space<hbm>>) dst(%arg7 : memref<16x32xi32, #tpu.memory_space<vmem>>)
        tpu.yield
      }) : () -> ()
      %mul3A_84 = arith.constant 16 : i32
      %mul3A_85 = arith.muli %scan3A_78, %mul3A_84 : i32
      %add3A_86 = arith.addi %mul3A_0, %mul3A_85 : i32
      "tpu.region"() ({
        %run_scoped3A = tpu.sem_alloc : memref<!tpu.dma_semaphore, #tpu.memory_space<semaphore_mem>>
        %dma_start3A_478 = arith.constant 0 : i32
        %dma_start3A_479 = tpu.memref_slice %arg4[%add3A_86, %dma_start3A_478] : memref<10240x32xi32, #tpu.memory_space<hbm>> -> memref<16x32xi32, #tpu.memory_space<hbm>>
        %dma_start3A_480 = arith.constant 0 : i32
        %dma_start3A_481 = tpu.memref_slice %arg4[%add3A_86, %dma_start3A_480] : memref<10240x32xi32, #tpu.memory_space<hbm>> -> memref<16x32xi32, #tpu.memory_space<hbm>>
        tpu.enqueue_dma source(%dma_start3A_481 : memref<16x32xi32, #tpu.memory_space<hbm>>) target(%arg8 : memref<16x32xi32, #tpu.memory_space<vmem>>) target_semaphore(%run_scoped3A : memref<!tpu.dma_semaphore, #tpu.memory_space<semaphore_mem>>)
        %dma_wait3A_482 = arith.constant 0 : i32
        %dma_wait3A_483 = tpu.memref_slice %arg4[%add3A_86, %dma_wait3A_482] : memref<10240x32xi32, #tpu.memory_space<hbm>> -> memref<16x32xi32, #tpu.memory_space<hbm>>
        %dma_wait3A_484 = arith.constant 0 : i32
        %dma_wait3A_485 = tpu.memref_slice %arg4[%add3A_86, %dma_wait3A_484] : memref<10240x32xi32, #tpu.memory_space<hbm>> -> memref<16x32xi32, #tpu.memory_space<hbm>>
        tpu.wait_dma2 semaphore(%run_scoped3A : memref<!tpu.dma_semaphore, #tpu.memory_space<semaphore_mem>>) src(%dma_wait3A_485 : memref<16x32xi32, #tpu.memory_space<hbm>>) dst(%arg8 : memref<16x32xi32, #tpu.memory_space<vmem>>)
        tpu.yield
      }) : () -> ()
      %dma_start3A = arith.constant 0 : i32
      %dma_start3A_87 = arith.constant 0 : i32
      %dma_start3A_88 = tpu.memref_slice %arg7[%dma_start3A, %dma_start3A_87] : memref<16x32xi32, #tpu.memory_space<vmem>> -> memref<1x32xi32, #tpu.memory_space<vmem>>
      %dma_start3A_89 = tpu.memref_squeeze %dma_start3A_88 : memref<1x32xi32, #tpu.memory_space<vmem>> -> memref<32xi32, #tpu.memory_space<vmem>>
      %dma_start3A_90 = arith.constant 0 : i32
      %dma_start3A_91 = arith.constant 0 : i32
      %dma_start3A_92 = tpu.memref_slice %arg2[%dma_start3A_90, %dma_start3A_91] : memref<20224x128xf32, #tpu.memory_space<hbm>> -> memref<20224x128xf32, #tpu.memory_space<hbm>>
      tpu.enqueue_indirect_dma source(%dma_start3A_92 : memref<20224x128xf32, #tpu.memory_space<hbm>>) target(%arg9 : memref<32x128xf32, #tpu.memory_space<vmem>>) offsets(%dma_start3A_89 : memref<32xi32, #tpu.memory_space<vmem>>) semaphore(%arg17 : memref<!tpu.dma_semaphore, #tpu.memory_space<semaphore_mem>>)
      %dma_start3A_93 = arith.constant 1 : i32
      %dma_start3A_94 = arith.constant 0 : i32
      %dma_start3A_95 = tpu.memref_slice %arg7[%dma_start3A_93, %dma_start3A_94] : memref<16x32xi32, #tpu.memory_space<vmem>> -> memref<1x32xi32, #tpu.memory_space<vmem>>
      %dma_start3A_96 = tpu.memref_squeeze %dma_start3A_95 : memref<1x32xi32, #tpu.memory_space<vmem>> -> memref<32xi32, #tpu.memory_space<vmem>>
      %dma_start3A_97 = arith.constant 0 : i32
      %dma_start3A_98 = arith.constant 0 : i32
      %dma_start3A_99 = tpu.memref_slice %arg2[%dma_start3A_97, %dma_start3A_98] : memref<20224x128xf32, #tpu.memory_space<hbm>> -> memref<20224x128xf32, #tpu.memory_space<hbm>>
      tpu.enqueue_indirect_dma source(%dma_start3A_99 : memref<20224x128xf32, #tpu.memory_space<hbm>>) target(%arg10 : memref<32x128xf32, #tpu.memory_space<vmem>>) offsets(%dma_start3A_96 : memref<32xi32, #tpu.memory_space<vmem>>) semaphore(%arg18 : memref<!tpu.dma_semaphore, #tpu.memory_space<semaphore_mem>>)
      %dma_start3A_100 = arith.constant 2 : i32
      %dma_start3A_101 = arith.constant 0 : i32
      %dma_start3A_102 = tpu.memref_slice %arg7[%dma_start3A_100, %dma_start3A_101] : memref<16x32xi32, #tpu.memory_space<vmem>> -> memref<1x32xi32, #tpu.memory_space<vmem>>
      %dma_start3A_103 = tpu.memref_squeeze %dma_start3A_102 : memref<1x32xi32, #tpu.memory_space<vmem>> -> memref<32xi32, #tpu.memory_space<vmem>>
      %dma_start3A_104 = arith.constant 0 : i32
      %dma_start3A_105 = arith.constant 0 : i32
      %dma_start3A_106 = tpu.memref_slice %arg2[%dma_start3A_104, %dma_start3A_105] : memref<20224x128xf32, #tpu.memory_space<hbm>> -> memref<20224x128xf32, #tpu.memory_space<hbm>>
      tpu.enqueue_indirect_dma source(%dma_start3A_106 : memref<20224x128xf32, #tpu.memory_space<hbm>>) target(%arg11 : memref<32x128xf32, #tpu.memory_space<vmem>>) offsets(%dma_start3A_103 : memref<32xi32, #tpu.memory_space<vmem>>) semaphore(%arg19 : memref<!tpu.dma_semaphore, #tpu.memory_space<semaphore_mem>>)
      %dma_start3A_107 = arith.constant 3 : i32
      %dma_start3A_108 = arith.constant 0 : i32
      %dma_start3A_109 = tpu.memref_slice %arg7[%dma_start3A_107, %dma_start3A_108] : memref<16x32xi32, #tpu.memory_space<vmem>> -> memref<1x32xi32, #tpu.memory_space<vmem>>
      %dma_start3A_110 = tpu.memref_squeeze %dma_start3A_109 : memref<1x32xi32, #tpu.memory_space<vmem>> -> memref<32xi32, #tpu.memory_space<vmem>>
      %dma_start3A_111 = arith.constant 0 : i32
      %dma_start3A_112 = arith.constant 0 : i32
      %dma_start3A_113 = tpu.memref_slice %arg2[%dma_start3A_111, %dma_start3A_112] : memref<20224x128xf32, #tpu.memory_space<hbm>> -> memref<20224x128xf32, #tpu.memory_space<hbm>>
      tpu.enqueue_indirect_dma source(%dma_start3A_113 : memref<20224x128xf32, #tpu.memory_space<hbm>>) target(%arg12 : memref<32x128xf32, #tpu.memory_space<vmem>>) offsets(%dma_start3A_110 : memref<32xi32, #tpu.memory_space<vmem>>) semaphore(%arg20 : memref<!tpu.dma_semaphore, #tpu.memory_space<semaphore_mem>>)
      %dma_start3A_114 = arith.constant 4 : i32
      %dma_start3A_115 = arith.constant 0 : i32
      %dma_start3A_116 = tpu.memref_slice %arg7[%dma_start3A_114, %dma_start3A_115] : memref<16x32xi32, #tpu.memory_space<vmem>> -> memref<1x32xi32, #tpu.memory_space<vmem>>
      %dma_start3A_117 = tpu.memref_squeeze %dma_start3A_116 : memref<1x32xi32, #tpu.memory_space<vmem>> -> memref<32xi32, #tpu.memory_space<vmem>>
      %dma_start3A_118 = arith.constant 0 : i32
      %dma_start3A_119 = arith.constant 0 : i32
      %dma_start3A_120 = tpu.memref_slice %arg2[%dma_start3A_118, %dma_start3A_119] : memref<20224x128xf32, #tpu.memory_space<hbm>> -> memref<20224x128xf32, #tpu.memory_space<hbm>>
      tpu.enqueue_indirect_dma source(%dma_start3A_120 : memref<20224x128xf32, #tpu.memory_space<hbm>>) target(%arg13 : memref<32x128xf32, #tpu.memory_space<vmem>>) offsets(%dma_start3A_117 : memref<32xi32, #tpu.memory_space<vmem>>) semaphore(%arg21 : memref<!tpu.dma_semaphore, #tpu.memory_space<semaphore_mem>>)
      %dma_start3A_121 = arith.constant 5 : i32
      %dma_start3A_122 = arith.constant 0 : i32
      %dma_start3A_123 = tpu.memref_slice %arg7[%dma_start3A_121, %dma_start3A_122] : memref<16x32xi32, #tpu.memory_space<vmem>> -> memref<1x32xi32, #tpu.memory_space<vmem>>
      %dma_start3A_124 = tpu.memref_squeeze %dma_start3A_123 : memref<1x32xi32, #tpu.memory_space<vmem>> -> memref<32xi32, #tpu.memory_space<vmem>>
      %dma_start3A_125 = arith.constant 0 : i32
      %dma_start3A_126 = arith.constant 0 : i32
      %dma_start3A_127 = tpu.memref_slice %arg2[%dma_start3A_125, %dma_start3A_126] : memref<20224x128xf32, #tpu.memory_space<hbm>> -> memref<20224x128xf32, #tpu.memory_space<hbm>>
      tpu.enqueue_indirect_dma source(%dma_start3A_127 : memref<20224x128xf32, #tpu.memory_space<hbm>>) target(%arg14 : memref<32x128xf32, #tpu.memory_space<vmem>>) offsets(%dma_start3A_124 : memref<32xi32, #tpu.memory_space<vmem>>) semaphore(%arg22 : memref<!tpu.dma_semaphore, #tpu.memory_space<semaphore_mem>>)
      %dma_start3A_128 = arith.constant 6 : i32
      %dma_start3A_129 = arith.constant 0 : i32
      %dma_start3A_130 = tpu.memref_slice %arg7[%dma_start3A_128, %dma_start3A_129] : memref<16x32xi32, #tpu.memory_space<vmem>> -> memref<1x32xi32, #tpu.memory_space<vmem>>
      %dma_start3A_131 = tpu.memref_squeeze %dma_start3A_130 : memref<1x32xi32, #tpu.memory_space<vmem>> -> memref<32xi32, #tpu.memory_space<vmem>>
      %dma_start3A_132 = arith.constant 0 : i32
      %dma_start3A_133 = arith.constant 0 : i32
      %dma_start3A_134 = tpu.memref_slice %arg2[%dma_start3A_132, %dma_start3A_133] : memref<20224x128xf32, #tpu.memory_space<hbm>> -> memref<20224x128xf32, #tpu.memory_space<hbm>>
      tpu.enqueue_indirect_dma source(%dma_start3A_134 : memref<20224x128xf32, #tpu.memory_space<hbm>>) target(%arg15 : memref<32x128xf32, #tpu.memory_space<vmem>>) offsets(%dma_start3A_131 : memref<32xi32, #tpu.memory_space<vmem>>) semaphore(%arg23 : memref<!tpu.dma_semaphore, #tpu.memory_space<semaphore_mem>>)
      %dma_start3A_135 = arith.constant 7 : i32
      %dma_start3A_136 = arith.constant 0 : i32
      %dma_start3A_137 = tpu.memref_slice %arg7[%dma_start3A_135, %dma_start3A_136] : memref<16x32xi32, #tpu.memory_space<vmem>> -> memref<1x32xi32, #tpu.memory_space<vmem>>
      %dma_start3A_138 = tpu.memref_squeeze %dma_start3A_137 : memref<1x32xi32, #tpu.memory_space<vmem>> -> memref<32xi32, #tpu.memory_space<vmem>>
      %dma_start3A_139 = arith.constant 0 : i32
      %dma_start3A_140 = arith.constant 0 : i32
      %dma_start3A_141 = tpu.memref_slice %arg2[%dma_start3A_139, %dma_start3A_140] : memref<20224x128xf32, #tpu.memory_space<hbm>> -> memref<20224x128xf32, #tpu.memory_space<hbm>>
      tpu.enqueue_indirect_dma source(%dma_start3A_141 : memref<20224x128xf32, #tpu.memory_space<hbm>>) target(%arg16 : memref<32x128xf32, #tpu.memory_space<vmem>>) offsets(%dma_start3A_138 : memref<32xi32, #tpu.memory_space<vmem>>) semaphore(%arg24 : memref<!tpu.dma_semaphore, #tpu.memory_space<semaphore_mem>>)
      %dma_wait3A_142 = arith.constant 0 : i32
      %dma_wait3A_143 = arith.constant 0 : i32
      %dma_wait3A_144 = tpu.memref_slice %arg7[%dma_wait3A_142, %dma_wait3A_143] : memref<16x32xi32, #tpu.memory_space<vmem>> -> memref<1x32xi32, #tpu.memory_space<vmem>>
      %dma_wait3A_145 = tpu.memref_squeeze %dma_wait3A_144 : memref<1x32xi32, #tpu.memory_space<vmem>> -> memref<32xi32, #tpu.memory_space<vmem>>
      %dma_wait3A_146 = arith.constant 0 : i32
      %dma_wait3A_147 = arith.constant 0 : i32
      %dma_wait3A_148 = tpu.memref_slice %arg2[%dma_wait3A_146, %dma_wait3A_147] : memref<20224x128xf32, #tpu.memory_space<hbm>> -> memref<20224x128xf32, #tpu.memory_space<hbm>>
      tpu.wait_indirect_dma semaphore(%arg17 : memref<!tpu.dma_semaphore, #tpu.memory_space<semaphore_mem>>) src(%dma_wait3A_148 : memref<20224x128xf32, #tpu.memory_space<hbm>>) dst(%arg9 : memref<32x128xf32, #tpu.memory_space<vmem>>)
      %dma_start3A_149 = arith.constant 0 : i32
      %dma_start3A_150 = arith.constant 0 : i32
      %dma_start3A_151 = tpu.memref_slice %arg8[%dma_start3A_149, %dma_start3A_150] : memref<16x32xi32, #tpu.memory_space<vmem>> -> memref<1x32xi32, #tpu.memory_space<vmem>>
      %dma_start3A_152 = tpu.memref_squeeze %dma_start3A_151 : memref<1x32xi32, #tpu.memory_space<vmem>> -> memref<32xi32, #tpu.memory_space<vmem>>
      %dma_start3A_153 = arith.constant 0 : i32
      %dma_start3A_154 = arith.constant 0 : i32
      %dma_start3A_155 = tpu.memref_slice %arg6[%dma_start3A_153, %dma_start3A_154] : memref<10112x128xf32, #tpu.memory_space<vmem_shared>> -> memref<10112x128xf32, #tpu.memory_space<vmem_shared>>
      tpu.enqueue_indirect_dma source(%arg9 : memref<32x128xf32, #tpu.memory_space<vmem>>) target(%dma_start3A_155 : memref<10112x128xf32, #tpu.memory_space<vmem_shared>>) offsets(%dma_start3A_152 : memref<32xi32, #tpu.memory_space<vmem>>) semaphore(%arg25 : memref<!tpu.dma_semaphore, #tpu.memory_space<semaphore_mem>>) {add = true}
      %dma_wait3A_156 = arith.constant 0 : i32
      %dma_wait3A_157 = arith.constant 0 : i32
      %dma_wait3A_158 = tpu.memref_slice %arg8[%dma_wait3A_156, %dma_wait3A_157] : memref<16x32xi32, #tpu.memory_space<vmem>> -> memref<1x32xi32, #tpu.memory_space<vmem>>
      %dma_wait3A_159 = tpu.memref_squeeze %dma_wait3A_158 : memref<1x32xi32, #tpu.memory_space<vmem>> -> memref<32xi32, #tpu.memory_space<vmem>>
      %dma_wait3A_160 = arith.constant 0 : i32
      %dma_wait3A_161 = arith.constant 0 : i32
      %dma_wait3A_162 = tpu.memref_slice %arg6[%dma_wait3A_160, %dma_wait3A_161] : memref<10112x128xf32, #tpu.memory_space<vmem_shared>> -> memref<10112x128xf32, #tpu.memory_space<vmem_shared>>
      tpu.wait_indirect_dma semaphore(%arg25 : memref<!tpu.dma_semaphore, #tpu.memory_space<semaphore_mem>>) src(%arg9 : memref<32x128xf32, #tpu.memory_space<vmem>>) dst(%dma_wait3A_162 : memref<10112x128xf32, #tpu.memory_space<vmem_shared>>)
      %dma_start3A_163 = arith.constant 8 : i32
      %dma_start3A_164 = arith.constant 0 : i32
      %dma_start3A_165 = tpu.memref_slice %arg7[%dma_start3A_163, %dma_start3A_164] : memref<16x32xi32, #tpu.memory_space<vmem>> -> memref<1x32xi32, #tpu.memory_space<vmem>>
      %dma_start3A_166 = tpu.memref_squeeze %dma_start3A_165 : memref<1x32xi32, #tpu.memory_space<vmem>> -> memref<32xi32, #tpu.memory_space<vmem>>
      %dma_start3A_167 = arith.constant 0 : i32
      %dma_start3A_168 = arith.constant 0 : i32
      %dma_start3A_169 = tpu.memref_slice %arg2[%dma_start3A_167, %dma_start3A_168] : memref<20224x128xf32, #tpu.memory_space<hbm>> -> memref<20224x128xf32, #tpu.memory_space<hbm>>
      tpu.enqueue_indirect_dma source(%dma_start3A_169 : memref<20224x128xf32, #tpu.memory_space<hbm>>) target(%arg9 : memref<32x128xf32, #tpu.memory_space<vmem>>) offsets(%dma_start3A_166 : memref<32xi32, #tpu.memory_space<vmem>>) semaphore(%arg17 : memref<!tpu.dma_semaphore, #tpu.memory_space<semaphore_mem>>)
      %dma_wait3A_170 = arith.constant 1 : i32
      %dma_wait3A_171 = arith.constant 0 : i32
      %dma_wait3A_172 = tpu.memref_slice %arg7[%dma_wait3A_170, %dma_wait3A_171] : memref<16x32xi32, #tpu.memory_space<vmem>> -> memref<1x32xi32, #tpu.memory_space<vmem>>
      %dma_wait3A_173 = tpu.memref_squeeze %dma_wait3A_172 : memref<1x32xi32, #tpu.memory_space<vmem>> -> memref<32xi32, #tpu.memory_space<vmem>>
      %dma_wait3A_174 = arith.constant 0 : i32
      %dma_wait3A_175 = arith.constant 0 : i32
      %dma_wait3A_176 = tpu.memref_slice %arg2[%dma_wait3A_174, %dma_wait3A_175] : memref<20224x128xf32, #tpu.memory_space<hbm>> -> memref<20224x128xf32, #tpu.memory_space<hbm>>
      tpu.wait_indirect_dma semaphore(%arg18 : memref<!tpu.dma_semaphore, #tpu.memory_space<semaphore_mem>>) src(%dma_wait3A_176 : memref<20224x128xf32, #tpu.memory_space<hbm>>) dst(%arg10 : memref<32x128xf32, #tpu.memory_space<vmem>>)
      %dma_start3A_177 = arith.constant 1 : i32
      %dma_start3A_178 = arith.constant 0 : i32
      %dma_start3A_179 = tpu.memref_slice %arg8[%dma_start3A_177, %dma_start3A_178] : memref<16x32xi32, #tpu.memory_space<vmem>> -> memref<1x32xi32, #tpu.memory_space<vmem>>
      %dma_start3A_180 = tpu.memref_squeeze %dma_start3A_179 : memref<1x32xi32, #tpu.memory_space<vmem>> -> memref<32xi32, #tpu.memory_space<vmem>>
      %dma_start3A_181 = arith.constant 0 : i32
      %dma_start3A_182 = arith.constant 0 : i32
      %dma_start3A_183 = tpu.memref_slice %arg6[%dma_start3A_181, %dma_start3A_182] : memref<10112x128xf32, #tpu.memory_space<vmem_shared>> -> memref<10112x128xf32, #tpu.memory_space<vmem_shared>>
      tpu.enqueue_indirect_dma source(%arg10 : memref<32x128xf32, #tpu.memory_space<vmem>>) target(%dma_start3A_183 : memref<10112x128xf32, #tpu.memory_space<vmem_shared>>) offsets(%dma_start3A_180 : memref<32xi32, #tpu.memory_space<vmem>>) semaphore(%arg26 : memref<!tpu.dma_semaphore, #tpu.memory_space<semaphore_mem>>) {add = true}
      %dma_wait3A_184 = arith.constant 1 : i32
      %dma_wait3A_185 = arith.constant 0 : i32
      %dma_wait3A_186 = tpu.memref_slice %arg8[%dma_wait3A_184, %dma_wait3A_185] : memref<16x32xi32, #tpu.memory_space<vmem>> -> memref<1x32xi32, #tpu.memory_space<vmem>>
      %dma_wait3A_187 = tpu.memref_squeeze %dma_wait3A_186 : memref<1x32xi32, #tpu.memory_space<vmem>> -> memref<32xi32, #tpu.memory_space<vmem>>
      %dma_wait3A_188 = arith.constant 0 : i32
      %dma_wait3A_189 = arith.constant 0 : i32
      %dma_wait3A_190 = tpu.memref_slice %arg6[%dma_wait3A_188, %dma_wait3A_189] : memref<10112x128xf32, #tpu.memory_space<vmem_shared>> -> memref<10112x128xf32, #tpu.memory_space<vmem_shared>>
      tpu.wait_indirect_dma semaphore(%arg26 : memref<!tpu.dma_semaphore, #tpu.memory_space<semaphore_mem>>) src(%arg10 : memref<32x128xf32, #tpu.memory_space<vmem>>) dst(%dma_wait3A_190 : memref<10112x128xf32, #tpu.memory_space<vmem_shared>>)
      %dma_start3A_191 = arith.constant 9 : i32
      %dma_start3A_192 = arith.constant 0 : i32
      %dma_start3A_193 = tpu.memref_slice %arg7[%dma_start3A_191, %dma_start3A_192] : memref<16x32xi32, #tpu.memory_space<vmem>> -> memref<1x32xi32, #tpu.memory_space<vmem>>
      %dma_start3A_194 = tpu.memref_squeeze %dma_start3A_193 : memref<1x32xi32, #tpu.memory_space<vmem>> -> memref<32xi32, #tpu.memory_space<vmem>>
      %dma_start3A_195 = arith.constant 0 : i32
      %dma_start3A_196 = arith.constant 0 : i32
      %dma_start3A_197 = tpu.memref_slice %arg2[%dma_start3A_195, %dma_start3A_196] : memref<20224x128xf32, #tpu.memory_space<hbm>> -> memref<20224x128xf32, #tpu.memory_space<hbm>>
      tpu.enqueue_indirect_dma source(%dma_start3A_197 : memref<20224x128xf32, #tpu.memory_space<hbm>>) target(%arg10 : memref<32x128xf32, #tpu.memory_space<vmem>>) offsets(%dma_start3A_194 : memref<32xi32, #tpu.memory_space<vmem>>) semaphore(%arg18 : memref<!tpu.dma_semaphore, #tpu.memory_space<semaphore_mem>>)
      %dma_wait3A_198 = arith.constant 2 : i32
      %dma_wait3A_199 = arith.constant 0 : i32
      %dma_wait3A_200 = tpu.memref_slice %arg7[%dma_wait3A_198, %dma_wait3A_199] : memref<16x32xi32, #tpu.memory_space<vmem>> -> memref<1x32xi32, #tpu.memory_space<vmem>>
      %dma_wait3A_201 = tpu.memref_squeeze %dma_wait3A_200 : memref<1x32xi32, #tpu.memory_space<vmem>> -> memref<32xi32, #tpu.memory_space<vmem>>
      %dma_wait3A_202 = arith.constant 0 : i32
      %dma_wait3A_203 = arith.constant 0 : i32
      %dma_wait3A_204 = tpu.memref_slice %arg2[%dma_wait3A_202, %dma_wait3A_203] : memref<20224x128xf32, #tpu.memory_space<hbm>> -> memref<20224x128xf32, #tpu.memory_space<hbm>>
      tpu.wait_indirect_dma semaphore(%arg19 : memref<!tpu.dma_semaphore, #tpu.memory_space<semaphore_mem>>) src(%dma_wait3A_204 : memref<20224x128xf32, #tpu.memory_space<hbm>>) dst(%arg11 : memref<32x128xf32, #tpu.memory_space<vmem>>)
      %dma_start3A_205 = arith.constant 2 : i32
      %dma_start3A_206 = arith.constant 0 : i32
      %dma_start3A_207 = tpu.memref_slice %arg8[%dma_start3A_205, %dma_start3A_206] : memref<16x32xi32, #tpu.memory_space<vmem>> -> memref<1x32xi32, #tpu.memory_space<vmem>>
      %dma_start3A_208 = tpu.memref_squeeze %dma_start3A_207 : memref<1x32xi32, #tpu.memory_space<vmem>> -> memref<32xi32, #tpu.memory_space<vmem>>
      %dma_start3A_209 = arith.constant 0 : i32
      %dma_start3A_210 = arith.constant 0 : i32
      %dma_start3A_211 = tpu.memref_slice %arg6[%dma_start3A_209, %dma_start3A_210] : memref<10112x128xf32, #tpu.memory_space<vmem_shared>> -> memref<10112x128xf32, #tpu.memory_space<vmem_shared>>
      tpu.enqueue_indirect_dma source(%arg11 : memref<32x128xf32, #tpu.memory_space<vmem>>) target(%dma_start3A_211 : memref<10112x128xf32, #tpu.memory_space<vmem_shared>>) offsets(%dma_start3A_208 : memref<32xi32, #tpu.memory_space<vmem>>) semaphore(%arg27 : memref<!tpu.dma_semaphore, #tpu.memory_space<semaphore_mem>>) {add = true}
      %dma_wait3A_212 = arith.constant 2 : i32
      %dma_wait3A_213 = arith.constant 0 : i32
      %dma_wait3A_214 = tpu.memref_slice %arg8[%dma_wait3A_212, %dma_wait3A_213] : memref<16x32xi32, #tpu.memory_space<vmem>> -> memref<1x32xi32, #tpu.memory_space<vmem>>
      %dma_wait3A_215 = tpu.memref_squeeze %dma_wait3A_214 : memref<1x32xi32, #tpu.memory_space<vmem>> -> memref<32xi32, #tpu.memory_space<vmem>>
      %dma_wait3A_216 = arith.constant 0 : i32
      %dma_wait3A_217 = arith.constant 0 : i32
      %dma_wait3A_218 = tpu.memref_slice %arg6[%dma_wait3A_216, %dma_wait3A_217] : memref<10112x128xf32, #tpu.memory_space<vmem_shared>> -> memref<10112x128xf32, #tpu.memory_space<vmem_shared>>
      tpu.wait_indirect_dma semaphore(%arg27 : memref<!tpu.dma_semaphore, #tpu.memory_space<semaphore_mem>>) src(%arg11 : memref<32x128xf32, #tpu.memory_space<vmem>>) dst(%dma_wait3A_218 : memref<10112x128xf32, #tpu.memory_space<vmem_shared>>)
      %dma_start3A_219 = arith.constant 10 : i32
      %dma_start3A_220 = arith.constant 0 : i32
      %dma_start3A_221 = tpu.memref_slice %arg7[%dma_start3A_219, %dma_start3A_220] : memref<16x32xi32, #tpu.memory_space<vmem>> -> memref<1x32xi32, #tpu.memory_space<vmem>>
      %dma_start3A_222 = tpu.memref_squeeze %dma_start3A_221 : memref<1x32xi32, #tpu.memory_space<vmem>> -> memref<32xi32, #tpu.memory_space<vmem>>
      %dma_start3A_223 = arith.constant 0 : i32
      %dma_start3A_224 = arith.constant 0 : i32
      %dma_start3A_225 = tpu.memref_slice %arg2[%dma_start3A_223, %dma_start3A_224] : memref<20224x128xf32, #tpu.memory_space<hbm>> -> memref<20224x128xf32, #tpu.memory_space<hbm>>
      tpu.enqueue_indirect_dma source(%dma_start3A_225 : memref<20224x128xf32, #tpu.memory_space<hbm>>) target(%arg11 : memref<32x128xf32, #tpu.memory_space<vmem>>) offsets(%dma_start3A_222 : memref<32xi32, #tpu.memory_space<vmem>>) semaphore(%arg19 : memref<!tpu.dma_semaphore, #tpu.memory_space<semaphore_mem>>)
      %dma_wait3A_226 = arith.constant 3 : i32
      %dma_wait3A_227 = arith.constant 0 : i32
      %dma_wait3A_228 = tpu.memref_slice %arg7[%dma_wait3A_226, %dma_wait3A_227] : memref<16x32xi32, #tpu.memory_space<vmem>> -> memref<1x32xi32, #tpu.memory_space<vmem>>
      %dma_wait3A_229 = tpu.memref_squeeze %dma_wait3A_228 : memref<1x32xi32, #tpu.memory_space<vmem>> -> memref<32xi32, #tpu.memory_space<vmem>>
      %dma_wait3A_230 = arith.constant 0 : i32
      %dma_wait3A_231 = arith.constant 0 : i32
      %dma_wait3A_232 = tpu.memref_slice %arg2[%dma_wait3A_230, %dma_wait3A_231] : memref<20224x128xf32, #tpu.memory_space<hbm>> -> memref<20224x128xf32, #tpu.memory_space<hbm>>
      tpu.wait_indirect_dma semaphore(%arg20 : memref<!tpu.dma_semaphore, #tpu.memory_space<semaphore_mem>>) src(%dma_wait3A_232 : memref<20224x128xf32, #tpu.memory_space<hbm>>) dst(%arg12 : memref<32x128xf32, #tpu.memory_space<vmem>>)
      %dma_start3A_233 = arith.constant 3 : i32
      %dma_start3A_234 = arith.constant 0 : i32
      %dma_start3A_235 = tpu.memref_slice %arg8[%dma_start3A_233, %dma_start3A_234] : memref<16x32xi32, #tpu.memory_space<vmem>> -> memref<1x32xi32, #tpu.memory_space<vmem>>
      %dma_start3A_236 = tpu.memref_squeeze %dma_start3A_235 : memref<1x32xi32, #tpu.memory_space<vmem>> -> memref<32xi32, #tpu.memory_space<vmem>>
      %dma_start3A_237 = arith.constant 0 : i32
      %dma_start3A_238 = arith.constant 0 : i32
      %dma_start3A_239 = tpu.memref_slice %arg6[%dma_start3A_237, %dma_start3A_238] : memref<10112x128xf32, #tpu.memory_space<vmem_shared>> -> memref<10112x128xf32, #tpu.memory_space<vmem_shared>>
      tpu.enqueue_indirect_dma source(%arg12 : memref<32x128xf32, #tpu.memory_space<vmem>>) target(%dma_start3A_239 : memref<10112x128xf32, #tpu.memory_space<vmem_shared>>) offsets(%dma_start3A_236 : memref<32xi32, #tpu.memory_space<vmem>>) semaphore(%arg28 : memref<!tpu.dma_semaphore, #tpu.memory_space<semaphore_mem>>) {add = true}
      %dma_wait3A_240 = arith.constant 3 : i32
      %dma_wait3A_241 = arith.constant 0 : i32
      %dma_wait3A_242 = tpu.memref_slice %arg8[%dma_wait3A_240, %dma_wait3A_241] : memref<16x32xi32, #tpu.memory_space<vmem>> -> memref<1x32xi32, #tpu.memory_space<vmem>>
      %dma_wait3A_243 = tpu.memref_squeeze %dma_wait3A_242 : memref<1x32xi32, #tpu.memory_space<vmem>> -> memref<32xi32, #tpu.memory_space<vmem>>
      %dma_wait3A_244 = arith.constant 0 : i32
      %dma_wait3A_245 = arith.constant 0 : i32
      %dma_wait3A_246 = tpu.memref_slice %arg6[%dma_wait3A_244, %dma_wait3A_245] : memref<10112x128xf32, #tpu.memory_space<vmem_shared>> -> memref<10112x128xf32, #tpu.memory_space<vmem_shared>>
      tpu.wait_indirect_dma semaphore(%arg28 : memref<!tpu.dma_semaphore, #tpu.memory_space<semaphore_mem>>) src(%arg12 : memref<32x128xf32, #tpu.memory_space<vmem>>) dst(%dma_wait3A_246 : memref<10112x128xf32, #tpu.memory_space<vmem_shared>>)
      %dma_start3A_247 = arith.constant 11 : i32
      %dma_start3A_248 = arith.constant 0 : i32
      %dma_start3A_249 = tpu.memref_slice %arg7[%dma_start3A_247, %dma_start3A_248] : memref<16x32xi32, #tpu.memory_space<vmem>> -> memref<1x32xi32, #tpu.memory_space<vmem>>
      %dma_start3A_250 = tpu.memref_squeeze %dma_start3A_249 : memref<1x32xi32, #tpu.memory_space<vmem>> -> memref<32xi32, #tpu.memory_space<vmem>>
      %dma_start3A_251 = arith.constant 0 : i32
      %dma_start3A_252 = arith.constant 0 : i32
      %dma_start3A_253 = tpu.memref_slice %arg2[%dma_start3A_251, %dma_start3A_252] : memref<20224x128xf32, #tpu.memory_space<hbm>> -> memref<20224x128xf32, #tpu.memory_space<hbm>>
      tpu.enqueue_indirect_dma source(%dma_start3A_253 : memref<20224x128xf32, #tpu.memory_space<hbm>>) target(%arg12 : memref<32x128xf32, #tpu.memory_space<vmem>>) offsets(%dma_start3A_250 : memref<32xi32, #tpu.memory_space<vmem>>) semaphore(%arg20 : memref<!tpu.dma_semaphore, #tpu.memory_space<semaphore_mem>>)
      %dma_wait3A_254 = arith.constant 4 : i32
      %dma_wait3A_255 = arith.constant 0 : i32
      %dma_wait3A_256 = tpu.memref_slice %arg7[%dma_wait3A_254, %dma_wait3A_255] : memref<16x32xi32, #tpu.memory_space<vmem>> -> memref<1x32xi32, #tpu.memory_space<vmem>>
      %dma_wait3A_257 = tpu.memref_squeeze %dma_wait3A_256 : memref<1x32xi32, #tpu.memory_space<vmem>> -> memref<32xi32, #tpu.memory_space<vmem>>
      %dma_wait3A_258 = arith.constant 0 : i32
      %dma_wait3A_259 = arith.constant 0 : i32
      %dma_wait3A_260 = tpu.memref_slice %arg2[%dma_wait3A_258, %dma_wait3A_259] : memref<20224x128xf32, #tpu.memory_space<hbm>> -> memref<20224x128xf32, #tpu.memory_space<hbm>>
      tpu.wait_indirect_dma semaphore(%arg21 : memref<!tpu.dma_semaphore, #tpu.memory_space<semaphore_mem>>) src(%dma_wait3A_260 : memref<20224x128xf32, #tpu.memory_space<hbm>>) dst(%arg13 : memref<32x128xf32, #tpu.memory_space<vmem>>)
      %dma_start3A_261 = arith.constant 4 : i32
      %dma_start3A_262 = arith.constant 0 : i32
      %dma_start3A_263 = tpu.memref_slice %arg8[%dma_start3A_261, %dma_start3A_262] : memref<16x32xi32, #tpu.memory_space<vmem>> -> memref<1x32xi32, #tpu.memory_space<vmem>>
      %dma_start3A_264 = tpu.memref_squeeze %dma_start3A_263 : memref<1x32xi32, #tpu.memory_space<vmem>> -> memref<32xi32, #tpu.memory_space<vmem>>
      %dma_start3A_265 = arith.constant 0 : i32
      %dma_start3A_266 = arith.constant 0 : i32
      %dma_start3A_267 = tpu.memref_slice %arg6[%dma_start3A_265, %dma_start3A_266] : memref<10112x128xf32, #tpu.memory_space<vmem_shared>> -> memref<10112x128xf32, #tpu.memory_space<vmem_shared>>
      tpu.enqueue_indirect_dma source(%arg13 : memref<32x128xf32, #tpu.memory_space<vmem>>) target(%dma_start3A_267 : memref<10112x128xf32, #tpu.memory_space<vmem_shared>>) offsets(%dma_start3A_264 : memref<32xi32, #tpu.memory_space<vmem>>) semaphore(%arg29 : memref<!tpu.dma_semaphore, #tpu.memory_space<semaphore_mem>>) {add = true}
      %dma_wait3A_268 = arith.constant 4 : i32
      %dma_wait3A_269 = arith.constant 0 : i32
      %dma_wait3A_270 = tpu.memref_slice %arg8[%dma_wait3A_268, %dma_wait3A_269] : memref<16x32xi32, #tpu.memory_space<vmem>> -> memref<1x32xi32, #tpu.memory_space<vmem>>
      %dma_wait3A_271 = tpu.memref_squeeze %dma_wait3A_270 : memref<1x32xi32, #tpu.memory_space<vmem>> -> memref<32xi32, #tpu.memory_space<vmem>>
      %dma_wait3A_272 = arith.constant 0 : i32
      %dma_wait3A_273 = arith.constant 0 : i32
      %dma_wait3A_274 = tpu.memref_slice %arg6[%dma_wait3A_272, %dma_wait3A_273] : memref<10112x128xf32, #tpu.memory_space<vmem_shared>> -> memref<10112x128xf32, #tpu.memory_space<vmem_shared>>
      tpu.wait_indirect_dma semaphore(%arg29 : memref<!tpu.dma_semaphore, #tpu.memory_space<semaphore_mem>>) src(%arg13 : memref<32x128xf32, #tpu.memory_space<vmem>>) dst(%dma_wait3A_274 : memref<10112x128xf32, #tpu.memory_space<vmem_shared>>)
      %dma_start3A_275 = arith.constant 12 : i32
      %dma_start3A_276 = arith.constant 0 : i32
      %dma_start3A_277 = tpu.memref_slice %arg7[%dma_start3A_275, %dma_start3A_276] : memref<16x32xi32, #tpu.memory_space<vmem>> -> memref<1x32xi32, #tpu.memory_space<vmem>>
      %dma_start3A_278 = tpu.memref_squeeze %dma_start3A_277 : memref<1x32xi32, #tpu.memory_space<vmem>> -> memref<32xi32, #tpu.memory_space<vmem>>
      %dma_start3A_279 = arith.constant 0 : i32
      %dma_start3A_280 = arith.constant 0 : i32
      %dma_start3A_281 = tpu.memref_slice %arg2[%dma_start3A_279, %dma_start3A_280] : memref<20224x128xf32, #tpu.memory_space<hbm>> -> memref<20224x128xf32, #tpu.memory_space<hbm>>
      tpu.enqueue_indirect_dma source(%dma_start3A_281 : memref<20224x128xf32, #tpu.memory_space<hbm>>) target(%arg13 : memref<32x128xf32, #tpu.memory_space<vmem>>) offsets(%dma_start3A_278 : memref<32xi32, #tpu.memory_space<vmem>>) semaphore(%arg21 : memref<!tpu.dma_semaphore, #tpu.memory_space<semaphore_mem>>)
      %dma_wait3A_282 = arith.constant 5 : i32
      %dma_wait3A_283 = arith.constant 0 : i32
      %dma_wait3A_284 = tpu.memref_slice %arg7[%dma_wait3A_282, %dma_wait3A_283] : memref<16x32xi32, #tpu.memory_space<vmem>> -> memref<1x32xi32, #tpu.memory_space<vmem>>
      %dma_wait3A_285 = tpu.memref_squeeze %dma_wait3A_284 : memref<1x32xi32, #tpu.memory_space<vmem>> -> memref<32xi32, #tpu.memory_space<vmem>>
      %dma_wait3A_286 = arith.constant 0 : i32
      %dma_wait3A_287 = arith.constant 0 : i32
      %dma_wait3A_288 = tpu.memref_slice %arg2[%dma_wait3A_286, %dma_wait3A_287] : memref<20224x128xf32, #tpu.memory_space<hbm>> -> memref<20224x128xf32, #tpu.memory_space<hbm>>
      tpu.wait_indirect_dma semaphore(%arg22 : memref<!tpu.dma_semaphore, #tpu.memory_space<semaphore_mem>>) src(%dma_wait3A_288 : memref<20224x128xf32, #tpu.memory_space<hbm>>) dst(%arg14 : memref<32x128xf32, #tpu.memory_space<vmem>>)
      %dma_start3A_289 = arith.constant 5 : i32
      %dma_start3A_290 = arith.constant 0 : i32
      %dma_start3A_291 = tpu.memref_slice %arg8[%dma_start3A_289, %dma_start3A_290] : memref<16x32xi32, #tpu.memory_space<vmem>> -> memref<1x32xi32, #tpu.memory_space<vmem>>
      %dma_start3A_292 = tpu.memref_squeeze %dma_start3A_291 : memref<1x32xi32, #tpu.memory_space<vmem>> -> memref<32xi32, #tpu.memory_space<vmem>>
      %dma_start3A_293 = arith.constant 0 : i32
      %dma_start3A_294 = arith.constant 0 : i32
      %dma_start3A_295 = tpu.memref_slice %arg6[%dma_start3A_293, %dma_start3A_294] : memref<10112x128xf32, #tpu.memory_space<vmem_shared>> -> memref<10112x128xf32, #tpu.memory_space<vmem_shared>>
      tpu.enqueue_indirect_dma source(%arg14 : memref<32x128xf32, #tpu.memory_space<vmem>>) target(%dma_start3A_295 : memref<10112x128xf32, #tpu.memory_space<vmem_shared>>) offsets(%dma_start3A_292 : memref<32xi32, #tpu.memory_space<vmem>>) semaphore(%arg30 : memref<!tpu.dma_semaphore, #tpu.memory_space<semaphore_mem>>) {add = true}
      %dma_wait3A_296 = arith.constant 5 : i32
      %dma_wait3A_297 = arith.constant 0 : i32
      %dma_wait3A_298 = tpu.memref_slice %arg8[%dma_wait3A_296, %dma_wait3A_297] : memref<16x32xi32, #tpu.memory_space<vmem>> -> memref<1x32xi32, #tpu.memory_space<vmem>>
      %dma_wait3A_299 = tpu.memref_squeeze %dma_wait3A_298 : memref<1x32xi32, #tpu.memory_space<vmem>> -> memref<32xi32, #tpu.memory_space<vmem>>
      %dma_wait3A_300 = arith.constant 0 : i32
      %dma_wait3A_301 = arith.constant 0 : i32
      %dma_wait3A_302 = tpu.memref_slice %arg6[%dma_wait3A_300, %dma_wait3A_301] : memref<10112x128xf32, #tpu.memory_space<vmem_shared>> -> memref<10112x128xf32, #tpu.memory_space<vmem_shared>>
      tpu.wait_indirect_dma semaphore(%arg30 : memref<!tpu.dma_semaphore, #tpu.memory_space<semaphore_mem>>) src(%arg14 : memref<32x128xf32, #tpu.memory_space<vmem>>) dst(%dma_wait3A_302 : memref<10112x128xf32, #tpu.memory_space<vmem_shared>>)
      %dma_start3A_303 = arith.constant 13 : i32
      %dma_start3A_304 = arith.constant 0 : i32
      %dma_start3A_305 = tpu.memref_slice %arg7[%dma_start3A_303, %dma_start3A_304] : memref<16x32xi32, #tpu.memory_space<vmem>> -> memref<1x32xi32, #tpu.memory_space<vmem>>
      %dma_start3A_306 = tpu.memref_squeeze %dma_start3A_305 : memref<1x32xi32, #tpu.memory_space<vmem>> -> memref<32xi32, #tpu.memory_space<vmem>>
      %dma_start3A_307 = arith.constant 0 : i32
      %dma_start3A_308 = arith.constant 0 : i32
      %dma_start3A_309 = tpu.memref_slice %arg2[%dma_start3A_307, %dma_start3A_308] : memref<20224x128xf32, #tpu.memory_space<hbm>> -> memref<20224x128xf32, #tpu.memory_space<hbm>>
      tpu.enqueue_indirect_dma source(%dma_start3A_309 : memref<20224x128xf32, #tpu.memory_space<hbm>>) target(%arg14 : memref<32x128xf32, #tpu.memory_space<vmem>>) offsets(%dma_start3A_306 : memref<32xi32, #tpu.memory_space<vmem>>) semaphore(%arg22 : memref<!tpu.dma_semaphore, #tpu.memory_space<semaphore_mem>>)
      %dma_wait3A_310 = arith.constant 6 : i32
      %dma_wait3A_311 = arith.constant 0 : i32
      %dma_wait3A_312 = tpu.memref_slice %arg7[%dma_wait3A_310, %dma_wait3A_311] : memref<16x32xi32, #tpu.memory_space<vmem>> -> memref<1x32xi32, #tpu.memory_space<vmem>>
      %dma_wait3A_313 = tpu.memref_squeeze %dma_wait3A_312 : memref<1x32xi32, #tpu.memory_space<vmem>> -> memref<32xi32, #tpu.memory_space<vmem>>
      %dma_wait3A_314 = arith.constant 0 : i32
      %dma_wait3A_315 = arith.constant 0 : i32
      %dma_wait3A_316 = tpu.memref_slice %arg2[%dma_wait3A_314, %dma_wait3A_315] : memref<20224x128xf32, #tpu.memory_space<hbm>> -> memref<20224x128xf32, #tpu.memory_space<hbm>>
      tpu.wait_indirect_dma semaphore(%arg23 : memref<!tpu.dma_semaphore, #tpu.memory_space<semaphore_mem>>) src(%dma_wait3A_316 : memref<20224x128xf32, #tpu.memory_space<hbm>>) dst(%arg15 : memref<32x128xf32, #tpu.memory_space<vmem>>)
      %dma_start3A_317 = arith.constant 6 : i32
      %dma_start3A_318 = arith.constant 0 : i32
      %dma_start3A_319 = tpu.memref_slice %arg8[%dma_start3A_317, %dma_start3A_318] : memref<16x32xi32, #tpu.memory_space<vmem>> -> memref<1x32xi32, #tpu.memory_space<vmem>>
      %dma_start3A_320 = tpu.memref_squeeze %dma_start3A_319 : memref<1x32xi32, #tpu.memory_space<vmem>> -> memref<32xi32, #tpu.memory_space<vmem>>
      %dma_start3A_321 = arith.constant 0 : i32
      %dma_start3A_322 = arith.constant 0 : i32
      %dma_start3A_323 = tpu.memref_slice %arg6[%dma_start3A_321, %dma_start3A_322] : memref<10112x128xf32, #tpu.memory_space<vmem_shared>> -> memref<10112x128xf32, #tpu.memory_space<vmem_shared>>
      tpu.enqueue_indirect_dma source(%arg15 : memref<32x128xf32, #tpu.memory_space<vmem>>) target(%dma_start3A_323 : memref<10112x128xf32, #tpu.memory_space<vmem_shared>>) offsets(%dma_start3A_320 : memref<32xi32, #tpu.memory_space<vmem>>) semaphore(%arg31 : memref<!tpu.dma_semaphore, #tpu.memory_space<semaphore_mem>>) {add = true}
      %dma_wait3A_324 = arith.constant 6 : i32
      %dma_wait3A_325 = arith.constant 0 : i32
      %dma_wait3A_326 = tpu.memref_slice %arg8[%dma_wait3A_324, %dma_wait3A_325] : memref<16x32xi32, #tpu.memory_space<vmem>> -> memref<1x32xi32, #tpu.memory_space<vmem>>
      %dma_wait3A_327 = tpu.memref_squeeze %dma_wait3A_326 : memref<1x32xi32, #tpu.memory_space<vmem>> -> memref<32xi32, #tpu.memory_space<vmem>>
      %dma_wait3A_328 = arith.constant 0 : i32
      %dma_wait3A_329 = arith.constant 0 : i32
      %dma_wait3A_330 = tpu.memref_slice %arg6[%dma_wait3A_328, %dma_wait3A_329] : memref<10112x128xf32, #tpu.memory_space<vmem_shared>> -> memref<10112x128xf32, #tpu.memory_space<vmem_shared>>
      tpu.wait_indirect_dma semaphore(%arg31 : memref<!tpu.dma_semaphore, #tpu.memory_space<semaphore_mem>>) src(%arg15 : memref<32x128xf32, #tpu.memory_space<vmem>>) dst(%dma_wait3A_330 : memref<10112x128xf32, #tpu.memory_space<vmem_shared>>)
      %dma_start3A_331 = arith.constant 14 : i32
      %dma_start3A_332 = arith.constant 0 : i32
      %dma_start3A_333 = tpu.memref_slice %arg7[%dma_start3A_331, %dma_start3A_332] : memref<16x32xi32, #tpu.memory_space<vmem>> -> memref<1x32xi32, #tpu.memory_space<vmem>>
      %dma_start3A_334 = tpu.memref_squeeze %dma_start3A_333 : memref<1x32xi32, #tpu.memory_space<vmem>> -> memref<32xi32, #tpu.memory_space<vmem>>
      %dma_start3A_335 = arith.constant 0 : i32
      %dma_start3A_336 = arith.constant 0 : i32
      %dma_start3A_337 = tpu.memref_slice %arg2[%dma_start3A_335, %dma_start3A_336] : memref<20224x128xf32, #tpu.memory_space<hbm>> -> memref<20224x128xf32, #tpu.memory_space<hbm>>
      tpu.enqueue_indirect_dma source(%dma_start3A_337 : memref<20224x128xf32, #tpu.memory_space<hbm>>) target(%arg15 : memref<32x128xf32, #tpu.memory_space<vmem>>) offsets(%dma_start3A_334 : memref<32xi32, #tpu.memory_space<vmem>>) semaphore(%arg23 : memref<!tpu.dma_semaphore, #tpu.memory_space<semaphore_mem>>)
      %dma_wait3A_338 = arith.constant 7 : i32
      %dma_wait3A_339 = arith.constant 0 : i32
      %dma_wait3A_340 = tpu.memref_slice %arg7[%dma_wait3A_338, %dma_wait3A_339] : memref<16x32xi32, #tpu.memory_space<vmem>> -> memref<1x32xi32, #tpu.memory_space<vmem>>
      %dma_wait3A_341 = tpu.memref_squeeze %dma_wait3A_340 : memref<1x32xi32, #tpu.memory_space<vmem>> -> memref<32xi32, #tpu.memory_space<vmem>>
      %dma_wait3A_342 = arith.constant 0 : i32
      %dma_wait3A_343 = arith.constant 0 : i32
      %dma_wait3A_344 = tpu.memref_slice %arg2[%dma_wait3A_342, %dma_wait3A_343] : memref<20224x128xf32, #tpu.memory_space<hbm>> -> memref<20224x128xf32, #tpu.memory_space<hbm>>
      tpu.wait_indirect_dma semaphore(%arg24 : memref<!tpu.dma_semaphore, #tpu.memory_space<semaphore_mem>>) src(%dma_wait3A_344 : memref<20224x128xf32, #tpu.memory_space<hbm>>) dst(%arg16 : memref<32x128xf32, #tpu.memory_space<vmem>>)
      %dma_start3A_345 = arith.constant 7 : i32
      %dma_start3A_346 = arith.constant 0 : i32
      %dma_start3A_347 = tpu.memref_slice %arg8[%dma_start3A_345, %dma_start3A_346] : memref<16x32xi32, #tpu.memory_space<vmem>> -> memref<1x32xi32, #tpu.memory_space<vmem>>
      %dma_start3A_348 = tpu.memref_squeeze %dma_start3A_347 : memref<1x32xi32, #tpu.memory_space<vmem>> -> memref<32xi32, #tpu.memory_space<vmem>>
      %dma_start3A_349 = arith.constant 0 : i32
      %dma_start3A_350 = arith.constant 0 : i32
      %dma_start3A_351 = tpu.memref_slice %arg6[%dma_start3A_349, %dma_start3A_350] : memref<10112x128xf32, #tpu.memory_space<vmem_shared>> -> memref<10112x128xf32, #tpu.memory_space<vmem_shared>>
      tpu.enqueue_indirect_dma source(%arg16 : memref<32x128xf32, #tpu.memory_space<vmem>>) target(%dma_start3A_351 : memref<10112x128xf32, #tpu.memory_space<vmem_shared>>) offsets(%dma_start3A_348 : memref<32xi32, #tpu.memory_space<vmem>>) semaphore(%arg32 : memref<!tpu.dma_semaphore, #tpu.memory_space<semaphore_mem>>) {add = true}
      %dma_wait3A_352 = arith.constant 7 : i32
      %dma_wait3A_353 = arith.constant 0 : i32
      %dma_wait3A_354 = tpu.memref_slice %arg8[%dma_wait3A_352, %dma_wait3A_353] : memref<16x32xi32, #tpu.memory_space<vmem>> -> memref<1x32xi32, #tpu.memory_space<vmem>>
      %dma_wait3A_355 = tpu.memref_squeeze %dma_wait3A_354 : memref<1x32xi32, #tpu.memory_space<vmem>> -> memref<32xi32, #tpu.memory_space<vmem>>
      %dma_wait3A_356 = arith.constant 0 : i32
      %dma_wait3A_357 = arith.constant 0 : i32
      %dma_wait3A_358 = tpu.memref_slice %arg6[%dma_wait3A_356, %dma_wait3A_357] : memref<10112x128xf32, #tpu.memory_space<vmem_shared>> -> memref<10112x128xf32, #tpu.memory_space<vmem_shared>>
      tpu.wait_indirect_dma semaphore(%arg32 : memref<!tpu.dma_semaphore, #tpu.memory_space<semaphore_mem>>) src(%arg16 : memref<32x128xf32, #tpu.memory_space<vmem>>) dst(%dma_wait3A_358 : memref<10112x128xf32, #tpu.memory_space<vmem_shared>>)
      %dma_start3A_359 = arith.constant 15 : i32
      %dma_start3A_360 = arith.constant 0 : i32
      %dma_start3A_361 = tpu.memref_slice %arg7[%dma_start3A_359, %dma_start3A_360] : memref<16x32xi32, #tpu.memory_space<vmem>> -> memref<1x32xi32, #tpu.memory_space<vmem>>
      %dma_start3A_362 = tpu.memref_squeeze %dma_start3A_361 : memref<1x32xi32, #tpu.memory_space<vmem>> -> memref<32xi32, #tpu.memory_space<vmem>>
      %dma_start3A_363 = arith.constant 0 : i32
      %dma_start3A_364 = arith.constant 0 : i32
      %dma_start3A_365 = tpu.memref_slice %arg2[%dma_start3A_363, %dma_start3A_364] : memref<20224x128xf32, #tpu.memory_space<hbm>> -> memref<20224x128xf32, #tpu.memory_space<hbm>>
      tpu.enqueue_indirect_dma source(%dma_start3A_365 : memref<20224x128xf32, #tpu.memory_space<hbm>>) target(%arg16 : memref<32x128xf32, #tpu.memory_space<vmem>>) offsets(%dma_start3A_362 : memref<32xi32, #tpu.memory_space<vmem>>) semaphore(%arg24 : memref<!tpu.dma_semaphore, #tpu.memory_space<semaphore_mem>>)
      %dma_wait3A_366 = arith.constant 8 : i32
      %dma_wait3A_367 = arith.constant 0 : i32
      %dma_wait3A_368 = tpu.memref_slice %arg7[%dma_wait3A_366, %dma_wait3A_367] : memref<16x32xi32, #tpu.memory_space<vmem>> -> memref<1x32xi32, #tpu.memory_space<vmem>>
      %dma_wait3A_369 = tpu.memref_squeeze %dma_wait3A_368 : memref<1x32xi32, #tpu.memory_space<vmem>> -> memref<32xi32, #tpu.memory_space<vmem>>
      %dma_wait3A_370 = arith.constant 0 : i32
      %dma_wait3A_371 = arith.constant 0 : i32
      %dma_wait3A_372 = tpu.memref_slice %arg2[%dma_wait3A_370, %dma_wait3A_371] : memref<20224x128xf32, #tpu.memory_space<hbm>> -> memref<20224x128xf32, #tpu.memory_space<hbm>>
      tpu.wait_indirect_dma semaphore(%arg17 : memref<!tpu.dma_semaphore, #tpu.memory_space<semaphore_mem>>) src(%dma_wait3A_372 : memref<20224x128xf32, #tpu.memory_space<hbm>>) dst(%arg9 : memref<32x128xf32, #tpu.memory_space<vmem>>)
      %dma_start3A_373 = arith.constant 8 : i32
      %dma_start3A_374 = arith.constant 0 : i32
      %dma_start3A_375 = tpu.memref_slice %arg8[%dma_start3A_373, %dma_start3A_374] : memref<16x32xi32, #tpu.memory_space<vmem>> -> memref<1x32xi32, #tpu.memory_space<vmem>>
      %dma_start3A_376 = tpu.memref_squeeze %dma_start3A_375 : memref<1x32xi32, #tpu.memory_space<vmem>> -> memref<32xi32, #tpu.memory_space<vmem>>
      %dma_start3A_377 = arith.constant 0 : i32
      %dma_start3A_378 = arith.constant 0 : i32
      %dma_start3A_379 = tpu.memref_slice %arg6[%dma_start3A_377, %dma_start3A_378] : memref<10112x128xf32, #tpu.memory_space<vmem_shared>> -> memref<10112x128xf32, #tpu.memory_space<vmem_shared>>
      tpu.enqueue_indirect_dma source(%arg9 : memref<32x128xf32, #tpu.memory_space<vmem>>) target(%dma_start3A_379 : memref<10112x128xf32, #tpu.memory_space<vmem_shared>>) offsets(%dma_start3A_376 : memref<32xi32, #tpu.memory_space<vmem>>) semaphore(%arg25 : memref<!tpu.dma_semaphore, #tpu.memory_space<semaphore_mem>>) {add = true}
      %dma_wait3A_380 = arith.constant 9 : i32
      %dma_wait3A_381 = arith.constant 0 : i32
      %dma_wait3A_382 = tpu.memref_slice %arg7[%dma_wait3A_380, %dma_wait3A_381] : memref<16x32xi32, #tpu.memory_space<vmem>> -> memref<1x32xi32, #tpu.memory_space<vmem>>
      %dma_wait3A_383 = tpu.memref_squeeze %dma_wait3A_382 : memref<1x32xi32, #tpu.memory_space<vmem>> -> memref<32xi32, #tpu.memory_space<vmem>>
      %dma_wait3A_384 = arith.constant 0 : i32
      %dma_wait3A_385 = arith.constant 0 : i32
      %dma_wait3A_386 = tpu.memref_slice %arg2[%dma_wait3A_384, %dma_wait3A_385] : memref<20224x128xf32, #tpu.memory_space<hbm>> -> memref<20224x128xf32, #tpu.memory_space<hbm>>
      tpu.wait_indirect_dma semaphore(%arg18 : memref<!tpu.dma_semaphore, #tpu.memory_space<semaphore_mem>>) src(%dma_wait3A_386 : memref<20224x128xf32, #tpu.memory_space<hbm>>) dst(%arg10 : memref<32x128xf32, #tpu.memory_space<vmem>>)
      %dma_start3A_387 = arith.constant 9 : i32
      %dma_start3A_388 = arith.constant 0 : i32
      %dma_start3A_389 = tpu.memref_slice %arg8[%dma_start3A_387, %dma_start3A_388] : memref<16x32xi32, #tpu.memory_space<vmem>> -> memref<1x32xi32, #tpu.memory_space<vmem>>
      %dma_start3A_390 = tpu.memref_squeeze %dma_start3A_389 : memref<1x32xi32, #tpu.memory_space<vmem>> -> memref<32xi32, #tpu.memory_space<vmem>>
      %dma_start3A_391 = arith.constant 0 : i32
      %dma_start3A_392 = arith.constant 0 : i32
      %dma_start3A_393 = tpu.memref_slice %arg6[%dma_start3A_391, %dma_start3A_392] : memref<10112x128xf32, #tpu.memory_space<vmem_shared>> -> memref<10112x128xf32, #tpu.memory_space<vmem_shared>>
      tpu.enqueue_indirect_dma source(%arg10 : memref<32x128xf32, #tpu.memory_space<vmem>>) target(%dma_start3A_393 : memref<10112x128xf32, #tpu.memory_space<vmem_shared>>) offsets(%dma_start3A_390 : memref<32xi32, #tpu.memory_space<vmem>>) semaphore(%arg26 : memref<!tpu.dma_semaphore, #tpu.memory_space<semaphore_mem>>) {add = true}
      %dma_wait3A_394 = arith.constant 10 : i32
      %dma_wait3A_395 = arith.constant 0 : i32
      %dma_wait3A_396 = tpu.memref_slice %arg7[%dma_wait3A_394, %dma_wait3A_395] : memref<16x32xi32, #tpu.memory_space<vmem>> -> memref<1x32xi32, #tpu.memory_space<vmem>>
      %dma_wait3A_397 = tpu.memref_squeeze %dma_wait3A_396 : memref<1x32xi32, #tpu.memory_space<vmem>> -> memref<32xi32, #tpu.memory_space<vmem>>
      %dma_wait3A_398 = arith.constant 0 : i32
      %dma_wait3A_399 = arith.constant 0 : i32
      %dma_wait3A_400 = tpu.memref_slice %arg2[%dma_wait3A_398, %dma_wait3A_399] : memref<20224x128xf32, #tpu.memory_space<hbm>> -> memref<20224x128xf32, #tpu.memory_space<hbm>>
      tpu.wait_indirect_dma semaphore(%arg19 : memref<!tpu.dma_semaphore, #tpu.memory_space<semaphore_mem>>) src(%dma_wait3A_400 : memref<20224x128xf32, #tpu.memory_space<hbm>>) dst(%arg11 : memref<32x128xf32, #tpu.memory_space<vmem>>)
      %dma_start3A_401 = arith.constant 10 : i32
      %dma_start3A_402 = arith.constant 0 : i32
      %dma_start3A_403 = tpu.memref_slice %arg8[%dma_start3A_401, %dma_start3A_402] : memref<16x32xi32, #tpu.memory_space<vmem>> -> memref<1x32xi32, #tpu.memory_space<vmem>>
      %dma_start3A_404 = tpu.memref_squeeze %dma_start3A_403 : memref<1x32xi32, #tpu.memory_space<vmem>> -> memref<32xi32, #tpu.memory_space<vmem>>
      %dma_start3A_405 = arith.constant 0 : i32
      %dma_start3A_406 = arith.constant 0 : i32
      %dma_start3A_407 = tpu.memref_slice %arg6[%dma_start3A_405, %dma_start3A_406] : memref<10112x128xf32, #tpu.memory_space<vmem_shared>> -> memref<10112x128xf32, #tpu.memory_space<vmem_shared>>
      tpu.enqueue_indirect_dma source(%arg11 : memref<32x128xf32, #tpu.memory_space<vmem>>) target(%dma_start3A_407 : memref<10112x128xf32, #tpu.memory_space<vmem_shared>>) offsets(%dma_start3A_404 : memref<32xi32, #tpu.memory_space<vmem>>) semaphore(%arg27 : memref<!tpu.dma_semaphore, #tpu.memory_space<semaphore_mem>>) {add = true}
      %dma_wait3A_408 = arith.constant 11 : i32
      %dma_wait3A_409 = arith.constant 0 : i32
      %dma_wait3A_410 = tpu.memref_slice %arg7[%dma_wait3A_408, %dma_wait3A_409] : memref<16x32xi32, #tpu.memory_space<vmem>> -> memref<1x32xi32, #tpu.memory_space<vmem>>
      %dma_wait3A_411 = tpu.memref_squeeze %dma_wait3A_410 : memref<1x32xi32, #tpu.memory_space<vmem>> -> memref<32xi32, #tpu.memory_space<vmem>>
      %dma_wait3A_412 = arith.constant 0 : i32
      %dma_wait3A_413 = arith.constant 0 : i32
      %dma_wait3A_414 = tpu.memref_slice %arg2[%dma_wait3A_412, %dma_wait3A_413] : memref<20224x128xf32, #tpu.memory_space<hbm>> -> memref<20224x128xf32, #tpu.memory_space<hbm>>
      tpu.wait_indirect_dma semaphore(%arg20 : memref<!tpu.dma_semaphore, #tpu.memory_space<semaphore_mem>>) src(%dma_wait3A_414 : memref<20224x128xf32, #tpu.memory_space<hbm>>) dst(%arg12 : memref<32x128xf32, #tpu.memory_space<vmem>>)
      %dma_start3A_415 = arith.constant 11 : i32
      %dma_start3A_416 = arith.constant 0 : i32
      %dma_start3A_417 = tpu.memref_slice %arg8[%dma_start3A_415, %dma_start3A_416] : memref<16x32xi32, #tpu.memory_space<vmem>> -> memref<1x32xi32, #tpu.memory_space<vmem>>
      %dma_start3A_418 = tpu.memref_squeeze %dma_start3A_417 : memref<1x32xi32, #tpu.memory_space<vmem>> -> memref<32xi32, #tpu.memory_space<vmem>>
      %dma_start3A_419 = arith.constant 0 : i32
      %dma_start3A_420 = arith.constant 0 : i32
      %dma_start3A_421 = tpu.memref_slice %arg6[%dma_start3A_419, %dma_start3A_420] : memref<10112x128xf32, #tpu.memory_space<vmem_shared>> -> memref<10112x128xf32, #tpu.memory_space<vmem_shared>>
      tpu.enqueue_indirect_dma source(%arg12 : memref<32x128xf32, #tpu.memory_space<vmem>>) target(%dma_start3A_421 : memref<10112x128xf32, #tpu.memory_space<vmem_shared>>) offsets(%dma_start3A_418 : memref<32xi32, #tpu.memory_space<vmem>>) semaphore(%arg28 : memref<!tpu.dma_semaphore, #tpu.memory_space<semaphore_mem>>) {add = true}
      %dma_wait3A_422 = arith.constant 12 : i32
      %dma_wait3A_423 = arith.constant 0 : i32
      %dma_wait3A_424 = tpu.memref_slice %arg7[%dma_wait3A_422, %dma_wait3A_423] : memref<16x32xi32, #tpu.memory_space<vmem>> -> memref<1x32xi32, #tpu.memory_space<vmem>>
      %dma_wait3A_425 = tpu.memref_squeeze %dma_wait3A_424 : memref<1x32xi32, #tpu.memory_space<vmem>> -> memref<32xi32, #tpu.memory_space<vmem>>
      %dma_wait3A_426 = arith.constant 0 : i32
      %dma_wait3A_427 = arith.constant 0 : i32
      %dma_wait3A_428 = tpu.memref_slice %arg2[%dma_wait3A_426, %dma_wait3A_427] : memref<20224x128xf32, #tpu.memory_space<hbm>> -> memref<20224x128xf32, #tpu.memory_space<hbm>>
      tpu.wait_indirect_dma semaphore(%arg21 : memref<!tpu.dma_semaphore, #tpu.memory_space<semaphore_mem>>) src(%dma_wait3A_428 : memref<20224x128xf32, #tpu.memory_space<hbm>>) dst(%arg13 : memref<32x128xf32, #tpu.memory_space<vmem>>)
      %dma_start3A_429 = arith.constant 12 : i32
      %dma_start3A_430 = arith.constant 0 : i32
      %dma_start3A_431 = tpu.memref_slice %arg8[%dma_start3A_429, %dma_start3A_430] : memref<16x32xi32, #tpu.memory_space<vmem>> -> memref<1x32xi32, #tpu.memory_space<vmem>>
      %dma_start3A_432 = tpu.memref_squeeze %dma_start3A_431 : memref<1x32xi32, #tpu.memory_space<vmem>> -> memref<32xi32, #tpu.memory_space<vmem>>
      %dma_start3A_433 = arith.constant 0 : i32
      %dma_start3A_434 = arith.constant 0 : i32
      %dma_start3A_435 = tpu.memref_slice %arg6[%dma_start3A_433, %dma_start3A_434] : memref<10112x128xf32, #tpu.memory_space<vmem_shared>> -> memref<10112x128xf32, #tpu.memory_space<vmem_shared>>
      tpu.enqueue_indirect_dma source(%arg13 : memref<32x128xf32, #tpu.memory_space<vmem>>) target(%dma_start3A_435 : memref<10112x128xf32, #tpu.memory_space<vmem_shared>>) offsets(%dma_start3A_432 : memref<32xi32, #tpu.memory_space<vmem>>) semaphore(%arg29 : memref<!tpu.dma_semaphore, #tpu.memory_space<semaphore_mem>>) {add = true}
      %dma_wait3A_436 = arith.constant 13 : i32
      %dma_wait3A_437 = arith.constant 0 : i32
      %dma_wait3A_438 = tpu.memref_slice %arg7[%dma_wait3A_436, %dma_wait3A_437] : memref<16x32xi32, #tpu.memory_space<vmem>> -> memref<1x32xi32, #tpu.memory_space<vmem>>
      %dma_wait3A_439 = tpu.memref_squeeze %dma_wait3A_438 : memref<1x32xi32, #tpu.memory_space<vmem>> -> memref<32xi32, #tpu.memory_space<vmem>>
      %dma_wait3A_440 = arith.constant 0 : i32
      %dma_wait3A_441 = arith.constant 0 : i32
      %dma_wait3A_442 = tpu.memref_slice %arg2[%dma_wait3A_440, %dma_wait3A_441] : memref<20224x128xf32, #tpu.memory_space<hbm>> -> memref<20224x128xf32, #tpu.memory_space<hbm>>
      tpu.wait_indirect_dma semaphore(%arg22 : memref<!tpu.dma_semaphore, #tpu.memory_space<semaphore_mem>>) src(%dma_wait3A_442 : memref<20224x128xf32, #tpu.memory_space<hbm>>) dst(%arg14 : memref<32x128xf32, #tpu.memory_space<vmem>>)
      %dma_start3A_443 = arith.constant 13 : i32
      %dma_start3A_444 = arith.constant 0 : i32
      %dma_start3A_445 = tpu.memref_slice %arg8[%dma_start3A_443, %dma_start3A_444] : memref<16x32xi32, #tpu.memory_space<vmem>> -> memref<1x32xi32, #tpu.memory_space<vmem>>
      %dma_start3A_446 = tpu.memref_squeeze %dma_start3A_445 : memref<1x32xi32, #tpu.memory_space<vmem>> -> memref<32xi32, #tpu.memory_space<vmem>>
      %dma_start3A_447 = arith.constant 0 : i32
      %dma_start3A_448 = arith.constant 0 : i32
      %dma_start3A_449 = tpu.memref_slice %arg6[%dma_start3A_447, %dma_start3A_448] : memref<10112x128xf32, #tpu.memory_space<vmem_shared>> -> memref<10112x128xf32, #tpu.memory_space<vmem_shared>>
      tpu.enqueue_indirect_dma source(%arg14 : memref<32x128xf32, #tpu.memory_space<vmem>>) target(%dma_start3A_449 : memref<10112x128xf32, #tpu.memory_space<vmem_shared>>) offsets(%dma_start3A_446 : memref<32xi32, #tpu.memory_space<vmem>>) semaphore(%arg30 : memref<!tpu.dma_semaphore, #tpu.memory_space<semaphore_mem>>) {add = true}
      %dma_wait3A_450 = arith.constant 14 : i32
      %dma_wait3A_451 = arith.constant 0 : i32
      %dma_wait3A_452 = tpu.memref_slice %arg7[%dma_wait3A_450, %dma_wait3A_451] : memref<16x32xi32, #tpu.memory_space<vmem>> -> memref<1x32xi32, #tpu.memory_space<vmem>>
      %dma_wait3A_453 = tpu.memref_squeeze %dma_wait3A_452 : memref<1x32xi32, #tpu.memory_space<vmem>> -> memref<32xi32, #tpu.memory_space<vmem>>
      %dma_wait3A_454 = arith.constant 0 : i32
      %dma_wait3A_455 = arith.constant 0 : i32
      %dma_wait3A_456 = tpu.memref_slice %arg2[%dma_wait3A_454, %dma_wait3A_455] : memref<20224x128xf32, #tpu.memory_space<hbm>> -> memref<20224x128xf32, #tpu.memory_space<hbm>>
      tpu.wait_indirect_dma semaphore(%arg23 : memref<!tpu.dma_semaphore, #tpu.memory_space<semaphore_mem>>) src(%dma_wait3A_456 : memref<20224x128xf32, #tpu.memory_space<hbm>>) dst(%arg15 : memref<32x128xf32, #tpu.memory_space<vmem>>)
      %dma_start3A_457 = arith.constant 14 : i32
      %dma_start3A_458 = arith.constant 0 : i32
      %dma_start3A_459 = tpu.memref_slice %arg8[%dma_start3A_457, %dma_start3A_458] : memref<16x32xi32, #tpu.memory_space<vmem>> -> memref<1x32xi32, #tpu.memory_space<vmem>>
      %dma_start3A_460 = tpu.memref_squeeze %dma_start3A_459 : memref<1x32xi32, #tpu.memory_space<vmem>> -> memref<32xi32, #tpu.memory_space<vmem>>
      %dma_start3A_461 = arith.constant 0 : i32
      %dma_start3A_462 = arith.constant 0 : i32
      %dma_start3A_463 = tpu.memref_slice %arg6[%dma_start3A_461, %dma_start3A_462] : memref<10112x128xf32, #tpu.memory_space<vmem_shared>> -> memref<10112x128xf32, #tpu.memory_space<vmem_shared>>
      tpu.enqueue_indirect_dma source(%arg15 : memref<32x128xf32, #tpu.memory_space<vmem>>) target(%dma_start3A_463 : memref<10112x128xf32, #tpu.memory_space<vmem_shared>>) offsets(%dma_start3A_460 : memref<32xi32, #tpu.memory_space<vmem>>) semaphore(%arg31 : memref<!tpu.dma_semaphore, #tpu.memory_space<semaphore_mem>>) {add = true}
      %dma_wait3A_464 = arith.constant 15 : i32
      %dma_wait3A_465 = arith.constant 0 : i32
      %dma_wait3A_466 = tpu.memref_slice %arg7[%dma_wait3A_464, %dma_wait3A_465] : memref<16x32xi32, #tpu.memory_space<vmem>> -> memref<1x32xi32, #tpu.memory_space<vmem>>
      %dma_wait3A_467 = tpu.memref_squeeze %dma_wait3A_466 : memref<1x32xi32, #tpu.memory_space<vmem>> -> memref<32xi32, #tpu.memory_space<vmem>>
      %dma_wait3A_468 = arith.constant 0 : i32
      %dma_wait3A_469 = arith.constant 0 : i32
      %dma_wait3A_470 = tpu.memref_slice %arg2[%dma_wait3A_468, %dma_wait3A_469] : memref<20224x128xf32, #tpu.memory_space<hbm>> -> memref<20224x128xf32, #tpu.memory_space<hbm>>
      tpu.wait_indirect_dma semaphore(%arg24 : memref<!tpu.dma_semaphore, #tpu.memory_space<semaphore_mem>>) src(%dma_wait3A_470 : memref<20224x128xf32, #tpu.memory_space<hbm>>) dst(%arg16 : memref<32x128xf32, #tpu.memory_space<vmem>>)
      %dma_start3A_471 = arith.constant 15 : i32
      %dma_start3A_472 = arith.constant 0 : i32
      %dma_start3A_473 = tpu.memref_slice %arg8[%dma_start3A_471, %dma_start3A_472] : memref<16x32xi32, #tpu.memory_space<vmem>> -> memref<1x32xi32, #tpu.memory_space<vmem>>
      %dma_start3A_474 = tpu.memref_squeeze %dma_start3A_473 : memref<1x32xi32, #tpu.memory_space<vmem>> -> memref<32xi32, #tpu.memory_space<vmem>>
      %dma_start3A_475 = arith.constant 0 : i32
      %dma_start3A_476 = arith.constant 0 : i32
      %dma_start3A_477 = tpu.memref_slice %arg6[%dma_start3A_475, %dma_start3A_476] : memref<10112x128xf32, #tpu.memory_space<vmem_shared>> -> memref<10112x128xf32, #tpu.memory_space<vmem_shared>>
      tpu.enqueue_indirect_dma source(%arg16 : memref<32x128xf32, #tpu.memory_space<vmem>>) target(%dma_start3A_477 : memref<10112x128xf32, #tpu.memory_space<vmem_shared>>) offsets(%dma_start3A_474 : memref<32xi32, #tpu.memory_space<vmem>>) semaphore(%arg32 : memref<!tpu.dma_semaphore, #tpu.memory_space<semaphore_mem>>) {add = true}
    }
    %scan3A_14 = arith.constant 40 : i32
    %dma_wait3A = arith.constant 0 : i32
    %dma_wait3A_15 = arith.constant 0 : i32
    %dma_wait3A_16 = tpu.memref_slice %arg8[%dma_wait3A, %dma_wait3A_15] : memref<16x32xi32, #tpu.memory_space<vmem>> -> memref<1x32xi32, #tpu.memory_space<vmem>>
    %dma_wait3A_17 = tpu.memref_squeeze %dma_wait3A_16 : memref<1x32xi32, #tpu.memory_space<vmem>> -> memref<32xi32, #tpu.memory_space<vmem>>
    %dma_wait3A_18 = arith.constant 0 : i32
    %dma_wait3A_19 = arith.constant 0 : i32
    %dma_wait3A_20 = tpu.memref_slice %arg6[%dma_wait3A_18, %dma_wait3A_19] : memref<10112x128xf32, #tpu.memory_space<vmem_shared>> -> memref<10112x128xf32, #tpu.memory_space<vmem_shared>>
    tpu.wait_indirect_dma semaphore(%arg25 : memref<!tpu.dma_semaphore, #tpu.memory_space<semaphore_mem>>) src(%arg9 : memref<32x128xf32, #tpu.memory_space<vmem>>) dst(%dma_wait3A_20 : memref<10112x128xf32, #tpu.memory_space<vmem_shared>>)
    %dma_wait3A_21 = arith.constant 0 : i32
    %dma_wait3A_22 = arith.constant 0 : i32
    %dma_wait3A_23 = tpu.memref_slice %arg8[%dma_wait3A_21, %dma_wait3A_22] : memref<16x32xi32, #tpu.memory_space<vmem>> -> memref<1x32xi32, #tpu.memory_space<vmem>>
    %dma_wait3A_24 = tpu.memref_squeeze %dma_wait3A_23 : memref<1x32xi32, #tpu.memory_space<vmem>> -> memref<32xi32, #tpu.memory_space<vmem>>
    %dma_wait3A_25 = arith.constant 0 : i32
    %dma_wait3A_26 = arith.constant 0 : i32
    %dma_wait3A_27 = tpu.memref_slice %arg6[%dma_wait3A_25, %dma_wait3A_26] : memref<10112x128xf32, #tpu.memory_space<vmem_shared>> -> memref<10112x128xf32, #tpu.memory_space<vmem_shared>>
    tpu.wait_indirect_dma semaphore(%arg26 : memref<!tpu.dma_semaphore, #tpu.memory_space<semaphore_mem>>) src(%arg10 : memref<32x128xf32, #tpu.memory_space<vmem>>) dst(%dma_wait3A_27 : memref<10112x128xf32, #tpu.memory_space<vmem_shared>>)
    %dma_wait3A_28 = arith.constant 0 : i32
    %dma_wait3A_29 = arith.constant 0 : i32
    %dma_wait3A_30 = tpu.memref_slice %arg8[%dma_wait3A_28, %dma_wait3A_29] : memref<16x32xi32, #tpu.memory_space<vmem>> -> memref<1x32xi32, #tpu.memory_space<vmem>>
    %dma_wait3A_31 = tpu.memref_squeeze %dma_wait3A_30 : memref<1x32xi32, #tpu.memory_space<vmem>> -> memref<32xi32, #tpu.memory_space<vmem>>
    %dma_wait3A_32 = arith.constant 0 : i32
    %dma_wait3A_33 = arith.constant 0 : i32
    %dma_wait3A_34 = tpu.memref_slice %arg6[%dma_wait3A_32, %dma_wait3A_33] : memref<10112x128xf32, #tpu.memory_space<vmem_shared>> -> memref<10112x128xf32, #tpu.memory_space<vmem_shared>>
    tpu.wait_indirect_dma semaphore(%arg27 : memref<!tpu.dma_semaphore, #tpu.memory_space<semaphore_mem>>) src(%arg11 : memref<32x128xf32, #tpu.memory_space<vmem>>) dst(%dma_wait3A_34 : memref<10112x128xf32, #tpu.memory_space<vmem_shared>>)
    %dma_wait3A_35 = arith.constant 0 : i32
    %dma_wait3A_36 = arith.constant 0 : i32
    %dma_wait3A_37 = tpu.memref_slice %arg8[%dma_wait3A_35, %dma_wait3A_36] : memref<16x32xi32, #tpu.memory_space<vmem>> -> memref<1x32xi32, #tpu.memory_space<vmem>>
    %dma_wait3A_38 = tpu.memref_squeeze %dma_wait3A_37 : memref<1x32xi32, #tpu.memory_space<vmem>> -> memref<32xi32, #tpu.memory_space<vmem>>
    %dma_wait3A_39 = arith.constant 0 : i32
    %dma_wait3A_40 = arith.constant 0 : i32
    %dma_wait3A_41 = tpu.memref_slice %arg6[%dma_wait3A_39, %dma_wait3A_40] : memref<10112x128xf32, #tpu.memory_space<vmem_shared>> -> memref<10112x128xf32, #tpu.memory_space<vmem_shared>>
    tpu.wait_indirect_dma semaphore(%arg28 : memref<!tpu.dma_semaphore, #tpu.memory_space<semaphore_mem>>) src(%arg12 : memref<32x128xf32, #tpu.memory_space<vmem>>) dst(%dma_wait3A_41 : memref<10112x128xf32, #tpu.memory_space<vmem_shared>>)
    %dma_wait3A_42 = arith.constant 0 : i32
    %dma_wait3A_43 = arith.constant 0 : i32
    %dma_wait3A_44 = tpu.memref_slice %arg8[%dma_wait3A_42, %dma_wait3A_43] : memref<16x32xi32, #tpu.memory_space<vmem>> -> memref<1x32xi32, #tpu.memory_space<vmem>>
    %dma_wait3A_45 = tpu.memref_squeeze %dma_wait3A_44 : memref<1x32xi32, #tpu.memory_space<vmem>> -> memref<32xi32, #tpu.memory_space<vmem>>
    %dma_wait3A_46 = arith.constant 0 : i32
    %dma_wait3A_47 = arith.constant 0 : i32
    %dma_wait3A_48 = tpu.memref_slice %arg6[%dma_wait3A_46, %dma_wait3A_47] : memref<10112x128xf32, #tpu.memory_space<vmem_shared>> -> memref<10112x128xf32, #tpu.memory_space<vmem_shared>>
    tpu.wait_indirect_dma semaphore(%arg29 : memref<!tpu.dma_semaphore, #tpu.memory_space<semaphore_mem>>) src(%arg13 : memref<32x128xf32, #tpu.memory_space<vmem>>) dst(%dma_wait3A_48 : memref<10112x128xf32, #tpu.memory_space<vmem_shared>>)
    %dma_wait3A_49 = arith.constant 0 : i32
    %dma_wait3A_50 = arith.constant 0 : i32
    %dma_wait3A_51 = tpu.memref_slice %arg8[%dma_wait3A_49, %dma_wait3A_50] : memref<16x32xi32, #tpu.memory_space<vmem>> -> memref<1x32xi32, #tpu.memory_space<vmem>>
    %dma_wait3A_52 = tpu.memref_squeeze %dma_wait3A_51 : memref<1x32xi32, #tpu.memory_space<vmem>> -> memref<32xi32, #tpu.memory_space<vmem>>
    %dma_wait3A_53 = arith.constant 0 : i32
    %dma_wait3A_54 = arith.constant 0 : i32
    %dma_wait3A_55 = tpu.memref_slice %arg6[%dma_wait3A_53, %dma_wait3A_54] : memref<10112x128xf32, #tpu.memory_space<vmem_shared>> -> memref<10112x128xf32, #tpu.memory_space<vmem_shared>>
    tpu.wait_indirect_dma semaphore(%arg30 : memref<!tpu.dma_semaphore, #tpu.memory_space<semaphore_mem>>) src(%arg14 : memref<32x128xf32, #tpu.memory_space<vmem>>) dst(%dma_wait3A_55 : memref<10112x128xf32, #tpu.memory_space<vmem_shared>>)
    %dma_wait3A_56 = arith.constant 0 : i32
    %dma_wait3A_57 = arith.constant 0 : i32
    %dma_wait3A_58 = tpu.memref_slice %arg8[%dma_wait3A_56, %dma_wait3A_57] : memref<16x32xi32, #tpu.memory_space<vmem>> -> memref<1x32xi32, #tpu.memory_space<vmem>>
    %dma_wait3A_59 = tpu.memref_squeeze %dma_wait3A_58 : memref<1x32xi32, #tpu.memory_space<vmem>> -> memref<32xi32, #tpu.memory_space<vmem>>
    %dma_wait3A_60 = arith.constant 0 : i32
    %dma_wait3A_61 = arith.constant 0 : i32
    %dma_wait3A_62 = tpu.memref_slice %arg6[%dma_wait3A_60, %dma_wait3A_61] : memref<10112x128xf32, #tpu.memory_space<vmem_shared>> -> memref<10112x128xf32, #tpu.memory_space<vmem_shared>>
    tpu.wait_indirect_dma semaphore(%arg31 : memref<!tpu.dma_semaphore, #tpu.memory_space<semaphore_mem>>) src(%arg15 : memref<32x128xf32, #tpu.memory_space<vmem>>) dst(%dma_wait3A_62 : memref<10112x128xf32, #tpu.memory_space<vmem_shared>>)
    %dma_wait3A_63 = arith.constant 0 : i32
    %dma_wait3A_64 = arith.constant 0 : i32
    %dma_wait3A_65 = tpu.memref_slice %arg8[%dma_wait3A_63, %dma_wait3A_64] : memref<16x32xi32, #tpu.memory_space<vmem>> -> memref<1x32xi32, #tpu.memory_space<vmem>>
    %dma_wait3A_66 = tpu.memref_squeeze %dma_wait3A_65 : memref<1x32xi32, #tpu.memory_space<vmem>> -> memref<32xi32, #tpu.memory_space<vmem>>
    %dma_wait3A_67 = arith.constant 0 : i32
    %dma_wait3A_68 = arith.constant 0 : i32
    %dma_wait3A_69 = tpu.memref_slice %arg6[%dma_wait3A_67, %dma_wait3A_68] : memref<10112x128xf32, #tpu.memory_space<vmem_shared>> -> memref<10112x128xf32, #tpu.memory_space<vmem_shared>>
    tpu.wait_indirect_dma semaphore(%arg32 : memref<!tpu.dma_semaphore, #tpu.memory_space<semaphore_mem>>) src(%arg16 : memref<32x128xf32, #tpu.memory_space<vmem>>) dst(%dma_wait3A_69 : memref<10112x128xf32, #tpu.memory_space<vmem_shared>>)
    %barrier3A_70 = arith.constant 0 : index
    tpu.barrier barrier_id(%barrier3A_70)
    %mul3A_71 = arith.constant 632 : i32
    %mul3A_72 = arith.muli %arg1, %mul3A_71 : i32
    %mul3A_73 = arith.constant 10112 : i32
    %mul3A_74 = arith.muli %arg0, %mul3A_73 : i32
    %mul3A_75 = arith.constant 632 : i32
    %mul3A_76 = arith.muli %arg1, %mul3A_75 : i32
    %add3A_77 = arith.addi %mul3A_74, %mul3A_76 : i32
    "tpu.region"() ({
      %run_scoped3A = tpu.sem_alloc : memref<!tpu.dma_semaphore, #tpu.memory_space<semaphore_mem>>
      %dma_start3A = arith.constant 0 : i32
      %dma_start3A_78 = tpu.memref_slice %arg5[%add3A_77, %dma_start3A] : memref<20224x128xf32, #tpu.memory_space<hbm>> -> memref<632x128xf32, #tpu.memory_space<hbm>>
      %dma_start3A_79 = arith.constant 0 : i32
      %dma_start3A_80 = tpu.memref_slice %arg6[%mul3A_72, %dma_start3A_79] : memref<10112x128xf32, #tpu.memory_space<vmem_shared>> -> memref<632x128xf32, #tpu.memory_space<vmem_shared>>
      tpu.enqueue_dma source(%dma_start3A_80 : memref<632x128xf32, #tpu.memory_space<vmem_shared>>) target(%dma_start3A_78 : memref<632x128xf32, #tpu.memory_space<hbm>>) target_semaphore(%run_scoped3A : memref<!tpu.dma_semaphore, #tpu.memory_space<semaphore_mem>>)
      %dma_wait3A_81 = arith.constant 0 : i32
      %dma_wait3A_82 = tpu.memref_slice %arg5[%add3A_77, %dma_wait3A_81] : memref<20224x128xf32, #tpu.memory_space<hbm>> -> memref<632x128xf32, #tpu.memory_space<hbm>>
      %dma_wait3A_83 = arith.constant 0 : i32
      %dma_wait3A_84 = tpu.memref_slice %arg6[%mul3A_72, %dma_wait3A_83] : memref<10112x128xf32, #tpu.memory_space<vmem_shared>> -> memref<632x128xf32, #tpu.memory_space<vmem_shared>>
      tpu.wait_dma2 semaphore(%run_scoped3A : memref<!tpu.dma_semaphore, #tpu.memory_space<semaphore_mem>>) src(%dma_wait3A_84 : memref<632x128xf32, #tpu.memory_space<vmem_shared>>) dst(%dma_wait3A_82 : memref<632x128xf32, #tpu.memory_space<hbm>>)
      tpu.yield
    }) : () -> ()
    return
  }
}

module attributes {stable_mosaic.version = 14 : i64} {
  func.func @kern(%arg0: i32, %arg1: memref<10112x128xf32, #tpu.memory_space<vmem>>, %arg2: memref<128x128xf32, #tpu.memory_space<vmem>>, %arg3: memref<20224x128xf32, #tpu.memory_space<vmem>>, %arg4: memref<10112x128xf32, #tpu.memory_space<vmem>>, %arg5: memref<10112x1xf32, #tpu.memory_space<vmem>>) attributes {dimension_semantics = [#tpu.dimension_semantics<arbitrary>], iteration_bounds = array<i64: 2>, scalar_prefetch = 0 : i64, scratch_operands = 0 : i64, tpu.core_type = #tpu.core_type<tc>, window_params = [{pipeline_mode = #tpu.pipeline_mode<synchronous>, transform_indices = @transform_0, window_bounds = array<i64: 10112, 128>}, {transform_indices = @transform_1, window_bounds = array<i64: 128, 128>}, {pipeline_mode = #tpu.pipeline_mode<synchronous>, transform_indices = @transform_2, window_bounds = array<i64: 20224, 128>}, {transform_indices = @transform_3, window_bounds = array<i64: 10112, 128>}, {pipeline_mode = #tpu.pipeline_mode<synchronous>, transform_indices = @transform_4, window_bounds = array<i64: 10112, 1>}]} {
    %get3A = arith.constant 0 : index
    %get3A_0 = arith.constant 0 : index
    %get3A_1 = vector.load %arg3[%get3A, %get3A_0] : memref<20224x128xf32, #tpu.memory_space<vmem>>, vector<20224x128xf32>
    %slice3A = vector.extract_strided_slice %get3A_1 {offsets = [0, 0], sizes = [10112, 1], strides = [1, 1]} : vector<20224x128xf32> to vector<10112x1xf32>
    %add3A = arith.constant 1.000000e+00 : f32
    %add3A_2 = vector.broadcast %add3A : f32 to vector<10112x1xf32>
    %add3A_3 = arith.addf %add3A_2, %slice3A : vector<10112x1xf32>
    %slice3A_4 = vector.extract_strided_slice %get3A_1 {offsets = [10112, 0], sizes = [10112, 1], strides = [1, 1]} : vector<20224x128xf32> to vector<10112x1xf32>
    %add3A_5 = arith.addf %add3A_3, %slice3A_4 : vector<10112x1xf32>
    %rsqrt3A = math.rsqrt %add3A_5 : vector<10112x1xf32>
    %swap3A = arith.constant 0 : index
    %swap3A_6 = arith.constant 0 : index
    %swap3A_7 = vector.load %arg5[%swap3A, %swap3A_6] : memref<10112x1xf32, #tpu.memory_space<vmem>>, vector<10112x1xf32>
    tpu.vector_store %arg5[%swap3A, %swap3A_6], %rsqrt3A {strides = array<i32>} : memref<10112x1xf32, #tpu.memory_space<vmem>>, vector<10112x1xf32>,
    %get3A_8 = arith.constant 0 : index
    %get3A_9 = arith.constant 0 : index
    %get3A_10 = vector.load %arg1[%get3A_8, %get3A_9] : memref<10112x128xf32, #tpu.memory_space<vmem>>, vector<10112x128xf32>
    %get3A_11 = arith.constant 0 : index
    %get3A_12 = arith.constant 0 : index
    %get3A_13 = vector.load %arg2[%get3A_11, %get3A_12] : memref<128x128xf32, #tpu.memory_space<vmem>>, vector<128x128xf32>
    %dot_general3A = arith.constant dense<0.000000e+00> : vector<10112x128xf32>
    %dot_general3A_14 = tpu.matmul %get3A_10, %get3A_13, %dot_general3A {dimension_numbers = #tpu.dot_dimension_numbers<[1], [0], [0], [1], [0, 0, 1, 1], [], []>, transpose_lhs_hint = false} : vector<10112x128xf32>, vector<128x128xf32>, vector<10112x128xf32> -> vector<10112x128xf32>
    %mul3A = vector.broadcast %rsqrt3A : vector<10112x1xf32> to vector<10112x128xf32>
    %mul3A_15 = arith.mulf %dot_general3A_14, %mul3A : vector<10112x128xf32>
    %swap3A_16 = arith.constant 0 : index
    %swap3A_17 = arith.constant 0 : index
    %swap3A_18 = vector.load %arg4[%swap3A_16, %swap3A_17] : memref<10112x128xf32, #tpu.memory_space<vmem>>, vector<10112x128xf32>
    tpu.vector_store %arg4[%swap3A_16, %swap3A_17], %mul3A_15 {strides = array<i32>} : memref<10112x128xf32, #tpu.memory_space<vmem>>, vector<10112x128xf32>,
    return
  }
  func.func @transform_0(%arg0: i32) -> (i32, i32) {
    %c0_i32 = arith.constant 0 : i32
    %c0_i32_0 = arith.constant 0 : i32
    %c0_i32_1 = arith.constant 0 : i32
    return %c0_i32, %c0_i32_0 : i32, i32
  }
  func.func @transform_1(%arg0: i32) -> (i32, i32) {
    %c0_i32 = arith.constant 0 : i32
    %c0_i32_0 = arith.constant 0 : i32
    return %c0_i32, %arg0 : i32, i32
  }
  func.func @transform_2(%arg0: i32) -> (i32, i32) {
    %c0_i32 = arith.constant 0 : i32
    %c0_i32_0 = arith.constant 0 : i32
    %c0_i32_1 = arith.constant 0 : i32
    return %c0_i32, %c0_i32_0 : i32, i32
  }
  func.func @transform_3(%arg0: i32) -> (i32, i32) {
    %c0_i32 = arith.constant 0 : i32
    %c0_i32_0 = arith.constant 0 : i32
    return %arg0, %c0_i32 : i32, i32
  }
  func.func @transform_4(%arg0: i32) -> (i32, i32) {
    %c0_i32 = arith.constant 0 : i32
    %c0_i32_0 = arith.constant 0 : i32
    %c0_i32_1 = arith.constant 0 : i32
    return %c0_i32, %c0_i32_0 : i32, i32
  }
}

module attributes {stable_mosaic.version = 14 : i64} {
  func.func @kern(%arg0: memref<20224x128xf32, #tpu.memory_space<vmem>>, %arg1: memref<10112x1xf32, #tpu.memory_space<vmem>>, %arg2: memref<1x256xf32, #tpu.memory_space<vmem>>, %arg3: memref<256x128xf32, #tpu.memory_space<vmem>>, %arg4: memref<10112x128xf32, #tpu.memory_space<vmem>>) attributes {dimension_semantics = [], scalar_prefetch = 0 : i64, scratch_operands = 0 : i64, tpu.core_type = #tpu.core_type<tc>} {
    %get3A = arith.constant 0 : index
    %get3A_0 = arith.constant 0 : index
    %get3A_1 = vector.load %arg1[%get3A, %get3A_0] : memref<10112x1xf32, #tpu.memory_space<vmem>>, vector<10112x1xf32>
    %get3A_2 = arith.constant 0 : index
    %get3A_3 = arith.constant 0 : index
    %get3A_4 = vector.load %arg0[%get3A_2, %get3A_3] : memref<20224x128xf32, #tpu.memory_space<vmem>>, vector<10112x128xf32>
    %get3A_5 = arith.constant 10112 : index
    %get3A_6 = arith.constant 0 : index
    %get3A_7 = vector.load %arg0[%get3A_5, %get3A_6] : memref<20224x128xf32, #tpu.memory_space<vmem>>, vector<10112x128xf32>
    %concatenate3A = tpu.concatenate %get3A_4, %get3A_7 in 1 : vector<10112x128xf32>, vector<10112x128xf32> -> vector<10112x256xf32>
    %mul3A = vector.broadcast %get3A_1 : vector<10112x1xf32> to vector<10112x256xf32>
    %mul3A_8 = arith.mulf %concatenate3A, %mul3A : vector<10112x256xf32>
    %get3A_9 = arith.constant 0 : index
    %get3A_10 = arith.constant 0 : index
    %get3A_11 = vector.load %arg2[%get3A_9, %get3A_10] : memref<1x256xf32, #tpu.memory_space<vmem>>, vector<1x256xf32>
    %add3A = vector.broadcast %get3A_11 : vector<1x256xf32> to vector<10112x256xf32>
    %add3A_12 = arith.addf %mul3A_8, %add3A : vector<10112x256xf32>
    %max3A = arith.constant 0.000000e+00 : f32
    %max3A_13 = vector.broadcast %max3A : f32 to vector<10112x256xf32>
    %max3A_14 = arith.maximumf %add3A_12, %max3A_13 : vector<10112x256xf32>
    %iota3A = tpu.iota {dimensions = array<i32: 0>} : vector<10112x1xi32>
    %lt3A = arith.constant 10000 : i32
    %lt3A_15 = vector.broadcast %lt3A : i32 to vector<10112x1xi32>
    %lt3A_16 = arith.cmpi slt, %iota3A, %lt3A_15 : vector<10112x1xi32>
    %jit3A = arith.constant 0.000000e+00 : f32
    %broadcast_in_dim3A = vector.shape_cast %lt3A_16 : vector<10112x1xi1> to vector<10112x1xi1>
    %broadcast_in_dim3A_17 = vector.broadcast %broadcast_in_dim3A : vector<10112x1xi1> to vector<10112x256xi1>
    %broadcast_in_dim3A_18 = vector.broadcast %jit3A : f32 to vector<10112x256xf32>
    %select_n3A = arith.select %broadcast_in_dim3A_17, %max3A_14, %broadcast_in_dim3A_18 : vector<10112x256xi1>, vector<10112x256xf32>
    %reduce_sum3A = arith.constant dense<0.000000e+00> : vector<256xf32>
    %reduce_sum3A_19 = vector.multi_reduction <add>, %select_n3A, %reduce_sum3A [0] : vector<10112x256xf32> to vector<256xf32>
    %broadcast_in_dim3A_20 = vector.shape_cast %reduce_sum3A_19 : vector<256xf32> to vector<1x256xf32>
    %mul3A_21 = arith.constant 9.99999974E-5 : f32
    %mul3A_22 = vector.broadcast %mul3A_21 : f32 to vector<1x256xf32>
    %mul3A_23 = arith.mulf %broadcast_in_dim3A_20, %mul3A_22 : vector<1x256xf32>
    %sub3A = vector.broadcast %mul3A_23 : vector<1x256xf32> to vector<10112x256xf32>
    %sub3A_24 = arith.subf %max3A_14, %sub3A : vector<10112x256xf32>
    %mul3A_25 = arith.mulf %sub3A_24, %sub3A_24 : vector<10112x256xf32>
    %jit3A_26 = arith.constant 0.000000e+00 : f32
    %broadcast_in_dim3A_27 = vector.shape_cast %lt3A_16 : vector<10112x1xi1> to vector<10112x1xi1>
    %broadcast_in_dim3A_28 = vector.broadcast %broadcast_in_dim3A_27 : vector<10112x1xi1> to vector<10112x256xi1>
    %broadcast_in_dim3A_29 = vector.broadcast %jit3A_26 : f32 to vector<10112x256xf32>
    %select_n3A_30 = arith.select %broadcast_in_dim3A_28, %mul3A_25, %broadcast_in_dim3A_29 : vector<10112x256xi1>, vector<10112x256xf32>
    %reduce_sum3A_31 = arith.constant dense<0.000000e+00> : vector<256xf32>
    %reduce_sum3A_32 = vector.multi_reduction <add>, %select_n3A_30, %reduce_sum3A_31 [0] : vector<10112x256xf32> to vector<256xf32>
    %broadcast_in_dim3A_33 = vector.shape_cast %reduce_sum3A_32 : vector<256xf32> to vector<1x256xf32>
    %mul3A_34 = arith.constant 9.99999974E-5 : f32
    %mul3A_35 = vector.broadcast %mul3A_34 : f32 to vector<1x256xf32>
    %mul3A_36 = arith.mulf %broadcast_in_dim3A_33, %mul3A_35 : vector<1x256xf32>
    %add3A_37 = arith.constant 9.99999974E-6 : f32
    %add3A_38 = vector.broadcast %add3A_37 : f32 to vector<1x256xf32>
    %add3A_39 = arith.addf %mul3A_36, %add3A_38 : vector<1x256xf32>
    %rsqrt3A = math.rsqrt %add3A_39 : vector<1x256xf32>
    %mul3A_40 = vector.broadcast %rsqrt3A : vector<1x256xf32> to vector<10112x256xf32>
    %mul3A_41 = arith.mulf %sub3A_24, %mul3A_40 : vector<10112x256xf32>
    %get3A_42 = arith.constant 0 : index
    %get3A_43 = arith.constant 0 : index
    %get3A_44 = vector.load %arg3[%get3A_42, %get3A_43] : memref<256x128xf32, #tpu.memory_space<vmem>>, vector<256x128xf32>
    %dot_general3A = arith.constant dense<0.000000e+00> : vector<10112x128xf32>
    %dot_general3A_45 = tpu.matmul %mul3A_41, %get3A_44, %dot_general3A {dimension_numbers = #tpu.dot_dimension_numbers<[1], [0], [0], [1], [0, 0, 1, 1], [], []>, transpose_lhs_hint = false} : vector<10112x256xf32>, vector<256x128xf32>, vector<10112x128xf32> -> vector<10112x128xf32>
    %mul3A_46 = vector.broadcast %get3A_1 : vector<10112x1xf32> to vector<10112x128xf32>
    %mul3A_47 = arith.mulf %dot_general3A_45, %mul3A_46 : vector<10112x128xf32>
    %swap3A = arith.constant 0 : index
    %swap3A_48 = arith.constant 0 : index
    %swap3A_49 = vector.load %arg4[%swap3A, %swap3A_48] : memref<10112x128xf32, #tpu.memory_space<vmem>>, vector<10112x128xf32>
    tpu.vector_store %arg4[%swap3A, %swap3A_48], %mul3A_47 {strides = array<i32>} : memref<10112x128xf32, #tpu.memory_space<vmem>>, vector<10112x128xf32>,
    return
  }
}

module attributes {stable_mosaic.version = 14 : i64} {
  func.func @kern(%arg0: memref<20224x128xf32, #tpu.memory_space<vmem>>, %arg1: memref<10112x128xf32, #tpu.memory_space<vmem>>, %arg2: memref<10112x1xf32, #tpu.memory_space<vmem>>, %arg3: memref<1x128xf32, #tpu.memory_space<vmem>>, %arg4: memref<128x256xf32, #tpu.memory_space<vmem>>, %arg5: memref<256x128xf32, #tpu.memory_space<vmem>>, %arg6: memref<10112x1xi32, #tpu.memory_space<vmem>>, %arg7: memref<128x128xf32, #tpu.memory_space<vmem>>, %arg8: memref<1x128xf32, #tpu.memory_space<vmem>>, %arg9: memref<128x128xf32, #tpu.memory_space<vmem>>, %arg10: memref<1x128xf32, #tpu.memory_space<vmem>>, %arg11: memref<10112x128xf32, #tpu.memory_space<vmem>>, %arg12: memref<10112x128xf32, #tpu.memory_space<vmem>>, %arg13: memref<64x128xf32, #tpu.memory_space<vmem>>, %arg14: memref<64x128xf32, #tpu.memory_space<vmem>>) attributes {dimension_semantics = [], scalar_prefetch = 0 : i64, scratch_operands = 0 : i64, tpu.core_type = #tpu.core_type<tc>} {
    %get3A = arith.constant 0 : index
    %get3A_0 = arith.constant 0 : index
    %get3A_1 = vector.load %arg2[%get3A, %get3A_0] : memref<10112x1xf32, #tpu.memory_space<vmem>>, vector<10112x1xf32>
    %get3A_2 = arith.constant 0 : index
    %get3A_3 = arith.constant 0 : index
    %get3A_4 = vector.load %arg0[%get3A_2, %get3A_3] : memref<20224x128xf32, #tpu.memory_space<vmem>>, vector<10112x128xf32>
    %get3A_5 = arith.constant 10112 : index
    %get3A_6 = arith.constant 0 : index
    %get3A_7 = vector.load %arg0[%get3A_5, %get3A_6] : memref<20224x128xf32, #tpu.memory_space<vmem>>, vector<10112x128xf32>
    %add3A = arith.addf %get3A_4, %get3A_7 : vector<10112x128xf32>
    %get3A_8 = arith.constant 0 : index
    %get3A_9 = arith.constant 0 : index
    %get3A_10 = vector.load %arg1[%get3A_8, %get3A_9] : memref<10112x128xf32, #tpu.memory_space<vmem>>, vector<10112x128xf32>
    %sub3A = arith.subf %add3A, %get3A_10 : vector<10112x128xf32>
    %mul3A = vector.broadcast %get3A_1 : vector<10112x1xf32> to vector<10112x128xf32>
    %mul3A_11 = arith.mulf %sub3A, %mul3A : vector<10112x128xf32>
    %get3A_12 = arith.constant 0 : index
    %get3A_13 = arith.constant 0 : index
    %get3A_14 = vector.load %arg3[%get3A_12, %get3A_13] : memref<1x128xf32, #tpu.memory_space<vmem>>, vector<1x128xf32>
    %add3A_15 = vector.broadcast %get3A_14 : vector<1x128xf32> to vector<10112x128xf32>
    %add3A_16 = arith.addf %mul3A_11, %add3A_15 : vector<10112x128xf32>
    %mul3A_17 = arith.mulf %add3A_16, %add3A_16 : vector<10112x128xf32>
    %reduce_sum3A = arith.constant dense<0.000000e+00> : vector<10112xf32>
    %reduce_sum3A_18 = vector.multi_reduction <add>, %mul3A_17, %reduce_sum3A [1] : vector<10112x128xf32> to vector<10112xf32>
    %broadcast_in_dim3A = vector.shape_cast %reduce_sum3A_18 : vector<10112xf32> to vector<10112x1xf32>
    %sqrt3A = math.sqrt %broadcast_in_dim3A : vector<10112x1xf32>
    %max3A = arith.constant 9.99999996E-13 : f32
    %max3A_19 = vector.broadcast %max3A : f32 to vector<10112x1xf32>
    %max3A_20 = arith.maximumf %sqrt3A, %max3A_19 : vector<10112x1xf32>
    %div3A = vector.broadcast %max3A_20 : vector<10112x1xf32> to vector<10112x128xf32>
    %div3A_21 = arith.divf %add3A_16, %div3A : vector<10112x128xf32>
    %swap3A = arith.constant 0 : index
    %swap3A_22 = arith.constant 0 : index
    %swap3A_23 = vector.load %arg11[%swap3A, %swap3A_22] : memref<10112x128xf32, #tpu.memory_space<vmem>>, vector<10112x128xf32>
    tpu.vector_store %arg11[%swap3A, %swap3A_22], %div3A_21 {strides = array<i32>} : memref<10112x128xf32, #tpu.memory_space<vmem>>, vector<10112x128xf32>,
    %get3A_24 = arith.constant 0 : index
    %get3A_25 = arith.constant 0 : index
    %get3A_26 = vector.load %arg4[%get3A_24, %get3A_25] : memref<128x256xf32, #tpu.memory_space<vmem>>, vector<128x256xf32>
    %dot_general3A = arith.constant dense<0.000000e+00> : vector<10112x256xf32>
    %dot_general3A_27 = tpu.matmul %div3A_21, %get3A_26, %dot_general3A {dimension_numbers = #tpu.dot_dimension_numbers<[1], [0], [0], [1], [0, 0, 1, 1], [], []>, transpose_lhs_hint = false} : vector<10112x128xf32>, vector<128x256xf32>, vector<10112x256xf32> -> vector<10112x256xf32>
    %max3A_28 = arith.constant 0.000000e+00 : f32
    %max3A_29 = vector.broadcast %max3A_28 : f32 to vector<10112x256xf32>
    %max3A_30 = arith.maximumf %dot_general3A_27, %max3A_29 : vector<10112x256xf32>
    %get3A_31 = arith.constant 0 : index
    %get3A_32 = arith.constant 0 : index
    %get3A_33 = vector.load %arg5[%get3A_31, %get3A_32] : memref<256x128xf32, #tpu.memory_space<vmem>>, vector<256x128xf32>
    %dot_general3A_34 = arith.constant dense<0.000000e+00> : vector<10112x128xf32>
    %dot_general3A_35 = tpu.matmul %max3A_30, %get3A_33, %dot_general3A_34 {dimension_numbers = #tpu.dot_dimension_numbers<[1], [0], [0], [1], [0, 0, 1, 1], [], []>, transpose_lhs_hint = false} : vector<10112x256xf32>, vector<256x128xf32>, vector<10112x128xf32> -> vector<10112x128xf32>
    %logistic3A = arith.negf %dot_general3A_35 : vector<10112x128xf32>
    %logistic3A_36 = math.exp %logistic3A : vector<10112x128xf32>
    %logistic3A_37 = arith.constant 1.000000e+00 : f32
    %logistic3A_38 = vector.broadcast %logistic3A_37 : f32 to vector<10112x128xf32>
    %logistic3A_39 = arith.addf %logistic3A_38, %logistic3A_36 : vector<10112x128xf32>
    %logistic3A_40 = arith.divf %logistic3A_38, %logistic3A_39 : vector<10112x128xf32>
    %swap3A_41 = arith.constant 0 : index
    %swap3A_42 = arith.constant 0 : index
    %swap3A_43 = vector.load %arg12[%swap3A_41, %swap3A_42] : memref<10112x128xf32, #tpu.memory_space<vmem>>, vector<10112x128xf32>
    tpu.vector_store %arg12[%swap3A_41, %swap3A_42], %logistic3A_40 {strides = array<i32>} : memref<10112x128xf32, #tpu.memory_space<vmem>>, vector<10112x128xf32>,
    %get3A_44 = arith.constant 0 : index
    %get3A_45 = arith.constant 0 : index
    %get3A_46 = vector.load %arg6[%get3A_44, %get3A_45] : memref<10112x1xi32, #tpu.memory_space<vmem>>, vector<10112x1xi32>
    %scan3A = arith.constant 0 : i32
    %scan3A_47 = arith.constant 64 : i32
    %scan3A_48 = arith.addi %scan3A, %scan3A_47 : i32
    %scan3A_49 = arith.constant 1 : i32
    scf.for %scan3A_86 = %scan3A to %scan3A_48 step %scan3A_49  : i32 {
      %eq3A = vector.broadcast %scan3A_86 : i32 to vector<10112x1xi32>
      %eq3A_87 = arith.cmpi eq, %get3A_46, %eq3A : vector<10112x1xi32>
      %jit3A_88 = arith.constant 0xFF800000 : f32
      %broadcast_in_dim3A_89 = vector.shape_cast %eq3A_87 : vector<10112x1xi1> to vector<10112x1xi1>
      %broadcast_in_dim3A_90 = vector.broadcast %broadcast_in_dim3A_89 : vector<10112x1xi1> to vector<10112x128xi1>
      %broadcast_in_dim3A_91 = vector.broadcast %jit3A_88 : f32 to vector<10112x128xf32>
      %select_n3A_92 = arith.select %broadcast_in_dim3A_90, %div3A_21, %broadcast_in_dim3A_91 : vector<10112x128xi1>, vector<10112x128xf32>
      %reduce_max3A = arith.constant dense<0xFF800000> : vector<128xf32>
      %reduce_max3A_93 = vector.multi_reduction <maximumf>, %select_n3A_92, %reduce_max3A [0] : vector<10112x128xf32> to vector<128xf32>
      %broadcast_in_dim3A_94 = vector.shape_cast %reduce_max3A_93 : vector<128xf32> to vector<1x128xf32>
      %swap3A_95 = arith.index_cast %scan3A_86 : i32 to index
      %swap3A_96 = arith.constant 0 : index
      %swap3A_97 = vector.load %arg13[%swap3A_95, %swap3A_96] : memref<64x128xf32, #tpu.memory_space<vmem>>, vector<1x128xf32>
      tpu.vector_store %arg13[%swap3A_95, %swap3A_96], %broadcast_in_dim3A_94 {strides = array<i32>} : memref<64x128xf32, #tpu.memory_space<vmem>>, vector<1x128xf32>,
    }
    %scan3A_50 = arith.constant 64 : i32
    %get3A_51 = arith.constant 0 : index
    %get3A_52 = arith.constant 0 : index
    %get3A_53 = vector.load %arg13[%get3A_51, %get3A_52] : memref<64x128xf32, #tpu.memory_space<vmem>>, vector<64x128xf32>
    %is_finite3A = tpu.weird %get3A_53 : vector<64x128xf32> -> vector<64x128xi1>
    %is_finite3A_54 = arith.constant dense<true> : vector<64x128xi1>
    %is_finite3A_55 = arith.xori %is_finite3A, %is_finite3A_54 : vector<64x128xi1>
    %jit3A = arith.constant 0.000000e+00 : f32
    %broadcast_in_dim3A_56 = vector.broadcast %jit3A : f32 to vector<64x128xf32>
    %select_n3A = arith.select %is_finite3A_55, %get3A_53, %broadcast_in_dim3A_56 : vector<64x128xi1>, vector<64x128xf32>
    %swap3A_57 = arith.constant 0 : index
    %swap3A_58 = arith.constant 0 : index
    %swap3A_59 = vector.load %arg13[%swap3A_57, %swap3A_58] : memref<64x128xf32, #tpu.memory_space<vmem>>, vector<64x128xf32>
    tpu.vector_store %arg13[%swap3A_57, %swap3A_58], %select_n3A {strides = array<i32>} : memref<64x128xf32, #tpu.memory_space<vmem>>, vector<64x128xf32>,
    %get3A_60 = arith.constant 0 : index
    %get3A_61 = arith.constant 0 : index
    %get3A_62 = vector.load %arg7[%get3A_60, %get3A_61] : memref<128x128xf32, #tpu.memory_space<vmem>>, vector<128x128xf32>
    %dot_general3A_63 = arith.constant dense<0.000000e+00> : vector<64x128xf32>
    %dot_general3A_64 = tpu.matmul %select_n3A, %get3A_62, %dot_general3A_63 {dimension_numbers = #tpu.dot_dimension_numbers<[1], [0], [0], [1], [0, 0, 1, 1], [], []>, transpose_lhs_hint = false} : vector<64x128xf32>, vector<128x128xf32>, vector<64x128xf32> -> vector<64x128xf32>
    %get3A_65 = arith.constant 0 : index
    %get3A_66 = arith.constant 0 : index
    %get3A_67 = vector.load %arg8[%get3A_65, %get3A_66] : memref<1x128xf32, #tpu.memory_space<vmem>>, vector<1x128xf32>
    %add3A_68 = vector.broadcast %get3A_67 : vector<1x128xf32> to vector<64x128xf32>
    %add3A_69 = arith.addf %dot_general3A_64, %add3A_68 : vector<64x128xf32>
    %max3A_70 = arith.constant 0.000000e+00 : f32
    %max3A_71 = vector.broadcast %max3A_70 : f32 to vector<64x128xf32>
    %max3A_72 = arith.maximumf %add3A_69, %max3A_71 : vector<64x128xf32>
    %get3A_73 = arith.constant 0 : index
    %get3A_74 = arith.constant 0 : index
    %get3A_75 = vector.load %arg9[%get3A_73, %get3A_74] : memref<128x128xf32, #tpu.memory_space<vmem>>, vector<128x128xf32>
    %dot_general3A_76 = arith.constant dense<0.000000e+00> : vector<64x128xf32>
    %dot_general3A_77 = tpu.matmul %max3A_72, %get3A_75, %dot_general3A_76 {dimension_numbers = #tpu.dot_dimension_numbers<[1], [0], [0], [1], [0, 0, 1, 1], [], []>, transpose_lhs_hint = false} : vector<64x128xf32>, vector<128x128xf32>, vector<64x128xf32> -> vector<64x128xf32>
    %get3A_78 = arith.constant 0 : index
    %get3A_79 = arith.constant 0 : index
    %get3A_80 = vector.load %arg10[%get3A_78, %get3A_79] : memref<1x128xf32, #tpu.memory_space<vmem>>, vector<1x128xf32>
    %add3A_81 = vector.broadcast %get3A_80 : vector<1x128xf32> to vector<64x128xf32>
    %add3A_82 = arith.addf %dot_general3A_77, %add3A_81 : vector<64x128xf32>
    %swap3A_83 = arith.constant 0 : index
    %swap3A_84 = arith.constant 0 : index
    %swap3A_85 = vector.load %arg14[%swap3A_83, %swap3A_84] : memref<64x128xf32, #tpu.memory_space<vmem>>, vector<64x128xf32>
    tpu.vector_store %arg14[%swap3A_83, %swap3A_84], %add3A_82 {strides = array<i32>} : memref<64x128xf32, #tpu.memory_space<vmem>>, vector<64x128xf32>,
    return
  }
}

</mosaic_0001>

<sc_bundles>
// kernel: kernel.11.cloned.1.call-start
scs
__scs_entry_jumppad:
0x0: {  	(pc) =	sbr.rel $0x88, $3  }
0x1: {  	(tag) =	ssettag $0x0;
	lr =	simm.s32 $0x1  }
0x2: {  	[smem:$0x3F94] =	sst lr;
	_ =	strace $0xD0000000  }
0x3: {  	_ = 	snop  }
0x4: {  	_ = 	snop  }
0x5: {  	_ = 	snop  }
0x6: {  	_ = 	snop  }
0x7: {  	_ = 	snop  }
__scs_overlays_trampoline_lowered:
0x8: {  	[smem:$0x3FA3] =	sst s0  }
0x9: {  	[smem:$0x3FA4] =	sst s1  }
0xa: {  	[smem:$0x3FA5] =	sst s2  }
0xb: {  	[smem:$0x3FA6] =	sst s3  }
0xc: {  	[smem:$0x3FA7] =	sst s4  }
0xd: {  	[smem:$0x3FA8] =	sst s5  }
0xe: {  	[smem:$0x3FA9] =	sst s6  }
0xf: {  	[smem:$0x3FAA] =	sst s7  }
0x10: {  	[smem:$0x3FAB] =	sst s8  }
0x11: {  	[smem:$0x3FAC] =	sst s9;
	s0 =	simm.s32 @!p0 $0x0  }
0x12: {  	s1 =	sld [smem:$0x3F92];
	s0 =	simm.s32 @p0 $0x1  }
0x13: {  	[smem:$0x3FAD] =	sst s0;
	s0 =	simm.s32 @!p1 $0x0  }
0x14: {  	s2 =	sld [smem:$0x3F91];
	s0 =	simm.s32 @p1 $0x1  }
0x15: {  	[smem:$0x3FAE] =	sst s0;
	s0 =	simm.s32 @!p2 $0x0  }
0x16: {  	s3 =	sld [smem:$0x3FDB];
	s0 =	simm.s32 @p2 $0x1  }
0x17: {  	s4 =	simm.s32 $0x1BF5;
	[smem:$0x3FB0] =	sst s0  }
0x18: {  	s0 =	sld [smem:$0x3F93];
	_ =	swait.ge [sflag:s4], $0x0  }
0x19: {  	s7 =	sld [smem:$0x3F94]  }
0x1a: {  	s8 =	sadd.s32 $0xFFFFE003, lr  }
0x1b: {  	s9 =	sadd.s32 $0xFFFFFEF7, lr;
	s5 =	simm.s32 $0xFFFFFFFF;
	p2 =	slt.u32 s8, $0xFFFFF086  }
0x1c: {  	p1 =	slt.u32 s9, $0xF7A;
	s5 =	simm.s32 @!p2 $0x0  }
0x1d: {  	s5 =	simm.s32 @p1 $0x1;
	p0 =	seq.s32 s7, s2  }
0x1e: {  	s7 =	smul.u32 @!p0 $0xF7A, s2;
	p2 =	seq.s32 @!p0 s5, $0x0  }
0x1f: {  	s9 =	smul.u32 $0xF7A, s1;
	s8 =	simm.s32 @!p0 $0x1BF5;
	p2 =	por !p2, p0  }
0x20: {  	[sflag:s8] =	ssyncset.s32 @!p0 $0xFFFFF086;
	s6 =	sadd.s32 @!p0 s3, s7;
	s7 =	simm.s32 @!p0 $0x108  }
0x21: {  	s3 =	sadd.s32 s3, s9;
	s6 =	sadd.s32 @!p0 $0x88, s6;
	s7 =	simm.s32 @p2 $0x1082  }
0x22: {  	[simem:s7], [sflag:s8] =	dma.local @!p0 [hbm:s6], $0xF7A  }
0x23: {  	s9 =	sor.u32 $0xD0000000, s2;
	s6 =	simm.s32 $0x108;
	_ =	swait.ge @!p0 [sflag:s8], $0x0  }
0x24: {  	s3 =	sadd.s32 $0x88, s3;
	s6 =	simm.s32 @!p1 $0x1082;
	[sflag:s4] =	ssyncset.s32 $0xFFFFF086  }
0x25: {  	[simem:s6], [sflag:s4] =	dma.local [hbm:s3], $0xF7A  }
0x26: {  	[smem:$0x3F94] =	sst s1;
	(tag) =	ssettag s2;
	_ =	strace s9  }
0x27: {  	s1 =	sld [smem:$0x3FA4]  }
0x28: {  	s2 =	sld [smem:$0x3FA5]  }
0x29: {  	s4 =	sld [smem:$0x3FA7]  }
0x2a: {  	p0 =	seq.s32 s5, $0x0;
	s5 =	sld [smem:$0x3FA8]  }
0x2b: {  	s6 =	sld [smem:$0x3FA9]  }
0x2c: {  	s7 =	sld [smem:$0x3FAA]  }
0x2d: {  	s3 =	simm.s32 $0x108;
	s8 =	sld [smem:$0x3FAB]  }
0x2e: {  	s3 =	simm.s32 @!p0 $0x1082;
	s9 =	sld [smem:$0x3FAC]  }
0x2f: {  	lr =	sadd.s32 s0, s3;
	s0 =	sld [smem:$0x3FA3]  }
0x30: {  	s3 =	sld [smem:$0x3FA6]  }
0x31: {  	[smem:$0x3FAF] =	sst s10  }
0x32: {  	s10 =	sld [smem:$0x3FAD];
	_ =	sdelay $0x3  }
0x33: {  	p0 =	seq.s32 s10, $0x1;
	s10 =	sld [smem:$0x3FAF];
	_ =	sdelay $0x3  }
0x34: {  	[smem:$0x3FAF] =	sst s10  }
0x35: {  	s10 =	sld [smem:$0x3FAE];
	_ =	sdelay $0x3  }
0x36: {  	p1 =	seq.s32 s10, $0x1;
	s10 =	sld [smem:$0x3FAF];
	_ =	sdelay $0x3  }
0x37: {  	[smem:$0x3FAF] =	sst s10  }
0x38: {  	s10 =	sld [smem:$0x3FB0]  }
0x39: {  	_ = 	snop;
	(pc) =	sbr.ind lr, $3  }
0x3a: {  	_ = 	snop  }
0x3b: {  	_ = 	snop  }
0x3c: {  	p2 =	seq.s32 s10, $0x1;
	s10 =	sld [smem:$0x3FAF]  }
0x3d: {  	_ =	shalt  }
0x3e: {  	_ =	shalt  }
0x3f: {  	_ =	shalt  }
0x40: {  	_ =	shalt  }
0x41: {  	_ =	shalt  }
0x42: {  	_ =	shalt  }
0x43: {  	_ =	shalt  }
0x44: {  	_ =	shalt  }
0x45: {  	_ =	shalt  }
0x46: {  	_ =	shalt  }
0x47: {  	_ =	shalt  }
0x48: {  	_ =	shalt  }
0x49: {  	_ =	shalt  }
0x4a: {  	_ =	shalt  }
0x4b: {  	_ =	shalt  }
0x4c: {  	_ =	shalt  }
0x4d: {  	_ =	shalt  }
0x4e: {  	_ =	shalt  }
0x4f: {  	_ =	shalt  }
0x50: {  	_ =	shalt  }
0x51: {  	_ =	shalt  }
0x52: {  	_ =	shalt  }
0x53: {  	_ =	shalt  }
0x54: {  	_ =	shalt  }
0x55: {  	_ =	shalt  }
0x56: {  	_ =	shalt  }
0x57: {  	_ =	shalt  }
0x58: {  	_ =	shalt  }
0x59: {  	_ =	shalt  }
0x5a: {  	_ =	shalt  }
0x5b: {  	_ =	shalt  }
0x5c: {  	_ =	shalt  }
0x5d: {  	_ =	shalt  }
0x5e: {  	_ =	shalt  }
0x5f: {  	_ =	shalt  }
0x60: {  	_ =	shalt  }
0x61: {  	_ =	shalt  }
0x62: {  	_ =	shalt  }
0x63: {  	_ =	shalt  }
0x64: {  	_ =	shalt  }
0x65: {  	_ =	shalt  }
0x66: {  	_ =	shalt  }
0x67: {  	_ =	shalt  }
0x68: {  	_ =	shalt  }
0x69: {  	_ =	shalt  }
0x6a: {  	_ =	shalt  }
0x6b: {  	_ =	shalt  }
0x6c: {  	_ =	shalt  }
0x6d: {  	_ =	shalt  }
0x6e: {  	_ =	shalt  }
0x6f: {  	_ =	shalt  }
0x70: {  	_ =	shalt  }
0x71: {  	_ =	shalt  }
0x72: {  	_ =	shalt  }
0x73: {  	_ =	shalt  }
0x74: {  	_ =	shalt  }
0x75: {  	_ =	shalt  }
0x76: {  	_ =	shalt  }
0x77: {  	_ =	shalt  }
0x78: {  	_ =	shalt  }
0x79: {  	_ =	shalt  }
0x7a: {  	_ =	shalt  }
0x7b: {  	_ =	shalt  }
0x7c: {  	_ =	shalt  }
0x7d: {  	_ =	shalt  }
0x7e: {  	_ =	shalt  }
0x7f: {  	_ =	shalt  }
0x80: {  	_ =	shalt  }
0x81: {  	_ =	shalt  }
0x82: {  	_ =	shalt  }
0x83: {  	_ =	shalt  }
0x84: {  	_ =	shalt  }
0x85: {  	_ =	shalt  }
0x86: {  	_ =	shalt  }
0x87: {  	_ =	shalt  }
.Lfunc_end0:
.L_simem_size_0:
called_computation.1_lowered:
.L_overlay_start_0:
0x88: {  	s2 =	sld [smem:$0x3FD9]  }
0x89: {  	s3 =	sld [smem:$0x3FFE];
	_ =	sdelay $0x1  }
0x8a: {  	s1 =	srdreg.scid  }
0x8b: {  	s0 =	sand.u32 $0x1, s1  }
0x8c: {  	s16 =	sshll.u32 s0, $0xA;
	s2 =	sadd.s32 s3, s2  }
0x8d: {  	s2 =	sadd.s32 s2, s16  }
0x8e: {  	[smem:$0x3FBB] =	sst s2  }
0x8f: {  	_ = 	snop  }
0x90: {  	(tm) =	ssettm $0x1  }
0x91: {  	s17 =	sld [smem:$0x3FFB];
	_ =	sdelay $0x3  }
0x92: {  	_ =	strace s17  }
0x93: {  	s2 =	sld [smem:$0x3FFC];
	_ =	sdelay $0x3  }
0x94: {  	_ =	strace s2  }
0x95: {  	s2 =	sld [smem:$0x3FFD];
	_ =	sdelay $0x3  }
0x96: {  	_ =	strace s2  }
0x97: {  	_ =	strace $0x8FFFFFFF  }
0x98: {  	s18 =	sld [smem:$0x3FDB];
	_ =	sdelay $0x1  }
0x99: {  	s19 =	simm.s32 $_scs_section_size  }
0x9a: {  	s4 =	simm.s32 $_size__tile_overlayer_lowered;
	s5 =	simm.s32 $_tile_overlayer_lowered  }
0x9b: {  	s22 =	simm.s32 $0x1BFF;
	s21 =	sshll.u32 s5, $0x1;
	s2 =	sadd.s32 s19, s18  }
0x9c: {  	s6 =	simm.s32 $0x0;
	s20 =	sshll.u32 s4, $0x1;
	s4 =	sadd.s32 s21, s2  }
0x9d: {  	[timem:s6], [sflag:s22] =	dma.local [hbm:s4], s20  }
0x9e: {  	_ =	swait.ge [sflag:s22], s20  }
0x9f: {  	s3 =	ssub.s32 $0x0, s20;
	[sflag:s22] =	ssyncset.done $0x0  }
0xa0: {  	[sflag:s22] =	ssyncadd.s32 s3;
	_ =	sdelay $0x1  }
0xa1: {  	s23 =	simm.s32 $0x1B8B  }
0xa2: {  	_ =	swait.ge [sflag:s23], $0x1  }
0xa3: {  	[sflag:s23] =	ssyncset.done $0x0  }
0xa4: {  	s25 =	simm.s32 $0x1B8E;
	s24 =	sld [smem:$0x3FFE];
	[sflag:s23] =	ssyncadd.s32 $0xFFFFFFFF  }
0xa5: {  	s26 =	simm.s32 $execute0_lowered;
	[smem:$0x3FD2] =	sst s25  }
0xa6: {  	s4 =	sshll.u32 s26, $0x1;
	_ =	strace $0x80000049;
	[dreg:$0x1] =	wrdreg $0xFFFFFFFF  }
0xa7: {  	s28 =	simm.s32 $_size_execute0_lowered;
	s2 =	sadd.s32 s2, s4;
	[dreg:$0x0] =	wrdreg $0x0  }
0xa8: {  	s4 =	sshll.u32 s28, $0x1;
	[dreg:$0x2] =	wrdreg s2  }
0xa9: {  	[dreg:$0x3] =	wrdreg s4  }
0xaa: {  	[dreg:$0x4] =	wrdreg $0xC0  }
0xab: {  	_ =	task [dreg:s6], $0x5FFFF  }
0xac: {  	[dreg:$0x1] =	wrdreg $0xFFFFFFFF  }
0xad: {  	[dreg:$0x0] =	wrdreg $0x60  }
0xae: {  	[dreg:$0x2] =	wrdreg s24  }
0xaf: {  	[dreg:$0x3] =	wrdreg $0x0  }
0xb0: {  	[dreg:$0x4] =	wrdreg $0x9  }
0xb1: {  	_ =	task.clear_ibuf [dreg:s6], $0x5FFFF;
	_ =	strace $0x90000049  }
0xb2: {  	s29 =	simm.s32 $0x9;
	_ =	strace $0x8000004B  }
0xb3: {  	_ =	swait.ge [sflag:s29], $0x1  }
0xb4: {  	[sflag:s29] =	ssyncadd.s32 $0xFFFFFFFF  }
0xb5: {  	_ =	strace $0x9000004B  }
0xb6: {  	_ =	sfence  }
0xb7: {  	s30 =	sld [smem:$0x0];
	_ =	sdelay $0x2  }
0xb8: {  	s31 =	sshll.u32 s1, $0xD;
	s1 =	sshrl.u32 s1, $0x2  }
0xb9: {  	s3 =	sand.u32 $0x4000, s31;
	s1 =	sadd.s32 s1, s30  }
0xba: {  	s0 =	sor.u32 s3, s0;
	s1 =	sshll.u32 s1, $0x11  }
0xbb: {  	s0 =	sor.u32 s1, s0  }
0xbc: {  	s0 =	sadd.s32 $0x8F2B, s0  }
0xbd: {  	[sflag:s0] =	ssyncadd.remote.s32 $0x1  }
0xbe: {  	_ =	sfence.sel $0xFFFF  }
0xbf: {  	[dreg:$0x0] =	wrdreg $0xFFFFFFFF;
	(pc) =	sbr.abs _section_cstart, $3  }
0xc0: {  	[dreg:$0x1] =	wrdreg $0xFFFFFFFF  }
0xc1: {  	_ =	task.clear_ibuf [dreg:s6], $0x2FFFF;
	_ =	strace $0x9FFFFFFF  }
0xc2: {  	(tm) =	ssettm $0x7FFFFFFF  }
0xc3: {  	_ =	shalt  }
tec
execute0_lowered:
.L_overlay_start_1:
0x0: {  	(tag) =	ssettag $0x1  }
0x1: {  	s1 =	rddreg [dreg:$0x0]  }
0x2: {  	s8 =	stileid.u32;
	s2 =	rddreg [dreg:$0x1];
	s5 =	simm.s32 $0x0  }
0x3: {  	s0 =	srdreg.scid;
	s11 =	simm.s32 $0x13C80;
	[smem:$0x7FF] =	sst s5  }
0x4: {  	s12 =	simm.s32 $0x13D00;
	_ =	strace $0x8000004A;
	[dreg:$0x5] =	wrdreg s11  }
0x5: {  	s13 =	simm.s32 $0x13D80;
	s14 =	simm.s32 $0x13E00;
	[dreg:$0x6] =	wrdreg s12  }
0x6: {  	s16 =	simm.s32 $0x13E80;
	s18 =	simm.s32 $0x13F00;
	[dreg:$0x7] =	wrdreg s13  }
0x7: {  	s19 =	simm.s32 $0x13F80;
	s21 =	simm.s32 $0x14000;
	[dreg:$0x8] =	wrdreg s14  }
0x8: {  	s22 =	simm.s32 $0x14480;
	s23 =	simm.s32 $0x14080;
	[dreg:$0x9] =	wrdreg s16  }
0x9: {  	s25 =	simm.s32 $0x14500;
	s26 =	simm.s32 $0x14100;
	[dreg:$0xa] =	wrdreg s18  }
0xa: {  	s9 =	simm.s32 $0x14200;
	s29 =	simm.s32 $0x4;
	[dreg:$0xb] =	wrdreg s19  }
0xb: {  	s31 =	simm.s32 $0x5;
	s28 =	simm.s32 $0x13C00;
	[dreg:$0xc] =	wrdreg s21  }
0xc: {  	s30 =	simm.s32 $0x14400;
	s3 =	smul.u32 $0x2800, s8;
	[dreg:$0xd] =	wrdreg s22  }
0xd: {  	s0 =	sand.u32 $0x1, s0;
	s6 =	smul.u32 $0x278, s8;
	[dreg:$0xe] =	wrdreg s23  }
0xe: {  	s17 =	smul.u32 $0x4F000, s8;
	s24 =	sshll.u32 s8, $0x6;
	[dreg:$0xf] =	wrdreg s25  }
0xf: {  	s8 =	simm.s32 $0x14600;
	s4 =	smul.u32 $0x28000, s0;
	[dreg:$0x10] =	wrdreg s26  }
0x10: {  	s10 =	smul.u32 $0x2780, s0;
	s0 =	ssub.s32 $0x2, s0;
	[dreg:$0x13] =	wrdreg s8  }
0x11: {  	s11 =	sor.u32 $0x1C11, s24;
	[dreg:$0x14] =	wrdreg s9;
	s13 =	simm.s32 $0x14680  }
0x12: {  	s14 =	simm.s32 $0x14280;
	s16 =	simm.s32 $0x14300;
	s18 =	simm.s32 $0x14380  }
0x13: {  	s19 =	simm.s32 $0x14800;
	s21 =	simm.s32 $0x14900;
	[dreg:$0x15] =	wrdreg s13  }
0x14: {  	s22 =	simm.s32 $0x14980;
	s23 =	simm.s32 $0x14A00;
	[dreg:$0x16] =	wrdreg s14  }
0x15: {  	s24 =	simm.s32 $0x14A80;
	s25 =	simm.s32 $0x14B00;
	[dreg:$0x18] =	wrdreg s16  }
0x16: {  	s26 =	simm.s32 $0x14B80;
	s8 =	simm.s32 $0xF;
	[dreg:$0x1a] =	wrdreg s18  }
0x17: {  	s9 =	simm.s32 $0x10;
	s3 =	sadd.s32 s3, s1;
	[dreg:$0x1b] =	wrdreg s19  }
0x18: {  	s15 =	sshrl.u32 s0, $0x1;
	s20 =	sshrl.u32 s17, $0x2;
	[dreg:$0x1d] =	wrdreg s21  }
0x19: {  	s13 =	simm.s32 $0x20;
	s14 =	simm.s32 $0x14C00;
	[dreg:$0x1e] =	wrdreg s22  }
0x1a: {  	s17 =	simm.s32 $0x14780;
	s16 =	simm.s32 $0x16C00;
	[dreg:$0x1f] =	wrdreg s23  }
0x1b: {  	s18 =	simm.s32 $0x18C00;
	s19 =	simm.s32 $0x19C00;
	[smem:$0x7F9] =	sst s24  }
0x1c: {  	s21 =	simm.s32 $0x1BC00;
	s22 =	simm.s32 $0x1;
	[smem:$0x7FA] =	sst s25  }
0x1d: {  	s24 =	simm.s32 $0x2;
	[smem:$0x7FB] =	sst s26;
	s26 =	simm.s32 $0x3  }
0x1e: {  	s23 =	simm.s32 $0x0;
	[smem:$0x7FC] =	sst s11;
	s4 =	sadd.s32 s4, s3  }
0x1f: {  	s3 =	sadd.s32 $0x2600, s3;
	s5 =	sadd.s32 s6, s10;
	s0 =	ssub.s32 s0, s15  }
0x20: {  	s6 =	sadd.s32 s20, s2;
	s10 =	simm.s32 $0x11;
	[dreg:$0x19] =	wrdreg s17  }
0x21: {  	s15 =	simm.s32 $0x14700;
	s17 =	simm.s32 $0x17C00;
	[dreg:$0x4] =	wrdreg s3  }
0x22: {  	s20 =	simm.s32 $0x14880;
	s7 =	sadd.s32 $0xA0E00, s4;
	[dreg:$0x17] =	wrdreg s15  }
0x23: {  	s4 =	sadd.s32 $0x2A600, s1;
	s5 =	sshll.u32 s5, $0x4;
	[dreg:$0x1c] =	wrdreg s20  }
0x24: {  	s0 =	smax.u32 s0, $0x1;
	s12 =	sshrl.u32 s6, $0x3;
	[dreg:$0x3] =	wrdreg s7  }
0x25: {  	s15 =	simm.s32 $0x15C00;
	s20 =	simm.s32 $0x1AC00;
	[smem:$0x7F8] =	sst s0  }
0x26: {  	s1 =	sadd.s32 s5, s1;
	s5 =	sadd.s32 s4, s5;
	[smem:$0x7FD] =	sst s12  }
0x27: {  	s6 =	simm.s32 $0x8;
	s7 =	simm.s32 $0x14180;
	[smem:$0x7F6] =	sst s5  }
0x28: {  	s0 =	simm.s32 $0x6;
	s1 =	sadd.s32 $0xF0E00, s1;
	[dreg:$0x12] =	wrdreg s7  }
0x29: {  	s5 =	simm.s32 $0x14580;
	s7 =	simm.s32 $0x7;
	[smem:$0x7F7] =	sst s1  }
0x2a: {  	[dreg:$0x11] =	wrdreg s5;
	s1 =	simm.s32 $0xD;
	s5 =	simm.s32 $0xE  }
.LBB2_1:
0x2b: {  	s3 =	sld [smem:$0x7F6];
	_ =	sdelay $0x1  }
0x2c: {  	[smem:$0x7F5] =	sst s23  }
0x2d: {  	[spmem:s12], [sflag:s11] =	dma.local [hbm:s3], $0x2780  }
0x2e: {  	_ =	swait.ge [sflag:s10], $0x2780  }
0x2f: {  	p0 =	por $0x1, $0x1;
	[sflag:s10] =	ssyncset.done $0x0  }
0x30: {  	p0 =	por p0, p0;
	[sflag:s10] =	ssyncadd.s32 $0xFFFFD880  }
0x31: {  	s3 =	simm.s32 @!p0 $0x9;
	[bflag:$0x0] =	sbarrier.arrive $0xFFFF  }
0x32: {  	_ =	swait.ge @!p0 [sflag:s3], $0x1000  }
0x33: {  	[sflag:s3] =	ssyncset.done @!p0 $0x0  }
0x34: {  	[sflag:s3] =	ssyncadd.s32 @!p0 $0xFFFFF000;
	s3 =	simm.s32 @!p0 $0xA  }
0x35: {  	_ =	swait.ge @!p0 [sflag:s3], $0x1000  }
0x36: {  	[sflag:s3] =	ssyncset.done @!p0 $0x0  }
0x37: {  	[sflag:s3] =	ssyncadd.s32 @!p0 $0xFFFFF000;
	s3 =	simm.s32 @!p0 $0xB  }
0x38: {  	_ =	swait.ge @!p0 [sflag:s3], $0x1000  }
0x39: {  	[sflag:s3] =	ssyncset.done @!p0 $0x0  }
0x3a: {  	[sflag:s3] =	ssyncadd.s32 @!p0 $0xFFFFF000;
	s3 =	simm.s32 @!p0 $0xC  }
0x3b: {  	_ =	swait.ge @!p0 [sflag:s3], $0x1000  }
0x3c: {  	[sflag:s3] =	ssyncset.done @!p0 $0x0  }
0x3d: {  	[sflag:s3] =	ssyncadd.s32 @!p0 $0xFFFFF000;
	s3 =	simm.s32 @!p0 $0xD  }
0x3e: {  	_ =	swait.ge @!p0 [sflag:s3], $0x1000  }
0x3f: {  	[sflag:s3] =	ssyncset.done @!p0 $0x0  }
0x40: {  	[sflag:s3] =	ssyncadd.s32 @!p0 $0xFFFFF000;
	s3 =	simm.s32 @!p0 $0xE  }
0x41: {  	_ =	swait.ge @!p0 [sflag:s3], $0x1000  }
0x42: {  	[sflag:s3] =	ssyncset.done @!p0 $0x0  }
0x43: {  	[sflag:s3] =	ssyncadd.s32 @!p0 $0xFFFFF000;
	s3 =	simm.s32 @!p0 $0xF  }
0x44: {  	_ =	swait.ge @!p0 [sflag:s3], $0x1000  }
0x45: {  	[sflag:s3] =	ssyncset.done @!p0 $0x0  }
0x46: {  	[sflag:s3] =	ssyncadd.s32 @!p0 $0xFFFFF000;
	s3 =	simm.s32 @!p0 $0x10  }
0x47: {  	_ =	swait.ge @!p0 [sflag:s3], $0x1000  }
0x48: {  	s11 =	simm.s32 $0x0;
	s12 =	rddreg [dreg:$0x3];
	[sflag:s3] =	ssyncset.done @!p0 $0x0  }
0x49: {  	[sflag:s3] =	ssyncadd.s32 @!p0 $0xFFFFF000;
	s23 =	sadd.s32 $0x0, s12;
	s12 =	simm.s32 $0x13C00  }
0x4a: {  	[tilespmem:s12], [sflag:$0x11] =	stream.linear.gather [hbm4b:s23+s11], $0x800, $0x38;
	[tilespmem:$0x1CC00] =	vst v63  }
0x4b: {  	_ =	swait.ge [sflag:s10], $0x800  }
0x4c: {  	s25 =	rddreg [dreg:$0x4];
	[sflag:s10] =	ssyncset.done $0x0  }
0x4d: {  	s23 =	simm.s32 $0x14400;
	[sflag:s10] =	ssyncadd.s32 $0xFFFFF800;
	s3 =	sadd.s32 $0x0, s25  }
0x4e: {  	[tilespmem:s23], [sflag:$0x11] =	stream.linear.gather [hbm4b:s3+s11], $0x800, $0x38;
	[tilespmem:$0x1CC00] =	vst v63  }
0x4f: {  	_ =	swait.ge [sflag:s10], $0x800  }
0x50: {  	[sflag:s10] =	ssyncset.done $0x0  }
0x51: {  	[sflag:s10] =	ssyncadd.s32 $0xFFFFF800  }
0x52: {  	[tilespmem:s14], [sflag:$0x1] =	stream.indirect.gather [hbm4b:s4+s13], $0x80, s12, s13, $0xb8;
	[tilespmem:$0x1CC00] =	vst v63  }
0x53: {  	s11 =	rddreg [dreg:$0x5]  }
0x54: {  	[tilespmem:s15], [sflag:$0x2] =	stream.indirect.gather [hbm4b:s4+s13], $0x80, s11, s13, $0xb8;
	[tilespmem:$0x1CC00] =	vst v63  }
0x55: {  	s25 =	rddreg [dreg:$0x6]  }
0x56: {  	[tilespmem:s16], [sflag:$0x3] =	stream.indirect.gather [hbm4b:s4+s13], $0x80, s25, s13, $0xb8;
	[tilespmem:$0x1CC00] =	vst v63  }
0x57: {  	s12 =	rddreg [dreg:$0x7]  }
0x58: {  	[tilespmem:s17], [sflag:$0x4] =	stream.indirect.gather [hbm4b:s4+s13], $0x80, s12, s13, $0xb8;
	[tilespmem:$0x1CC00] =	vst v63  }
0x59: {  	s25 =	rddreg [dreg:$0x8]  }
0x5a: {  	[tilespmem:s18], [sflag:$0x5] =	stream.indirect.gather [hbm4b:s4+s13], $0x80, s25, s13, $0xb8;
	[tilespmem:$0x1CC00] =	vst v63  }
0x5b: {  	s12 =	rddreg [dreg:$0x9]  }
0x5c: {  	[tilespmem:s19], [sflag:$0x6] =	stream.indirect.gather [hbm4b:s4+s13], $0x80, s12, s13, $0xb8;
	[tilespmem:$0x1CC00] =	vst v63  }
0x5d: {  	s25 =	rddreg [dreg:$0xa]  }
0x5e: {  	[tilespmem:s20], [sflag:$0x7] =	stream.indirect.gather [hbm4b:s4+s13], $0x80, s25, s13, $0xb8;
	[tilespmem:$0x1CC00] =	vst v63  }
0x5f: {  	s12 =	rddreg [dreg:$0xb]  }
0x60: {  	[tilespmem:s21], [sflag:$0x8] =	stream.indirect.gather [hbm4b:s4+s13], $0x80, s12, s13, $0xb8;
	[tilespmem:$0x1CC00] =	vst v63  }
0x61: {  	_ =	swait.ge [sflag:s22], $0x1000  }
0x62: {  	[sflag:s22] =	ssyncset.done $0x0  }
0x63: {  	[sflag:s22] =	ssyncadd.s32 $0xFFFFF000  }
0x64: {  	[spmem:s2] =	stream.indirect.scatter.add.f32 [tilespmem:s14], [sflag:$0x9], $0x80, s23, s13, $0xb8;
	[tilespmem:$0x1CC00] =	vst v63  }
0x65: {  	s23 =	simm.s32 $0x9  }
0x66: {  	_ =	swait.ge [sflag:s23], $0x1000  }
0x67: {  	[sflag:s23] =	ssyncset.done $0x0  }
0x68: {  	s25 =	rddreg [dreg:$0xc];
	[sflag:s23] =	ssyncadd.s32 $0xFFFFF000  }
0x69: {  	[tilespmem:s14], [sflag:$0x1] =	stream.indirect.gather [hbm4b:s4+s13], $0x80, s25, s13, $0xb8;
	[tilespmem:$0x1CC00] =	vst v63  }
0x6a: {  	_ =	swait.ge [sflag:s24], $0x1000  }
0x6b: {  	[sflag:s24] =	ssyncset.done $0x0  }
0x6c: {  	s23 =	simm.s32 $0xA;
	s12 =	rddreg [dreg:$0xd];
	[sflag:s24] =	ssyncadd.s32 $0xFFFFF000  }
0x6d: {  	[spmem:s2] =	stream.indirect.scatter.add.f32 [tilespmem:s15], [sflag:$0xA], $0x80, s12, s13, $0xb8;
	[tilespmem:$0x1CC00] =	vst v63  }
0x6e: {  	_ =	swait.ge [sflag:s23], $0x1000  }
0x6f: {  	[sflag:s23] =	ssyncset.done $0x0  }
0x70: {  	s25 =	rddreg [dreg:$0xe];
	[sflag:s23] =	ssyncadd.s32 $0xFFFFF000  }
0x71: {  	[tilespmem:s15], [sflag:$0x2] =	stream.indirect.gather [hbm4b:s4+s13], $0x80, s25, s13, $0xb8;
	[tilespmem:$0x1CC00] =	vst v63  }
0x72: {  	_ =	swait.ge [sflag:s26], $0x1000  }
0x73: {  	[sflag:s26] =	ssyncset.done $0x0  }
0x74: {  	s23 =	simm.s32 $0xB;
	s12 =	rddreg [dreg:$0xf];
	[sflag:s26] =	ssyncadd.s32 $0xFFFFF000  }
0x75: {  	[spmem:s2] =	stream.indirect.scatter.add.f32 [tilespmem:s16], [sflag:$0xB], $0x80, s12, s13, $0xb8;
	[tilespmem:$0x1CC00] =	vst v63  }
0x76: {  	_ =	swait.ge [sflag:s23], $0x1000  }
0x77: {  	[sflag:s23] =	ssyncset.done $0x0  }
0x78: {  	s25 =	rddreg [dreg:$0x10];
	[sflag:s23] =	ssyncadd.s32 $0xFFFFF000  }
0x79: {  	[tilespmem:s16], [sflag:$0x3] =	stream.indirect.gather [hbm4b:s4+s13], $0x80, s25, s13, $0xb8;
	[tilespmem:$0x1CC00] =	vst v63  }
0x7a: {  	_ =	swait.ge [sflag:s29], $0x1000  }
0x7b: {  	[sflag:s29] =	ssyncset.done $0x0  }
0x7c: {  	s23 =	simm.s32 $0xC;
	s12 =	rddreg [dreg:$0x11];
	[sflag:s29] =	ssyncadd.s32 $0xFFFFF000  }
0x7d: {  	[spmem:s2] =	stream.indirect.scatter.add.f32 [tilespmem:s17], [sflag:$0xC], $0x80, s12, s13, $0xb8;
	[tilespmem:$0x1CC00] =	vst v63  }
0x7e: {  	_ =	swait.ge [sflag:s23], $0x1000  }
0x7f: {  	[sflag:s23] =	ssyncset.done $0x0  }
0x80: {  	s25 =	rddreg [dreg:$0x12];
	[sflag:s23] =	ssyncadd.s32 $0xFFFFF000  }
0x81: {  	[tilespmem:s17], [sflag:$0x4] =	stream.indirect.gather [hbm4b:s4+s13], $0x80, s25, s13, $0xb8;
	[tilespmem:$0x1CC00] =	vst v63  }
0x82: {  	_ =	swait.ge [sflag:s31], $0x1000  }
0x83: {  	[sflag:s31] =	ssyncset.done $0x0  }
0x84: {  	s12 =	rddreg [dreg:$0x13];
	[sflag:s31] =	ssyncadd.s32 $0xFFFFF000  }
0x85: {  	[spmem:s2] =	stream.indirect.scatter.add.f32 [tilespmem:s18], [sflag:$0xD], $0x80, s12, s13, $0xb8;
	[tilespmem:$0x1CC00] =	vst v63  }
0x86: {  	_ =	swait.ge [sflag:s1], $0x1000  }
0x87: {  	[sflag:s1] =	ssyncset.done $0x0  }
0x88: {  	s23 =	rddreg [dreg:$0x14];
	[sflag:s1] =	ssyncadd.s32 $0xFFFFF000  }
0x89: {  	[tilespmem:s18], [sflag:$0x5] =	stream.indirect.gather [hbm4b:s4+s13], $0x80, s23, s13, $0xb8;
	[tilespmem:$0x1CC00] =	vst v63  }
0x8a: {  	_ =	swait.ge [sflag:s0], $0x1000  }
0x8b: {  	[sflag:s0] =	ssyncset.done $0x0  }
0x8c: {  	s25 =	rddreg [dreg:$0x15];
	[sflag:s0] =	ssyncadd.s32 $0xFFFFF000  }
0x8d: {  	[spmem:s2] =	stream.indirect.scatter.add.f32 [tilespmem:s19], [sflag:$0xE], $0x80, s25, s13, $0xb8;
	[tilespmem:$0x1CC00] =	vst v63  }
0x8e: {  	_ =	swait.ge [sflag:s5], $0x1000  }
0x8f: {  	[sflag:s5] =	ssyncset.done $0x0  }
0x90: {  	s11 =	rddreg [dreg:$0x16];
	[sflag:s5] =	ssyncadd.s32 $0xFFFFF000  }
0x91: {  	[tilespmem:s19], [sflag:$0x6] =	stream.indirect.gather [hbm4b:s4+s13], $0x80, s11, s13, $0xb8;
	[tilespmem:$0x1CC00] =	vst v63  }
0x92: {  	_ =	swait.ge [sflag:s7], $0x1000  }
0x93: {  	[sflag:s7] =	ssyncset.done $0x0  }
0x94: {  	s12 =	rddreg [dreg:$0x17];
	[sflag:s7] =	ssyncadd.s32 $0xFFFFF000  }
0x95: {  	[spmem:s2] =	stream.indirect.scatter.add.f32 [tilespmem:s20], [sflag:$0xF], $0x80, s12, s13, $0xb8;
	[tilespmem:$0x1CC00] =	vst v63  }
0x96: {  	_ =	swait.ge [sflag:s8], $0x1000  }
0x97: {  	[sflag:s8] =	ssyncset.done $0x0  }
0x98: {  	s23 =	rddreg [dreg:$0x18];
	[sflag:s8] =	ssyncadd.s32 $0xFFFFF000  }
0x99: {  	[tilespmem:s20], [sflag:$0x7] =	stream.indirect.gather [hbm4b:s4+s13], $0x80, s23, s13, $0xb8;
	[tilespmem:$0x1CC00] =	vst v63  }
0x9a: {  	_ =	swait.ge [sflag:s6], $0x1000  }
0x9b: {  	[sflag:s6] =	ssyncset.done $0x0  }
0x9c: {  	s25 =	rddreg [dreg:$0x19];
	[sflag:s6] =	ssyncadd.s32 $0xFFFFF000  }
0x9d: {  	[spmem:s2] =	stream.indirect.scatter.add.f32 [tilespmem:s21], [sflag:$0x10], $0x80, s25, s13, $0xb8;
	[tilespmem:$0x1CC00] =	vst v63  }
0x9e: {  	_ =	swait.ge [sflag:s9], $0x1000  }
0x9f: {  	[sflag:s9] =	ssyncset.done $0x0  }
0xa0: {  	s11 =	rddreg [dreg:$0x1a];
	[sflag:s9] =	ssyncadd.s32 $0xFFFFF000  }
0xa1: {  	[tilespmem:s21], [sflag:$0x8] =	stream.indirect.gather [hbm4b:s4+s13], $0x80, s11, s13, $0xb8;
	[tilespmem:$0x1CC00] =	vst v63  }
0xa2: {  	_ =	swait.ge [sflag:s22], $0x1000  }
0xa3: {  	[sflag:s22] =	ssyncset.done $0x0  }
0xa4: {  	s12 =	rddreg [dreg:$0x1b];
	[sflag:s22] =	ssyncadd.s32 $0xFFFFF000  }
0xa5: {  	[spmem:s2] =	stream.indirect.scatter.add.f32 [tilespmem:s14], [sflag:$0x9], $0x80, s12, s13, $0xb8;
	[tilespmem:$0x1CC00] =	vst v63  }
0xa6: {  	_ =	swait.ge [sflag:s24], $0x1000  }
0xa7: {  	[sflag:s24] =	ssyncset.done $0x0  }
0xa8: {  	s23 =	rddreg [dreg:$0x1c];
	[sflag:s24] =	ssyncadd.s32 $0xFFFFF000  }
0xa9: {  	[spmem:s2] =	stream.indirect.scatter.add.f32 [tilespmem:s15], [sflag:$0xA], $0x80, s23, s13, $0xb8;
	[tilespmem:$0x1CC00] =	vst v63  }
0xaa: {  	_ =	swait.ge [sflag:s26], $0x1000  }
0xab: {  	[sflag:s26] =	ssyncset.done $0x0  }
0xac: {  	s25 =	rddreg [dreg:$0x1d];
	[sflag:s26] =	ssyncadd.s32 $0xFFFFF000  }
0xad: {  	[spmem:s2] =	stream.indirect.scatter.add.f32 [tilespmem:s16], [sflag:$0xB], $0x80, s25, s13, $0xb8;
	[tilespmem:$0x1CC00] =	vst v63  }
0xae: {  	_ =	swait.ge [sflag:s29], $0x1000  }
0xaf: {  	[sflag:s29] =	ssyncset.done $0x0  }
0xb0: {  	s11 =	rddreg [dreg:$0x1e];
	[sflag:s29] =	ssyncadd.s32 $0xFFFFF000  }
0xb1: {  	[spmem:s2] =	stream.indirect.scatter.add.f32 [tilespmem:s17], [sflag:$0xC], $0x80, s11, s13, $0xb8;
	[tilespmem:$0x1CC00] =	vst v63  }
0xb2: {  	_ =	swait.ge [sflag:s31], $0x1000  }
0xb3: {  	[sflag:s31] =	ssyncset.done $0x0  }
0xb4: {  	s12 =	rddreg [dreg:$0x1f];
	[sflag:s31] =	ssyncadd.s32 $0xFFFFF000  }
0xb5: {  	[spmem:s2] =	stream.indirect.scatter.add.f32 [tilespmem:s18], [sflag:$0xD], $0x80, s12, s13, $0xb8;
	[tilespmem:$0x1CC00] =	vst v63  }
0xb6: {  	_ =	swait.ge [sflag:s0], $0x1000  }
0xb7: {  	s23 =	sld [smem:$0x7F9]  }
0xb8: {  	[sflag:s0] =	ssyncset.done $0x0  }
0xb9: {  	[sflag:s0] =	ssyncadd.s32 $0xFFFFF000  }
0xba: {  	[spmem:s2] =	stream.indirect.scatter.add.f32 [tilespmem:s19], [sflag:$0xE], $0x80, s23, s13, $0xb8;
	[tilespmem:$0x1CC00] =	vst v63  }
0xbb: {  	_ =	swait.ge [sflag:s7], $0x1000  }
0xbc: {  	s25 =	sld [smem:$0x7FA]  }
0xbd: {  	[sflag:s7] =	ssyncset.done $0x0  }
0xbe: {  	[sflag:s7] =	ssyncadd.s32 $0xFFFFF000  }
0xbf: {  	[spmem:s2] =	stream.indirect.scatter.add.f32 [tilespmem:s20], [sflag:$0xF], $0x80, s25, s13, $0xb8;
	[tilespmem:$0x1CC00] =	vst v63  }
0xc0: {  	p6 =	por $0x0, $0x0;
	_ =	swait.ge [sflag:s6], $0x1000  }
0xc1: {  	p0 =	por p6, p6;
	s3 =	simm.s32 $0x100;
	[sflag:s6] =	ssyncset.done $0x0  }
0xc2: {  	s11 =	simm.s32 $0x200;
	s12 =	sld [smem:$0x7FB];
	[sflag:s6] =	ssyncadd.s32 $0xFFFFF000  }
.LBB2_2:
0xc3: {  	_ = 	snop  }
0xc4: {  	s23 =	simm.s32 @!p0 $0x9  }
0xc5: {  	[spmem:s2] =	stream.indirect.scatter.add.f32 [tilespmem:s21], [sflag:$0x10], $0x80, s12, s13, $0xb8;
	[tilespmem:$0x1CC00] =	vst v63  }
0xc6: {  	_ =	swait.ge @!p0 [sflag:s23], $0x1000  }
0xc7: {  	[sflag:s23] =	ssyncset.done @!p0 $0x0  }
0xc8: {  	[sflag:s23] =	ssyncadd.s32 @!p0 $0xFFFFF000;
	s23 =	simm.s32 @!p0 $0xA  }
0xc9: {  	_ =	swait.ge @!p0 [sflag:s23], $0x1000  }
0xca: {  	[sflag:s23] =	ssyncset.done @!p0 $0x0  }
0xcb: {  	[sflag:s23] =	ssyncadd.s32 @!p0 $0xFFFFF000;
	s23 =	simm.s32 @!p0 $0xB  }
0xcc: {  	_ =	swait.ge @!p0 [sflag:s23], $0x1000  }
0xcd: {  	[sflag:s23] =	ssyncset.done @!p0 $0x0  }
0xce: {  	[sflag:s23] =	ssyncadd.s32 @!p0 $0xFFFFF000;
	s23 =	simm.s32 @!p0 $0xC  }
0xcf: {  	_ =	swait.ge @!p0 [sflag:s23], $0x1000  }
0xd0: {  	[sflag:s23] =	ssyncset.done @!p0 $0x0  }
0xd1: {  	[sflag:s23] =	ssyncadd.s32 @!p0 $0xFFFFF000;
	s23 =	simm.s32 @!p0 $0xD  }
0xd2: {  	_ =	swait.ge @!p0 [sflag:s23], $0x1000  }
0xd3: {  	[sflag:s23] =	ssyncset.done @!p0 $0x0  }
0xd4: {  	[sflag:s23] =	ssyncadd.s32 @!p0 $0xFFFFF000;
	s23 =	simm.s32 @!p0 $0xE  }
0xd5: {  	_ =	swait.ge @!p0 [sflag:s23], $0x1000  }
0xd6: {  	[sflag:s23] =	ssyncset.done @!p0 $0x0  }
0xd7: {  	[sflag:s23] =	ssyncadd.s32 @!p0 $0xFFFFF000;
	s23 =	simm.s32 @!p0 $0xF  }
0xd8: {  	_ =	swait.ge @!p0 [sflag:s23], $0x1000  }
0xd9: {  	[sflag:s23] =	ssyncset.done @!p0 $0x0  }
0xda: {  	[sflag:s23] =	ssyncadd.s32 @!p0 $0xFFFFF000;
	s23 =	simm.s32 @!p0 $0x10  }
0xdb: {  	_ =	swait.ge @!p0 [sflag:s23], $0x1000  }
0xdc: {  	s25 =	rddreg [dreg:$0x3];
	[sflag:s23] =	ssyncset.done @!p0 $0x0  }
0xdd: {  	[sflag:s23] =	ssyncadd.s32 @!p0 $0xFFFFF000;
	s23 =	sadd.s32 s3, s25;
	s25 =	simm.s32 $0x0  }
0xde: {  	[tilespmem:s28], [sflag:$0x11] =	stream.linear.gather [hbm4b:s23+s25], $0x800, $0x38;
	[tilespmem:$0x1CC00] =	vst v63  }
0xdf: {  	_ =	swait.ge [sflag:s10], $0x800  }
0xe0: {  	s23 =	rddreg [dreg:$0x4];
	[sflag:s10] =	ssyncset.done $0x0  }
0xe1: {  	[sflag:s10] =	ssyncadd.s32 $0xFFFFF800;
	s23 =	sadd.s32 s3, s23  }
0xe2: {  	[tilespmem:s30], [sflag:$0x11] =	stream.linear.gather [hbm4b:s23+s25], $0x800, $0x38;
	[tilespmem:$0x1CC00] =	vst v63  }
0xe3: {  	_ =	swait.ge [sflag:s10], $0x800  }
0xe4: {  	[sflag:s10] =	ssyncset.done $0x0  }
0xe5: {  	[sflag:s10] =	ssyncadd.s32 $0xFFFFF800  }
0xe6: {  	[tilespmem:s14], [sflag:$0x1] =	stream.indirect.gather [hbm4b:s4+s13], $0x80, s28, s13, $0xb8;
	[tilespmem:$0x1CC00] =	vst v63  }
0xe7: {  	s25 =	rddreg [dreg:$0x5]  }
0xe8: {  	[tilespmem:s15], [sflag:$0x2] =	stream.indirect.gather [hbm4b:s4+s13], $0x80, s25, s13, $0xb8;
	[tilespmem:$0x1CC00] =	vst v63  }
0xe9: {  	s23 =	rddreg [dreg:$0x6]  }
0xea: {  	[tilespmem:s16], [sflag:$0x3] =	stream.indirect.gather [hbm4b:s4+s13], $0x80, s23, s13, $0xb8;
	[tilespmem:$0x1CC00] =	vst v63  }
0xeb: {  	s25 =	rddreg [dreg:$0x7]  }
0xec: {  	[tilespmem:s17], [sflag:$0x4] =	stream.indirect.gather [hbm4b:s4+s13], $0x80, s25, s13, $0xb8;
	[tilespmem:$0x1CC00] =	vst v63  }
0xed: {  	s23 =	rddreg [dreg:$0x8]  }
0xee: {  	[tilespmem:s18], [sflag:$0x5] =	stream.indirect.gather [hbm4b:s4+s13], $0x80, s23, s13, $0xb8;
	[tilespmem:$0x1CC00] =	vst v63  }
0xef: {  	s25 =	rddreg [dreg:$0x9]  }
0xf0: {  	[tilespmem:s19], [sflag:$0x6] =	stream.indirect.gather [hbm4b:s4+s13], $0x80, s25, s13, $0xb8;
	[tilespmem:$0x1CC00] =	vst v63  }
0xf1: {  	s23 =	rddreg [dreg:$0xa]  }
0xf2: {  	[tilespmem:s20], [sflag:$0x7] =	stream.indirect.gather [hbm4b:s4+s13], $0x80, s23, s13, $0xb8;
	[tilespmem:$0x1CC00] =	vst v63  }
0xf3: {  	s25 =	rddreg [dreg:$0xb]  }
0xf4: {  	[tilespmem:s21], [sflag:$0x8] =	stream.indirect.gather [hbm4b:s4+s13], $0x80, s25, s13, $0xb8;
	[tilespmem:$0x1CC00] =	vst v63  }
0xf5: {  	s12 =	smov.u32 s11;
	_ =	swait.ge [sflag:s22], $0x1000  }
0xf6: {  	p2 =	seq.s32 s12, $0x0;
	[sflag:s22] =	ssyncset.done $0x0  }
0xf7: {  	s3 =	smov.u32 s12;
	s12 =	simm.s32 $0x9;
	[sflag:s22] =	ssyncadd.s32 $0xFFFFF000  }
0xf8: {  	[spmem:s2] =	stream.indirect.scatter.add.f32 [tilespmem:s14], [sflag:$0x9], $0x80, s30, s13, $0xb8;
	[tilespmem:$0x1CC00] =	vst v63  }
0xf9: {  	_ =	swait.ge [sflag:s12], $0x1000  }
0xfa: {  	[sflag:s12] =	ssyncset.done $0x0  }
0xfb: {  	s25 =	rddreg [dreg:$0xc];
	[sflag:s12] =	ssyncadd.s32 $0xFFFFF000  }
0xfc: {  	[tilespmem:s14], [sflag:$0x1] =	stream.indirect.gather [hbm4b:s4+s13], $0x80, s25, s13, $0xb8;
	[tilespmem:$0x1CC00] =	vst v63  }
0xfd: {  	_ =	swait.ge [sflag:s24], $0x1000  }
0xfe: {  	[sflag:s24] =	ssyncset.done $0x0  }
0xff: {  	s12 =	simm.s32 $0xA;
	s25 =	rddreg [dreg:$0xd];
	[sflag:s24] =	ssyncadd.s32 $0xFFFFF000  }
0x100: {  	[spmem:s2] =	stream.indirect.scatter.add.f32 [tilespmem:s15], [sflag:$0xA], $0x80, s25, s13, $0xb8;
	[tilespmem:$0x1CC00] =	vst v63  }
0x101: {  	_ =	swait.ge [sflag:s12], $0x1000  }
0x102: {  	[sflag:s12] =	ssyncset.done $0x0  }
0x103: {  	s25 =	rddreg [dreg:$0xe];
	[sflag:s12] =	ssyncadd.s32 $0xFFFFF000  }
0x104: {  	[tilespmem:s15], [sflag:$0x2] =	stream.indirect.gather [hbm4b:s4+s13], $0x80, s25, s13, $0xb8;
	[tilespmem:$0x1CC00] =	vst v63  }
0x105: {  	_ =	swait.ge [sflag:s26], $0x1000  }
0x106: {  	[sflag:s26] =	ssyncset.done $0x0  }
0x107: {  	s12 =	simm.s32 $0xB;
	s25 =	rddreg [dreg:$0xf];
	[sflag:s26] =	ssyncadd.s32 $0xFFFFF000  }
0x108: {  	[spmem:s2] =	stream.indirect.scatter.add.f32 [tilespmem:s16], [sflag:$0xB], $0x80, s25, s13, $0xb8;
	[tilespmem:$0x1CC00] =	vst v63  }
0x109: {  	_ =	swait.ge [sflag:s12], $0x1000  }
0x10a: {  	[sflag:s12] =	ssyncset.done $0x0  }
0x10b: {  	s25 =	rddreg [dreg:$0x10];
	[sflag:s12] =	ssyncadd.s32 $0xFFFFF000  }
0x10c: {  	[tilespmem:s16], [sflag:$0x3] =	stream.indirect.gather [hbm4b:s4+s13], $0x80, s25, s13, $0xb8;
	[tilespmem:$0x1CC00] =	vst v63  }
0x10d: {  	_ =	swait.ge [sflag:s29], $0x1000  }
0x10e: {  	[sflag:s29] =	ssyncset.done $0x0  }
0x10f: {  	s12 =	simm.s32 $0xC;
	s25 =	rddreg [dreg:$0x11];
	[sflag:s29] =	ssyncadd.s32 $0xFFFFF000  }
0x110: {  	[spmem:s2] =	stream.indirect.scatter.add.f32 [tilespmem:s17], [sflag:$0xC], $0x80, s25, s13, $0xb8;
	[tilespmem:$0x1CC00] =	vst v63  }
0x111: {  	_ =	swait.ge [sflag:s12], $0x1000  }
0x112: {  	[sflag:s12] =	ssyncset.done $0x0  }
0x113: {  	s25 =	rddreg [dreg:$0x12];
	[sflag:s12] =	ssyncadd.s32 $0xFFFFF000  }
0x114: {  	[tilespmem:s17], [sflag:$0x4] =	stream.indirect.gather [hbm4b:s4+s13], $0x80, s25, s13, $0xb8;
	[tilespmem:$0x1CC00] =	vst v63  }
0x115: {  	_ =	swait.ge [sflag:s31], $0x1000  }
0x116: {  	[sflag:s31] =	ssyncset.done $0x0  }
0x117: {  	s25 =	rddreg [dreg:$0x13];
	[sflag:s31] =	ssyncadd.s32 $0xFFFFF000  }
0x118: {  	[spmem:s2] =	stream.indirect.scatter.add.f32 [tilespmem:s18], [sflag:$0xD], $0x80, s25, s13, $0xb8;
	[tilespmem:$0x1CC00] =	vst v63  }
0x119: {  	_ =	swait.ge [sflag:s1], $0x1000  }
0x11a: {  	[sflag:s1] =	ssyncset.done $0x0  }
0x11b: {  	s23 =	rddreg [dreg:$0x14];
	[sflag:s1] =	ssyncadd.s32 $0xFFFFF000  }
0x11c: {  	[tilespmem:s18], [sflag:$0x5] =	stream.indirect.gather [hbm4b:s4+s13], $0x80, s23, s13, $0xb8;
	[tilespmem:$0x1CC00] =	vst v63  }
0x11d: {  	_ =	swait.ge [sflag:s0], $0x1000  }
0x11e: {  	[sflag:s0] =	ssyncset.done $0x0  }
0x11f: {  	s25 =	rddreg [dreg:$0x15];
	[sflag:s0] =	ssyncadd.s32 $0xFFFFF000  }
0x120: {  	[spmem:s2] =	stream.indirect.scatter.add.f32 [tilespmem:s19], [sflag:$0xE], $0x80, s25, s13, $0xb8;
	[tilespmem:$0x1CC00] =	vst v63  }
0x121: {  	_ =	swait.ge [sflag:s5], $0x1000  }
0x122: {  	[sflag:s5] =	ssyncset.done $0x0  }
0x123: {  	s23 =	rddreg [dreg:$0x16];
	[sflag:s5] =	ssyncadd.s32 $0xFFFFF000  }
0x124: {  	[tilespmem:s19], [sflag:$0x6] =	stream.indirect.gather [hbm4b:s4+s13], $0x80, s23, s13, $0xb8;
	[tilespmem:$0x1CC00] =	vst v63  }
0x125: {  	_ =	swait.ge [sflag:s7], $0x1000  }
0x126: {  	[sflag:s7] =	ssyncset.done $0x0  }
0x127: {  	s25 =	rddreg [dreg:$0x17];
	[sflag:s7] =	ssyncadd.s32 $0xFFFFF000  }
0x128: {  	[spmem:s2] =	stream.indirect.scatter.add.f32 [tilespmem:s20], [sflag:$0xF], $0x80, s25, s13, $0xb8;
	[tilespmem:$0x1CC00] =	vst v63  }
0x129: {  	_ =	swait.ge [sflag:s8], $0x1000  }
0x12a: {  	[sflag:s8] =	ssyncset.done $0x0  }
0x12b: {  	s23 =	rddreg [dreg:$0x18];
	[sflag:s8] =	ssyncadd.s32 $0xFFFFF000  }
0x12c: {  	[tilespmem:s20], [sflag:$0x7] =	stream.indirect.gather [hbm4b:s4+s13], $0x80, s23, s13, $0xb8;
	[tilespmem:$0x1CC00] =	vst v63  }
0x12d: {  	_ =	swait.ge [sflag:s6], $0x1000  }
0x12e: {  	[sflag:s6] =	ssyncset.done $0x0  }
0x12f: {  	s25 =	rddreg [dreg:$0x19];
	[sflag:s6] =	ssyncadd.s32 $0xFFFFF000  }
0x130: {  	[spmem:s2] =	stream.indirect.scatter.add.f32 [tilespmem:s21], [sflag:$0x10], $0x80, s25, s13, $0xb8;
	[tilespmem:$0x1CC00] =	vst v63  }
0x131: {  	_ =	swait.ge [sflag:s9], $0x1000  }
0x132: {  	[sflag:s9] =	ssyncset.done $0x0  }
0x133: {  	s23 =	rddreg [dreg:$0x1a];
	[sflag:s9] =	ssyncadd.s32 $0xFFFFF000  }
0x134: {  	[tilespmem:s21], [sflag:$0x8] =	stream.indirect.gather [hbm4b:s4+s13], $0x80, s23, s13, $0xb8;
	[tilespmem:$0x1CC00] =	vst v63  }
0x135: {  	_ =	swait.ge [sflag:s22], $0x1000  }
0x136: {  	[sflag:s22] =	ssyncset.done $0x0  }
0x137: {  	s25 =	rddreg [dreg:$0x1b];
	[sflag:s22] =	ssyncadd.s32 $0xFFFFF000  }
0x138: {  	[spmem:s2] =	stream.indirect.scatter.add.f32 [tilespmem:s14], [sflag:$0x9], $0x80, s25, s13, $0xb8;
	[tilespmem:$0x1CC00] =	vst v63  }
0x139: {  	_ =	swait.ge [sflag:s24], $0x1000  }
0x13a: {  	[sflag:s24] =	ssyncset.done $0x0  }
0x13b: {  	s23 =	rddreg [dreg:$0x1c];
	[sflag:s24] =	ssyncadd.s32 $0xFFFFF000  }
0x13c: {  	[spmem:s2] =	stream.indirect.scatter.add.f32 [tilespmem:s15], [sflag:$0xA], $0x80, s23, s13, $0xb8;
	[tilespmem:$0x1CC00] =	vst v63  }
0x13d: {  	_ =	swait.ge [sflag:s26], $0x1000  }
0x13e: {  	[sflag:s26] =	ssyncset.done $0x0  }
0x13f: {  	s25 =	rddreg [dreg:$0x1d];
	[sflag:s26] =	ssyncadd.s32 $0xFFFFF000  }
0x140: {  	[spmem:s2] =	stream.indirect.scatter.add.f32 [tilespmem:s16], [sflag:$0xB], $0x80, s25, s13, $0xb8;
	[tilespmem:$0x1CC00] =	vst v63  }
0x141: {  	_ =	swait.ge [sflag:s29], $0x1000  }
0x142: {  	[sflag:s29] =	ssyncset.done $0x0  }
0x143: {  	s23 =	rddreg [dreg:$0x1e];
	[sflag:s29] =	ssyncadd.s32 $0xFFFFF000  }
0x144: {  	[spmem:s2] =	stream.indirect.scatter.add.f32 [tilespmem:s17], [sflag:$0xC], $0x80, s23, s13, $0xb8;
	[tilespmem:$0x1CC00] =	vst v63  }
0x145: {  	_ =	swait.ge [sflag:s31], $0x1000  }
0x146: {  	[sflag:s31] =	ssyncset.done $0x0  }
0x147: {  	s25 =	rddreg [dreg:$0x1f];
	[sflag:s31] =	ssyncadd.s32 $0xFFFFF000  }
0x148: {  	[spmem:s2] =	stream.indirect.scatter.add.f32 [tilespmem:s18], [sflag:$0xD], $0x80, s25, s13, $0xb8;
	[tilespmem:$0x1CC00] =	vst v63  }
0x149: {  	_ =	swait.ge [sflag:s0], $0x1000  }
0x14a: {  	s23 =	sld [smem:$0x7F9]  }
0x14b: {  	[sflag:s0] =	ssyncset.done $0x0  }
0x14c: {  	[sflag:s0] =	ssyncadd.s32 $0xFFFFF000  }
0x14d: {  	[spmem:s2] =	stream.indirect.scatter.add.f32 [tilespmem:s19], [sflag:$0xE], $0x80, s23, s13, $0xb8;
	[tilespmem:$0x1CC00] =	vst v63  }
0x14e: {  	_ =	swait.ge [sflag:s7], $0x1000  }
0x14f: {  	s11 =	sadd.s32 $0x100, s11;
	s25 =	sld [smem:$0x7FA]  }
0x150: {  	p1 =	sne.s32 s11, $0x2800;
	[sflag:s7] =	ssyncset.done $0x0  }
.Ltmp0:
0x151: {  	[sflag:s7] =	ssyncadd.s32 $0xFFFFF000;
	(pc) =	sbr.rel @p1 .LBB2_2-.Ltmp0, $4  }
0x152: {  	[spmem:s2] =	stream.indirect.scatter.add.f32 [tilespmem:s20], [sflag:$0xF], $0x80, s25, s13, $0xb8;
	[tilespmem:$0x1CC00] =	vst v63  }
0x153: {  	_ =	swait.ge [sflag:s6], $0x1000  }
0x154: {  	[sflag:s6] =	ssyncset.done $0x0  }
0x155: {  	p0 =	por p2, p2;
	s12 =	sld [smem:$0x7FB];
	[sflag:s6] =	ssyncadd.s32 $0xFFFFF000  }
0x156: {  	_ = 	snop  }
0x157: {  	s11 =	simm.s32 @!p0 $0x9  }
0x158: {  	[spmem:s2] =	stream.indirect.scatter.add.f32 [tilespmem:s21], [sflag:$0x10], $0x80, s12, s13, $0xb8;
	[tilespmem:$0x1CC00] =	vst v63  }
0x159: {  	_ =	swait.ge @!p0 [sflag:s11], $0x1000  }
0x15a: {  	[sflag:s11] =	ssyncset.done @!p0 $0x0  }
0x15b: {  	[sflag:s11] =	ssyncadd.s32 @!p0 $0xFFFFF000;
	s11 =	simm.s32 @!p0 $0xA  }
0x15c: {  	_ =	swait.ge @!p0 [sflag:s11], $0x1000  }
0x15d: {  	[sflag:s11] =	ssyncset.done @!p0 $0x0  }
0x15e: {  	[sflag:s11] =	ssyncadd.s32 @!p0 $0xFFFFF000;
	s11 =	simm.s32 @!p0 $0xB  }
0x15f: {  	_ =	swait.ge @!p0 [sflag:s11], $0x1000  }
0x160: {  	[sflag:s11] =	ssyncset.done @!p0 $0x0  }
0x161: {  	[sflag:s11] =	ssyncadd.s32 @!p0 $0xFFFFF000;
	s11 =	simm.s32 @!p0 $0xC  }
0x162: {  	_ =	swait.ge @!p0 [sflag:s11], $0x1000  }
0x163: {  	[sflag:s11] =	ssyncset.done @!p0 $0x0  }
0x164: {  	[sflag:s11] =	ssyncadd.s32 @!p0 $0xFFFFF000;
	s11 =	simm.s32 @!p0 $0xD  }
0x165: {  	_ =	swait.ge @!p0 [sflag:s11], $0x1000  }
0x166: {  	[sflag:s11] =	ssyncset.done @!p0 $0x0  }
0x167: {  	[sflag:s11] =	ssyncadd.s32 @!p0 $0xFFFFF000;
	s11 =	simm.s32 @!p0 $0xE  }
0x168: {  	_ =	swait.ge @!p0 [sflag:s11], $0x1000  }
0x169: {  	[sflag:s11] =	ssyncset.done @!p0 $0x0  }
0x16a: {  	[sflag:s11] =	ssyncadd.s32 @!p0 $0xFFFFF000;
	s11 =	simm.s32 @!p0 $0xF  }
0x16b: {  	_ =	swait.ge @!p0 [sflag:s11], $0x1000  }
0x16c: {  	[sflag:s11] =	ssyncset.done @!p0 $0x0  }
0x16d: {  	[sflag:s11] =	ssyncadd.s32 @!p0 $0xFFFFF000;
	s11 =	simm.s32 @!p0 $0x10  }
0x16e: {  	_ =	swait.ge @!p0 [sflag:s11], $0x1000  }
0x16f: {  	s12 =	simm.s32 $0x0;
	s23 =	rddreg [dreg:$0x3];
	[sflag:s11] =	ssyncset.done @!p0 $0x0  }
0x170: {  	[sflag:s11] =	ssyncadd.s32 @!p0 $0xFFFFF000;
	s25 =	sadd.s32 s3, s23;
	s23 =	simm.s32 $0x13C00  }
0x171: {  	[tilespmem:s23], [sflag:$0x11] =	stream.linear.gather [hbm4b:s25+s12], $0x800, $0x38;
	[tilespmem:$0x1CC00] =	vst v63  }
0x172: {  	_ =	swait.ge [sflag:s10], $0x800  }
0x173: {  	s25 =	rddreg [dreg:$0x4];
	[sflag:s10] =	ssyncset.done $0x0  }
0x174: {  	[sflag:s10] =	ssyncadd.s32 $0xFFFFF800;
	s11 =	sadd.s32 s3, s25;
	s25 =	simm.s32 $0x14400  }
0x175: {  	[tilespmem:s25], [sflag:$0x11] =	stream.linear.gather [hbm4b:s11+s12], $0x800, $0x38;
	[tilespmem:$0x1CC00] =	vst v63  }
0x176: {  	_ =	swait.ge [sflag:s10], $0x800  }
0x177: {  	[sflag:s10] =	ssyncset.done $0x0  }
0x178: {  	[sflag:s10] =	ssyncadd.s32 $0xFFFFF800  }
0x179: {  	[tilespmem:s14], [sflag:$0x1] =	stream.indirect.gather [hbm4b:s4+s13], $0x80, s23, s13, $0xb8;
	[tilespmem:$0x1CC00] =	vst v63  }
0x17a: {  	s11 =	rddreg [dreg:$0x5]  }
0x17b: {  	[tilespmem:s15], [sflag:$0x2] =	stream.indirect.gather [hbm4b:s4+s13], $0x80, s11, s13, $0xb8;
	[tilespmem:$0x1CC00] =	vst v63  }
0x17c: {  	s12 =	rddreg [dreg:$0x6]  }
0x17d: {  	[tilespmem:s16], [sflag:$0x3] =	stream.indirect.gather [hbm4b:s4+s13], $0x80, s12, s13, $0xb8;
	[tilespmem:$0x1CC00] =	vst v63  }
0x17e: {  	s23 =	rddreg [dreg:$0x7]  }
0x17f: {  	[tilespmem:s17], [sflag:$0x4] =	stream.indirect.gather [hbm4b:s4+s13], $0x80, s23, s13, $0xb8;
	[tilespmem:$0x1CC00] =	vst v63  }
0x180: {  	s12 =	rddreg [dreg:$0x8]  }
0x181: {  	[tilespmem:s18], [sflag:$0x5] =	stream.indirect.gather [hbm4b:s4+s13], $0x80, s12, s13, $0xb8;
	[tilespmem:$0x1CC00] =	vst v63  }
0x182: {  	s23 =	rddreg [dreg:$0x9]  }
0x183: {  	[tilespmem:s19], [sflag:$0x6] =	stream.indirect.gather [hbm4b:s4+s13], $0x80, s23, s13, $0xb8;
	[tilespmem:$0x1CC00] =	vst v63  }
0x184: {  	s12 =	rddreg [dreg:$0xa]  }
0x185: {  	[tilespmem:s20], [sflag:$0x7] =	stream.indirect.gather [hbm4b:s4+s13], $0x80, s12, s13, $0xb8;
	[tilespmem:$0x1CC00] =	vst v63  }
0x186: {  	s23 =	rddreg [dreg:$0xb]  }
0x187: {  	[tilespmem:s21], [sflag:$0x8] =	stream.indirect.gather [hbm4b:s4+s13], $0x80, s23, s13, $0xb8;
	[tilespmem:$0x1CC00] =	vst v63  }
0x188: {  	_ =	swait.ge [sflag:s22], $0x1000  }
0x189: {  	[sflag:s22] =	ssyncset.done $0x0  }
0x18a: {  	s11 =	simm.s32 $0x9;
	[sflag:s22] =	ssyncadd.s32 $0xFFFFF000  }
0x18b: {  	[spmem:s2] =	stream.indirect.scatter.add.f32 [tilespmem:s14], [sflag:$0x9], $0x80, s25, s13, $0xb8;
	[tilespmem:$0x1CC00] =	vst v63  }
0x18c: {  	_ =	swait.ge [sflag:s11], $0x1000  }
0x18d: {  	[sflag:s11] =	ssyncset.done $0x0  }
0x18e: {  	s12 =	rddreg [dreg:$0xc];
	[sflag:s11] =	ssyncadd.s32 $0xFFFFF000  }
0x18f: {  	[tilespmem:s14], [sflag:$0x1] =	stream.indirect.gather [hbm4b:s4+s13], $0x80, s12, s13, $0xb8;
	[tilespmem:$0x1CC00] =	vst v63  }
0x190: {  	_ =	swait.ge [sflag:s24], $0x1000  }
0x191: {  	[sflag:s24] =	ssyncset.done $0x0  }
0x192: {  	s12 =	simm.s32 $0xA;
	s23 =	rddreg [dreg:$0xd];
	[sflag:s24] =	ssyncadd.s32 $0xFFFFF000  }
0x193: {  	[spmem:s2] =	stream.indirect.scatter.add.f32 [tilespmem:s15], [sflag:$0xA], $0x80, s23, s13, $0xb8;
	[tilespmem:$0x1CC00] =	vst v63  }
0x194: {  	_ =	swait.ge [sflag:s12], $0x1000  }
0x195: {  	[sflag:s12] =	ssyncset.done $0x0  }
0x196: {  	s25 =	rddreg [dreg:$0xe];
	[sflag:s12] =	ssyncadd.s32 $0xFFFFF000  }
0x197: {  	[tilespmem:s15], [sflag:$0x2] =	stream.indirect.gather [hbm4b:s4+s13], $0x80, s25, s13, $0xb8;
	[tilespmem:$0x1CC00] =	vst v63  }
0x198: {  	_ =	swait.ge [sflag:s26], $0x1000  }
0x199: {  	[sflag:s26] =	ssyncset.done $0x0  }
0x19a: {  	s23 =	rddreg [dreg:$0xf];
	[sflag:s26] =	ssyncadd.s32 $0xFFFFF000  }
0x19b: {  	[spmem:s2] =	stream.indirect.scatter.add.f32 [tilespmem:s16], [sflag:$0xB], $0x80, s23, s13, $0xb8;
	[tilespmem:$0x1CC00] =	vst v63  }
0x19c: {  	s23 =	simm.s32 $0xB  }
0x19d: {  	_ =	swait.ge [sflag:s23], $0x1000  }
0x19e: {  	[sflag:s23] =	ssyncset.done $0x0  }
0x19f: {  	s25 =	rddreg [dreg:$0x10];
	[sflag:s23] =	ssyncadd.s32 $0xFFFFF000  }
0x1a0: {  	[tilespmem:s16], [sflag:$0x3] =	stream.indirect.gather [hbm4b:s4+s13], $0x80, s25, s13, $0xb8;
	[tilespmem:$0x1CC00] =	vst v63  }
0x1a1: {  	_ =	swait.ge [sflag:s29], $0x1000  }
0x1a2: {  	[sflag:s29] =	ssyncset.done $0x0  }
0x1a3: {  	s25 =	rddreg [dreg:$0x11];
	[sflag:s29] =	ssyncadd.s32 $0xFFFFF000  }
0x1a4: {  	[spmem:s2] =	stream.indirect.scatter.add.f32 [tilespmem:s17], [sflag:$0xC], $0x80, s25, s13, $0xb8;
	[tilespmem:$0x1CC00] =	vst v63  }
0x1a5: {  	s25 =	simm.s32 $0xC  }
0x1a6: {  	_ =	swait.ge [sflag:s25], $0x1000  }
0x1a7: {  	[sflag:s25] =	ssyncset.done $0x0  }
0x1a8: {  	s3 =	rddreg [dreg:$0x12];
	[sflag:s25] =	ssyncadd.s32 $0xFFFFF000  }
0x1a9: {  	[tilespmem:s17], [sflag:$0x4] =	stream.indirect.gather [hbm4b:s4+s13], $0x80, s3, s13, $0xb8;
	[tilespmem:$0x1CC00] =	vst v63  }
0x1aa: {  	_ =	swait.ge [sflag:s31], $0x1000  }
0x1ab: {  	[sflag:s31] =	ssyncset.done $0x0  }
0x1ac: {  	s3 =	rddreg [dreg:$0x13];
	[sflag:s31] =	ssyncadd.s32 $0xFFFFF000  }
0x1ad: {  	[spmem:s2] =	stream.indirect.scatter.add.f32 [tilespmem:s18], [sflag:$0xD], $0x80, s3, s13, $0xb8;
	[tilespmem:$0x1CC00] =	vst v63  }
0x1ae: {  	_ =	swait.ge [sflag:s1], $0x1000  }
0x1af: {  	[sflag:s1] =	ssyncset.done $0x0  }
0x1b0: {  	s3 =	rddreg [dreg:$0x14];
	[sflag:s1] =	ssyncadd.s32 $0xFFFFF000  }
0x1b1: {  	[tilespmem:s18], [sflag:$0x5] =	stream.indirect.gather [hbm4b:s4+s13], $0x80, s3, s13, $0xb8;
	[tilespmem:$0x1CC00] =	vst v63  }
0x1b2: {  	_ =	swait.ge [sflag:s0], $0x1000  }
0x1b3: {  	[sflag:s0] =	ssyncset.done $0x0  }
0x1b4: {  	s3 =	rddreg [dreg:$0x15];
	[sflag:s0] =	ssyncadd.s32 $0xFFFFF000  }
0x1b5: {  	[spmem:s2] =	stream.indirect.scatter.add.f32 [tilespmem:s19], [sflag:$0xE], $0x80, s3, s13, $0xb8;
	[tilespmem:$0x1CC00] =	vst v63  }
0x1b6: {  	_ =	swait.ge [sflag:s5], $0x1000  }
0x1b7: {  	[sflag:s5] =	ssyncset.done $0x0  }
0x1b8: {  	s3 =	rddreg [dreg:$0x16];
	[sflag:s5] =	ssyncadd.s32 $0xFFFFF000  }
0x1b9: {  	[tilespmem:s19], [sflag:$0x6] =	stream.indirect.gather [hbm4b:s4+s13], $0x80, s3, s13, $0xb8;
	[tilespmem:$0x1CC00] =	vst v63  }
0x1ba: {  	_ =	swait.ge [sflag:s7], $0x1000  }
0x1bb: {  	[sflag:s7] =	ssyncset.done $0x0  }
0x1bc: {  	s3 =	rddreg [dreg:$0x17];
	[sflag:s7] =	ssyncadd.s32 $0xFFFFF000  }
0x1bd: {  	[spmem:s2] =	stream.indirect.scatter.add.f32 [tilespmem:s20], [sflag:$0xF], $0x80, s3, s13, $0xb8;
	[tilespmem:$0x1CC00] =	vst v63  }
0x1be: {  	_ =	swait.ge [sflag:s8], $0x1000  }
0x1bf: {  	[sflag:s8] =	ssyncset.done $0x0  }
0x1c0: {  	s3 =	rddreg [dreg:$0x18];
	[sflag:s8] =	ssyncadd.s32 $0xFFFFF000  }
0x1c1: {  	[tilespmem:s20], [sflag:$0x7] =	stream.indirect.gather [hbm4b:s4+s13], $0x80, s3, s13, $0xb8;
	[tilespmem:$0x1CC00] =	vst v63  }
0x1c2: {  	_ =	swait.ge [sflag:s6], $0x1000  }
0x1c3: {  	[sflag:s6] =	ssyncset.done $0x0  }
0x1c4: {  	s3 =	rddreg [dreg:$0x19];
	[sflag:s6] =	ssyncadd.s32 $0xFFFFF000  }
0x1c5: {  	[spmem:s2] =	stream.indirect.scatter.add.f32 [tilespmem:s21], [sflag:$0x10], $0x80, s3, s13, $0xb8;
	[tilespmem:$0x1CC00] =	vst v63  }
0x1c6: {  	_ =	swait.ge [sflag:s9], $0x1000  }
0x1c7: {  	[sflag:s9] =	ssyncset.done $0x0  }
0x1c8: {  	s3 =	rddreg [dreg:$0x1a];
	[sflag:s9] =	ssyncadd.s32 $0xFFFFF000  }
0x1c9: {  	[tilespmem:s21], [sflag:$0x8] =	stream.indirect.gather [hbm4b:s4+s13], $0x80, s3, s13, $0xb8;
	[tilespmem:$0x1CC00] =	vst v63  }
0x1ca: {  	_ =	swait.ge [sflag:s22], $0x1000  }
0x1cb: {  	[sflag:s22] =	ssyncset.done $0x0  }
0x1cc: {  	s3 =	rddreg [dreg:$0x1b];
	[sflag:s22] =	ssyncadd.s32 $0xFFFFF000  }
0x1cd: {  	[spmem:s2] =	stream.indirect.scatter.add.f32 [tilespmem:s14], [sflag:$0x9], $0x80, s3, s13, $0xb8;
	[tilespmem:$0x1CC00] =	vst v63  }
0x1ce: {  	_ =	swait.ge [sflag:s24], $0x1000  }
0x1cf: {  	[sflag:s24] =	ssyncset.done $0x0  }
0x1d0: {  	s3 =	rddreg [dreg:$0x1c];
	[sflag:s24] =	ssyncadd.s32 $0xFFFFF000  }
0x1d1: {  	[spmem:s2] =	stream.indirect.scatter.add.f32 [tilespmem:s15], [sflag:$0xA], $0x80, s3, s13, $0xb8;
	[tilespmem:$0x1CC00] =	vst v63  }
0x1d2: {  	_ =	swait.ge [sflag:s26], $0x1000  }
0x1d3: {  	[sflag:s26] =	ssyncset.done $0x0  }
0x1d4: {  	s3 =	rddreg [dreg:$0x1d];
	[sflag:s26] =	ssyncadd.s32 $0xFFFFF000  }
0x1d5: {  	[spmem:s2] =	stream.indirect.scatter.add.f32 [tilespmem:s16], [sflag:$0xB], $0x80, s3, s13, $0xb8;
	[tilespmem:$0x1CC00] =	vst v63  }
0x1d6: {  	_ =	swait.ge [sflag:s29], $0x1000  }
0x1d7: {  	[sflag:s29] =	ssyncset.done $0x0  }
0x1d8: {  	s3 =	rddreg [dreg:$0x1e];
	[sflag:s29] =	ssyncadd.s32 $0xFFFFF000  }
0x1d9: {  	[spmem:s2] =	stream.indirect.scatter.add.f32 [tilespmem:s17], [sflag:$0xC], $0x80, s3, s13, $0xb8;
	[tilespmem:$0x1CC00] =	vst v63  }
0x1da: {  	_ =	swait.ge [sflag:s31], $0x1000  }
0x1db: {  	[sflag:s31] =	ssyncset.done $0x0  }
0x1dc: {  	s3 =	rddreg [dreg:$0x1f];
	[sflag:s31] =	ssyncadd.s32 $0xFFFFF000  }
0x1dd: {  	[spmem:s2] =	stream.indirect.scatter.add.f32 [tilespmem:s18], [sflag:$0xD], $0x80, s3, s13, $0xb8;
	[tilespmem:$0x1CC00] =	vst v63  }
0x1de: {  	_ =	swait.ge [sflag:s0], $0x1000  }
0x1df: {  	s3 =	sld [smem:$0x7F9]  }
0x1e0: {  	[sflag:s0] =	ssyncset.done $0x0  }
0x1e1: {  	[sflag:s0] =	ssyncadd.s32 $0xFFFFF000  }
0x1e2: {  	[spmem:s2] =	stream.indirect.scatter.add.f32 [tilespmem:s19], [sflag:$0xE], $0x80, s3, s13, $0xb8;
	[tilespmem:$0x1CC00] =	vst v63  }
0x1e3: {  	_ =	swait.ge [sflag:s7], $0x1000  }
0x1e4: {  	s3 =	sld [smem:$0x7FA]  }
0x1e5: {  	[sflag:s7] =	ssyncset.done $0x0  }
0x1e6: {  	[sflag:s7] =	ssyncadd.s32 $0xFFFFF000  }
0x1e7: {  	[spmem:s2] =	stream.indirect.scatter.add.f32 [tilespmem:s20], [sflag:$0xF], $0x80, s3, s13, $0xb8;
	[tilespmem:$0x1CC00] =	vst v63  }
0x1e8: {  	_ =	swait.ge [sflag:s6], $0x1000  }
0x1e9: {  	s3 =	sld [smem:$0x7FB]  }
0x1ea: {  	[sflag:s6] =	ssyncset.done $0x0  }
0x1eb: {  	[sflag:s6] =	ssyncadd.s32 $0xFFFFF000  }
0x1ec: {  	[spmem:s2] =	stream.indirect.scatter.add.f32 [tilespmem:s21], [sflag:$0x10], $0x80, s3, s13, $0xb8;
	[tilespmem:$0x1CC00] =	vst v63  }
0x1ed: {  	_ =	swait.ge [sflag:s11], $0x1000  }
0x1ee: {  	[sflag:s11] =	ssyncset.done $0x0  }
0x1ef: {  	[sflag:s11] =	ssyncadd.s32 $0xFFFFF000  }
0x1f0: {  	_ =	swait.ge [sflag:s12], $0x1000  }
0x1f1: {  	[sflag:s12] =	ssyncset.done $0x0  }
0x1f2: {  	[sflag:s12] =	ssyncadd.s32 $0xFFFFF000  }
0x1f3: {  	_ =	swait.ge [sflag:s23], $0x1000  }
0x1f4: {  	[sflag:s23] =	ssyncset.done $0x0  }
0x1f5: {  	[sflag:s23] =	ssyncadd.s32 $0xFFFFF000  }
0x1f6: {  	_ =	swait.ge [sflag:s25], $0x1000  }
0x1f7: {  	[sflag:s25] =	ssyncset.done $0x0  }
0x1f8: {  	[sflag:s25] =	ssyncadd.s32 $0xFFFFF000  }
0x1f9: {  	_ =	swait.ge [sflag:s1], $0x1000  }
0x1fa: {  	[sflag:s1] =	ssyncset.done $0x0  }
0x1fb: {  	[sflag:s1] =	ssyncadd.s32 $0xFFFFF000  }
0x1fc: {  	_ =	swait.ge [sflag:s5], $0x1000  }
0x1fd: {  	[sflag:s5] =	ssyncset.done $0x0  }
0x1fe: {  	[sflag:s5] =	ssyncadd.s32 $0xFFFFF000  }
0x1ff: {  	_ =	swait.ge [sflag:s8], $0x1000  }
0x200: {  	[sflag:s8] =	ssyncset.done $0x0  }
0x201: {  	[sflag:s8] =	ssyncadd.s32 $0xFFFFF000  }
0x202: {  	_ =	swait.ge [sflag:s9], $0x1000  }
0x203: {  	[sflag:s9] =	ssyncset.done $0x0  }
0x204: {  	[sflag:s9] =	ssyncadd.s32 $0xFFFFF000  }
0x205: {  	[bflag:$0x0] =	sbarrier.arrive $0xFFFF  }
0x206: {  	s11 =	sld [smem:$0x7FC]  }
0x207: {  	s25 =	sld [smem:$0x7F7]  }
0x208: {  	s12 =	sld [smem:$0x7FD];
	_ =	sdelay $0x2  }
0x209: {  	[hbm:s25], [sflag:s11] =	dma.local [spmem:s12], $0x2780  }
0x20a: {  	_ =	swait.ge [sflag:s10], $0x2780  }
0x20b: {  	s3 =	sld [smem:$0x7F5]  }
0x20c: {  	s25 =	sld [smem:$0x7F8];
	_ =	sdelay $0x1  }
0x20d: {  	s23 =	sadd.s32 $0x1, s3  }
0x20e: {  	p0 =	sne.s32 s23, s25  }
.Ltmp1:
0x20f: {  	_ = 	snop;
	(pc) =	sbr.rel @p0 .LBB2_1-.Ltmp1, $3  }
0x210: {  	_ =	sdelay $0x1  }
0x211: {  	[sflag:s10] =	ssyncset.done $0x0  }
0x212: {  	[sflag:s10] =	ssyncadd.s32 $0xFFFFD880  }
0x213: {  	_ =	sfence.sel $0x180000  }
0x214: {  	[bflag:$0x0] =	sbarrier.arrive $0xFFFF  }
0x215: {  	_ =	strace $0x9000004A  }
0x216: {  	s0 =	stileid.u32;
	[bflag:$0x2] =	sbarrier.arrive $0xFFFF  }
0x217: {  	p0 =	sne.s32 s0, $0x0;
	s0 =	rddreg [dreg:$0x2]  }
0x218: {  	s0 =	sadd.s32 @!p0 $0x100000, s0  }
0x219: {  	[sflag:s0] =	ssyncadd.tile.s32 @!p0 $0x1;
	_ =	shalt  }
.Lfunc_end2:
_tile_overlayer_lowered:
.L_overlay_start_2:
0x21a: {  	(tag) =	ssettag $0x2  }
0x21b: {  	s0 =	rddreg [dreg:$0x0];
	s2 =	stileid.u32  }
0x21c: {  	s1 =	rddreg [dreg:$0x1];
	p0 =	sne.s32 s2, $0x0  }
0x21d: {  	s3 =	rddreg [dreg:$0x2];
	[bflag:$0x3] =	sbarrier.arrive $0xFFFF;
	s2 =	simm.s32 @!p0 $0x1C11  }
0x21e: {  	[timem:s3], [sflag:s2] =	dma.local @!p0 [hbm:s0], s1  }
0x21f: {  	s0 =	simm.s32 @!p0 $0x11  }
0x220: {  	_ =	swait.ge @!p0 [sflag:s0], s1  }
0x221: {  	s1 =	ssub.s32 @!p0 $0x0, s1;
	[sflag:s0] =	ssyncset.done @!p0 $0x0  }
0x222: {  	[sflag:s0] =	ssyncadd.s32 @!p0 s1  }
0x223: {  	[bflag:$0x3] =	sbarrier.arrive $0xFFFF  }
0x224: {  	_ =	shalt  }

// kernel: kernel.14.cloned.1.call-start
scs
__scs_entry_jumppad:
0x0: {  	(pc) =	sbr.rel $0x88, $3  }
0x1: {  	(tag) =	ssettag $0x0;
	lr =	simm.s32 $0x1  }
0x2: {  	[smem:$0x3F94] =	sst lr;
	_ =	strace $0xD0000000  }
0x3: {  	_ = 	snop  }
0x4: {  	_ = 	snop  }
0x5: {  	_ = 	snop  }
0x6: {  	_ = 	snop  }
0x7: {  	_ = 	snop  }
__scs_overlays_trampoline_lowered:
0x8: {  	[smem:$0x3FA3] =	sst s0  }
0x9: {  	[smem:$0x3FA4] =	sst s1  }
0xa: {  	[smem:$0x3FA5] =	sst s2  }
0xb: {  	[smem:$0x3FA6] =	sst s3  }
0xc: {  	[smem:$0x3FA7] =	sst s4  }
0xd: {  	[smem:$0x3FA8] =	sst s5  }
0xe: {  	[smem:$0x3FA9] =	sst s6  }
0xf: {  	[smem:$0x3FAA] =	sst s7  }
0x10: {  	[smem:$0x3FAB] =	sst s8  }
0x11: {  	[smem:$0x3FAC] =	sst s9;
	s0 =	simm.s32 @!p0 $0x0  }
0x12: {  	s1 =	sld [smem:$0x3F92];
	s0 =	simm.s32 @p0 $0x1  }
0x13: {  	[smem:$0x3FAD] =	sst s0;
	s0 =	simm.s32 @!p1 $0x0  }
0x14: {  	s2 =	sld [smem:$0x3F91];
	s0 =	simm.s32 @p1 $0x1  }
0x15: {  	[smem:$0x3FAE] =	sst s0;
	s0 =	simm.s32 @!p2 $0x0  }
0x16: {  	s3 =	sld [smem:$0x3FDB];
	s0 =	simm.s32 @p2 $0x1  }
0x17: {  	s4 =	simm.s32 $0x1BF5;
	[smem:$0x3FB0] =	sst s0  }
0x18: {  	s0 =	sld [smem:$0x3F93];
	_ =	swait.ge [sflag:s4], $0x0  }
0x19: {  	s7 =	sld [smem:$0x3F94]  }
0x1a: {  	s8 =	sadd.s32 $0xFFFFE003, lr  }
0x1b: {  	s9 =	sadd.s32 $0xFFFFFEF7, lr;
	s5 =	simm.s32 $0xFFFFFFFF;
	p2 =	slt.u32 s8, $0xFFFFF086  }
0x1c: {  	p1 =	slt.u32 s9, $0xF7A;
	s5 =	simm.s32 @!p2 $0x0  }
0x1d: {  	s5 =	simm.s32 @p1 $0x1;
	p0 =	seq.s32 s7, s2  }
0x1e: {  	s7 =	smul.u32 @!p0 $0xF7A, s2;
	p2 =	seq.s32 @!p0 s5, $0x0  }
0x1f: {  	s9 =	smul.u32 $0xF7A, s1;
	s8 =	simm.s32 @!p0 $0x1BF5;
	p2 =	por !p2, p0  }
0x20: {  	[sflag:s8] =	ssyncset.s32 @!p0 $0xFFFFF086;
	s6 =	sadd.s32 @!p0 s3, s7;
	s7 =	simm.s32 @!p0 $0x108  }
0x21: {  	s3 =	sadd.s32 s3, s9;
	s6 =	sadd.s32 @!p0 $0x88, s6;
	s7 =	simm.s32 @p2 $0x1082  }
0x22: {  	[simem:s7], [sflag:s8] =	dma.local @!p0 [hbm:s6], $0xF7A  }
0x23: {  	s9 =	sor.u32 $0xD0000000, s2;
	s6 =	simm.s32 $0x108;
	_ =	swait.ge @!p0 [sflag:s8], $0x0  }
0x24: {  	s3 =	sadd.s32 $0x88, s3;
	s6 =	simm.s32 @!p1 $0x1082;
	[sflag:s4] =	ssyncset.s32 $0xFFFFF086  }
0x25: {  	[simem:s6], [sflag:s4] =	dma.local [hbm:s3], $0xF7A  }
0x26: {  	[smem:$0x3F94] =	sst s1;
	(tag) =	ssettag s2;
	_ =	strace s9  }
0x27: {  	s1 =	sld [smem:$0x3FA4]  }
0x28: {  	s2 =	sld [smem:$0x3FA5]  }
0x29: {  	s4 =	sld [smem:$0x3FA7]  }
0x2a: {  	p0 =	seq.s32 s5, $0x0;
	s5 =	sld [smem:$0x3FA8]  }
0x2b: {  	s6 =	sld [smem:$0x3FA9]  }
0x2c: {  	s7 =	sld [smem:$0x3FAA]  }
0x2d: {  	s3 =	simm.s32 $0x108;
	s8 =	sld [smem:$0x3FAB]  }
0x2e: {  	s3 =	simm.s32 @!p0 $0x1082;
	s9 =	sld [smem:$0x3FAC]  }
0x2f: {  	lr =	sadd.s32 s0, s3;
	s0 =	sld [smem:$0x3FA3]  }
0x30: {  	s3 =	sld [smem:$0x3FA6]  }
0x31: {  	[smem:$0x3FAF] =	sst s10  }
0x32: {  	s10 =	sld [smem:$0x3FAD];
	_ =	sdelay $0x3  }
0x33: {  	p0 =	seq.s32 s10, $0x1;
	s10 =	sld [smem:$0x3FAF];
	_ =	sdelay $0x3  }
0x34: {  	[smem:$0x3FAF] =	sst s10  }
0x35: {  	s10 =	sld [smem:$0x3FAE];
	_ =	sdelay $0x3  }
0x36: {  	p1 =	seq.s32 s10, $0x1;
	s10 =	sld [smem:$0x3FAF];
	_ =	sdelay $0x3  }
0x37: {  	[smem:$0x3FAF] =	sst s10  }
0x38: {  	s10 =	sld [smem:$0x3FB0]  }
0x39: {  	_ = 	snop;
	(pc) =	sbr.ind lr, $3  }
0x3a: {  	_ = 	snop  }
0x3b: {  	_ = 	snop  }
0x3c: {  	p2 =	seq.s32 s10, $0x1;
	s10 =	sld [smem:$0x3FAF]  }
0x3d: {  	_ =	shalt  }
0x3e: {  	_ =	shalt  }
0x3f: {  	_ =	shalt  }
0x40: {  	_ =	shalt  }
0x41: {  	_ =	shalt  }
0x42: {  	_ =	shalt  }
0x43: {  	_ =	shalt  }
0x44: {  	_ =	shalt  }
0x45: {  	_ =	shalt  }
0x46: {  	_ =	shalt  }
0x47: {  	_ =	shalt  }
0x48: {  	_ =	shalt  }
0x49: {  	_ =	shalt  }
0x4a: {  	_ =	shalt  }
0x4b: {  	_ =	shalt  }
0x4c: {  	_ =	shalt  }
0x4d: {  	_ =	shalt  }
0x4e: {  	_ =	shalt  }
0x4f: {  	_ =	shalt  }
0x50: {  	_ =	shalt  }
0x51: {  	_ =	shalt  }
0x52: {  	_ =	shalt  }
0x53: {  	_ =	shalt  }
0x54: {  	_ =	shalt  }
0x55: {  	_ =	shalt  }
0x56: {  	_ =	shalt  }
0x57: {  	_ =	shalt  }
0x58: {  	_ =	shalt  }
0x59: {  	_ =	shalt  }
0x5a: {  	_ =	shalt  }
0x5b: {  	_ =	shalt  }
0x5c: {  	_ =	shalt  }
0x5d: {  	_ =	shalt  }
0x5e: {  	_ =	shalt  }
0x5f: {  	_ =	shalt  }
0x60: {  	_ =	shalt  }
0x61: {  	_ =	shalt  }
0x62: {  	_ =	shalt  }
0x63: {  	_ =	shalt  }
0x64: {  	_ =	shalt  }
0x65: {  	_ =	shalt  }
0x66: {  	_ =	shalt  }
0x67: {  	_ =	shalt  }
0x68: {  	_ =	shalt  }
0x69: {  	_ =	shalt  }
0x6a: {  	_ =	shalt  }
0x6b: {  	_ =	shalt  }
0x6c: {  	_ =	shalt  }
0x6d: {  	_ =	shalt  }
0x6e: {  	_ =	shalt  }
0x6f: {  	_ =	shalt  }
0x70: {  	_ =	shalt  }
0x71: {  	_ =	shalt  }
0x72: {  	_ =	shalt  }
0x73: {  	_ =	shalt  }
0x74: {  	_ =	shalt  }
0x75: {  	_ =	shalt  }
0x76: {  	_ =	shalt  }
0x77: {  	_ =	shalt  }
0x78: {  	_ =	shalt  }
0x79: {  	_ =	shalt  }
0x7a: {  	_ =	shalt  }
0x7b: {  	_ =	shalt  }
0x7c: {  	_ =	shalt  }
0x7d: {  	_ =	shalt  }
0x7e: {  	_ =	shalt  }
0x7f: {  	_ =	shalt  }
0x80: {  	_ =	shalt  }
0x81: {  	_ =	shalt  }
0x82: {  	_ =	shalt  }
0x83: {  	_ =	shalt  }
0x84: {  	_ =	shalt  }
0x85: {  	_ =	shalt  }
0x86: {  	_ =	shalt  }
0x87: {  	_ =	shalt  }
.Lfunc_end0:
.L_simem_size_0:
called_computation.2_lowered:
.L_overlay_start_0:
0x88: {  	s2 =	sld [smem:$0x3FD9]  }
0x89: {  	s3 =	sld [smem:$0x3FFE];
	_ =	sdelay $0x1  }
0x8a: {  	s1 =	srdreg.scid  }
0x8b: {  	s0 =	sand.u32 $0x1, s1  }
0x8c: {  	s16 =	sshll.u32 s0, $0xA;
	s2 =	sadd.s32 s3, s2  }
0x8d: {  	s2 =	sadd.s32 s2, s16  }
0x8e: {  	[smem:$0x3FBB] =	sst s2  }
0x8f: {  	_ = 	snop  }
0x90: {  	(tm) =	ssettm $0x1  }
0x91: {  	s17 =	sld [smem:$0x3FFB];
	_ =	sdelay $0x3  }
0x92: {  	_ =	strace s17  }
0x93: {  	s2 =	sld [smem:$0x3FFC];
	_ =	sdelay $0x3  }
0x94: {  	_ =	strace s2  }
0x95: {  	s2 =	sld [smem:$0x3FFD];
	_ =	sdelay $0x3  }
0x96: {  	_ =	strace s2  }
0x97: {  	_ =	strace $0x8FFFFFFF  }
0x98: {  	s18 =	sld [smem:$0x3FDB];
	_ =	sdelay $0x1  }
0x99: {  	s19 =	simm.s32 $_scs_section_size  }
0x9a: {  	s4 =	simm.s32 $_size__tile_overlayer_lowered;
	s5 =	simm.s32 $_tile_overlayer_lowered  }
0x9b: {  	s22 =	simm.s32 $0x1BFF;
	s21 =	sshll.u32 s5, $0x1;
	s2 =	sadd.s32 s19, s18  }
0x9c: {  	s6 =	simm.s32 $0x0;
	s20 =	sshll.u32 s4, $0x1;
	s4 =	sadd.s32 s21, s2  }
0x9d: {  	[timem:s6], [sflag:s22] =	dma.local [hbm:s4], s20  }
0x9e: {  	_ =	swait.ge [sflag:s22], s20  }
0x9f: {  	s3 =	ssub.s32 $0x0, s20;
	[sflag:s22] =	ssyncset.done $0x0  }
0xa0: {  	[sflag:s22] =	ssyncadd.s32 s3;
	_ =	sdelay $0x1  }
0xa1: {  	s23 =	simm.s32 $0x1B8B  }
0xa2: {  	_ =	swait.ge [sflag:s23], $0x1  }
0xa3: {  	[sflag:s23] =	ssyncset.done $0x0  }
0xa4: {  	s25 =	simm.s32 $0x1B8E;
	s24 =	sld [smem:$0x3FFE];
	[sflag:s23] =	ssyncadd.s32 $0xFFFFFFFF  }
0xa5: {  	s26 =	simm.s32 $execute0_lowered;
	[smem:$0x3FD2] =	sst s25  }
0xa6: {  	s4 =	sshll.u32 s26, $0x1;
	_ =	strace $0x8000004C;
	[dreg:$0x1] =	wrdreg $0xFFFFFFFF  }
0xa7: {  	s28 =	simm.s32 $_size_execute0_lowered;
	s2 =	sadd.s32 s2, s4;
	[dreg:$0x0] =	wrdreg $0x0  }
0xa8: {  	s4 =	sshll.u32 s28, $0x1;
	[dreg:$0x2] =	wrdreg s2  }
0xa9: {  	[dreg:$0x3] =	wrdreg s4  }
0xaa: {  	[dreg:$0x4] =	wrdreg $0xC0  }
0xab: {  	_ =	task [dreg:s6], $0x5FFFF  }
0xac: {  	[dreg:$0x1] =	wrdreg $0xFFFFFFFF  }
0xad: {  	[dreg:$0x0] =	wrdreg $0x60  }
0xae: {  	[dreg:$0x2] =	wrdreg s24  }
0xaf: {  	[dreg:$0x3] =	wrdreg $0x0  }
0xb0: {  	[dreg:$0x4] =	wrdreg $0x9  }
0xb1: {  	_ =	task.clear_ibuf [dreg:s6], $0x5FFFF;
	_ =	strace $0x9000004C  }
0xb2: {  	s29 =	simm.s32 $0x9;
	_ =	strace $0x8000004E  }
0xb3: {  	_ =	swait.ge [sflag:s29], $0x1  }
0xb4: {  	[sflag:s29] =	ssyncadd.s32 $0xFFFFFFFF  }
0xb5: {  	_ =	strace $0x9000004E  }
0xb6: {  	_ =	sfence  }
0xb7: {  	s30 =	sld [smem:$0x0];
	_ =	sdelay $0x2  }
0xb8: {  	s31 =	sshll.u32 s1, $0xD;
	s1 =	sshrl.u32 s1, $0x2  }
0xb9: {  	s3 =	sand.u32 $0x4000, s31;
	s1 =	sadd.s32 s1, s30  }
0xba: {  	s0 =	sor.u32 s3, s0;
	s1 =	sshll.u32 s1, $0x11  }
0xbb: {  	s0 =	sor.u32 s1, s0  }
0xbc: {  	s0 =	sadd.s32 $0x8F2B, s0  }
0xbd: {  	[sflag:s0] =	ssyncadd.remote.s32 $0x1  }
0xbe: {  	_ =	sfence.sel $0xFFFF  }
0xbf: {  	[dreg:$0x0] =	wrdreg $0xFFFFFFFF;
	(pc) =	sbr.abs _section_cstart, $3  }
0xc0: {  	[dreg:$0x1] =	wrdreg $0xFFFFFFFF  }
0xc1: {  	_ =	task.clear_ibuf [dreg:s6], $0x2FFFF;
	_ =	strace $0x9FFFFFFF  }
0xc2: {  	(tm) =	ssettm $0x7FFFFFFF  }
0xc3: {  	_ =	shalt  }
tec
execute0_lowered:
.L_overlay_start_1:
0x0: {  	(tag) =	ssettag $0x1  }
0x1: {  	s0 =	rddreg [dreg:$0x0]  }
0x2: {  	s9 =	stileid.u32;
	s1 =	srdreg.scid  }
0x3: {  	s2 =	rddreg [dreg:$0x1];
	s5 =	simm.s32 $0x0;
	s11 =	simm.s32 $0x13C80  }
0x4: {  	s12 =	simm.s32 $0x13D00;
	s13 =	simm.s32 $0x13D80;
	[smem:$0x7FF] =	sst s5  }
0x5: {  	s14 =	simm.s32 $0x13E00;
	_ =	strace $0x8000004D;
	[dreg:$0x5] =	wrdreg s11  }
0x6: {  	s16 =	simm.s32 $0x13E80;
	s18 =	simm.s32 $0x13F00;
	[dreg:$0x6] =	wrdreg s12  }
0x7: {  	s19 =	simm.s32 $0x13F80;
	s21 =	simm.s32 $0x14000;
	[dreg:$0x7] =	wrdreg s13  }
0x8: {  	s22 =	simm.s32 $0x14480;
	s23 =	simm.s32 $0x14080;
	[dreg:$0x8] =	wrdreg s14  }
0x9: {  	s25 =	simm.s32 $0x14500;
	s29 =	simm.s32 $0x4;
	[dreg:$0x9] =	wrdreg s16  }
0xa: {  	s31 =	simm.s32 $0x5;
	s3 =	smul.u32 $0x2800, s9;
	[dreg:$0xa] =	wrdreg s18  }
0xb: {  	s28 =	simm.s32 $0x13C00;
	s7 =	smul.u32 $0x278, s9;
	[dreg:$0xb] =	wrdreg s19  }
0xc: {  	s1 =	sand.u32 $0x1, s1;
	s17 =	smul.u32 $0x4F000, s9;
	[dreg:$0xc] =	wrdreg s21  }
0xd: {  	s30 =	simm.s32 $0x14400;
	s4 =	smul.u32 $0x29400, s1;
	[dreg:$0xd] =	wrdreg s22  }
0xe: {  	s24 =	sshll.u32 s9, $0x6;
	s26 =	smul.u32 $0x1400, s1;
	[dreg:$0xe] =	wrdreg s23  }
0xf: {  	s9 =	simm.s32 $0x14200;
	s6 =	smul.u32 $0x2780, s1;
	[dreg:$0xf] =	wrdreg s25  }
0x10: {  	s1 =	ssub.s32 $0x2, s1;
	s11 =	sor.u32 $0x1C11, s24;
	[dreg:$0x14] =	wrdreg s9  }
0x11: {  	s13 =	simm.s32 $0x14680;
	s14 =	simm.s32 $0x14280;
	s16 =	simm.s32 $0x14300  }
0x12: {  	s18 =	simm.s32 $0x14380;
	s19 =	simm.s32 $0x14800;
	[dreg:$0x15] =	wrdreg s13  }
0x13: {  	s21 =	simm.s32 $0x14900;
	s22 =	simm.s32 $0x14980;
	[dreg:$0x16] =	wrdreg s14  }
0x14: {  	s23 =	simm.s32 $0x14A00;
	s24 =	simm.s32 $0x14A80;
	[dreg:$0x18] =	wrdreg s16  }
0x15: {  	s25 =	simm.s32 $0x14B00;
	s9 =	simm.s32 $0x10;
	[dreg:$0x1a] =	wrdreg s18  }
0x16: {  	s3 =	sadd.s32 s3, s0;
	s15 =	sshrl.u32 s1, $0x1;
	[dreg:$0x1b] =	wrdreg s19  }
0x17: {  	s20 =	sshrl.u32 s17, $0x2;
	s13 =	simm.s32 $0x20;
	[dreg:$0x1d] =	wrdreg s21  }
0x18: {  	s14 =	simm.s32 $0x14C00;
	s17 =	simm.s32 $0x14780;
	[dreg:$0x1e] =	wrdreg s22  }
0x19: {  	s16 =	simm.s32 $0x16C00;
	s18 =	simm.s32 $0x18C00;
	[dreg:$0x1f] =	wrdreg s23  }
0x1a: {  	s19 =	simm.s32 $0x19C00;
	s21 =	simm.s32 $0x1BC00;
	[smem:$0x7F9] =	sst s24  }
0x1b: {  	s22 =	simm.s32 $0x1;
	s24 =	simm.s32 $0x2;
	[smem:$0x7FA] =	sst s25  }
0x1c: {  	s23 =	simm.s32 $0x0;
	[smem:$0x7FC] =	sst s11;
	s4 =	sadd.s32 s4, s3  }
0x1d: {  	s3 =	sadd.s32 s26, s3;
	s10 =	sadd.s32 s7, s6;
	s1 =	ssub.s32 s1, s15  }
0x1e: {  	s6 =	sadd.s32 s20, s2;
	s26 =	simm.s32 $0x14100;
	[dreg:$0x19] =	wrdreg s17  }
0x1f: {  	s7 =	simm.s32 $0x14180;
	s15 =	simm.s32 $0x14700;
	[dreg:$0x10] =	wrdreg s26  }
0x20: {  	s17 =	simm.s32 $0x17C00;
	s20 =	simm.s32 $0x14880;
	[dreg:$0x12] =	wrdreg s7  }
0x21: {  	s8 =	sadd.s32 $0xA0E00, s4;
	s4 =	sadd.s32 $0x2A600, s0;
	[dreg:$0x17] =	wrdreg s15  }
0x22: {  	s3 =	sadd.s32 $0x2600, s3;
	s5 =	sshll.u32 s10, $0x4;
	[dreg:$0x1c] =	wrdreg s20  }
0x23: {  	s1 =	smax.u32 s1, $0x1;
	s12 =	sshrl.u32 s6, $0x3;
	[dreg:$0x3] =	wrdreg s8  }
0x24: {  	s10 =	simm.s32 $0x11;
	s15 =	simm.s32 $0x15C00;
	[dreg:$0x4] =	wrdreg s3  }
0x25: {  	s20 =	simm.s32 $0x1AC00;
	s26 =	simm.s32 $0x14B80;
	[smem:$0x7F8] =	sst s1  }
0x26: {  	s7 =	simm.s32 $0x7;
	s6 =	simm.s32 $0x8;
	[smem:$0x7FB] =	sst s26  }
0x27: {  	s0 =	sadd.s32 s5, s0;
	s5 =	sadd.s32 s4, s5;
	[smem:$0x7FD] =	sst s12  }
0x28: {  	s8 =	simm.s32 $0x14600;
	s26 =	simm.s32 $0x3;
	[smem:$0x7F6] =	sst s5  }
0x29: {  	s1 =	simm.s32 $0xD;
	s0 =	sadd.s32 $0xF0E00, s0;
	[dreg:$0x13] =	wrdreg s8  }
0x2a: {  	s5 =	simm.s32 $0x14580;
	s8 =	simm.s32 $0xF;
	[smem:$0x7F7] =	sst s0  }
0x2b: {  	[dreg:$0x11] =	wrdreg s5;
	s0 =	simm.s32 $0x6;
	s5 =	simm.s32 $0xE  }
.LBB2_1:
0x2c: {  	s3 =	sld [smem:$0x7F6];
	_ =	sdelay $0x1  }
0x2d: {  	[smem:$0x7F5] =	sst s23  }
0x2e: {  	[spmem:s12], [sflag:s11] =	dma.local [hbm:s3], $0x2780  }
0x2f: {  	_ =	swait.ge [sflag:s10], $0x2780  }
0x30: {  	p0 =	por $0x1, $0x1;
	[sflag:s10] =	ssyncset.done $0x0  }
0x31: {  	p0 =	por p0, p0;
	[sflag:s10] =	ssyncadd.s32 $0xFFFFD880  }
0x32: {  	s3 =	simm.s32 @!p0 $0x9;
	[bflag:$0x0] =	sbarrier.arrive $0xFFFF  }
0x33: {  	_ =	swait.ge @!p0 [sflag:s3], $0x1000  }
0x34: {  	[sflag:s3] =	ssyncset.done @!p0 $0x0  }
0x35: {  	[sflag:s3] =	ssyncadd.s32 @!p0 $0xFFFFF000;
	s3 =	simm.s32 @!p0 $0xA  }
0x36: {  	_ =	swait.ge @!p0 [sflag:s3], $0x1000  }
0x37: {  	[sflag:s3] =	ssyncset.done @!p0 $0x0  }
0x38: {  	[sflag:s3] =	ssyncadd.s32 @!p0 $0xFFFFF000;
	s3 =	simm.s32 @!p0 $0xB  }
0x39: {  	_ =	swait.ge @!p0 [sflag:s3], $0x1000  }
0x3a: {  	[sflag:s3] =	ssyncset.done @!p0 $0x0  }
0x3b: {  	[sflag:s3] =	ssyncadd.s32 @!p0 $0xFFFFF000;
	s3 =	simm.s32 @!p0 $0xC  }
0x3c: {  	_ =	swait.ge @!p0 [sflag:s3], $0x1000  }
0x3d: {  	[sflag:s3] =	ssyncset.done @!p0 $0x0  }
0x3e: {  	[sflag:s3] =	ssyncadd.s32 @!p0 $0xFFFFF000;
	s3 =	simm.s32 @!p0 $0xD  }
0x3f: {  	_ =	swait.ge @!p0 [sflag:s3], $0x1000  }
0x40: {  	[sflag:s3] =	ssyncset.done @!p0 $0x0  }
0x41: {  	[sflag:s3] =	ssyncadd.s32 @!p0 $0xFFFFF000;
	s3 =	simm.s32 @!p0 $0xE  }
0x42: {  	_ =	swait.ge @!p0 [sflag:s3], $0x1000  }
0x43: {  	[sflag:s3] =	ssyncset.done @!p0 $0x0  }
0x44: {  	[sflag:s3] =	ssyncadd.s32 @!p0 $0xFFFFF000;
	s3 =	simm.s32 @!p0 $0xF  }
0x45: {  	_ =	swait.ge @!p0 [sflag:s3], $0x1000  }
0x46: {  	[sflag:s3] =	ssyncset.done @!p0 $0x0  }
0x47: {  	[sflag:s3] =	ssyncadd.s32 @!p0 $0xFFFFF000;
	s3 =	simm.s32 @!p0 $0x10  }
0x48: {  	_ =	swait.ge @!p0 [sflag:s3], $0x1000  }
0x49: {  	s11 =	simm.s32 $0x0;
	s12 =	rddreg [dreg:$0x3];
	[sflag:s3] =	ssyncset.done @!p0 $0x0  }
0x4a: {  	[sflag:s3] =	ssyncadd.s32 @!p0 $0xFFFFF000;
	s23 =	sadd.s32 $0x0, s12;
	s12 =	simm.s32 $0x13C00  }
0x4b: {  	[tilespmem:s12], [sflag:$0x11] =	stream.linear.gather [hbm4b:s23+s11], $0x800, $0x38;
	[tilespmem:$0x1CC00] =	vst v63  }
0x4c: {  	_ =	swait.ge [sflag:s10], $0x800  }
0x4d: {  	s25 =	rddreg [dreg:$0x4];
	[sflag:s10] =	ssyncset.done $0x0  }
0x4e: {  	s23 =	simm.s32 $0x14400;
	[sflag:s10] =	ssyncadd.s32 $0xFFFFF800;
	s3 =	sadd.s32 $0x0, s25  }
0x4f: {  	[tilespmem:s23], [sflag:$0x11] =	stream.linear.gather [hbm4b:s3+s11], $0x800, $0x38;
	[tilespmem:$0x1CC00] =	vst v63  }
0x50: {  	_ =	swait.ge [sflag:s10], $0x800  }
0x51: {  	[sflag:s10] =	ssyncset.done $0x0  }
0x52: {  	[sflag:s10] =	ssyncadd.s32 $0xFFFFF800  }
0x53: {  	[tilespmem:s14], [sflag:$0x1] =	stream.indirect.gather [hbm4b:s4+s13], $0x80, s12, s13, $0xb8;
	[tilespmem:$0x1CC00] =	vst v63  }
0x54: {  	s11 =	rddreg [dreg:$0x5]  }
0x55: {  	[tilespmem:s15], [sflag:$0x2] =	stream.indirect.gather [hbm4b:s4+s13], $0x80, s11, s13, $0xb8;
	[tilespmem:$0x1CC00] =	vst v63  }
0x56: {  	s25 =	rddreg [dreg:$0x6]  }
0x57: {  	[tilespmem:s16], [sflag:$0x3] =	stream.indirect.gather [hbm4b:s4+s13], $0x80, s25, s13, $0xb8;
	[tilespmem:$0x1CC00] =	vst v63  }
0x58: {  	s12 =	rddreg [dreg:$0x7]  }
0x59: {  	[tilespmem:s17], [sflag:$0x4] =	stream.indirect.gather [hbm4b:s4+s13], $0x80, s12, s13, $0xb8;
	[tilespmem:$0x1CC00] =	vst v63  }
0x5a: {  	s25 =	rddreg [dreg:$0x8]  }
0x5b: {  	[tilespmem:s18], [sflag:$0x5] =	stream.indirect.gather [hbm4b:s4+s13], $0x80, s25, s13, $0xb8;
	[tilespmem:$0x1CC00] =	vst v63  }
0x5c: {  	s12 =	rddreg [dreg:$0x9]  }
0x5d: {  	[tilespmem:s19], [sflag:$0x6] =	stream.indirect.gather [hbm4b:s4+s13], $0x80, s12, s13, $0xb8;
	[tilespmem:$0x1CC00] =	vst v63  }
0x5e: {  	s25 =	rddreg [dreg:$0xa]  }
0x5f: {  	[tilespmem:s20], [sflag:$0x7] =	stream.indirect.gather [hbm4b:s4+s13], $0x80, s25, s13, $0xb8;
	[tilespmem:$0x1CC00] =	vst v63  }
0x60: {  	s12 =	rddreg [dreg:$0xb]  }
0x61: {  	[tilespmem:s21], [sflag:$0x8] =	stream.indirect.gather [hbm4b:s4+s13], $0x80, s12, s13, $0xb8;
	[tilespmem:$0x1CC00] =	vst v63  }
0x62: {  	_ =	swait.ge [sflag:s22], $0x1000  }
0x63: {  	[sflag:s22] =	ssyncset.done $0x0  }
0x64: {  	[sflag:s22] =	ssyncadd.s32 $0xFFFFF000  }
0x65: {  	[spmem:s2] =	stream.indirect.scatter.add.f32 [tilespmem:s14], [sflag:$0x9], $0x80, s23, s13, $0xb8;
	[tilespmem:$0x1CC00] =	vst v63  }
0x66: {  	s23 =	simm.s32 $0x9  }
0x67: {  	_ =	swait.ge [sflag:s23], $0x1000  }
0x68: {  	[sflag:s23] =	ssyncset.done $0x0  }
0x69: {  	s25 =	rddreg [dreg:$0xc];
	[sflag:s23] =	ssyncadd.s32 $0xFFFFF000  }
0x6a: {  	[tilespmem:s14], [sflag:$0x1] =	stream.indirect.gather [hbm4b:s4+s13], $0x80, s25, s13, $0xb8;
	[tilespmem:$0x1CC00] =	vst v63  }
0x6b: {  	_ =	swait.ge [sflag:s24], $0x1000  }
0x6c: {  	[sflag:s24] =	ssyncset.done $0x0  }
0x6d: {  	s23 =	simm.s32 $0xA;
	s12 =	rddreg [dreg:$0xd];
	[sflag:s24] =	ssyncadd.s32 $0xFFFFF000  }
0x6e: {  	[spmem:s2] =	stream.indirect.scatter.add.f32 [tilespmem:s15], [sflag:$0xA], $0x80, s12, s13, $0xb8;
	[tilespmem:$0x1CC00] =	vst v63  }
0x6f: {  	_ =	swait.ge [sflag:s23], $0x1000  }
0x70: {  	[sflag:s23] =	ssyncset.done $0x0  }
0x71: {  	s25 =	rddreg [dreg:$0xe];
	[sflag:s23] =	ssyncadd.s32 $0xFFFFF000  }
0x72: {  	[tilespmem:s15], [sflag:$0x2] =	stream.indirect.gather [hbm4b:s4+s13], $0x80, s25, s13, $0xb8;
	[tilespmem:$0x1CC00] =	vst v63  }
0x73: {  	_ =	swait.ge [sflag:s26], $0x1000  }
0x74: {  	[sflag:s26] =	ssyncset.done $0x0  }
0x75: {  	s23 =	simm.s32 $0xB;
	s12 =	rddreg [dreg:$0xf];
	[sflag:s26] =	ssyncadd.s32 $0xFFFFF000  }
0x76: {  	[spmem:s2] =	stream.indirect.scatter.add.f32 [tilespmem:s16], [sflag:$0xB], $0x80, s12, s13, $0xb8;
	[tilespmem:$0x1CC00] =	vst v63  }
0x77: {  	_ =	swait.ge [sflag:s23], $0x1000  }
0x78: {  	[sflag:s23] =	ssyncset.done $0x0  }
0x79: {  	s25 =	rddreg [dreg:$0x10];
	[sflag:s23] =	ssyncadd.s32 $0xFFFFF000  }
0x7a: {  	[tilespmem:s16], [sflag:$0x3] =	stream.indirect.gather [hbm4b:s4+s13], $0x80, s25, s13, $0xb8;
	[tilespmem:$0x1CC00] =	vst v63  }
0x7b: {  	_ =	swait.ge [sflag:s29], $0x1000  }
0x7c: {  	[sflag:s29] =	ssyncset.done $0x0  }
0x7d: {  	s23 =	simm.s32 $0xC;
	s12 =	rddreg [dreg:$0x11];
	[sflag:s29] =	ssyncadd.s32 $0xFFFFF000  }
0x7e: {  	[spmem:s2] =	stream.indirect.scatter.add.f32 [tilespmem:s17], [sflag:$0xC], $0x80, s12, s13, $0xb8;
	[tilespmem:$0x1CC00] =	vst v63  }
0x7f: {  	_ =	swait.ge [sflag:s23], $0x1000  }
0x80: {  	[sflag:s23] =	ssyncset.done $0x0  }
0x81: {  	s25 =	rddreg [dreg:$0x12];
	[sflag:s23] =	ssyncadd.s32 $0xFFFFF000  }
0x82: {  	[tilespmem:s17], [sflag:$0x4] =	stream.indirect.gather [hbm4b:s4+s13], $0x80, s25, s13, $0xb8;
	[tilespmem:$0x1CC00] =	vst v63  }
0x83: {  	_ =	swait.ge [sflag:s31], $0x1000  }
0x84: {  	[sflag:s31] =	ssyncset.done $0x0  }
0x85: {  	s12 =	rddreg [dreg:$0x13];
	[sflag:s31] =	ssyncadd.s32 $0xFFFFF000  }
0x86: {  	[spmem:s2] =	stream.indirect.scatter.add.f32 [tilespmem:s18], [sflag:$0xD], $0x80, s12, s13, $0xb8;
	[tilespmem:$0x1CC00] =	vst v63  }
0x87: {  	_ =	swait.ge [sflag:s1], $0x1000  }
0x88: {  	[sflag:s1] =	ssyncset.done $0x0  }
0x89: {  	s23 =	rddreg [dreg:$0x14];
	[sflag:s1] =	ssyncadd.s32 $0xFFFFF000  }
0x8a: {  	[tilespmem:s18], [sflag:$0x5] =	stream.indirect.gather [hbm4b:s4+s13], $0x80, s23, s13, $0xb8;
	[tilespmem:$0x1CC00] =	vst v63  }
0x8b: {  	_ =	swait.ge [sflag:s0], $0x1000  }
0x8c: {  	[sflag:s0] =	ssyncset.done $0x0  }
0x8d: {  	s25 =	rddreg [dreg:$0x15];
	[sflag:s0] =	ssyncadd.s32 $0xFFFFF000  }
0x8e: {  	[spmem:s2] =	stream.indirect.scatter.add.f32 [tilespmem:s19], [sflag:$0xE], $0x80, s25, s13, $0xb8;
	[tilespmem:$0x1CC00] =	vst v63  }
0x8f: {  	_ =	swait.ge [sflag:s5], $0x1000  }
0x90: {  	[sflag:s5] =	ssyncset.done $0x0  }
0x91: {  	s11 =	rddreg [dreg:$0x16];
	[sflag:s5] =	ssyncadd.s32 $0xFFFFF000  }
0x92: {  	[tilespmem:s19], [sflag:$0x6] =	stream.indirect.gather [hbm4b:s4+s13], $0x80, s11, s13, $0xb8;
	[tilespmem:$0x1CC00] =	vst v63  }
0x93: {  	_ =	swait.ge [sflag:s7], $0x1000  }
0x94: {  	[sflag:s7] =	ssyncset.done $0x0  }
0x95: {  	s12 =	rddreg [dreg:$0x17];
	[sflag:s7] =	ssyncadd.s32 $0xFFFFF000  }
0x96: {  	[spmem:s2] =	stream.indirect.scatter.add.f32 [tilespmem:s20], [sflag:$0xF], $0x80, s12, s13, $0xb8;
	[tilespmem:$0x1CC00] =	vst v63  }
0x97: {  	_ =	swait.ge [sflag:s8], $0x1000  }
0x98: {  	[sflag:s8] =	ssyncset.done $0x0  }
0x99: {  	s23 =	rddreg [dreg:$0x18];
	[sflag:s8] =	ssyncadd.s32 $0xFFFFF000  }
0x9a: {  	[tilespmem:s20], [sflag:$0x7] =	stream.indirect.gather [hbm4b:s4+s13], $0x80, s23, s13, $0xb8;
	[tilespmem:$0x1CC00] =	vst v63  }
0x9b: {  	_ =	swait.ge [sflag:s6], $0x1000  }
0x9c: {  	[sflag:s6] =	ssyncset.done $0x0  }
0x9d: {  	s25 =	rddreg [dreg:$0x19];
	[sflag:s6] =	ssyncadd.s32 $0xFFFFF000  }
0x9e: {  	[spmem:s2] =	stream.indirect.scatter.add.f32 [tilespmem:s21], [sflag:$0x10], $0x80, s25, s13, $0xb8;
	[tilespmem:$0x1CC00] =	vst v63  }
0x9f: {  	_ =	swait.ge [sflag:s9], $0x1000  }
0xa0: {  	[sflag:s9] =	ssyncset.done $0x0  }
0xa1: {  	s11 =	rddreg [dreg:$0x1a];
	[sflag:s9] =	ssyncadd.s32 $0xFFFFF000  }
0xa2: {  	[tilespmem:s21], [sflag:$0x8] =	stream.indirect.gather [hbm4b:s4+s13], $0x80, s11, s13, $0xb8;
	[tilespmem:$0x1CC00] =	vst v63  }
0xa3: {  	_ =	swait.ge [sflag:s22], $0x1000  }
0xa4: {  	[sflag:s22] =	ssyncset.done $0x0  }
0xa5: {  	s12 =	rddreg [dreg:$0x1b];
	[sflag:s22] =	ssyncadd.s32 $0xFFFFF000  }
0xa6: {  	[spmem:s2] =	stream.indirect.scatter.add.f32 [tilespmem:s14], [sflag:$0x9], $0x80, s12, s13, $0xb8;
	[tilespmem:$0x1CC00] =	vst v63  }
0xa7: {  	_ =	swait.ge [sflag:s24], $0x1000  }
0xa8: {  	[sflag:s24] =	ssyncset.done $0x0  }
0xa9: {  	s23 =	rddreg [dreg:$0x1c];
	[sflag:s24] =	ssyncadd.s32 $0xFFFFF000  }
0xaa: {  	[spmem:s2] =	stream.indirect.scatter.add.f32 [tilespmem:s15], [sflag:$0xA], $0x80, s23, s13, $0xb8;
	[tilespmem:$0x1CC00] =	vst v63  }
0xab: {  	_ =	swait.ge [sflag:s26], $0x1000  }
0xac: {  	[sflag:s26] =	ssyncset.done $0x0  }
0xad: {  	s25 =	rddreg [dreg:$0x1d];
	[sflag:s26] =	ssyncadd.s32 $0xFFFFF000  }
0xae: {  	[spmem:s2] =	stream.indirect.scatter.add.f32 [tilespmem:s16], [sflag:$0xB], $0x80, s25, s13, $0xb8;
	[tilespmem:$0x1CC00] =	vst v63  }
0xaf: {  	_ =	swait.ge [sflag:s29], $0x1000  }
0xb0: {  	[sflag:s29] =	ssyncset.done $0x0  }
0xb1: {  	s11 =	rddreg [dreg:$0x1e];
	[sflag:s29] =	ssyncadd.s32 $0xFFFFF000  }
0xb2: {  	[spmem:s2] =	stream.indirect.scatter.add.f32 [tilespmem:s17], [sflag:$0xC], $0x80, s11, s13, $0xb8;
	[tilespmem:$0x1CC00] =	vst v63  }
0xb3: {  	_ =	swait.ge [sflag:s31], $0x1000  }
0xb4: {  	[sflag:s31] =	ssyncset.done $0x0  }
0xb5: {  	s12 =	rddreg [dreg:$0x1f];
	[sflag:s31] =	ssyncadd.s32 $0xFFFFF000  }
0xb6: {  	[spmem:s2] =	stream.indirect.scatter.add.f32 [tilespmem:s18], [sflag:$0xD], $0x80, s12, s13, $0xb8;
	[tilespmem:$0x1CC00] =	vst v63  }
0xb7: {  	_ =	swait.ge [sflag:s0], $0x1000  }
0xb8: {  	s23 =	sld [smem:$0x7F9]  }
0xb9: {  	[sflag:s0] =	ssyncset.done $0x0  }
0xba: {  	[sflag:s0] =	ssyncadd.s32 $0xFFFFF000  }
0xbb: {  	[spmem:s2] =	stream.indirect.scatter.add.f32 [tilespmem:s19], [sflag:$0xE], $0x80, s23, s13, $0xb8;
	[tilespmem:$0x1CC00] =	vst v63  }
0xbc: {  	_ =	swait.ge [sflag:s7], $0x1000  }
0xbd: {  	s25 =	sld [smem:$0x7FA]  }
0xbe: {  	[sflag:s7] =	ssyncset.done $0x0  }
0xbf: {  	[sflag:s7] =	ssyncadd.s32 $0xFFFFF000  }
0xc0: {  	[spmem:s2] =	stream.indirect.scatter.add.f32 [tilespmem:s20], [sflag:$0xF], $0x80, s25, s13, $0xb8;
	[tilespmem:$0x1CC00] =	vst v63  }
0xc1: {  	p6 =	por $0x0, $0x0;
	_ =	swait.ge [sflag:s6], $0x1000  }
0xc2: {  	p0 =	por p6, p6;
	s3 =	simm.s32 $0x100;
	[sflag:s6] =	ssyncset.done $0x0  }
0xc3: {  	s11 =	simm.s32 $0x200;
	s12 =	sld [smem:$0x7FB];
	[sflag:s6] =	ssyncadd.s32 $0xFFFFF000  }
.LBB2_2:
0xc4: {  	_ = 	snop  }
0xc5: {  	s23 =	simm.s32 @!p0 $0x9  }
0xc6: {  	[spmem:s2] =	stream.indirect.scatter.add.f32 [tilespmem:s21], [sflag:$0x10], $0x80, s12, s13, $0xb8;
	[tilespmem:$0x1CC00] =	vst v63  }
0xc7: {  	_ =	swait.ge @!p0 [sflag:s23], $0x1000  }
0xc8: {  	[sflag:s23] =	ssyncset.done @!p0 $0x0  }
0xc9: {  	[sflag:s23] =	ssyncadd.s32 @!p0 $0xFFFFF000;
	s23 =	simm.s32 @!p0 $0xA  }
0xca: {  	_ =	swait.ge @!p0 [sflag:s23], $0x1000  }
0xcb: {  	[sflag:s23] =	ssyncset.done @!p0 $0x0  }
0xcc: {  	[sflag:s23] =	ssyncadd.s32 @!p0 $0xFFFFF000;
	s23 =	simm.s32 @!p0 $0xB  }
0xcd: {  	_ =	swait.ge @!p0 [sflag:s23], $0x1000  }
0xce: {  	[sflag:s23] =	ssyncset.done @!p0 $0x0  }
0xcf: {  	[sflag:s23] =	ssyncadd.s32 @!p0 $0xFFFFF000;
	s23 =	simm.s32 @!p0 $0xC  }
0xd0: {  	_ =	swait.ge @!p0 [sflag:s23], $0x1000  }
0xd1: {  	[sflag:s23] =	ssyncset.done @!p0 $0x0  }
0xd2: {  	[sflag:s23] =	ssyncadd.s32 @!p0 $0xFFFFF000;
	s23 =	simm.s32 @!p0 $0xD  }
0xd3: {  	_ =	swait.ge @!p0 [sflag:s23], $0x1000  }
0xd4: {  	[sflag:s23] =	ssyncset.done @!p0 $0x0  }
0xd5: {  	[sflag:s23] =	ssyncadd.s32 @!p0 $0xFFFFF000;
	s23 =	simm.s32 @!p0 $0xE  }
0xd6: {  	_ =	swait.ge @!p0 [sflag:s23], $0x1000  }
0xd7: {  	[sflag:s23] =	ssyncset.done @!p0 $0x0  }
0xd8: {  	[sflag:s23] =	ssyncadd.s32 @!p0 $0xFFFFF000;
	s23 =	simm.s32 @!p0 $0xF  }
0xd9: {  	_ =	swait.ge @!p0 [sflag:s23], $0x1000  }
0xda: {  	[sflag:s23] =	ssyncset.done @!p0 $0x0  }
0xdb: {  	[sflag:s23] =	ssyncadd.s32 @!p0 $0xFFFFF000;
	s23 =	simm.s32 @!p0 $0x10  }
0xdc: {  	_ =	swait.ge @!p0 [sflag:s23], $0x1000  }
0xdd: {  	s25 =	rddreg [dreg:$0x3];
	[sflag:s23] =	ssyncset.done @!p0 $0x0  }
0xde: {  	[sflag:s23] =	ssyncadd.s32 @!p0 $0xFFFFF000;
	s23 =	sadd.s32 s3, s25;
	s25 =	simm.s32 $0x0  }
0xdf: {  	[tilespmem:s28], [sflag:$0x11] =	stream.linear.gather [hbm4b:s23+s25], $0x800, $0x38;
	[tilespmem:$0x1CC00] =	vst v63  }
0xe0: {  	_ =	swait.ge [sflag:s10], $0x800  }
0xe1: {  	s23 =	rddreg [dreg:$0x4];
	[sflag:s10] =	ssyncset.done $0x0  }
0xe2: {  	[sflag:s10] =	ssyncadd.s32 $0xFFFFF800;
	s23 =	sadd.s32 s3, s23  }
0xe3: {  	[tilespmem:s30], [sflag:$0x11] =	stream.linear.gather [hbm4b:s23+s25], $0x800, $0x38;
	[tilespmem:$0x1CC00] =	vst v63  }
0xe4: {  	_ =	swait.ge [sflag:s10], $0x800  }
0xe5: {  	[sflag:s10] =	ssyncset.done $0x0  }
0xe6: {  	[sflag:s10] =	ssyncadd.s32 $0xFFFFF800  }
0xe7: {  	[tilespmem:s14], [sflag:$0x1] =	stream.indirect.gather [hbm4b:s4+s13], $0x80, s28, s13, $0xb8;
	[tilespmem:$0x1CC00] =	vst v63  }
0xe8: {  	s25 =	rddreg [dreg:$0x5]  }
0xe9: {  	[tilespmem:s15], [sflag:$0x2] =	stream.indirect.gather [hbm4b:s4+s13], $0x80, s25, s13, $0xb8;
	[tilespmem:$0x1CC00] =	vst v63  }
0xea: {  	s23 =	rddreg [dreg:$0x6]  }
0xeb: {  	[tilespmem:s16], [sflag:$0x3] =	stream.indirect.gather [hbm4b:s4+s13], $0x80, s23, s13, $0xb8;
	[tilespmem:$0x1CC00] =	vst v63  }
0xec: {  	s25 =	rddreg [dreg:$0x7]  }
0xed: {  	[tilespmem:s17], [sflag:$0x4] =	stream.indirect.gather [hbm4b:s4+s13], $0x80, s25, s13, $0xb8;
	[tilespmem:$0x1CC00] =	vst v63  }
0xee: {  	s23 =	rddreg [dreg:$0x8]  }
0xef: {  	[tilespmem:s18], [sflag:$0x5] =	stream.indirect.gather [hbm4b:s4+s13], $0x80, s23, s13, $0xb8;
	[tilespmem:$0x1CC00] =	vst v63  }
0xf0: {  	s25 =	rddreg [dreg:$0x9]  }
0xf1: {  	[tilespmem:s19], [sflag:$0x6] =	stream.indirect.gather [hbm4b:s4+s13], $0x80, s25, s13, $0xb8;
	[tilespmem:$0x1CC00] =	vst v63  }
0xf2: {  	s23 =	rddreg [dreg:$0xa]  }
0xf3: {  	[tilespmem:s20], [sflag:$0x7] =	stream.indirect.gather [hbm4b:s4+s13], $0x80, s23, s13, $0xb8;
	[tilespmem:$0x1CC00] =	vst v63  }
0xf4: {  	s25 =	rddreg [dreg:$0xb]  }
0xf5: {  	[tilespmem:s21], [sflag:$0x8] =	stream.indirect.gather [hbm4b:s4+s13], $0x80, s25, s13, $0xb8;
	[tilespmem:$0x1CC00] =	vst v63  }
0xf6: {  	s12 =	smov.u32 s11;
	_ =	swait.ge [sflag:s22], $0x1000  }
0xf7: {  	p2 =	seq.s32 s12, $0x0;
	[sflag:s22] =	ssyncset.done $0x0  }
0xf8: {  	s3 =	smov.u32 s12;
	s12 =	simm.s32 $0x9;
	[sflag:s22] =	ssyncadd.s32 $0xFFFFF000  }
0xf9: {  	[spmem:s2] =	stream.indirect.scatter.add.f32 [tilespmem:s14], [sflag:$0x9], $0x80, s30, s13, $0xb8;
	[tilespmem:$0x1CC00] =	vst v63  }
0xfa: {  	_ =	swait.ge [sflag:s12], $0x1000  }
0xfb: {  	[sflag:s12] =	ssyncset.done $0x0  }
0xfc: {  	s25 =	rddreg [dreg:$0xc];
	[sflag:s12] =	ssyncadd.s32 $0xFFFFF000  }
0xfd: {  	[tilespmem:s14], [sflag:$0x1] =	stream.indirect.gather [hbm4b:s4+s13], $0x80, s25, s13, $0xb8;
	[tilespmem:$0x1CC00] =	vst v63  }
0xfe: {  	_ =	swait.ge [sflag:s24], $0x1000  }
0xff: {  	[sflag:s24] =	ssyncset.done $0x0  }
0x100: {  	s12 =	simm.s32 $0xA;
	s25 =	rddreg [dreg:$0xd];
	[sflag:s24] =	ssyncadd.s32 $0xFFFFF000  }
0x101: {  	[spmem:s2] =	stream.indirect.scatter.add.f32 [tilespmem:s15], [sflag:$0xA], $0x80, s25, s13, $0xb8;
	[tilespmem:$0x1CC00] =	vst v63  }
0x102: {  	_ =	swait.ge [sflag:s12], $0x1000  }
0x103: {  	[sflag:s12] =	ssyncset.done $0x0  }
0x104: {  	s25 =	rddreg [dreg:$0xe];
	[sflag:s12] =	ssyncadd.s32 $0xFFFFF000  }
0x105: {  	[tilespmem:s15], [sflag:$0x2] =	stream.indirect.gather [hbm4b:s4+s13], $0x80, s25, s13, $0xb8;
	[tilespmem:$0x1CC00] =	vst v63  }
0x106: {  	_ =	swait.ge [sflag:s26], $0x1000  }
0x107: {  	[sflag:s26] =	ssyncset.done $0x0  }
0x108: {  	s12 =	simm.s32 $0xB;
	s25 =	rddreg [dreg:$0xf];
	[sflag:s26] =	ssyncadd.s32 $0xFFFFF000  }
0x109: {  	[spmem:s2] =	stream.indirect.scatter.add.f32 [tilespmem:s16], [sflag:$0xB], $0x80, s25, s13, $0xb8;
	[tilespmem:$0x1CC00] =	vst v63  }
0x10a: {  	_ =	swait.ge [sflag:s12], $0x1000  }
0x10b: {  	[sflag:s12] =	ssyncset.done $0x0  }
0x10c: {  	s25 =	rddreg [dreg:$0x10];
	[sflag:s12] =	ssyncadd.s32 $0xFFFFF000  }
0x10d: {  	[tilespmem:s16], [sflag:$0x3] =	stream.indirect.gather [hbm4b:s4+s13], $0x80, s25, s13, $0xb8;
	[tilespmem:$0x1CC00] =	vst v63  }
0x10e: {  	_ =	swait.ge [sflag:s29], $0x1000  }
0x10f: {  	[sflag:s29] =	ssyncset.done $0x0  }
0x110: {  	s12 =	simm.s32 $0xC;
	s25 =	rddreg [dreg:$0x11];
	[sflag:s29] =	ssyncadd.s32 $0xFFFFF000  }
0x111: {  	[spmem:s2] =	stream.indirect.scatter.add.f32 [tilespmem:s17], [sflag:$0xC], $0x80, s25, s13, $0xb8;
	[tilespmem:$0x1CC00] =	vst v63  }
0x112: {  	_ =	swait.ge [sflag:s12], $0x1000  }
0x113: {  	[sflag:s12] =	ssyncset.done $0x0  }
0x114: {  	s25 =	rddreg [dreg:$0x12];
	[sflag:s12] =	ssyncadd.s32 $0xFFFFF000  }
0x115: {  	[tilespmem:s17], [sflag:$0x4] =	stream.indirect.gather [hbm4b:s4+s13], $0x80, s25, s13, $0xb8;
	[tilespmem:$0x1CC00] =	vst v63  }
0x116: {  	_ =	swait.ge [sflag:s31], $0x1000  }
0x117: {  	[sflag:s31] =	ssyncset.done $0x0  }
0x118: {  	s25 =	rddreg [dreg:$0x13];
	[sflag:s31] =	ssyncadd.s32 $0xFFFFF000  }
0x119: {  	[spmem:s2] =	stream.indirect.scatter.add.f32 [tilespmem:s18], [sflag:$0xD], $0x80, s25, s13, $0xb8;
	[tilespmem:$0x1CC00] =	vst v63  }
0x11a: {  	_ =	swait.ge [sflag:s1], $0x1000  }
0x11b: {  	[sflag:s1] =	ssyncset.done $0x0  }
0x11c: {  	s23 =	rddreg [dreg:$0x14];
	[sflag:s1] =	ssyncadd.s32 $0xFFFFF000  }
0x11d: {  	[tilespmem:s18], [sflag:$0x5] =	stream.indirect.gather [hbm4b:s4+s13], $0x80, s23, s13, $0xb8;
	[tilespmem:$0x1CC00] =	vst v63  }
0x11e: {  	_ =	swait.ge [sflag:s0], $0x1000  }
0x11f: {  	[sflag:s0] =	ssyncset.done $0x0  }
0x120: {  	s25 =	rddreg [dreg:$0x15];
	[sflag:s0] =	ssyncadd.s32 $0xFFFFF000  }
0x121: {  	[spmem:s2] =	stream.indirect.scatter.add.f32 [tilespmem:s19], [sflag:$0xE], $0x80, s25, s13, $0xb8;
	[tilespmem:$0x1CC00] =	vst v63  }
0x122: {  	_ =	swait.ge [sflag:s5], $0x1000  }
0x123: {  	[sflag:s5] =	ssyncset.done $0x0  }
0x124: {  	s23 =	rddreg [dreg:$0x16];
	[sflag:s5] =	ssyncadd.s32 $0xFFFFF000  }
0x125: {  	[tilespmem:s19], [sflag:$0x6] =	stream.indirect.gather [hbm4b:s4+s13], $0x80, s23, s13, $0xb8;
	[tilespmem:$0x1CC00] =	vst v63  }
0x126: {  	_ =	swait.ge [sflag:s7], $0x1000  }
0x127: {  	[sflag:s7] =	ssyncset.done $0x0  }
0x128: {  	s25 =	rddreg [dreg:$0x17];
	[sflag:s7] =	ssyncadd.s32 $0xFFFFF000  }
0x129: {  	[spmem:s2] =	stream.indirect.scatter.add.f32 [tilespmem:s20], [sflag:$0xF], $0x80, s25, s13, $0xb8;
	[tilespmem:$0x1CC00] =	vst v63  }
0x12a: {  	_ =	swait.ge [sflag:s8], $0x1000  }
0x12b: {  	[sflag:s8] =	ssyncset.done $0x0  }
0x12c: {  	s23 =	rddreg [dreg:$0x18];
	[sflag:s8] =	ssyncadd.s32 $0xFFFFF000  }
0x12d: {  	[tilespmem:s20], [sflag:$0x7] =	stream.indirect.gather [hbm4b:s4+s13], $0x80, s23, s13, $0xb8;
	[tilespmem:$0x1CC00] =	vst v63  }
0x12e: {  	_ =	swait.ge [sflag:s6], $0x1000  }
0x12f: {  	[sflag:s6] =	ssyncset.done $0x0  }
0x130: {  	s25 =	rddreg [dreg:$0x19];
	[sflag:s6] =	ssyncadd.s32 $0xFFFFF000  }
0x131: {  	[spmem:s2] =	stream.indirect.scatter.add.f32 [tilespmem:s21], [sflag:$0x10], $0x80, s25, s13, $0xb8;
	[tilespmem:$0x1CC00] =	vst v63  }
0x132: {  	_ =	swait.ge [sflag:s9], $0x1000  }
0x133: {  	[sflag:s9] =	ssyncset.done $0x0  }
0x134: {  	s23 =	rddreg [dreg:$0x1a];
	[sflag:s9] =	ssyncadd.s32 $0xFFFFF000  }
0x135: {  	[tilespmem:s21], [sflag:$0x8] =	stream.indirect.gather [hbm4b:s4+s13], $0x80, s23, s13, $0xb8;
	[tilespmem:$0x1CC00] =	vst v63  }
0x136: {  	_ =	swait.ge [sflag:s22], $0x1000  }
0x137: {  	[sflag:s22] =	ssyncset.done $0x0  }
0x138: {  	s25 =	rddreg [dreg:$0x1b];
	[sflag:s22] =	ssyncadd.s32 $0xFFFFF000  }
0x139: {  	[spmem:s2] =	stream.indirect.scatter.add.f32 [tilespmem:s14], [sflag:$0x9], $0x80, s25, s13, $0xb8;
	[tilespmem:$0x1CC00] =	vst v63  }
0x13a: {  	_ =	swait.ge [sflag:s24], $0x1000  }
0x13b: {  	[sflag:s24] =	ssyncset.done $0x0  }
0x13c: {  	s23 =	rddreg [dreg:$0x1c];
	[sflag:s24] =	ssyncadd.s32 $0xFFFFF000  }
0x13d: {  	[spmem:s2] =	stream.indirect.scatter.add.f32 [tilespmem:s15], [sflag:$0xA], $0x80, s23, s13, $0xb8;
	[tilespmem:$0x1CC00] =	vst v63  }
0x13e: {  	_ =	swait.ge [sflag:s26], $0x1000  }
0x13f: {  	[sflag:s26] =	ssyncset.done $0x0  }
0x140: {  	s25 =	rddreg [dreg:$0x1d];
	[sflag:s26] =	ssyncadd.s32 $0xFFFFF000  }
0x141: {  	[spmem:s2] =	stream.indirect.scatter.add.f32 [tilespmem:s16], [sflag:$0xB], $0x80, s25, s13, $0xb8;
	[tilespmem:$0x1CC00] =	vst v63  }
0x142: {  	_ =	swait.ge [sflag:s29], $0x1000  }
0x143: {  	[sflag:s29] =	ssyncset.done $0x0  }
0x144: {  	s23 =	rddreg [dreg:$0x1e];
	[sflag:s29] =	ssyncadd.s32 $0xFFFFF000  }
0x145: {  	[spmem:s2] =	stream.indirect.scatter.add.f32 [tilespmem:s17], [sflag:$0xC], $0x80, s23, s13, $0xb8;
	[tilespmem:$0x1CC00] =	vst v63  }
0x146: {  	_ =	swait.ge [sflag:s31], $0x1000  }
0x147: {  	[sflag:s31] =	ssyncset.done $0x0  }
0x148: {  	s25 =	rddreg [dreg:$0x1f];
	[sflag:s31] =	ssyncadd.s32 $0xFFFFF000  }
0x149: {  	[spmem:s2] =	stream.indirect.scatter.add.f32 [tilespmem:s18], [sflag:$0xD], $0x80, s25, s13, $0xb8;
	[tilespmem:$0x1CC00] =	vst v63  }
0x14a: {  	_ =	swait.ge [sflag:s0], $0x1000  }
0x14b: {  	s23 =	sld [smem:$0x7F9]  }
0x14c: {  	[sflag:s0] =	ssyncset.done $0x0  }
0x14d: {  	[sflag:s0] =	ssyncadd.s32 $0xFFFFF000  }
0x14e: {  	[spmem:s2] =	stream.indirect.scatter.add.f32 [tilespmem:s19], [sflag:$0xE], $0x80, s23, s13, $0xb8;
	[tilespmem:$0x1CC00] =	vst v63  }
0x14f: {  	_ =	swait.ge [sflag:s7], $0x1000  }
0x150: {  	s11 =	sadd.s32 $0x100, s11;
	s25 =	sld [smem:$0x7FA]  }
0x151: {  	p1 =	sne.s32 s11, $0x1400;
	[sflag:s7] =	ssyncset.done $0x0  }
.Ltmp0:
0x152: {  	[sflag:s7] =	ssyncadd.s32 $0xFFFFF000;
	(pc) =	sbr.rel @p1 .LBB2_2-.Ltmp0, $4  }
0x153: {  	[spmem:s2] =	stream.indirect.scatter.add.f32 [tilespmem:s20], [sflag:$0xF], $0x80, s25, s13, $0xb8;
	[tilespmem:$0x1CC00] =	vst v63  }
0x154: {  	_ =	swait.ge [sflag:s6], $0x1000  }
0x155: {  	[sflag:s6] =	ssyncset.done $0x0  }
0x156: {  	p0 =	por p2, p2;
	s12 =	sld [smem:$0x7FB];
	[sflag:s6] =	ssyncadd.s32 $0xFFFFF000  }
0x157: {  	_ = 	snop  }
0x158: {  	s11 =	simm.s32 @!p0 $0x9  }
0x159: {  	[spmem:s2] =	stream.indirect.scatter.add.f32 [tilespmem:s21], [sflag:$0x10], $0x80, s12, s13, $0xb8;
	[tilespmem:$0x1CC00] =	vst v63  }
0x15a: {  	_ =	swait.ge @!p0 [sflag:s11], $0x1000  }
0x15b: {  	[sflag:s11] =	ssyncset.done @!p0 $0x0  }
0x15c: {  	[sflag:s11] =	ssyncadd.s32 @!p0 $0xFFFFF000;
	s11 =	simm.s32 @!p0 $0xA  }
0x15d: {  	_ =	swait.ge @!p0 [sflag:s11], $0x1000  }
0x15e: {  	[sflag:s11] =	ssyncset.done @!p0 $0x0  }
0x15f: {  	[sflag:s11] =	ssyncadd.s32 @!p0 $0xFFFFF000;
	s11 =	simm.s32 @!p0 $0xB  }
0x160: {  	_ =	swait.ge @!p0 [sflag:s11], $0x1000  }
0x161: {  	[sflag:s11] =	ssyncset.done @!p0 $0x0  }
0x162: {  	[sflag:s11] =	ssyncadd.s32 @!p0 $0xFFFFF000;
	s11 =	simm.s32 @!p0 $0xC  }
0x163: {  	_ =	swait.ge @!p0 [sflag:s11], $0x1000  }
0x164: {  	[sflag:s11] =	ssyncset.done @!p0 $0x0  }
0x165: {  	[sflag:s11] =	ssyncadd.s32 @!p0 $0xFFFFF000;
	s11 =	simm.s32 @!p0 $0xD  }
0x166: {  	_ =	swait.ge @!p0 [sflag:s11], $0x1000  }
0x167: {  	[sflag:s11] =	ssyncset.done @!p0 $0x0  }
0x168: {  	[sflag:s11] =	ssyncadd.s32 @!p0 $0xFFFFF000;
	s11 =	simm.s32 @!p0 $0xE  }
0x169: {  	_ =	swait.ge @!p0 [sflag:s11], $0x1000  }
0x16a: {  	[sflag:s11] =	ssyncset.done @!p0 $0x0  }
0x16b: {  	[sflag:s11] =	ssyncadd.s32 @!p0 $0xFFFFF000;
	s11 =	simm.s32 @!p0 $0xF  }
0x16c: {  	_ =	swait.ge @!p0 [sflag:s11], $0x1000  }
0x16d: {  	[sflag:s11] =	ssyncset.done @!p0 $0x0  }
0x16e: {  	[sflag:s11] =	ssyncadd.s32 @!p0 $0xFFFFF000;
	s11 =	simm.s32 @!p0 $0x10  }
0x16f: {  	_ =	swait.ge @!p0 [sflag:s11], $0x1000  }
0x170: {  	s12 =	simm.s32 $0x0;
	s23 =	rddreg [dreg:$0x3];
	[sflag:s11] =	ssyncset.done @!p0 $0x0  }
0x171: {  	[sflag:s11] =	ssyncadd.s32 @!p0 $0xFFFFF000;
	s25 =	sadd.s32 s3, s23;
	s23 =	simm.s32 $0x13C00  }
0x172: {  	[tilespmem:s23], [sflag:$0x11] =	stream.linear.gather [hbm4b:s25+s12], $0x800, $0x38;
	[tilespmem:$0x1CC00] =	vst v63  }
0x173: {  	_ =	swait.ge [sflag:s10], $0x800  }
0x174: {  	s25 =	rddreg [dreg:$0x4];
	[sflag:s10] =	ssyncset.done $0x0  }
0x175: {  	[sflag:s10] =	ssyncadd.s32 $0xFFFFF800;
	s11 =	sadd.s32 s3, s25;
	s25 =	simm.s32 $0x14400  }
0x176: {  	[tilespmem:s25], [sflag:$0x11] =	stream.linear.gather [hbm4b:s11+s12], $0x800, $0x38;
	[tilespmem:$0x1CC00] =	vst v63  }
0x177: {  	_ =	swait.ge [sflag:s10], $0x800  }
0x178: {  	[sflag:s10] =	ssyncset.done $0x0  }
0x179: {  	[sflag:s10] =	ssyncadd.s32 $0xFFFFF800  }
0x17a: {  	[tilespmem:s14], [sflag:$0x1] =	stream.indirect.gather [hbm4b:s4+s13], $0x80, s23, s13, $0xb8;
	[tilespmem:$0x1CC00] =	vst v63  }
0x17b: {  	s11 =	rddreg [dreg:$0x5]  }
0x17c: {  	[tilespmem:s15], [sflag:$0x2] =	stream.indirect.gather [hbm4b:s4+s13], $0x80, s11, s13, $0xb8;
	[tilespmem:$0x1CC00] =	vst v63  }
0x17d: {  	s12 =	rddreg [dreg:$0x6]  }
0x17e: {  	[tilespmem:s16], [sflag:$0x3] =	stream.indirect.gather [hbm4b:s4+s13], $0x80, s12, s13, $0xb8;
	[tilespmem:$0x1CC00] =	vst v63  }
0x17f: {  	s23 =	rddreg [dreg:$0x7]  }
0x180: {  	[tilespmem:s17], [sflag:$0x4] =	stream.indirect.gather [hbm4b:s4+s13], $0x80, s23, s13, $0xb8;
	[tilespmem:$0x1CC00] =	vst v63  }
0x181: {  	s12 =	rddreg [dreg:$0x8]  }
0x182: {  	[tilespmem:s18], [sflag:$0x5] =	stream.indirect.gather [hbm4b:s4+s13], $0x80, s12, s13, $0xb8;
	[tilespmem:$0x1CC00] =	vst v63  }
0x183: {  	s23 =	rddreg [dreg:$0x9]  }
0x184: {  	[tilespmem:s19], [sflag:$0x6] =	stream.indirect.gather [hbm4b:s4+s13], $0x80, s23, s13, $0xb8;
	[tilespmem:$0x1CC00] =	vst v63  }
0x185: {  	s12 =	rddreg [dreg:$0xa]  }
0x186: {  	[tilespmem:s20], [sflag:$0x7] =	stream.indirect.gather [hbm4b:s4+s13], $0x80, s12, s13, $0xb8;
	[tilespmem:$0x1CC00] =	vst v63  }
0x187: {  	s23 =	rddreg [dreg:$0xb]  }
0x188: {  	[tilespmem:s21], [sflag:$0x8] =	stream.indirect.gather [hbm4b:s4+s13], $0x80, s23, s13, $0xb8;
	[tilespmem:$0x1CC00] =	vst v63  }
0x189: {  	_ =	swait.ge [sflag:s22], $0x1000  }
0x18a: {  	[sflag:s22] =	ssyncset.done $0x0  }
0x18b: {  	s11 =	simm.s32 $0x9;
	[sflag:s22] =	ssyncadd.s32 $0xFFFFF000  }
0x18c: {  	[spmem:s2] =	stream.indirect.scatter.add.f32 [tilespmem:s14], [sflag:$0x9], $0x80, s25, s13, $0xb8;
	[tilespmem:$0x1CC00] =	vst v63  }
0x18d: {  	_ =	swait.ge [sflag:s11], $0x1000  }
0x18e: {  	[sflag:s11] =	ssyncset.done $0x0  }
0x18f: {  	s12 =	rddreg [dreg:$0xc];
	[sflag:s11] =	ssyncadd.s32 $0xFFFFF000  }
0x190: {  	[tilespmem:s14], [sflag:$0x1] =	stream.indirect.gather [hbm4b:s4+s13], $0x80, s12, s13, $0xb8;
	[tilespmem:$0x1CC00] =	vst v63  }
0x191: {  	_ =	swait.ge [sflag:s24], $0x1000  }
0x192: {  	[sflag:s24] =	ssyncset.done $0x0  }
0x193: {  	s12 =	simm.s32 $0xA;
	s23 =	rddreg [dreg:$0xd];
	[sflag:s24] =	ssyncadd.s32 $0xFFFFF000  }
0x194: {  	[spmem:s2] =	stream.indirect.scatter.add.f32 [tilespmem:s15], [sflag:$0xA], $0x80, s23, s13, $0xb8;
	[tilespmem:$0x1CC00] =	vst v63  }
0x195: {  	_ =	swait.ge [sflag:s12], $0x1000  }
0x196: {  	[sflag:s12] =	ssyncset.done $0x0  }
0x197: {  	s25 =	rddreg [dreg:$0xe];
	[sflag:s12] =	ssyncadd.s32 $0xFFFFF000  }
0x198: {  	[tilespmem:s15], [sflag:$0x2] =	stream.indirect.gather [hbm4b:s4+s13], $0x80, s25, s13, $0xb8;
	[tilespmem:$0x1CC00] =	vst v63  }
0x199: {  	_ =	swait.ge [sflag:s26], $0x1000  }
0x19a: {  	[sflag:s26] =	ssyncset.done $0x0  }
0x19b: {  	s23 =	rddreg [dreg:$0xf];
	[sflag:s26] =	ssyncadd.s32 $0xFFFFF000  }
0x19c: {  	[spmem:s2] =	stream.indirect.scatter.add.f32 [tilespmem:s16], [sflag:$0xB], $0x80, s23, s13, $0xb8;
	[tilespmem:$0x1CC00] =	vst v63  }
0x19d: {  	s23 =	simm.s32 $0xB  }
0x19e: {  	_ =	swait.ge [sflag:s23], $0x1000  }
0x19f: {  	[sflag:s23] =	ssyncset.done $0x0  }
0x1a0: {  	s25 =	rddreg [dreg:$0x10];
	[sflag:s23] =	ssyncadd.s32 $0xFFFFF000  }
0x1a1: {  	[tilespmem:s16], [sflag:$0x3] =	stream.indirect.gather [hbm4b:s4+s13], $0x80, s25, s13, $0xb8;
	[tilespmem:$0x1CC00] =	vst v63  }
0x1a2: {  	_ =	swait.ge [sflag:s29], $0x1000  }
0x1a3: {  	[sflag:s29] =	ssyncset.done $0x0  }
0x1a4: {  	s25 =	rddreg [dreg:$0x11];
	[sflag:s29] =	ssyncadd.s32 $0xFFFFF000  }
0x1a5: {  	[spmem:s2] =	stream.indirect.scatter.add.f32 [tilespmem:s17], [sflag:$0xC], $0x80, s25, s13, $0xb8;
	[tilespmem:$0x1CC00] =	vst v63  }
0x1a6: {  	s25 =	simm.s32 $0xC  }
0x1a7: {  	_ =	swait.ge [sflag:s25], $0x1000  }
0x1a8: {  	[sflag:s25] =	ssyncset.done $0x0  }
0x1a9: {  	s3 =	rddreg [dreg:$0x12];
	[sflag:s25] =	ssyncadd.s32 $0xFFFFF000  }
0x1aa: {  	[tilespmem:s17], [sflag:$0x4] =	stream.indirect.gather [hbm4b:s4+s13], $0x80, s3, s13, $0xb8;
	[tilespmem:$0x1CC00] =	vst v63  }
0x1ab: {  	_ =	swait.ge [sflag:s31], $0x1000  }
0x1ac: {  	[sflag:s31] =	ssyncset.done $0x0  }
0x1ad: {  	s3 =	rddreg [dreg:$0x13];
	[sflag:s31] =	ssyncadd.s32 $0xFFFFF000  }
0x1ae: {  	[spmem:s2] =	stream.indirect.scatter.add.f32 [tilespmem:s18], [sflag:$0xD], $0x80, s3, s13, $0xb8;
	[tilespmem:$0x1CC00] =	vst v63  }
0x1af: {  	_ =	swait.ge [sflag:s1], $0x1000  }
0x1b0: {  	[sflag:s1] =	ssyncset.done $0x0  }
0x1b1: {  	s3 =	rddreg [dreg:$0x14];
	[sflag:s1] =	ssyncadd.s32 $0xFFFFF000  }
0x1b2: {  	[tilespmem:s18], [sflag:$0x5] =	stream.indirect.gather [hbm4b:s4+s13], $0x80, s3, s13, $0xb8;
	[tilespmem:$0x1CC00] =	vst v63  }
0x1b3: {  	_ =	swait.ge [sflag:s0], $0x1000  }
0x1b4: {  	[sflag:s0] =	ssyncset.done $0x0  }
0x1b5: {  	s3 =	rddreg [dreg:$0x15];
	[sflag:s0] =	ssyncadd.s32 $0xFFFFF000  }
0x1b6: {  	[spmem:s2] =	stream.indirect.scatter.add.f32 [tilespmem:s19], [sflag:$0xE], $0x80, s3, s13, $0xb8;
	[tilespmem:$0x1CC00] =	vst v63  }
0x1b7: {  	_ =	swait.ge [sflag:s5], $0x1000  }
0x1b8: {  	[sflag:s5] =	ssyncset.done $0x0  }
0x1b9: {  	s3 =	rddreg [dreg:$0x16];
	[sflag:s5] =	ssyncadd.s32 $0xFFFFF000  }
0x1ba: {  	[tilespmem:s19], [sflag:$0x6] =	stream.indirect.gather [hbm4b:s4+s13], $0x80, s3, s13, $0xb8;
	[tilespmem:$0x1CC00] =	vst v63  }
0x1bb: {  	_ =	swait.ge [sflag:s7], $0x1000  }
0x1bc: {  	[sflag:s7] =	ssyncset.done $0x0  }
0x1bd: {  	s3 =	rddreg [dreg:$0x17];
	[sflag:s7] =	ssyncadd.s32 $0xFFFFF000  }
0x1be: {  	[spmem:s2] =	stream.indirect.scatter.add.f32 [tilespmem:s20], [sflag:$0xF], $0x80, s3, s13, $0xb8;
	[tilespmem:$0x1CC00] =	vst v63  }
0x1bf: {  	_ =	swait.ge [sflag:s8], $0x1000  }
0x1c0: {  	[sflag:s8] =	ssyncset.done $0x0  }
0x1c1: {  	s3 =	rddreg [dreg:$0x18];
	[sflag:s8] =	ssyncadd.s32 $0xFFFFF000  }
0x1c2: {  	[tilespmem:s20], [sflag:$0x7] =	stream.indirect.gather [hbm4b:s4+s13], $0x80, s3, s13, $0xb8;
	[tilespmem:$0x1CC00] =	vst v63  }
0x1c3: {  	_ =	swait.ge [sflag:s6], $0x1000  }
0x1c4: {  	[sflag:s6] =	ssyncset.done $0x0  }
0x1c5: {  	s3 =	rddreg [dreg:$0x19];
	[sflag:s6] =	ssyncadd.s32 $0xFFFFF000  }
0x1c6: {  	[spmem:s2] =	stream.indirect.scatter.add.f32 [tilespmem:s21], [sflag:$0x10], $0x80, s3, s13, $0xb8;
	[tilespmem:$0x1CC00] =	vst v63  }
0x1c7: {  	_ =	swait.ge [sflag:s9], $0x1000  }
0x1c8: {  	[sflag:s9] =	ssyncset.done $0x0  }
0x1c9: {  	s3 =	rddreg [dreg:$0x1a];
	[sflag:s9] =	ssyncadd.s32 $0xFFFFF000  }
0x1ca: {  	[tilespmem:s21], [sflag:$0x8] =	stream.indirect.gather [hbm4b:s4+s13], $0x80, s3, s13, $0xb8;
	[tilespmem:$0x1CC00] =	vst v63  }
0x1cb: {  	_ =	swait.ge [sflag:s22], $0x1000  }
0x1cc: {  	[sflag:s22] =	ssyncset.done $0x0  }
0x1cd: {  	s3 =	rddreg [dreg:$0x1b];
	[sflag:s22] =	ssyncadd.s32 $0xFFFFF000  }
0x1ce: {  	[spmem:s2] =	stream.indirect.scatter.add.f32 [tilespmem:s14], [sflag:$0x9], $0x80, s3, s13, $0xb8;
	[tilespmem:$0x1CC00] =	vst v63  }
0x1cf: {  	_ =	swait.ge [sflag:s24], $0x1000  }
0x1d0: {  	[sflag:s24] =	ssyncset.done $0x0  }
0x1d1: {  	s3 =	rddreg [dreg:$0x1c];
	[sflag:s24] =	ssyncadd.s32 $0xFFFFF000  }
0x1d2: {  	[spmem:s2] =	stream.indirect.scatter.add.f32 [tilespmem:s15], [sflag:$0xA], $0x80, s3, s13, $0xb8;
	[tilespmem:$0x1CC00] =	vst v63  }
0x1d3: {  	_ =	swait.ge [sflag:s26], $0x1000  }
0x1d4: {  	[sflag:s26] =	ssyncset.done $0x0  }
0x1d5: {  	s3 =	rddreg [dreg:$0x1d];
	[sflag:s26] =	ssyncadd.s32 $0xFFFFF000  }
0x1d6: {  	[spmem:s2] =	stream.indirect.scatter.add.f32 [tilespmem:s16], [sflag:$0xB], $0x80, s3, s13, $0xb8;
	[tilespmem:$0x1CC00] =	vst v63  }
0x1d7: {  	_ =	swait.ge [sflag:s29], $0x1000  }
0x1d8: {  	[sflag:s29] =	ssyncset.done $0x0  }
0x1d9: {  	s3 =	rddreg [dreg:$0x1e];
	[sflag:s29] =	ssyncadd.s32 $0xFFFFF000  }
0x1da: {  	[spmem:s2] =	stream.indirect.scatter.add.f32 [tilespmem:s17], [sflag:$0xC], $0x80, s3, s13, $0xb8;
	[tilespmem:$0x1CC00] =	vst v63  }
0x1db: {  	_ =	swait.ge [sflag:s31], $0x1000  }
0x1dc: {  	[sflag:s31] =	ssyncset.done $0x0  }
0x1dd: {  	s3 =	rddreg [dreg:$0x1f];
	[sflag:s31] =	ssyncadd.s32 $0xFFFFF000  }
0x1de: {  	[spmem:s2] =	stream.indirect.scatter.add.f32 [tilespmem:s18], [sflag:$0xD], $0x80, s3, s13, $0xb8;
	[tilespmem:$0x1CC00] =	vst v63  }
0x1df: {  	_ =	swait.ge [sflag:s0], $0x1000  }
0x1e0: {  	s3 =	sld [smem:$0x7F9]  }
0x1e1: {  	[sflag:s0] =	ssyncset.done $0x0  }
0x1e2: {  	[sflag:s0] =	ssyncadd.s32 $0xFFFFF000  }
0x1e3: {  	[spmem:s2] =	stream.indirect.scatter.add.f32 [tilespmem:s19], [sflag:$0xE], $0x80, s3, s13, $0xb8;
	[tilespmem:$0x1CC00] =	vst v63  }
0x1e4: {  	_ =	swait.ge [sflag:s7], $0x1000  }
0x1e5: {  	s3 =	sld [smem:$0x7FA]  }
0x1e6: {  	[sflag:s7] =	ssyncset.done $0x0  }
0x1e7: {  	[sflag:s7] =	ssyncadd.s32 $0xFFFFF000  }
0x1e8: {  	[spmem:s2] =	stream.indirect.scatter.add.f32 [tilespmem:s20], [sflag:$0xF], $0x80, s3, s13, $0xb8;
	[tilespmem:$0x1CC00] =	vst v63  }
0x1e9: {  	_ =	swait.ge [sflag:s6], $0x1000  }
0x1ea: {  	s3 =	sld [smem:$0x7FB]  }
0x1eb: {  	[sflag:s6] =	ssyncset.done $0x0  }
0x1ec: {  	[sflag:s6] =	ssyncadd.s32 $0xFFFFF000  }
0x1ed: {  	[spmem:s2] =	stream.indirect.scatter.add.f32 [tilespmem:s21], [sflag:$0x10], $0x80, s3, s13, $0xb8;
	[tilespmem:$0x1CC00] =	vst v63  }
0x1ee: {  	_ =	swait.ge [sflag:s11], $0x1000  }
0x1ef: {  	[sflag:s11] =	ssyncset.done $0x0  }
0x1f0: {  	[sflag:s11] =	ssyncadd.s32 $0xFFFFF000  }
0x1f1: {  	_ =	swait.ge [sflag:s12], $0x1000  }
0x1f2: {  	[sflag:s12] =	ssyncset.done $0x0  }
0x1f3: {  	[sflag:s12] =	ssyncadd.s32 $0xFFFFF000  }
0x1f4: {  	_ =	swait.ge [sflag:s23], $0x1000  }
0x1f5: {  	[sflag:s23] =	ssyncset.done $0x0  }
0x1f6: {  	[sflag:s23] =	ssyncadd.s32 $0xFFFFF000  }
0x1f7: {  	_ =	swait.ge [sflag:s25], $0x1000  }
0x1f8: {  	[sflag:s25] =	ssyncset.done $0x0  }
0x1f9: {  	[sflag:s25] =	ssyncadd.s32 $0xFFFFF000  }
0x1fa: {  	_ =	swait.ge [sflag:s1], $0x1000  }
0x1fb: {  	[sflag:s1] =	ssyncset.done $0x0  }
0x1fc: {  	[sflag:s1] =	ssyncadd.s32 $0xFFFFF000  }
0x1fd: {  	_ =	swait.ge [sflag:s5], $0x1000  }
0x1fe: {  	[sflag:s5] =	ssyncset.done $0x0  }
0x1ff: {  	[sflag:s5] =	ssyncadd.s32 $0xFFFFF000  }
0x200: {  	_ =	swait.ge [sflag:s8], $0x1000  }
0x201: {  	[sflag:s8] =	ssyncset.done $0x0  }
0x202: {  	[sflag:s8] =	ssyncadd.s32 $0xFFFFF000  }
0x203: {  	_ =	swait.ge [sflag:s9], $0x1000  }
0x204: {  	[sflag:s9] =	ssyncset.done $0x0  }
0x205: {  	[sflag:s9] =	ssyncadd.s32 $0xFFFFF000  }
0x206: {  	[bflag:$0x0] =	sbarrier.arrive $0xFFFF  }
0x207: {  	s11 =	sld [smem:$0x7FC]  }
0x208: {  	s25 =	sld [smem:$0x7F7]  }
0x209: {  	s12 =	sld [smem:$0x7FD];
	_ =	sdelay $0x2  }
0x20a: {  	[hbm:s25], [sflag:s11] =	dma.local [spmem:s12], $0x2780  }
0x20b: {  	_ =	swait.ge [sflag:s10], $0x2780  }
0x20c: {  	s3 =	sld [smem:$0x7F5]  }
0x20d: {  	s25 =	sld [smem:$0x7F8];
	_ =	sdelay $0x1  }
0x20e: {  	s23 =	sadd.s32 $0x1, s3  }
0x20f: {  	p0 =	sne.s32 s23, s25  }
.Ltmp1:
0x210: {  	_ = 	snop;
	(pc) =	sbr.rel @p0 .LBB2_1-.Ltmp1, $3  }
0x211: {  	_ =	sdelay $0x1  }
0x212: {  	[sflag:s10] =	ssyncset.done $0x0  }
0x213: {  	[sflag:s10] =	ssyncadd.s32 $0xFFFFD880  }
0x214: {  	_ =	sfence.sel $0x180000  }
0x215: {  	[bflag:$0x0] =	sbarrier.arrive $0xFFFF  }
0x216: {  	_ =	strace $0x9000004D  }
0x217: {  	s0 =	stileid.u32;
	[bflag:$0x2] =	sbarrier.arrive $0xFFFF  }
0x218: {  	p0 =	sne.s32 s0, $0x0;
	s0 =	rddreg [dreg:$0x2]  }
0x219: {  	s0 =	sadd.s32 @!p0 $0x100000, s0  }
0x21a: {  	[sflag:s0] =	ssyncadd.tile.s32 @!p0 $0x1;
	_ =	shalt  }
.Lfunc_end2:
_tile_overlayer_lowered:
.L_overlay_start_2:
0x21b: {  	(tag) =	ssettag $0x2  }
0x21c: {  	s0 =	rddreg [dreg:$0x0];
	s2 =	stileid.u32  }
0x21d: {  	s1 =	rddreg [dreg:$0x1];
	p0 =	sne.s32 s2, $0x0  }
0x21e: {  	s3 =	rddreg [dreg:$0x2];
	[bflag:$0x3] =	sbarrier.arrive $0xFFFF;
	s2 =	simm.s32 @!p0 $0x1C11  }
0x21f: {  	[timem:s3], [sflag:s2] =	dma.local @!p0 [hbm:s0], s1  }
0x220: {  	s0 =	simm.s32 @!p0 $0x11  }
0x221: {  	_ =	swait.ge @!p0 [sflag:s0], s1  }
0x222: {  	s1 =	ssub.s32 @!p0 $0x0, s1;
	[sflag:s0] =	ssyncset.done @!p0 $0x0  }
0x223: {  	[sflag:s0] =	ssyncadd.s32 @!p0 s1  }
0x224: {  	[bflag:$0x3] =	sbarrier.arrive $0xFFFF  }
0x225: {  	_ =	shalt  }

// kernel: kernel.8.cloned.1.call-start
scs
__scs_entry_jumppad:
0x0: {  	(pc) =	sbr.rel $0x88, $3  }
0x1: {  	(tag) =	ssettag $0x0;
	lr =	simm.s32 $0x1  }
0x2: {  	[smem:$0x3F94] =	sst lr;
	_ =	strace $0xD0000000  }
0x3: {  	_ = 	snop  }
0x4: {  	_ = 	snop  }
0x5: {  	_ = 	snop  }
0x6: {  	_ = 	snop  }
0x7: {  	_ = 	snop  }
__scs_overlays_trampoline_lowered:
0x8: {  	[smem:$0x3FA3] =	sst s0  }
0x9: {  	[smem:$0x3FA4] =	sst s1  }
0xa: {  	[smem:$0x3FA5] =	sst s2  }
0xb: {  	[smem:$0x3FA6] =	sst s3  }
0xc: {  	[smem:$0x3FA7] =	sst s4  }
0xd: {  	[smem:$0x3FA8] =	sst s5  }
0xe: {  	[smem:$0x3FA9] =	sst s6  }
0xf: {  	[smem:$0x3FAA] =	sst s7  }
0x10: {  	[smem:$0x3FAB] =	sst s8  }
0x11: {  	[smem:$0x3FAC] =	sst s9;
	s0 =	simm.s32 @!p0 $0x0  }
0x12: {  	s1 =	sld [smem:$0x3F92];
	s0 =	simm.s32 @p0 $0x1  }
0x13: {  	[smem:$0x3FAD] =	sst s0;
	s0 =	simm.s32 @!p1 $0x0  }
0x14: {  	s2 =	sld [smem:$0x3F91];
	s0 =	simm.s32 @p1 $0x1  }
0x15: {  	[smem:$0x3FAE] =	sst s0;
	s0 =	simm.s32 @!p2 $0x0  }
0x16: {  	s3 =	sld [smem:$0x3FDB];
	s0 =	simm.s32 @p2 $0x1  }
0x17: {  	s4 =	simm.s32 $0x1BF5;
	[smem:$0x3FB0] =	sst s0  }
0x18: {  	s0 =	sld [smem:$0x3F93];
	_ =	swait.ge [sflag:s4], $0x0  }
0x19: {  	s7 =	sld [smem:$0x3F94]  }
0x1a: {  	s8 =	sadd.s32 $0xFFFFE003, lr  }
0x1b: {  	s9 =	sadd.s32 $0xFFFFFEF7, lr;
	s5 =	simm.s32 $0xFFFFFFFF;
	p2 =	slt.u32 s8, $0xFFFFF086  }
0x1c: {  	p1 =	slt.u32 s9, $0xF7A;
	s5 =	simm.s32 @!p2 $0x0  }
0x1d: {  	s5 =	simm.s32 @p1 $0x1;
	p0 =	seq.s32 s7, s2  }
0x1e: {  	s7 =	smul.u32 @!p0 $0xF7A, s2;
	p2 =	seq.s32 @!p0 s5, $0x0  }
0x1f: {  	s9 =	smul.u32 $0xF7A, s1;
	s8 =	simm.s32 @!p0 $0x1BF5;
	p2 =	por !p2, p0  }
0x20: {  	[sflag:s8] =	ssyncset.s32 @!p0 $0xFFFFF086;
	s6 =	sadd.s32 @!p0 s3, s7;
	s7 =	simm.s32 @!p0 $0x108  }
0x21: {  	s3 =	sadd.s32 s3, s9;
	s6 =	sadd.s32 @!p0 $0x88, s6;
	s7 =	simm.s32 @p2 $0x1082  }
0x22: {  	[simem:s7], [sflag:s8] =	dma.local @!p0 [hbm:s6], $0xF7A  }
0x23: {  	s9 =	sor.u32 $0xD0000000, s2;
	s6 =	simm.s32 $0x108;
	_ =	swait.ge @!p0 [sflag:s8], $0x0  }
0x24: {  	s3 =	sadd.s32 $0x88, s3;
	s6 =	simm.s32 @!p1 $0x1082;
	[sflag:s4] =	ssyncset.s32 $0xFFFFF086  }
0x25: {  	[simem:s6], [sflag:s4] =	dma.local [hbm:s3], $0xF7A  }
0x26: {  	[smem:$0x3F94] =	sst s1;
	(tag) =	ssettag s2;
	_ =	strace s9  }
0x27: {  	s1 =	sld [smem:$0x3FA4]  }
0x28: {  	s2 =	sld [smem:$0x3FA5]  }
0x29: {  	s4 =	sld [smem:$0x3FA7]  }
0x2a: {  	p0 =	seq.s32 s5, $0x0;
	s5 =	sld [smem:$0x3FA8]  }
0x2b: {  	s6 =	sld [smem:$0x3FA9]  }
0x2c: {  	s7 =	sld [smem:$0x3FAA]  }
0x2d: {  	s3 =	simm.s32 $0x108;
	s8 =	sld [smem:$0x3FAB]  }
0x2e: {  	s3 =	simm.s32 @!p0 $0x1082;
	s9 =	sld [smem:$0x3FAC]  }
0x2f: {  	lr =	sadd.s32 s0, s3;
	s0 =	sld [smem:$0x3FA3]  }
0x30: {  	s3 =	sld [smem:$0x3FA6]  }
0x31: {  	[smem:$0x3FAF] =	sst s10  }
0x32: {  	s10 =	sld [smem:$0x3FAD];
	_ =	sdelay $0x3  }
0x33: {  	p0 =	seq.s32 s10, $0x1;
	s10 =	sld [smem:$0x3FAF];
	_ =	sdelay $0x3  }
0x34: {  	[smem:$0x3FAF] =	sst s10  }
0x35: {  	s10 =	sld [smem:$0x3FAE];
	_ =	sdelay $0x3  }
0x36: {  	p1 =	seq.s32 s10, $0x1;
	s10 =	sld [smem:$0x3FAF];
	_ =	sdelay $0x3  }
0x37: {  	[smem:$0x3FAF] =	sst s10  }
0x38: {  	s10 =	sld [smem:$0x3FB0]  }
0x39: {  	_ = 	snop;
	(pc) =	sbr.ind lr, $3  }
0x3a: {  	_ = 	snop  }
0x3b: {  	_ = 	snop  }
0x3c: {  	p2 =	seq.s32 s10, $0x1;
	s10 =	sld [smem:$0x3FAF]  }
0x3d: {  	_ =	shalt  }
0x3e: {  	_ =	shalt  }
0x3f: {  	_ =	shalt  }
0x40: {  	_ =	shalt  }
0x41: {  	_ =	shalt  }
0x42: {  	_ =	shalt  }
0x43: {  	_ =	shalt  }
0x44: {  	_ =	shalt  }
0x45: {  	_ =	shalt  }
0x46: {  	_ =	shalt  }
0x47: {  	_ =	shalt  }
0x48: {  	_ =	shalt  }
0x49: {  	_ =	shalt  }
0x4a: {  	_ =	shalt  }
0x4b: {  	_ =	shalt  }
0x4c: {  	_ =	shalt  }
0x4d: {  	_ =	shalt  }
0x4e: {  	_ =	shalt  }
0x4f: {  	_ =	shalt  }
0x50: {  	_ =	shalt  }
0x51: {  	_ =	shalt  }
0x52: {  	_ =	shalt  }
0x53: {  	_ =	shalt  }
0x54: {  	_ =	shalt  }
0x55: {  	_ =	shalt  }
0x56: {  	_ =	shalt  }
0x57: {  	_ =	shalt  }
0x58: {  	_ =	shalt  }
0x59: {  	_ =	shalt  }
0x5a: {  	_ =	shalt  }
0x5b: {  	_ =	shalt  }
0x5c: {  	_ =	shalt  }
0x5d: {  	_ =	shalt  }
0x5e: {  	_ =	shalt  }
0x5f: {  	_ =	shalt  }
0x60: {  	_ =	shalt  }
0x61: {  	_ =	shalt  }
0x62: {  	_ =	shalt  }
0x63: {  	_ =	shalt  }
0x64: {  	_ =	shalt  }
0x65: {  	_ =	shalt  }
0x66: {  	_ =	shalt  }
0x67: {  	_ =	shalt  }
0x68: {  	_ =	shalt  }
0x69: {  	_ =	shalt  }
0x6a: {  	_ =	shalt  }
0x6b: {  	_ =	shalt  }
0x6c: {  	_ =	shalt  }
0x6d: {  	_ =	shalt  }
0x6e: {  	_ =	shalt  }
0x6f: {  	_ =	shalt  }
0x70: {  	_ =	shalt  }
0x71: {  	_ =	shalt  }
0x72: {  	_ =	shalt  }
0x73: {  	_ =	shalt  }
0x74: {  	_ =	shalt  }
0x75: {  	_ =	shalt  }
0x76: {  	_ =	shalt  }
0x77: {  	_ =	shalt  }
0x78: {  	_ =	shalt  }
0x79: {  	_ =	shalt  }
0x7a: {  	_ =	shalt  }
0x7b: {  	_ =	shalt  }
0x7c: {  	_ =	shalt  }
0x7d: {  	_ =	shalt  }
0x7e: {  	_ =	shalt  }
0x7f: {  	_ =	shalt  }
0x80: {  	_ =	shalt  }
0x81: {  	_ =	shalt  }
0x82: {  	_ =	shalt  }
0x83: {  	_ =	shalt  }
0x84: {  	_ =	shalt  }
0x85: {  	_ =	shalt  }
0x86: {  	_ =	shalt  }
0x87: {  	_ =	shalt  }
.Lfunc_end0:
.L_simem_size_0:
called_computation_lowered:
.L_overlay_start_0:
0x88: {  	s2 =	sld [smem:$0x3FD9]  }
0x89: {  	s3 =	sld [smem:$0x3FFE];
	_ =	sdelay $0x1  }
0x8a: {  	s1 =	srdreg.scid  }
0x8b: {  	s0 =	sand.u32 $0x1, s1  }
0x8c: {  	s14 =	sshll.u32 s0, $0xA;
	s2 =	sadd.s32 s3, s2  }
0x8d: {  	s2 =	sadd.s32 s2, s14  }
0x8e: {  	[smem:$0x3FBB] =	sst s2  }
0x8f: {  	_ = 	snop  }
0x90: {  	s2 =	sld [smem:$0x3FD0];
	_ =	sdelay $0x2  }
0x91: {  	s15 =	simm.s32 $0xA;
	s4 =	simm.s32 $0x10  }
0x92: {  	[smem:s4], [sflag:s15] =	dma.local [hbm:s2], $0x1  }
0x93: {  	_ =	swait.eq [sflag:s15], $0x1  }
0x94: {  	[sflag:s15] =	ssyncset.done $0x0  }
0x95: {  	[sflag:s15] =	ssyncadd.s32 $0xFFFFFFFF  }
0x96: {  	s16 =	sld [smem:$0x13];
	(tm) =	ssettm $0x1  }
0x97: {  	s17 =	sld [smem:$0x3FFB];
	_ =	sdelay $0x3  }
0x98: {  	_ =	strace s17  }
0x99: {  	s3 =	sld [smem:$0x3FFC];
	_ =	sdelay $0x3  }
0x9a: {  	_ =	strace s3  }
0x9b: {  	s3 =	sld [smem:$0x3FFD];
	_ =	sdelay $0x3  }
0x9c: {  	_ =	strace s3  }
0x9d: {  	_ =	strace $0x8FFFFFFF  }
0x9e: {  	s18 =	sld [smem:$0x3FDB];
	_ =	sdelay $0x1  }
0x9f: {  	s19 =	simm.s32 $_scs_section_size  }
0xa0: {  	s5 =	simm.s32 $_size__tile_overlayer_lowered;
	s6 =	simm.s32 $_tile_overlayer_lowered  }
0xa1: {  	s22 =	simm.s32 $0x1BFF;
	s21 =	sshll.u32 s6, $0x1;
	s3 =	sadd.s32 s19, s18  }
0xa2: {  	s7 =	simm.s32 $0x0;
	s20 =	sshll.u32 s5, $0x1;
	s5 =	sadd.s32 s21, s3  }
0xa3: {  	[timem:s7], [sflag:s22] =	dma.local [hbm:s5], s20  }
0xa4: {  	_ =	swait.ge [sflag:s22], s20  }
0xa5: {  	s4 =	ssub.s32 $0x0, s20;
	[sflag:s22] =	ssyncset.done $0x0  }
0xa6: {  	[sflag:s22] =	ssyncadd.s32 s4;
	_ =	sdelay $0x1  }
0xa7: {  	s23 =	simm.s32 $0x1B8B  }
0xa8: {  	_ =	swait.ge [sflag:s23], $0x1  }
0xa9: {  	[sflag:s23] =	ssyncset.done $0x0  }
0xaa: {  	s25 =	simm.s32 $0x1B8E;
	s24 =	sld [smem:$0x3FFE];
	[sflag:s23] =	ssyncadd.s32 $0xFFFFFFFF  }
0xab: {  	s26 =	simm.s32 $execute0_lowered;
	[smem:$0x3FD2] =	sst s25  }
0xac: {  	s5 =	sshll.u32 s26, $0x1;
	_ =	strace $0x80000046;
	[dreg:$0x1] =	wrdreg $0xFFFFFFFF  }
0xad: {  	s28 =	simm.s32 $_size_execute0_lowered;
	s3 =	sadd.s32 s3, s5;
	[dreg:$0x0] =	wrdreg $0x0  }
0xae: {  	s5 =	sshll.u32 s28, $0x1;
	[dreg:$0x2] =	wrdreg s3  }
0xaf: {  	[dreg:$0x3] =	wrdreg s5  }
0xb0: {  	[dreg:$0x4] =	wrdreg $0xC0  }
0xb1: {  	_ =	task [dreg:s7], $0x5FFFF  }
0xb2: {  	[dreg:$0x1] =	wrdreg $0xFFFFFFFF  }
0xb3: {  	[dreg:$0x0] =	wrdreg $0x60  }
0xb4: {  	[dreg:$0x2] =	wrdreg s24  }
0xb5: {  	[dreg:$0x3] =	wrdreg s16  }
0xb6: {  	[dreg:$0x4] =	wrdreg $0x0  }
0xb7: {  	[dreg:$0x5] =	wrdreg $0x9  }
0xb8: {  	_ =	task.clear_ibuf [dreg:s7], $0x6FFFF;
	_ =	strace $0x90000046  }
0xb9: {  	s29 =	simm.s32 $0x9;
	_ =	strace $0x80000048  }
0xba: {  	_ =	swait.ge [sflag:s29], $0x1  }
0xbb: {  	[sflag:s29] =	ssyncadd.s32 $0xFFFFFFFF  }
0xbc: {  	_ =	strace $0x90000048  }
0xbd: {  	_ =	sfence  }
0xbe: {  	s30 =	sld [smem:$0x0];
	_ =	sdelay $0x2  }
0xbf: {  	s31 =	sshll.u32 s1, $0xD;
	s1 =	sshrl.u32 s1, $0x2  }
0xc0: {  	s3 =	sand.u32 $0x4000, s31;
	s1 =	sadd.s32 s1, s30  }
0xc1: {  	s0 =	sor.u32 s3, s0;
	s1 =	sshll.u32 s1, $0x11  }
0xc2: {  	s0 =	sor.u32 s1, s0  }
0xc3: {  	s0 =	sadd.s32 $0x8F2B, s0  }
0xc4: {  	[sflag:s0] =	ssyncadd.remote.s32 $0x1  }
0xc5: {  	_ =	sfence.sel $0xFFFF  }
0xc6: {  	[dreg:$0x0] =	wrdreg $0xFFFFFFFF;
	(pc) =	sbr.abs _section_cstart, $3  }
0xc7: {  	[dreg:$0x1] =	wrdreg $0xFFFFFFFF  }
0xc8: {  	_ =	task.clear_ibuf [dreg:s7], $0x2FFFF;
	_ =	strace $0x9FFFFFFF  }
0xc9: {  	(tm) =	ssettm $0x7FFFFFFF  }
tec
execute0_lowered:
.L_overlay_start_1:
0x0: {  	(tag) =	ssettag $0x1  }
0x1: {  	s0 =	rddreg [dreg:$0x0]  }
0x2: {  	s1 =	srdreg.scid;
	s9 =	stileid.u32  }
0x3: {  	s3 =	rddreg [dreg:$0x2];
	s4 =	simm.s32 $0x0;
	s11 =	simm.s32 $0x2  }
0x4: {  	s12 =	simm.s32 $0x14400;
	s13 =	simm.s32 $0x13C00;
	s14 =	simm.s32 $0x20  }
0x5: {  	s15 =	simm.s32 $0x13C80;
	s16 =	simm.s32 $0x13D00;
	s17 =	simm.s32 $0x13D80  }
0x6: {  	s18 =	simm.s32 $0x13E00;
	s19 =	simm.s32 $0x13E80;
	s2 =	smul.u32 $0x14000, s9  }
0x7: {  	s20 =	simm.s32 $0x13F00;
	s28 =	simm.s32 $0x14280;
	s21 =	smul.u32 $0x2780, s9  }
0x8: {  	s29 =	simm.s32 $0x14300;
	s1 =	sand.u32 $0x1, s1;
	s7 =	smul.u32 $0x4F000, s9  }
0x9: {  	s30 =	simm.s32 $0x14380;
	s31 =	simm.s32 $0x1;
	s5 =	smul.u32 $0xA000, s1  }
0xa: {  	[smem:$0x7FF] =	sst s4;
	s25 =	sshll.u32 s9, $0x6;
	s6 =	smul.u32 $0x27800, s1  }
0xb: {  	_ =	strace $0x80000047;
	s1 =	ssub.s32 $0x2, s1;
	s8 =	sadd.s32 s21, s0  }
0xc: {  	s22 =	sshrl.u32 s1, $0x1;
	s23 =	sshrl.u32 s7, $0x2;
	s2 =	sadd.s32 s5, s2  }
0xd: {  	s5 =	sadd.s32 s21, s6;
	s1 =	ssub.s32 s1, s22;
	s24 =	sadd.s32 s23, s3  }
0xe: {  	s26 =	sadd.s32 $0x2A600, s8;
	s6 =	sor.u32 $0x1C02, s25;
	s21 =	simm.s32 $0x13F80  }
0xf: {  	s22 =	simm.s32 $0x14000;
	s23 =	simm.s32 $0x14080;
	s25 =	simm.s32 $0x14180  }
0x10: {  	s2 =	sshrl.u32 s2, $0x3;
	[dreg:$0x4] =	wrdreg s26;
	s8 =	smax.u32 s1, $0x1  }
0x11: {  	s10 =	sshrl.u32 s24, $0x3;
	s2 =	sadd.s32 s2, s0;
	s0 =	sadd.s32 s5, s0  }
0x12: {  	s24 =	simm.s32 $0x14100;
	s26 =	simm.s32 $0x14200;
	s0 =	sadd.s32 $0x51E00, s0  }
0x13: {  	s1 =	simm.s32 $0x0;
	s9 =	sadd.s32 $0x2600, s2;
	[dreg:$0x5] =	wrdreg s0  }
.LBB2_1:
0x14: {  	s0 =	rddreg [dreg:$0x4]  }
0x15: {  	[spmem:s10], [sflag:s6] =	dma.local [hbm:s0], $0x2780  }
0x16: {  	_ =	swait.ge [sflag:s11], $0x2780  }
0x17: {  	[sflag:s11] =	ssyncset.done $0x0  }
0x18: {  	[sflag:s11] =	ssyncadd.s32 $0xFFFFD880  }
0x19: {  	s5 =	rddreg [dreg:$0x1]  }
0x1a: {  	[tilespmem:s12], [sflag:$0x2] =	stream.linear.gather [hbm4b:s5+s4], $0x1000, $0x38;
	[tilespmem:$0x15400] =	vst v63  }
0x1b: {  	_ =	swait.ge [sflag:s11], $0x1000  }
0x1c: {  	[sflag:s11] =	ssyncset.done $0x0  }
0x1d: {  	[sflag:s11] =	ssyncadd.s32 $0xFFFFF000  }
0x1e: {  	s7 =	sadd.s32 $0x0, s9;
	[bflag:$0x0] =	sbarrier.arrive $0xFFFF  }
0x1f: {  	[tilespmem:s13], [sflag:$0x2] =	stream.linear.gather [hbm4b:s7+s4], $0x800, $0x38;
	[tilespmem:$0x15400] =	vst v63  }
0x20: {  	_ =	swait.ge [sflag:s11], $0x800  }
0x21: {  	[sflag:s11] =	ssyncset.done $0x0  }
0x22: {  	[sflag:s11] =	ssyncadd.s32 $0xFFFFF800  }
0x23: {  	[spmem:s3] =	stream.indirect.scatter.add.f32 [tilespmem:s12], [sflag:$0x1], $0x80, s13, s14, $0xb8;
	[tilespmem:$0x15400] =	vst v63  }
0x24: {  	_ = 	snop  }
0x25: {  	[spmem:s3] =	stream.indirect.scatter.add.f32 [tilespmem:s12], [sflag:$0x1], $0x80, s15, s14, $0xb8;
	[tilespmem:$0x15400] =	vst v63  }
0x26: {  	_ = 	snop  }
0x27: {  	[spmem:s3] =	stream.indirect.scatter.add.f32 [tilespmem:s12], [sflag:$0x1], $0x80, s16, s14, $0xb8;
	[tilespmem:$0x15400] =	vst v63  }
0x28: {  	_ = 	snop  }
0x29: {  	[spmem:s3] =	stream.indirect.scatter.add.f32 [tilespmem:s12], [sflag:$0x1], $0x80, s17, s14, $0xb8;
	[tilespmem:$0x15400] =	vst v63  }
0x2a: {  	_ = 	snop  }
0x2b: {  	[spmem:s3] =	stream.indirect.scatter.add.f32 [tilespmem:s12], [sflag:$0x1], $0x80, s18, s14, $0xb8;
	[tilespmem:$0x15400] =	vst v63  }
0x2c: {  	_ = 	snop  }
0x2d: {  	[spmem:s3] =	stream.indirect.scatter.add.f32 [tilespmem:s12], [sflag:$0x1], $0x80, s19, s14, $0xb8;
	[tilespmem:$0x15400] =	vst v63  }
0x2e: {  	_ = 	snop  }
0x2f: {  	[spmem:s3] =	stream.indirect.scatter.add.f32 [tilespmem:s12], [sflag:$0x1], $0x80, s20, s14, $0xb8;
	[tilespmem:$0x15400] =	vst v63  }
0x30: {  	_ = 	snop  }
0x31: {  	[spmem:s3] =	stream.indirect.scatter.add.f32 [tilespmem:s12], [sflag:$0x1], $0x80, s21, s14, $0xb8;
	[tilespmem:$0x15400] =	vst v63  }
0x32: {  	_ = 	snop  }
0x33: {  	[spmem:s3] =	stream.indirect.scatter.add.f32 [tilespmem:s12], [sflag:$0x1], $0x80, s22, s14, $0xb8;
	[tilespmem:$0x15400] =	vst v63  }
0x34: {  	_ = 	snop  }
0x35: {  	[spmem:s3] =	stream.indirect.scatter.add.f32 [tilespmem:s12], [sflag:$0x1], $0x80, s23, s14, $0xb8;
	[tilespmem:$0x15400] =	vst v63  }
0x36: {  	_ = 	snop  }
0x37: {  	[spmem:s3] =	stream.indirect.scatter.add.f32 [tilespmem:s12], [sflag:$0x1], $0x80, s24, s14, $0xb8;
	[tilespmem:$0x15400] =	vst v63  }
0x38: {  	_ = 	snop  }
0x39: {  	[spmem:s3] =	stream.indirect.scatter.add.f32 [tilespmem:s12], [sflag:$0x1], $0x80, s25, s14, $0xb8;
	[tilespmem:$0x15400] =	vst v63  }
0x3a: {  	_ = 	snop  }
0x3b: {  	[spmem:s3] =	stream.indirect.scatter.add.f32 [tilespmem:s12], [sflag:$0x1], $0x80, s26, s14, $0xb8;
	[tilespmem:$0x15400] =	vst v63  }
0x3c: {  	_ = 	snop  }
0x3d: {  	[spmem:s3] =	stream.indirect.scatter.add.f32 [tilespmem:s12], [sflag:$0x1], $0x80, s28, s14, $0xb8;
	[tilespmem:$0x15400] =	vst v63  }
0x3e: {  	_ = 	snop  }
0x3f: {  	[spmem:s3] =	stream.indirect.scatter.add.f32 [tilespmem:s12], [sflag:$0x1], $0x80, s29, s14, $0xb8;
	[tilespmem:$0x15400] =	vst v63  }
0x40: {  	_ = 	snop  }
0x41: {  	[spmem:s3] =	stream.indirect.scatter.add.f32 [tilespmem:s12], [sflag:$0x1], $0x80, s30, s14, $0xb8;
	[tilespmem:$0x15400] =	vst v63  }
0x42: {  	_ =	swait.ge [sflag:s31], $0x1000  }
0x43: {  	[sflag:s31] =	ssyncset.done $0x0  }
0x44: {  	[sflag:s31] =	ssyncadd.s32 $0xFFFFF000  }
0x45: {  	_ =	swait.ge [sflag:s31], $0x1000  }
0x46: {  	[sflag:s31] =	ssyncset.done $0x0  }
0x47: {  	[sflag:s31] =	ssyncadd.s32 $0xFFFFF000  }
0x48: {  	_ =	swait.ge [sflag:s31], $0x1000  }
0x49: {  	[sflag:s31] =	ssyncset.done $0x0  }
0x4a: {  	[sflag:s31] =	ssyncadd.s32 $0xFFFFF000  }
0x4b: {  	_ =	swait.ge [sflag:s31], $0x1000  }
0x4c: {  	[sflag:s31] =	ssyncset.done $0x0  }
0x4d: {  	[sflag:s31] =	ssyncadd.s32 $0xFFFFF000  }
0x4e: {  	_ =	swait.ge [sflag:s31], $0x1000  }
0x4f: {  	[sflag:s31] =	ssyncset.done $0x0  }
0x50: {  	[sflag:s31] =	ssyncadd.s32 $0xFFFFF000  }
0x51: {  	_ =	swait.ge [sflag:s31], $0x1000  }
0x52: {  	[sflag:s31] =	ssyncset.done $0x0  }
0x53: {  	[sflag:s31] =	ssyncadd.s32 $0xFFFFF000  }
0x54: {  	_ =	swait.ge [sflag:s31], $0x1000  }
0x55: {  	[sflag:s31] =	ssyncset.done $0x0  }
0x56: {  	[sflag:s31] =	ssyncadd.s32 $0xFFFFF000  }
0x57: {  	_ =	swait.ge [sflag:s31], $0x1000  }
0x58: {  	[sflag:s31] =	ssyncset.done $0x0  }
0x59: {  	[sflag:s31] =	ssyncadd.s32 $0xFFFFF000  }
0x5a: {  	_ =	swait.ge [sflag:s31], $0x1000  }
0x5b: {  	[sflag:s31] =	ssyncset.done $0x0  }
0x5c: {  	[sflag:s31] =	ssyncadd.s32 $0xFFFFF000  }
0x5d: {  	_ =	swait.ge [sflag:s31], $0x1000  }
0x5e: {  	[sflag:s31] =	ssyncset.done $0x0  }
0x5f: {  	[sflag:s31] =	ssyncadd.s32 $0xFFFFF000  }
0x60: {  	_ =	swait.ge [sflag:s31], $0x1000  }
0x61: {  	[sflag:s31] =	ssyncset.done $0x0  }
0x62: {  	[sflag:s31] =	ssyncadd.s32 $0xFFFFF000  }
0x63: {  	_ =	swait.ge [sflag:s31], $0x1000  }
0x64: {  	[sflag:s31] =	ssyncset.done $0x0  }
0x65: {  	[sflag:s31] =	ssyncadd.s32 $0xFFFFF000  }
0x66: {  	_ =	swait.ge [sflag:s31], $0x1000  }
0x67: {  	[sflag:s31] =	ssyncset.done $0x0  }
0x68: {  	[sflag:s31] =	ssyncadd.s32 $0xFFFFF000  }
0x69: {  	_ =	swait.ge [sflag:s31], $0x1000  }
0x6a: {  	[sflag:s31] =	ssyncset.done $0x0  }
0x6b: {  	[sflag:s31] =	ssyncadd.s32 $0xFFFFF000  }
0x6c: {  	_ =	swait.ge [sflag:s31], $0x1000  }
0x6d: {  	[sflag:s31] =	ssyncset.done $0x0  }
0x6e: {  	[sflag:s31] =	ssyncadd.s32 $0xFFFFF000  }
0x6f: {  	_ =	swait.ge [sflag:s31], $0x1000  }
0x70: {  	s2 =	simm.s32 $0x200;
	s0 =	simm.s32 $0x100;
	[sflag:s31] =	ssyncset.done $0x0  }
.LBB2_2:
0x71: {  	s7 =	sadd.s32 s0, s9  }
0x72: {  	[sflag:s31] =	ssyncadd.s32 $0xFFFFF000;
	s0 =	smov.u32 s2;
	s5 =	sadd.s32 $0x100, s2  }
0x73: {  	[tilespmem:s13], [sflag:$0x2] =	stream.linear.gather [hbm4b:s7+s4], $0x800, $0x38;
	[tilespmem:$0x15400] =	vst v63  }
0x74: {  	p0 =	sne.s32 s2, $0x1300;
	_ =	swait.ge [sflag:s11], $0x800  }
0x75: {  	[sflag:s11] =	ssyncset.done $0x0  }
0x76: {  	[sflag:s11] =	ssyncadd.s32 $0xFFFFF800  }
0x77: {  	[spmem:s3] =	stream.indirect.scatter.add.f32 [tilespmem:s12], [sflag:$0x1], $0x80, s13, s14, $0xb8;
	[tilespmem:$0x15400] =	vst v63  }
0x78: {  	_ = 	snop  }
0x79: {  	[spmem:s3] =	stream.indirect.scatter.add.f32 [tilespmem:s12], [sflag:$0x1], $0x80, s15, s14, $0xb8;
	[tilespmem:$0x15400] =	vst v63  }
0x7a: {  	_ = 	snop  }
0x7b: {  	[spmem:s3] =	stream.indirect.scatter.add.f32 [tilespmem:s12], [sflag:$0x1], $0x80, s16, s14, $0xb8;
	[tilespmem:$0x15400] =	vst v63  }
0x7c: {  	_ = 	snop  }
0x7d: {  	[spmem:s3] =	stream.indirect.scatter.add.f32 [tilespmem:s12], [sflag:$0x1], $0x80, s17, s14, $0xb8;
	[tilespmem:$0x15400] =	vst v63  }
0x7e: {  	_ = 	snop  }
0x7f: {  	[spmem:s3] =	stream.indirect.scatter.add.f32 [tilespmem:s12], [sflag:$0x1], $0x80, s18, s14, $0xb8;
	[tilespmem:$0x15400] =	vst v63  }
0x80: {  	_ = 	snop  }
0x81: {  	[spmem:s3] =	stream.indirect.scatter.add.f32 [tilespmem:s12], [sflag:$0x1], $0x80, s19, s14, $0xb8;
	[tilespmem:$0x15400] =	vst v63  }
0x82: {  	_ = 	snop  }
0x83: {  	[spmem:s3] =	stream.indirect.scatter.add.f32 [tilespmem:s12], [sflag:$0x1], $0x80, s20, s14, $0xb8;
	[tilespmem:$0x15400] =	vst v63  }
0x84: {  	_ = 	snop  }
0x85: {  	[spmem:s3] =	stream.indirect.scatter.add.f32 [tilespmem:s12], [sflag:$0x1], $0x80, s21, s14, $0xb8;
	[tilespmem:$0x15400] =	vst v63  }
0x86: {  	_ = 	snop  }
0x87: {  	[spmem:s3] =	stream.indirect.scatter.add.f32 [tilespmem:s12], [sflag:$0x1], $0x80, s22, s14, $0xb8;
	[tilespmem:$0x15400] =	vst v63  }
0x88: {  	_ = 	snop  }
0x89: {  	[spmem:s3] =	stream.indirect.scatter.add.f32 [tilespmem:s12], [sflag:$0x1], $0x80, s23, s14, $0xb8;
	[tilespmem:$0x15400] =	vst v63  }
0x8a: {  	_ = 	snop  }
0x8b: {  	[spmem:s3] =	stream.indirect.scatter.add.f32 [tilespmem:s12], [sflag:$0x1], $0x80, s24, s14, $0xb8;
	[tilespmem:$0x15400] =	vst v63  }
0x8c: {  	_ = 	snop  }
0x8d: {  	[spmem:s3] =	stream.indirect.scatter.add.f32 [tilespmem:s12], [sflag:$0x1], $0x80, s25, s14, $0xb8;
	[tilespmem:$0x15400] =	vst v63  }
0x8e: {  	_ = 	snop  }
0x8f: {  	[spmem:s3] =	stream.indirect.scatter.add.f32 [tilespmem:s12], [sflag:$0x1], $0x80, s26, s14, $0xb8;
	[tilespmem:$0x15400] =	vst v63  }
0x90: {  	_ = 	snop  }
0x91: {  	[spmem:s3] =	stream.indirect.scatter.add.f32 [tilespmem:s12], [sflag:$0x1], $0x80, s28, s14, $0xb8;
	[tilespmem:$0x15400] =	vst v63  }
0x92: {  	_ = 	snop  }
0x93: {  	[spmem:s3] =	stream.indirect.scatter.add.f32 [tilespmem:s12], [sflag:$0x1], $0x80, s29, s14, $0xb8;
	[tilespmem:$0x15400] =	vst v63  }
0x94: {  	_ = 	snop  }
0x95: {  	[spmem:s3] =	stream.indirect.scatter.add.f32 [tilespmem:s12], [sflag:$0x1], $0x80, s30, s14, $0xb8;
	[tilespmem:$0x15400] =	vst v63  }
0x96: {  	_ =	swait.ge [sflag:s31], $0x1000  }
0x97: {  	[sflag:s31] =	ssyncset.done $0x0  }
0x98: {  	[sflag:s31] =	ssyncadd.s32 $0xFFFFF000  }
0x99: {  	_ =	swait.ge [sflag:s31], $0x1000  }
0x9a: {  	[sflag:s31] =	ssyncset.done $0x0  }
0x9b: {  	[sflag:s31] =	ssyncadd.s32 $0xFFFFF000  }
0x9c: {  	_ =	swait.ge [sflag:s31], $0x1000  }
0x9d: {  	[sflag:s31] =	ssyncset.done $0x0  }
0x9e: {  	[sflag:s31] =	ssyncadd.s32 $0xFFFFF000  }
0x9f: {  	_ =	swait.ge [sflag:s31], $0x1000  }
0xa0: {  	[sflag:s31] =	ssyncset.done $0x0  }
0xa1: {  	[sflag:s31] =	ssyncadd.s32 $0xFFFFF000  }
0xa2: {  	_ =	swait.ge [sflag:s31], $0x1000  }
0xa3: {  	[sflag:s31] =	ssyncset.done $0x0  }
0xa4: {  	[sflag:s31] =	ssyncadd.s32 $0xFFFFF000  }
0xa5: {  	_ =	swait.ge [sflag:s31], $0x1000  }
0xa6: {  	[sflag:s31] =	ssyncset.done $0x0  }
0xa7: {  	[sflag:s31] =	ssyncadd.s32 $0xFFFFF000  }
0xa8: {  	_ =	swait.ge [sflag:s31], $0x1000  }
0xa9: {  	[sflag:s31] =	ssyncset.done $0x0  }
0xaa: {  	[sflag:s31] =	ssyncadd.s32 $0xFFFFF000  }
0xab: {  	_ =	swait.ge [sflag:s31], $0x1000  }
0xac: {  	[sflag:s31] =	ssyncset.done $0x0  }
0xad: {  	[sflag:s31] =	ssyncadd.s32 $0xFFFFF000  }
0xae: {  	_ =	swait.ge [sflag:s31], $0x1000  }
0xaf: {  	[sflag:s31] =	ssyncset.done $0x0  }
0xb0: {  	[sflag:s31] =	ssyncadd.s32 $0xFFFFF000  }
0xb1: {  	_ =	swait.ge [sflag:s31], $0x1000  }
0xb2: {  	[sflag:s31] =	ssyncset.done $0x0  }
0xb3: {  	[sflag:s31] =	ssyncadd.s32 $0xFFFFF000  }
0xb4: {  	_ =	swait.ge [sflag:s31], $0x1000  }
0xb5: {  	[sflag:s31] =	ssyncset.done $0x0  }
0xb6: {  	[sflag:s31] =	ssyncadd.s32 $0xFFFFF000  }
0xb7: {  	_ =	swait.ge [sflag:s31], $0x1000  }
0xb8: {  	[sflag:s31] =	ssyncset.done $0x0  }
0xb9: {  	[sflag:s31] =	ssyncadd.s32 $0xFFFFF000  }
0xba: {  	_ =	swait.ge [sflag:s31], $0x1000  }
0xbb: {  	[sflag:s31] =	ssyncset.done $0x0  }
0xbc: {  	[sflag:s31] =	ssyncadd.s32 $0xFFFFF000  }
0xbd: {  	_ =	swait.ge [sflag:s31], $0x1000  }
0xbe: {  	[sflag:s31] =	ssyncset.done $0x0  }
0xbf: {  	[sflag:s31] =	ssyncadd.s32 $0xFFFFF000  }
.Ltmp0:
0xc0: {  	_ =	swait.ge [sflag:s31], $0x1000;
	(pc) =	sbr.rel @p0 .LBB2_2-.Ltmp0, $4  }
0xc1: {  	[sflag:s31] =	ssyncset.done $0x0  }
0xc2: {  	[sflag:s31] =	ssyncadd.s32 $0xFFFFF000  }
0xc3: {  	_ =	swait.ge [sflag:s31], $0x1000  }
0xc4: {  	s2 =	smov.u32 s5;
	[sflag:s31] =	ssyncset.done $0x0  }
0xc5: {  	s0 =	sadd.s32 s0, s9;
	[sflag:s31] =	ssyncadd.s32 $0xFFFFF000  }
0xc6: {  	[tilespmem:s13], [sflag:$0x2] =	stream.linear.gather [hbm4b:s0+s4], $0x800, $0x38;
	[tilespmem:$0x15400] =	vst v63  }
0xc7: {  	_ =	swait.ge [sflag:s11], $0x800  }
0xc8: {  	[sflag:s11] =	ssyncset.done $0x0  }
0xc9: {  	[sflag:s11] =	ssyncadd.s32 $0xFFFFF800  }
0xca: {  	[spmem:s3] =	stream.indirect.scatter.add.f32 [tilespmem:s12], [sflag:$0x1], $0x80, s13, s14, $0xb8;
	[tilespmem:$0x15400] =	vst v63  }
0xcb: {  	_ = 	snop  }
0xcc: {  	[spmem:s3] =	stream.indirect.scatter.add.f32 [tilespmem:s12], [sflag:$0x1], $0x80, s15, s14, $0xb8;
	[tilespmem:$0x15400] =	vst v63  }
0xcd: {  	_ = 	snop  }
0xce: {  	[spmem:s3] =	stream.indirect.scatter.add.f32 [tilespmem:s12], [sflag:$0x1], $0x80, s16, s14, $0xb8;
	[tilespmem:$0x15400] =	vst v63  }
0xcf: {  	_ = 	snop  }
0xd0: {  	[spmem:s3] =	stream.indirect.scatter.add.f32 [tilespmem:s12], [sflag:$0x1], $0x80, s17, s14, $0xb8;
	[tilespmem:$0x15400] =	vst v63  }
0xd1: {  	_ = 	snop  }
0xd2: {  	[spmem:s3] =	stream.indirect.scatter.add.f32 [tilespmem:s12], [sflag:$0x1], $0x80, s18, s14, $0xb8;
	[tilespmem:$0x15400] =	vst v63  }
0xd3: {  	_ = 	snop  }
0xd4: {  	[spmem:s3] =	stream.indirect.scatter.add.f32 [tilespmem:s12], [sflag:$0x1], $0x80, s19, s14, $0xb8;
	[tilespmem:$0x15400] =	vst v63  }
0xd5: {  	_ = 	snop  }
0xd6: {  	[spmem:s3] =	stream.indirect.scatter.add.f32 [tilespmem:s12], [sflag:$0x1], $0x80, s20, s14, $0xb8;
	[tilespmem:$0x15400] =	vst v63  }
0xd7: {  	_ = 	snop  }
0xd8: {  	[spmem:s3] =	stream.indirect.scatter.add.f32 [tilespmem:s12], [sflag:$0x1], $0x80, s21, s14, $0xb8;
	[tilespmem:$0x15400] =	vst v63  }
0xd9: {  	_ = 	snop  }
0xda: {  	[spmem:s3] =	stream.indirect.scatter.add.f32 [tilespmem:s12], [sflag:$0x1], $0x80, s22, s14, $0xb8;
	[tilespmem:$0x15400] =	vst v63  }
0xdb: {  	_ = 	snop  }
0xdc: {  	[spmem:s3] =	stream.indirect.scatter.add.f32 [tilespmem:s12], [sflag:$0x1], $0x80, s23, s14, $0xb8;
	[tilespmem:$0x15400] =	vst v63  }
0xdd: {  	_ = 	snop  }
0xde: {  	[spmem:s3] =	stream.indirect.scatter.add.f32 [tilespmem:s12], [sflag:$0x1], $0x80, s24, s14, $0xb8;
	[tilespmem:$0x15400] =	vst v63  }
0xdf: {  	_ = 	snop  }
0xe0: {  	[spmem:s3] =	stream.indirect.scatter.add.f32 [tilespmem:s12], [sflag:$0x1], $0x80, s25, s14, $0xb8;
	[tilespmem:$0x15400] =	vst v63  }
0xe1: {  	_ = 	snop  }
0xe2: {  	[spmem:s3] =	stream.indirect.scatter.add.f32 [tilespmem:s12], [sflag:$0x1], $0x80, s26, s14, $0xb8;
	[tilespmem:$0x15400] =	vst v63  }
0xe3: {  	_ = 	snop  }
0xe4: {  	[spmem:s3] =	stream.indirect.scatter.add.f32 [tilespmem:s12], [sflag:$0x1], $0x80, s28, s14, $0xb8;
	[tilespmem:$0x15400] =	vst v63  }
0xe5: {  	_ = 	snop  }
0xe6: {  	[spmem:s3] =	stream.indirect.scatter.add.f32 [tilespmem:s12], [sflag:$0x1], $0x80, s29, s14, $0xb8;
	[tilespmem:$0x15400] =	vst v63  }
0xe7: {  	_ = 	snop  }
0xe8: {  	[spmem:s3] =	stream.indirect.scatter.add.f32 [tilespmem:s12], [sflag:$0x1], $0x80, s30, s14, $0xb8;
	[tilespmem:$0x15400] =	vst v63  }
0xe9: {  	_ =	swait.ge [sflag:s31], $0x1000  }
0xea: {  	[sflag:s31] =	ssyncset.done $0x0  }
0xeb: {  	[sflag:s31] =	ssyncadd.s32 $0xFFFFF000  }
0xec: {  	_ =	swait.ge [sflag:s31], $0x1000  }
0xed: {  	[sflag:s31] =	ssyncset.done $0x0  }
0xee: {  	[sflag:s31] =	ssyncadd.s32 $0xFFFFF000  }
0xef: {  	_ =	swait.ge [sflag:s31], $0x1000  }
0xf0: {  	[sflag:s31] =	ssyncset.done $0x0  }
0xf1: {  	[sflag:s31] =	ssyncadd.s32 $0xFFFFF000  }
0xf2: {  	_ =	swait.ge [sflag:s31], $0x1000  }
0xf3: {  	[sflag:s31] =	ssyncset.done $0x0  }
0xf4: {  	[sflag:s31] =	ssyncadd.s32 $0xFFFFF000  }
0xf5: {  	_ =	swait.ge [sflag:s31], $0x1000  }
0xf6: {  	[sflag:s31] =	ssyncset.done $0x0  }
0xf7: {  	[sflag:s31] =	ssyncadd.s32 $0xFFFFF000  }
0xf8: {  	_ =	swait.ge [sflag:s31], $0x1000  }
0xf9: {  	[sflag:s31] =	ssyncset.done $0x0  }
0xfa: {  	[sflag:s31] =	ssyncadd.s32 $0xFFFFF000  }
0xfb: {  	_ =	swait.ge [sflag:s31], $0x1000  }
0xfc: {  	[sflag:s31] =	ssyncset.done $0x0  }
0xfd: {  	[sflag:s31] =	ssyncadd.s32 $0xFFFFF000  }
0xfe: {  	_ =	swait.ge [sflag:s31], $0x1000  }
0xff: {  	[sflag:s31] =	ssyncset.done $0x0  }
0x100: {  	[sflag:s31] =	ssyncadd.s32 $0xFFFFF000  }
0x101: {  	_ =	swait.ge [sflag:s31], $0x1000  }
0x102: {  	[sflag:s31] =	ssyncset.done $0x0  }
0x103: {  	[sflag:s31] =	ssyncadd.s32 $0xFFFFF000  }
0x104: {  	_ =	swait.ge [sflag:s31], $0x1000  }
0x105: {  	[sflag:s31] =	ssyncset.done $0x0  }
0x106: {  	[sflag:s31] =	ssyncadd.s32 $0xFFFFF000  }
0x107: {  	_ =	swait.ge [sflag:s31], $0x1000  }
0x108: {  	[sflag:s31] =	ssyncset.done $0x0  }
0x109: {  	[sflag:s31] =	ssyncadd.s32 $0xFFFFF000  }
0x10a: {  	_ =	swait.ge [sflag:s31], $0x1000  }
0x10b: {  	[sflag:s31] =	ssyncset.done $0x0  }
0x10c: {  	[sflag:s31] =	ssyncadd.s32 $0xFFFFF000  }
0x10d: {  	_ =	swait.ge [sflag:s31], $0x1000  }
0x10e: {  	[sflag:s31] =	ssyncset.done $0x0  }
0x10f: {  	[sflag:s31] =	ssyncadd.s32 $0xFFFFF000  }
0x110: {  	_ =	swait.ge [sflag:s31], $0x1000  }
0x111: {  	[sflag:s31] =	ssyncset.done $0x0  }
0x112: {  	[sflag:s31] =	ssyncadd.s32 $0xFFFFF000  }
0x113: {  	_ =	swait.ge [sflag:s31], $0x1000  }
0x114: {  	[sflag:s31] =	ssyncset.done $0x0  }
0x115: {  	[sflag:s31] =	ssyncadd.s32 $0xFFFFF000  }
0x116: {  	_ =	swait.ge [sflag:s31], $0x1000  }
0x117: {  	[sflag:s31] =	ssyncset.done $0x0  }
0x118: {  	s1 =	sadd.s32 $0x1, s1;
	[sflag:s31] =	ssyncadd.s32 $0xFFFFF000  }
0x119: {  	p0 =	sne.s32 s1, s8;
	[bflag:$0x0] =	sbarrier.arrive $0xFFFF  }
.Ltmp1:
0x11a: {  	s7 =	rddreg [dreg:$0x5];
	(pc) =	sbr.rel @p0 .LBB2_1-.Ltmp1, $4  }
0x11b: {  	[hbm:s7], [sflag:s6] =	dma.local [spmem:s10], $0x2780  }
0x11c: {  	_ =	swait.ge [sflag:s11], $0x2780  }
0x11d: {  	[sflag:s11] =	ssyncset.done $0x0  }
0x11e: {  	[sflag:s11] =	ssyncadd.s32 $0xFFFFD880  }
0x11f: {  	_ =	sfence.sel $0x180000  }
0x120: {  	[bflag:$0x0] =	sbarrier.arrive $0xFFFF  }
0x121: {  	_ =	strace $0x90000047  }
0x122: {  	s0 =	stileid.u32;
	[bflag:$0x2] =	sbarrier.arrive $0xFFFF  }
0x123: {  	p0 =	sne.s32 s0, $0x0;
	s0 =	rddreg [dreg:$0x3]  }
0x124: {  	s0 =	sadd.s32 @!p0 $0x100000, s0  }
0x125: {  	[sflag:s0] =	ssyncadd.tile.s32 @!p0 $0x1;
	_ =	shalt  }
.Lfunc_end2:
_tile_overlayer_lowered:
.L_overlay_start_2:
0x126: {  	(tag) =	ssettag $0x2  }
0x127: {  	s0 =	rddreg [dreg:$0x0];
	s2 =	stileid.u32  }
0x128: {  	s1 =	rddreg [dreg:$0x1];
	p0 =	sne.s32 s2, $0x0  }
0x129: {  	s3 =	rddreg [dreg:$0x2];
	[bflag:$0x3] =	sbarrier.arrive $0xFFFF;
	s2 =	simm.s32 @!p0 $0x1C02  }
0x12a: {  	[timem:s3], [sflag:s2] =	dma.local @!p0 [hbm:s0], s1  }
0x12b: {  	s0 =	simm.s32 @!p0 $0x2  }
0x12c: {  	_ =	swait.ge @!p0 [sflag:s0], s1  }
0x12d: {  	s1 =	ssub.s32 @!p0 $0x0, s1;
	[sflag:s0] =	ssyncset.done @!p0 $0x0  }
0x12e: {  	[sflag:s0] =	ssyncadd.s32 @!p0 s1  }
0x12f: {  	[bflag:$0x3] =	sbarrier.arrive $0xFFFF  }
0x130: {  	_ =	shalt  }

</sc_bundles>
